<compile_context>
chip_gen: v7x
topology: tpu7x:2x2x1
jax: 0.10.2.dev20260603
libtpu: 0.0.44.dev20260713+nightly
codegen_flags: <defaults>
</compile_context>

<pallas_src>
import functools

import jax
import jax.numpy as jnp
from jax import lax
from jax.experimental import pallas as pl
from jax.experimental.pallas import tpu as pltpu
from jax.experimental.pallas import tpu_sc as plsc

N = 10000
E = 320000
D = 128
ALPHA = 0.1
EPS = 1e-5

NW = 32
N_PAD = 10240
RT = N_PAD // 16
EB = 128
E_PAD = ((E + NW * EB - 1) // (NW * EB)) * (NW * EB)
EW = E_PAD // NW
NBATCH = EW // EB

BR = 512
NB = N_PAD // BR

_mesh = plsc.VectorSubcoreMesh(core_axis_name="c", subcore_axis_name="s")



@functools.partial(
    pl.kernel,
    out_type=jax.ShapeDtypeStruct((2, N_PAD, D), jnp.float32),
    mesh=_mesh,
    scratch_types=[
        pltpu.VMEM_SHARED((N_PAD, D), jnp.float32),
        pltpu.VMEM((EB,), jnp.int32),
        pltpu.VMEM((EB, D), jnp.float32),
    ],
)
def _sc_degree(dst_hbm, zeros_hbm, ones_hbm, out_hbm, acc, didx, ones_v):
    c = lax.axis_index("c")
    s = lax.axis_index("s")
    wid = s * 2 + c
    r0 = s * RT
    pltpu.sync_copy(zeros_hbm.at[pl.ds(r0, RT)], acc.at[pl.ds(r0, RT)])
    pltpu.sync_copy(ones_hbm, ones_v)
    plsc.subcore_barrier()
    base = wid * EW

    def body(b, carry):
        off = base + b * EB
        pltpu.sync_copy(dst_hbm.at[pl.ds(off, EB)], didx)
        pltpu.sync_copy(ones_v, acc.at[didx], add=True)
        return carry

    lax.fori_loop(0, NBATCH, body, 0)
    plsc.subcore_barrier()
    pltpu.sync_copy(acc.at[pl.ds(r0, RT)], out_hbm.at[c].at[pl.ds(r0, RT)])


@functools.partial(
    pl.kernel,
    out_type=jax.ShapeDtypeStruct((2, N_PAD, D), jnp.float32),
    mesh=_mesh,
    scratch_types=[
        pltpu.VMEM_SHARED((N_PAD, D), jnp.float32),
        pltpu.VMEM((EB,), jnp.int32),
        pltpu.VMEM((EB,), jnp.int32),
        pltpu.VMEM((EB, D), jnp.float32),
        pltpu.SemaphoreType.DMA,
    ],
)
def _sc_propagate(y_hbm, z_hbm, src_hbm, dst_hbm, out_hbm, acc, sidx, didx, rows, sem):
    c = lax.axis_index("c")
    s = lax.axis_index("s")
    wid = s * 2 + c
    r0 = s * RT

    @pl.when(c == 0)
    def _():
        pltpu.sync_copy(y_hbm.at[pl.ds(r0, RT)], acc.at[pl.ds(r0, RT)])

    @pl.when(c == 1)
    def _():
        pltpu.sync_copy(z_hbm.at[pl.ds(r0, RT)], acc.at[pl.ds(r0, RT)])

    plsc.subcore_barrier()
    base = wid * EW

    def body(b, carry):
        off = base + b * EB
        pltpu.sync_copy(src_hbm.at[pl.ds(off, EB)], sidx)
        pltpu.sync_copy(dst_hbm.at[pl.ds(off, EB)], didx)
        pltpu.async_copy(y_hbm.at[sidx], rows, sem).wait()
        pltpu.sync_copy(rows, acc.at[didx], add=True)
        return carry

    lax.fori_loop(0, NBATCH, body, 0)
    plsc.subcore_barrier()
    pltpu.sync_copy(acc.at[pl.ds(r0, RT)], out_hbm.at[c].at[pl.ds(r0, RT)])



def _erf(x):
    a1, a2, a3, a4, a5 = 0.254829592, -0.284496736, 1.421413741, -1.453152027, 1.061405429
    p = 0.3275911
    sgn = jnp.sign(x)
    ax = jnp.abs(x)
    t = 1.0 / (1.0 + p * ax)
    y = 1.0 - (((((a5 * t + a4) * t + a3) * t + a2) * t + a1) * t) * jnp.exp(-ax * ax)
    return sgn * y


def _prep_body(degp_ref, xp_ref, dinv_ref, y_ref):
    i = pl.program_id(0)
    deg = degp_ref[0, :, 0:1] + degp_ref[1, :, 0:1] + 1.0
    rows = i * BR + lax.broadcasted_iota(jnp.int32, (BR, 1), 0)
    dinv = jnp.where(rows < N, lax.rsqrt(jnp.maximum(deg, 1.0)), 0.0)
    dinv_ref[...] = dinv
    y_ref[...] = xp_ref[...] * dinv


def _combine_body(p_ref, dinv_ref, s_ref, y_ref, sout_ref):
    z = p_ref[0] + p_ref[1]
    dinv = dinv_ref[...]
    xk = z * dinv
    sout_ref[...] = s_ref[...] + xk
    y_ref[...] = xk * dinv


def _heads_body(xp_ref, s2_ref, s4_ref, s8_ref, w_ref, b_ref,
                lin_ref, sum_ref, sq_ref):
    i = pl.program_id(0)

    @pl.when(i == 0)
    def _():
        sum_ref[...] = jnp.zeros_like(sum_ref)
        sq_ref[...] = jnp.zeros_like(sq_ref)

    xb = xp_ref[...]
    rows = i * BR + lax.broadcasted_iota(jnp.int32, (BR, 1), 0)
    msk = (rows < N).astype(jnp.float32)
    coefs = [(s2_ref, (1.0 - ALPHA) / 2.0),
             (s4_ref, (1.0 - ALPHA) / 4.0),
             (s8_ref, (1.0 - ALPHA) / 8.0)]
    for h, (s_ref, ck) in enumerate(coefs):
        hb = ALPHA * xb + ck * s_ref[...]
        lin = lax.dot_general(hb, w_ref[h], (((1,), (1,)), ((), ())),
                              preferred_element_type=jnp.float32,
                              precision=lax.Precision.HIGHEST) + b_ref[h]
        lin_ref[h] = lin
        lm = lin * msk
        sum_ref[h] += jnp.sum(lm, axis=0, keepdims=True)
        sq_ref[h] += jnp.sum(lm * lm, axis=0, keepdims=True)


def _bngelu_body(lin_ref, sum_ref, sq_ref, g_ref, be_ref, out_ref):
    inv_sqrt2 = 0.7071067811865476
    for h in range(3):
        lin = lin_ref[h]
        mean = sum_ref[h] / N
        var = sq_ref[h] / N - mean * mean
        r = lax.rsqrt(var + EPS)
        o = (lin - mean) * r * g_ref[h] + be_ref[h]
        out_ref[h] = o * 0.5 * (1.0 + _erf(o * inv_sqrt2))


_prep = pl.pallas_call(
    _prep_body,
    grid=(NB,),
    in_specs=[
        pl.BlockSpec((2, BR, D), lambda i: (0, i, 0)),
        pl.BlockSpec((BR, D), lambda i: (i, 0)),
    ],
    out_specs=[
        pl.BlockSpec((BR, 1), lambda i: (i, 0)),
        pl.BlockSpec((BR, D), lambda i: (i, 0)),
    ],
    out_shape=[
        jax.ShapeDtypeStruct((N_PAD, 1), jnp.float32),
        jax.ShapeDtypeStruct((N_PAD, D), jnp.float32),
    ],
)

_combine = pl.pallas_call(
    _combine_body,
    grid=(NB,),
    in_specs=[
        pl.BlockSpec((2, BR, D), lambda i: (0, i, 0)),
        pl.BlockSpec((BR, 1), lambda i: (i, 0)),
        pl.BlockSpec((BR, D), lambda i: (i, 0)),
    ],
    out_specs=[
        pl.BlockSpec((BR, D), lambda i: (i, 0)),
        pl.BlockSpec((BR, D), lambda i: (i, 0)),
    ],
    out_shape=[
        jax.ShapeDtypeStruct((N_PAD, D), jnp.float32),
        jax.ShapeDtypeStruct((N_PAD, D), jnp.float32),
    ],
)

_heads = pl.pallas_call(
    _heads_body,
    grid=(NB,),
    in_specs=[
        pl.BlockSpec((BR, D), lambda i: (i, 0)),
        pl.BlockSpec((BR, D), lambda i: (i, 0)),
        pl.BlockSpec((BR, D), lambda i: (i, 0)),
        pl.BlockSpec((BR, D), lambda i: (i, 0)),
        pl.BlockSpec((3, D, D), lambda i: (0, 0, 0)),
        pl.BlockSpec((3, 1, D), lambda i: (0, 0, 0)),
    ],
    out_specs=[
        pl.BlockSpec((3, BR, D), lambda i: (0, i, 0)),
        pl.BlockSpec((3, 1, D), lambda i: (0, 0, 0)),
        pl.BlockSpec((3, 1, D), lambda i: (0, 0, 0)),
    ],
    out_shape=[
        jax.ShapeDtypeStruct((3, N_PAD, D), jnp.float32),
        jax.ShapeDtypeStruct((3, 1, D), jnp.float32),
        jax.ShapeDtypeStruct((3, 1, D), jnp.float32),
    ],
)

_bngelu = pl.pallas_call(
    _bngelu_body,
    grid=(NB,),
    in_specs=[
        pl.BlockSpec((3, BR, D), lambda i: (0, i, 0)),
        pl.BlockSpec((3, 1, D), lambda i: (0, 0, 0)),
        pl.BlockSpec((3, 1, D), lambda i: (0, 0, 0)),
        pl.BlockSpec((3, 1, D), lambda i: (0, 0, 0)),
        pl.BlockSpec((3, 1, D), lambda i: (0, 0, 0)),
    ],
    out_specs=pl.BlockSpec((3, BR, D), lambda i: (0, i, 0)),
    out_shape=jax.ShapeDtypeStruct((3, N_PAD, D), jnp.float32),
)



def kernel(x, edge_index, W0, b0, g0, be0, W1, b1, g1, be1, W2, b2, g2, be2):
    fill = jnp.full((E_PAD - E,), N, jnp.int32)
    srcp = jnp.concatenate([edge_index[0], fill])
    dstp = jnp.concatenate([edge_index[1], fill])
    xp = jnp.pad(x, ((0, N_PAD - N), (0, 0)))
    onesD = jnp.ones((EB, D), jnp.float32)
    zerosD = jnp.zeros((N_PAD, D), jnp.float32)

    degp = _sc_degree(dstp, zerosD, onesD)
    dinv, y = _prep(degp, xp)

    S = jnp.zeros((N_PAD, D), jnp.float32)
    snaps = {}
    for k in range(1, 9):
        P = _sc_propagate(y, zerosD, srcp, dstp)
        y, S = _combine(P, dinv, S)
        if k in (2, 4, 8):
            snaps[k] = S

    Wstack = jnp.stack([W0, W1, W2])
    bstack = jnp.stack([b0, b1, b2])[:, None, :]
    gstack = jnp.stack([g0, g1, g2])[:, None, :]
    bestack = jnp.stack([be0, be1, be2])[:, None, :]

    lin, sums, sqs = _heads(xp, snaps[2], snaps[4], snaps[8], Wstack, bstack)
    outs = _bngelu(lin, sums, sqs, gstack, bestack)
    return (outs[0, :N], outs[1, :N], outs[2, :N])

# --- scband reference (transcript-rebuilt; emitter-appended) ---
"""Pipeline reference for scband-multi-scale-ssgconv-33337536152398 (READ-ONLY COPY).

The authoritative reference and input builder live on the scoring server;
editing this copy changes nothing except your own understanding.
"""

import jax, jax.numpy as jnp
import numpy as np

N = 10000
E = 320000
D_IN = 128
D_OUT = 128
K_LIST = [2, 4, 8]
ALPHA = 0.1
EPS = 1e-5


def setup_inputs(seed: int = 0):
    key = jax.random.key(seed)
    ks = jax.random.split(key, 2 + 4 * len(K_LIST))
    inp = {
        "x": jax.random.normal(ks[0], (N, D_IN), dtype=jnp.float32),
        "edge_index": jax.random.randint(ks[1], (2, E), 0, N, dtype=jnp.int32),
    }
    for i in range(len(K_LIST)):
        inp[f"W{i}"] = jax.random.normal(ks[2 + 4 * i], (D_OUT, D_IN), dtype=jnp.float32) / np.sqrt(D_IN)
        inp[f"b{i}"] = jnp.zeros((D_OUT,), jnp.float32)
        inp[f"g{i}"] = jnp.ones((D_OUT,), jnp.float32)
        inp[f"be{i}"] = jnp.zeros((D_OUT,), jnp.float32)
    return inp


def gcn_norm(edge_index, num_nodes):
    # add self loops, then symmetric normalization D^{-1/2} A D^{-1/2}
    loop = jnp.arange(num_nodes, dtype=edge_index.dtype)
    src = jnp.concatenate([edge_index[0], loop])
    dst = jnp.concatenate([edge_index[1], loop])
    w = jnp.ones(src.shape[0], dtype=jnp.float32)
    deg = jnp.zeros((num_nodes,), jnp.float32).at[dst].add(w)
    dinv = jnp.where(deg > 0, 1.0 / jnp.sqrt(deg), 0.0)
    norm = dinv[src] * dinv[dst]
    return src, dst, norm


def propagate(xk, src, dst, norm, num_nodes):
    msg = xk[src] * norm[:, None]
    return jnp.zeros((num_nodes, xk.shape[1]), xk.dtype).at[dst].add(msg)


def reference(x, edge_index, W0, b0, g0, be0, W1, b1, g1, be1, W2, b2, g2, be2):
    src, dst, norm = gcn_norm(edge_index, N)
    params = [(W0, b0, g0, be0), (W1, b1, g1, be1), (W2, b2, g2, be2)]
    feats = []
    for K, (W, b, g, be) in zip(K_LIST, params):
        # SSGConv: h = alpha*x + (1-alpha)/K * sum_{k=1..K} A_hat^k x, then linear
        h = ALPHA * x
        xk = x
        for _ in range(K):
            xk = propagate(xk, src, dst, norm, N)
            h = h + (1.0 - ALPHA) / K * xk
        out = h @ W.T + b
        # BatchNorm1d over node dim (training-mode batch statistics, biased var)
        mean = out.mean(axis=0)
        var = out.var(axis=0)
        out = (out - mean) / jnp.sqrt(var + EPS) * g + be
        # exact (erf-based) GELU as in torch nn.GELU default; dropout is identity in eval
        out = jax.nn.gelu(out, approximate=False)
        feats.append(out)
    return tuple(feats)

if __name__ == "__main__":
    import jax
    _d = setup_inputs()
    print(jax.jit(kernel)(*tuple(_d.values())))

</pallas_src>

<mosaic_0001>
#map = affine_map<(d0, d1) -> (0)>
#map1 = affine_map<(d0, d1) -> (0, 0)>
#map2 = affine_map<(d0, d1) -> (0, 0, 0)>
module attributes {stable_mosaic.version = 14 : i64} {
  func.func @_sc_degree(%arg0: i32, %arg1: i32, %arg2: memref<323584xi32, #tpu.memory_space<hbm>>, %arg3: memref<10240x128xf32, #tpu.memory_space<hbm>>, %arg4: memref<128x128xf32, #tpu.memory_space<hbm>>, %arg5: memref<2x10240x128xf32, #tpu.memory_space<hbm>>, %arg6: memref<10240x128xf32, #tpu.memory_space<vmem_shared>>, %arg7: memref<128xi32, #tpu.memory_space<vmem>>, %arg8: memref<128x128xf32, #tpu.memory_space<vmem>>) attributes {dimension_semantics = [#tpu.dimension_semantics<core_parallel>, #tpu.dimension_semantics<subcore_parallel>], iteration_bounds = array<i64: 2, 16>, scalar_prefetch = 0 : i64, scratch_operands = 3 : i64, tpu.core_type = #tpu.core_type<sc_vector_subcore>, window_params = [{transform_indices = #map}, {transform_indices = #map1}, {transform_indices = #map1}, {transform_indices = #map2}]} {
    %mul3A = arith.constant 2 : i32
    %mul3A_0 = arith.muli %arg1, %mul3A : i32
    %add3A = arith.addi %mul3A_0, %arg0 : i32
    %mul3A_1 = arith.constant 640 : i32
    %mul3A_2 = arith.muli %arg1, %mul3A_1 : i32
    "tpu.region"() ({
      %run_scoped3A = tpu.sem_alloc : memref<!tpu.dma_semaphore, #tpu.memory_space<semaphore_mem>>
      %dma_start3A = arith.constant 0 : i32
      %dma_start3A_11 = tpu.memref_slice %arg6[%mul3A_2, %dma_start3A] : memref<10240x128xf32, #tpu.memory_space<vmem_shared>> -> memref<640x128xf32, #tpu.memory_space<vmem_shared>>
      %dma_start3A_12 = arith.constant 0 : i32
      %dma_start3A_13 = tpu.memref_slice %arg3[%mul3A_2, %dma_start3A_12] : memref<10240x128xf32, #tpu.memory_space<hbm>> -> memref<640x128xf32, #tpu.memory_space<hbm>>
      tpu.enqueue_dma source(%dma_start3A_13 : memref<640x128xf32, #tpu.memory_space<hbm>>) target(%dma_start3A_11 : memref<640x128xf32, #tpu.memory_space<vmem_shared>>) target_semaphore(%run_scoped3A : memref<!tpu.dma_semaphore, #tpu.memory_space<semaphore_mem>>)
      %dma_wait3A = arith.constant 0 : i32
      %dma_wait3A_14 = tpu.memref_slice %arg6[%mul3A_2, %dma_wait3A] : memref<10240x128xf32, #tpu.memory_space<vmem_shared>> -> memref<640x128xf32, #tpu.memory_space<vmem_shared>>
      %dma_wait3A_15 = arith.constant 0 : i32
      %dma_wait3A_16 = tpu.memref_slice %arg3[%mul3A_2, %dma_wait3A_15] : memref<10240x128xf32, #tpu.memory_space<hbm>> -> memref<640x128xf32, #tpu.memory_space<hbm>>
      tpu.wait_dma2 semaphore(%run_scoped3A : memref<!tpu.dma_semaphore, #tpu.memory_space<semaphore_mem>>) src(%dma_wait3A_16 : memref<640x128xf32, #tpu.memory_space<hbm>>) dst(%dma_wait3A_14 : memref<640x128xf32, #tpu.memory_space<vmem_shared>>)
      tpu.yield
    }) : () -> ()
    "tpu.region"() ({
      %run_scoped3A = tpu.sem_alloc : memref<!tpu.dma_semaphore, #tpu.memory_space<semaphore_mem>>
      tpu.enqueue_dma source(%arg4 : memref<128x128xf32, #tpu.memory_space<hbm>>) target(%arg8 : memref<128x128xf32, #tpu.memory_space<vmem>>) target_semaphore(%run_scoped3A : memref<!tpu.dma_semaphore, #tpu.memory_space<semaphore_mem>>)
      tpu.wait_dma2 semaphore(%run_scoped3A : memref<!tpu.dma_semaphore, #tpu.memory_space<semaphore_mem>>) src(%arg4 : memref<128x128xf32, #tpu.memory_space<hbm>>) dst(%arg8 : memref<128x128xf32, #tpu.memory_space<vmem>>)
      tpu.yield
    }) : () -> ()
    %barrier3A = arith.constant 0 : index
    tpu.barrier barrier_id(%barrier3A)
    %mul3A_3 = arith.constant 10112 : i32
    %mul3A_4 = arith.muli %add3A, %mul3A_3 : i32
    %scan3A = arith.constant 0 : i32
    %scan3A_5 = arith.constant 0 : i32
    %scan3A_6 = arith.constant 79 : i32
    %scan3A_7 = arith.addi %scan3A_5, %scan3A_6 : i32
    %scan3A_8 = arith.constant 1 : i32
    scf.for %scan3A_11 = %scan3A_5 to %scan3A_7 step %scan3A_8  : i32 {
      %mul3A_12 = arith.constant 128 : i32
      %mul3A_13 = arith.muli %scan3A_11, %mul3A_12 : i32
      %add3A_14 = arith.addi %mul3A_4, %mul3A_13 : i32
      "tpu.region"() ({
        %run_scoped3A = tpu.sem_alloc : memref<!tpu.dma_semaphore, #tpu.memory_space<semaphore_mem>>
        %dma_start3A = tpu.memref_slice %arg2[%add3A_14] : memref<323584xi32, #tpu.memory_space<hbm>> -> memref<128xi32, #tpu.memory_space<hbm>>
        %dma_start3A_15 = tpu.memref_slice %arg2[%add3A_14] : memref<323584xi32, #tpu.memory_space<hbm>> -> memref<128xi32, #tpu.memory_space<hbm>>
        tpu.enqueue_dma source(%dma_start3A_15 : memref<128xi32, #tpu.memory_space<hbm>>) target(%arg7 : memref<128xi32, #tpu.memory_space<vmem>>) target_semaphore(%run_scoped3A : memref<!tpu.dma_semaphore, #tpu.memory_space<semaphore_mem>>)
        %dma_wait3A = tpu.memref_slice %arg2[%add3A_14] : memref<323584xi32, #tpu.memory_space<hbm>> -> memref<128xi32, #tpu.memory_space<hbm>>
        %dma_wait3A_16 = tpu.memref_slice %arg2[%add3A_14] : memref<323584xi32, #tpu.memory_space<hbm>> -> memref<128xi32, #tpu.memory_space<hbm>>
        tpu.wait_dma2 semaphore(%run_scoped3A : memref<!tpu.dma_semaphore, #tpu.memory_space<semaphore_mem>>) src(%dma_wait3A_16 : memref<128xi32, #tpu.memory_space<hbm>>) dst(%arg7 : memref<128xi32, #tpu.memory_space<vmem>>)
        tpu.yield
      }) : () -> ()
      "tpu.region"() ({
        %run_scoped3A = tpu.sem_alloc : memref<!tpu.dma_semaphore, #tpu.memory_space<semaphore_mem>>
        %dma_start3A = arith.constant 0 : i32
        %dma_start3A_15 = arith.constant 0 : i32
        %dma_start3A_16 = tpu.memref_slice %arg6[%dma_start3A, %dma_start3A_15] : memref<10240x128xf32, #tpu.memory_space<vmem_shared>> -> memref<10240x128xf32, #tpu.memory_space<vmem_shared>>
        tpu.enqueue_indirect_dma source(%arg8 : memref<128x128xf32, #tpu.memory_space<vmem>>) target(%dma_start3A_16 : memref<10240x128xf32, #tpu.memory_space<vmem_shared>>) offsets(%arg7 : memref<128xi32, #tpu.memory_space<vmem>>) semaphore(%run_scoped3A : memref<!tpu.dma_semaphore, #tpu.memory_space<semaphore_mem>>) {add = true}
        %dma_wait3A = arith.constant 0 : i32
        %dma_wait3A_17 = arith.constant 0 : i32
        %dma_wait3A_18 = tpu.memref_slice %arg6[%dma_wait3A, %dma_wait3A_17] : memref<10240x128xf32, #tpu.memory_space<vmem_shared>> -> memref<10240x128xf32, #tpu.memory_space<vmem_shared>>
        tpu.wait_indirect_dma semaphore(%run_scoped3A : memref<!tpu.dma_semaphore, #tpu.memory_space<semaphore_mem>>) src(%arg8 : memref<128x128xf32, #tpu.memory_space<vmem>>) dst(%dma_wait3A_18 : memref<10240x128xf32, #tpu.memory_space<vmem_shared>>)
        tpu.yield
      }) : () -> ()
    }
    %scan3A_9 = arith.constant 79 : i32
    %barrier3A_10 = arith.constant 0 : index
    tpu.barrier barrier_id(%barrier3A_10)
    "tpu.region"() ({
      %run_scoped3A = tpu.sem_alloc : memref<!tpu.dma_semaphore, #tpu.memory_space<semaphore_mem>>
      %dma_start3A = arith.constant 0 : i32
      %dma_start3A_11 = arith.constant 0 : i32
      %dma_start3A_12 = tpu.memref_slice %arg5[%arg0, %dma_start3A, %dma_start3A_11] : memref<2x10240x128xf32, #tpu.memory_space<hbm>> -> memref<1x10240x128xf32, #tpu.memory_space<hbm>>
      %dma_start3A_13 = tpu.memref_squeeze %dma_start3A_12 : memref<1x10240x128xf32, #tpu.memory_space<hbm>> -> memref<10240x128xf32, #tpu.memory_space<hbm>>
      %dma_start3A_14 = arith.constant 0 : i32
      %dma_start3A_15 = tpu.memref_slice %dma_start3A_13[%mul3A_2, %dma_start3A_14] : memref<10240x128xf32, #tpu.memory_space<hbm>> -> memref<640x128xf32, #tpu.memory_space<hbm>>
      %dma_start3A_16 = arith.constant 0 : i32
      %dma_start3A_17 = tpu.memref_slice %arg6[%mul3A_2, %dma_start3A_16] : memref<10240x128xf32, #tpu.memory_space<vmem_shared>> -> memref<640x128xf32, #tpu.memory_space<vmem_shared>>
      tpu.enqueue_dma source(%dma_start3A_17 : memref<640x128xf32, #tpu.memory_space<vmem_shared>>) target(%dma_start3A_15 : memref<640x128xf32, #tpu.memory_space<hbm>>) target_semaphore(%run_scoped3A : memref<!tpu.dma_semaphore, #tpu.memory_space<semaphore_mem>>)
      %dma_wait3A = arith.constant 0 : i32
      %dma_wait3A_18 = arith.constant 0 : i32
      %dma_wait3A_19 = tpu.memref_slice %arg5[%arg0, %dma_wait3A, %dma_wait3A_18] : memref<2x10240x128xf32, #tpu.memory_space<hbm>> -> memref<1x10240x128xf32, #tpu.memory_space<hbm>>
      %dma_wait3A_20 = tpu.memref_squeeze %dma_wait3A_19 : memref<1x10240x128xf32, #tpu.memory_space<hbm>> -> memref<10240x128xf32, #tpu.memory_space<hbm>>
      %dma_wait3A_21 = arith.constant 0 : i32
      %dma_wait3A_22 = tpu.memref_slice %dma_wait3A_20[%mul3A_2, %dma_wait3A_21] : memref<10240x128xf32, #tpu.memory_space<hbm>> -> memref<640x128xf32, #tpu.memory_space<hbm>>
      %dma_wait3A_23 = arith.constant 0 : i32
      %dma_wait3A_24 = tpu.memref_slice %arg6[%mul3A_2, %dma_wait3A_23] : memref<10240x128xf32, #tpu.memory_space<vmem_shared>> -> memref<640x128xf32, #tpu.memory_space<vmem_shared>>
      tpu.wait_dma2 semaphore(%run_scoped3A : memref<!tpu.dma_semaphore, #tpu.memory_space<semaphore_mem>>) src(%dma_wait3A_24 : memref<640x128xf32, #tpu.memory_space<vmem_shared>>) dst(%dma_wait3A_22 : memref<640x128xf32, #tpu.memory_space<hbm>>)
      tpu.yield
    }) : () -> ()
    return
  }
}

#map = affine_map<(d0, d1) -> (0, 0)>
#map1 = affine_map<(d0, d1) -> (0)>
#map2 = affine_map<(d0, d1) -> (0, 0, 0)>
module attributes {stable_mosaic.version = 14 : i64} {
  func.func @_sc_propagate(%arg0: i32, %arg1: i32, %arg2: memref<10240x128xf32, #tpu.memory_space<hbm>>, %arg3: memref<10240x128xf32, #tpu.memory_space<hbm>>, %arg4: memref<323584xi32, #tpu.memory_space<hbm>>, %arg5: memref<323584xi32, #tpu.memory_space<hbm>>, %arg6: memref<2x10240x128xf32, #tpu.memory_space<hbm>>, %arg7: memref<10240x128xf32, #tpu.memory_space<vmem_shared>>, %arg8: memref<128xi32, #tpu.memory_space<vmem>>, %arg9: memref<128xi32, #tpu.memory_space<vmem>>, %arg10: memref<128x128xf32, #tpu.memory_space<vmem>>, %arg11: memref<!tpu.dma_semaphore, #tpu.memory_space<semaphore_mem>>) attributes {dimension_semantics = [#tpu.dimension_semantics<core_parallel>, #tpu.dimension_semantics<subcore_parallel>], iteration_bounds = array<i64: 2, 16>, scalar_prefetch = 0 : i64, scratch_operands = 5 : i64, tpu.core_type = #tpu.core_type<sc_vector_subcore>, window_params = [{transform_indices = #map}, {transform_indices = #map}, {transform_indices = #map1}, {transform_indices = #map1}, {transform_indices = #map2}]} {
    %mul3A = arith.constant 2 : i32
    %mul3A_0 = arith.muli %arg1, %mul3A : i32
    %add3A = arith.addi %mul3A_0, %arg0 : i32
    %mul3A_1 = arith.constant 640 : i32
    %mul3A_2 = arith.muli %arg1, %mul3A_1 : i32
    %eq3A = arith.constant 0 : i32
    %eq3A_3 = arith.cmpi eq, %arg0, %eq3A : i32
    %convert_element_type3A = arith.extui %eq3A_3 : i1 to i32
    %cond3A = arith.constant 0 : i32
    %cond3A_4 = arith.cmpi ne, %convert_element_type3A, %cond3A : i32
    scf.if %cond3A_4 {
      "tpu.region"() ({
        %run_scoped3A = tpu.sem_alloc : memref<!tpu.dma_semaphore, #tpu.memory_space<semaphore_mem>>
        %dma_start3A = arith.constant 0 : i32
        %dma_start3A_18 = tpu.memref_slice %arg7[%mul3A_2, %dma_start3A] : memref<10240x128xf32, #tpu.memory_space<vmem_shared>> -> memref<640x128xf32, #tpu.memory_space<vmem_shared>>
        %dma_start3A_19 = arith.constant 0 : i32
        %dma_start3A_20 = tpu.memref_slice %arg2[%mul3A_2, %dma_start3A_19] : memref<10240x128xf32, #tpu.memory_space<hbm>> -> memref<640x128xf32, #tpu.memory_space<hbm>>
        tpu.enqueue_dma source(%dma_start3A_20 : memref<640x128xf32, #tpu.memory_space<hbm>>) target(%dma_start3A_18 : memref<640x128xf32, #tpu.memory_space<vmem_shared>>) target_semaphore(%run_scoped3A : memref<!tpu.dma_semaphore, #tpu.memory_space<semaphore_mem>>)
        %dma_wait3A = arith.constant 0 : i32
        %dma_wait3A_21 = tpu.memref_slice %arg7[%mul3A_2, %dma_wait3A] : memref<10240x128xf32, #tpu.memory_space<vmem_shared>> -> memref<640x128xf32, #tpu.memory_space<vmem_shared>>
        %dma_wait3A_22 = arith.constant 0 : i32
        %dma_wait3A_23 = tpu.memref_slice %arg2[%mul3A_2, %dma_wait3A_22] : memref<10240x128xf32, #tpu.memory_space<hbm>> -> memref<640x128xf32, #tpu.memory_space<hbm>>
        tpu.wait_dma2 semaphore(%run_scoped3A : memref<!tpu.dma_semaphore, #tpu.memory_space<semaphore_mem>>) src(%dma_wait3A_23 : memref<640x128xf32, #tpu.memory_space<hbm>>) dst(%dma_wait3A_21 : memref<640x128xf32, #tpu.memory_space<vmem_shared>>)
        tpu.yield
      }) : () -> ()
    } else {
    }
    %eq3A_5 = arith.constant 1 : i32
    %eq3A_6 = arith.cmpi eq, %arg0, %eq3A_5 : i32
    %convert_element_type3A_7 = arith.extui %eq3A_6 : i1 to i32
    %cond3A_8 = arith.constant 0 : i32
    %cond3A_9 = arith.cmpi ne, %convert_element_type3A_7, %cond3A_8 : i32
    scf.if %cond3A_9 {
      "tpu.region"() ({
        %run_scoped3A = tpu.sem_alloc : memref<!tpu.dma_semaphore, #tpu.memory_space<semaphore_mem>>
        %dma_start3A = arith.constant 0 : i32
        %dma_start3A_18 = tpu.memref_slice %arg7[%mul3A_2, %dma_start3A] : memref<10240x128xf32, #tpu.memory_space<vmem_shared>> -> memref<640x128xf32, #tpu.memory_space<vmem_shared>>
        %dma_start3A_19 = arith.constant 0 : i32
        %dma_start3A_20 = tpu.memref_slice %arg3[%mul3A_2, %dma_start3A_19] : memref<10240x128xf32, #tpu.memory_space<hbm>> -> memref<640x128xf32, #tpu.memory_space<hbm>>
        tpu.enqueue_dma source(%dma_start3A_20 : memref<640x128xf32, #tpu.memory_space<hbm>>) target(%dma_start3A_18 : memref<640x128xf32, #tpu.memory_space<vmem_shared>>) target_semaphore(%run_scoped3A : memref<!tpu.dma_semaphore, #tpu.memory_space<semaphore_mem>>)
        %dma_wait3A = arith.constant 0 : i32
        %dma_wait3A_21 = tpu.memref_slice %arg7[%mul3A_2, %dma_wait3A] : memref<10240x128xf32, #tpu.memory_space<vmem_shared>> -> memref<640x128xf32, #tpu.memory_space<vmem_shared>>
        %dma_wait3A_22 = arith.constant 0 : i32
        %dma_wait3A_23 = tpu.memref_slice %arg3[%mul3A_2, %dma_wait3A_22] : memref<10240x128xf32, #tpu.memory_space<hbm>> -> memref<640x128xf32, #tpu.memory_space<hbm>>
        tpu.wait_dma2 semaphore(%run_scoped3A : memref<!tpu.dma_semaphore, #tpu.memory_space<semaphore_mem>>) src(%dma_wait3A_23 : memref<640x128xf32, #tpu.memory_space<hbm>>) dst(%dma_wait3A_21 : memref<640x128xf32, #tpu.memory_space<vmem_shared>>)
        tpu.yield
      }) : () -> ()
    } else {
    }
    %barrier3A = arith.constant 0 : index
    tpu.barrier barrier_id(%barrier3A)
    %mul3A_10 = arith.constant 10112 : i32
    %mul3A_11 = arith.muli %add3A, %mul3A_10 : i32
    %scan3A = arith.constant 0 : i32
    %scan3A_12 = arith.constant 0 : i32
    %scan3A_13 = arith.constant 79 : i32
    %scan3A_14 = arith.addi %scan3A_12, %scan3A_13 : i32
    %scan3A_15 = arith.constant 1 : i32
    scf.for %scan3A_18 = %scan3A_12 to %scan3A_14 step %scan3A_15  : i32 {
      %mul3A_19 = arith.constant 128 : i32
      %mul3A_20 = arith.muli %scan3A_18, %mul3A_19 : i32
      %add3A_21 = arith.addi %mul3A_11, %mul3A_20 : i32
      "tpu.region"() ({
        %run_scoped3A = tpu.sem_alloc : memref<!tpu.dma_semaphore, #tpu.memory_space<semaphore_mem>>
        %dma_start3A_26 = tpu.memref_slice %arg4[%add3A_21] : memref<323584xi32, #tpu.memory_space<hbm>> -> memref<128xi32, #tpu.memory_space<hbm>>
        %dma_start3A_27 = tpu.memref_slice %arg4[%add3A_21] : memref<323584xi32, #tpu.memory_space<hbm>> -> memref<128xi32, #tpu.memory_space<hbm>>
        tpu.enqueue_dma source(%dma_start3A_27 : memref<128xi32, #tpu.memory_space<hbm>>) target(%arg8 : memref<128xi32, #tpu.memory_space<vmem>>) target_semaphore(%run_scoped3A : memref<!tpu.dma_semaphore, #tpu.memory_space<semaphore_mem>>)
        %dma_wait3A_28 = tpu.memref_slice %arg4[%add3A_21] : memref<323584xi32, #tpu.memory_space<hbm>> -> memref<128xi32, #tpu.memory_space<hbm>>
        %dma_wait3A_29 = tpu.memref_slice %arg4[%add3A_21] : memref<323584xi32, #tpu.memory_space<hbm>> -> memref<128xi32, #tpu.memory_space<hbm>>
        tpu.wait_dma2 semaphore(%run_scoped3A : memref<!tpu.dma_semaphore, #tpu.memory_space<semaphore_mem>>) src(%dma_wait3A_29 : memref<128xi32, #tpu.memory_space<hbm>>) dst(%arg8 : memref<128xi32, #tpu.memory_space<vmem>>)
        tpu.yield
      }) : () -> ()
      "tpu.region"() ({
        %run_scoped3A = tpu.sem_alloc : memref<!tpu.dma_semaphore, #tpu.memory_space<semaphore_mem>>
        %dma_start3A_26 = tpu.memref_slice %arg5[%add3A_21] : memref<323584xi32, #tpu.memory_space<hbm>> -> memref<128xi32, #tpu.memory_space<hbm>>
        %dma_start3A_27 = tpu.memref_slice %arg5[%add3A_21] : memref<323584xi32, #tpu.memory_space<hbm>> -> memref<128xi32, #tpu.memory_space<hbm>>
        tpu.enqueue_dma source(%dma_start3A_27 : memref<128xi32, #tpu.memory_space<hbm>>) target(%arg9 : memref<128xi32, #tpu.memory_space<vmem>>) target_semaphore(%run_scoped3A : memref<!tpu.dma_semaphore, #tpu.memory_space<semaphore_mem>>)
        %dma_wait3A_28 = tpu.memref_slice %arg5[%add3A_21] : memref<323584xi32, #tpu.memory_space<hbm>> -> memref<128xi32, #tpu.memory_space<hbm>>
        %dma_wait3A_29 = tpu.memref_slice %arg5[%add3A_21] : memref<323584xi32, #tpu.memory_space<hbm>> -> memref<128xi32, #tpu.memory_space<hbm>>
        tpu.wait_dma2 semaphore(%run_scoped3A : memref<!tpu.dma_semaphore, #tpu.memory_space<semaphore_mem>>) src(%dma_wait3A_29 : memref<128xi32, #tpu.memory_space<hbm>>) dst(%arg9 : memref<128xi32, #tpu.memory_space<vmem>>)
        tpu.yield
      }) : () -> ()
      %dma_start3A = arith.constant 0 : i32
      %dma_start3A_22 = arith.constant 0 : i32
      %dma_start3A_23 = tpu.memref_slice %arg2[%dma_start3A, %dma_start3A_22] : memref<10240x128xf32, #tpu.memory_space<hbm>> -> memref<10240x128xf32, #tpu.memory_space<hbm>>
      tpu.enqueue_indirect_dma source(%dma_start3A_23 : memref<10240x128xf32, #tpu.memory_space<hbm>>) target(%arg10 : memref<128x128xf32, #tpu.memory_space<vmem>>) offsets(%arg8 : memref<128xi32, #tpu.memory_space<vmem>>) semaphore(%arg11 : memref<!tpu.dma_semaphore, #tpu.memory_space<semaphore_mem>>)
      %dma_wait3A = arith.constant 0 : i32
      %dma_wait3A_24 = arith.constant 0 : i32
      %dma_wait3A_25 = tpu.memref_slice %arg2[%dma_wait3A, %dma_wait3A_24] : memref<10240x128xf32, #tpu.memory_space<hbm>> -> memref<10240x128xf32, #tpu.memory_space<hbm>>
      tpu.wait_indirect_dma semaphore(%arg11 : memref<!tpu.dma_semaphore, #tpu.memory_space<semaphore_mem>>) src(%dma_wait3A_25 : memref<10240x128xf32, #tpu.memory_space<hbm>>) dst(%arg10 : memref<128x128xf32, #tpu.memory_space<vmem>>)
      "tpu.region"() ({
        %run_scoped3A = tpu.sem_alloc : memref<!tpu.dma_semaphore, #tpu.memory_space<semaphore_mem>>
        %dma_start3A_26 = arith.constant 0 : i32
        %dma_start3A_27 = arith.constant 0 : i32
        %dma_start3A_28 = tpu.memref_slice %arg7[%dma_start3A_26, %dma_start3A_27] : memref<10240x128xf32, #tpu.memory_space<vmem_shared>> -> memref<10240x128xf32, #tpu.memory_space<vmem_shared>>
        tpu.enqueue_indirect_dma source(%arg10 : memref<128x128xf32, #tpu.memory_space<vmem>>) target(%dma_start3A_28 : memref<10240x128xf32, #tpu.memory_space<vmem_shared>>) offsets(%arg9 : memref<128xi32, #tpu.memory_space<vmem>>) semaphore(%run_scoped3A : memref<!tpu.dma_semaphore, #tpu.memory_space<semaphore_mem>>) {add = true}
        %dma_wait3A_29 = arith.constant 0 : i32
        %dma_wait3A_30 = arith.constant 0 : i32
        %dma_wait3A_31 = tpu.memref_slice %arg7[%dma_wait3A_29, %dma_wait3A_30] : memref<10240x128xf32, #tpu.memory_space<vmem_shared>> -> memref<10240x128xf32, #tpu.memory_space<vmem_shared>>
        tpu.wait_indirect_dma semaphore(%run_scoped3A : memref<!tpu.dma_semaphore, #tpu.memory_space<semaphore_mem>>) src(%arg10 : memref<128x128xf32, #tpu.memory_space<vmem>>) dst(%dma_wait3A_31 : memref<10240x128xf32, #tpu.memory_space<vmem_shared>>)
        tpu.yield
      }) : () -> ()
    }
    %scan3A_16 = arith.constant 79 : i32
    %barrier3A_17 = arith.constant 0 : index
    tpu.barrier barrier_id(%barrier3A_17)
    "tpu.region"() ({
      %run_scoped3A = tpu.sem_alloc : memref<!tpu.dma_semaphore, #tpu.memory_space<semaphore_mem>>
      %dma_start3A = arith.constant 0 : i32
      %dma_start3A_18 = arith.constant 0 : i32
      %dma_start3A_19 = tpu.memref_slice %arg6[%arg0, %dma_start3A, %dma_start3A_18] : memref<2x10240x128xf32, #tpu.memory_space<hbm>> -> memref<1x10240x128xf32, #tpu.memory_space<hbm>>
      %dma_start3A_20 = tpu.memref_squeeze %dma_start3A_19 : memref<1x10240x128xf32, #tpu.memory_space<hbm>> -> memref<10240x128xf32, #tpu.memory_space<hbm>>
      %dma_start3A_21 = arith.constant 0 : i32
      %dma_start3A_22 = tpu.memref_slice %dma_start3A_20[%mul3A_2, %dma_start3A_21] : memref<10240x128xf32, #tpu.memory_space<hbm>> -> memref<640x128xf32, #tpu.memory_space<hbm>>
      %dma_start3A_23 = arith.constant 0 : i32
      %dma_start3A_24 = tpu.memref_slice %arg7[%mul3A_2, %dma_start3A_23] : memref<10240x128xf32, #tpu.memory_space<vmem_shared>> -> memref<640x128xf32, #tpu.memory_space<vmem_shared>>
      tpu.enqueue_dma source(%dma_start3A_24 : memref<640x128xf32, #tpu.memory_space<vmem_shared>>) target(%dma_start3A_22 : memref<640x128xf32, #tpu.memory_space<hbm>>) target_semaphore(%run_scoped3A : memref<!tpu.dma_semaphore, #tpu.memory_space<semaphore_mem>>)
      %dma_wait3A = arith.constant 0 : i32
      %dma_wait3A_25 = arith.constant 0 : i32
      %dma_wait3A_26 = tpu.memref_slice %arg6[%arg0, %dma_wait3A, %dma_wait3A_25] : memref<2x10240x128xf32, #tpu.memory_space<hbm>> -> memref<1x10240x128xf32, #tpu.memory_space<hbm>>
      %dma_wait3A_27 = tpu.memref_squeeze %dma_wait3A_26 : memref<1x10240x128xf32, #tpu.memory_space<hbm>> -> memref<10240x128xf32, #tpu.memory_space<hbm>>
      %dma_wait3A_28 = arith.constant 0 : i32
      %dma_wait3A_29 = tpu.memref_slice %dma_wait3A_27[%mul3A_2, %dma_wait3A_28] : memref<10240x128xf32, #tpu.memory_space<hbm>> -> memref<640x128xf32, #tpu.memory_space<hbm>>
      %dma_wait3A_30 = arith.constant 0 : i32
      %dma_wait3A_31 = tpu.memref_slice %arg7[%mul3A_2, %dma_wait3A_30] : memref<10240x128xf32, #tpu.memory_space<vmem_shared>> -> memref<640x128xf32, #tpu.memory_space<vmem_shared>>
      tpu.wait_dma2 semaphore(%run_scoped3A : memref<!tpu.dma_semaphore, #tpu.memory_space<semaphore_mem>>) src(%dma_wait3A_31 : memref<640x128xf32, #tpu.memory_space<vmem_shared>>) dst(%dma_wait3A_29 : memref<640x128xf32, #tpu.memory_space<hbm>>)
      tpu.yield
    }) : () -> ()
    return
  }
}

#map = affine_map<(d0, d1) -> (0, 0)>
#map1 = affine_map<(d0, d1) -> (0)>
#map2 = affine_map<(d0, d1) -> (0, 0, 0)>
module attributes {stable_mosaic.version = 14 : i64} {
  func.func @_sc_propagate(%arg0: i32, %arg1: i32, %arg2: memref<10240x128xf32, #tpu.memory_space<hbm>>, %arg3: memref<10240x128xf32, #tpu.memory_space<hbm>>, %arg4: memref<323584xi32, #tpu.memory_space<hbm>>, %arg5: memref<323584xi32, #tpu.memory_space<hbm>>, %arg6: memref<2x10240x128xf32, #tpu.memory_space<hbm>>, %arg7: memref<10240x128xf32, #tpu.memory_space<vmem_shared>>, %arg8: memref<128xi32, #tpu.memory_space<vmem>>, %arg9: memref<128xi32, #tpu.memory_space<vmem>>, %arg10: memref<128x128xf32, #tpu.memory_space<vmem>>, %arg11: memref<!tpu.dma_semaphore, #tpu.memory_space<semaphore_mem>>) attributes {dimension_semantics = [#tpu.dimension_semantics<core_parallel>, #tpu.dimension_semantics<subcore_parallel>], iteration_bounds = array<i64: 2, 16>, scalar_prefetch = 0 : i64, scratch_operands = 5 : i64, tpu.core_type = #tpu.core_type<sc_vector_subcore>, window_params = [{transform_indices = #map}, {transform_indices = #map}, {transform_indices = #map1}, {transform_indices = #map1}, {transform_indices = #map2}]} {
    %mul3A = arith.constant 2 : i32
    %mul3A_0 = arith.muli %arg1, %mul3A : i32
    %add3A = arith.addi %mul3A_0, %arg0 : i32
    %mul3A_1 = arith.constant 640 : i32
    %mul3A_2 = arith.muli %arg1, %mul3A_1 : i32
    %eq3A = arith.constant 0 : i32
    %eq3A_3 = arith.cmpi eq, %arg0, %eq3A : i32
    %convert_element_type3A = arith.extui %eq3A_3 : i1 to i32
    %cond3A = arith.constant 0 : i32
    %cond3A_4 = arith.cmpi ne, %convert_element_type3A, %cond3A : i32
    scf.if %cond3A_4 {
      "tpu.region"() ({
        %run_scoped3A = tpu.sem_alloc : memref<!tpu.dma_semaphore, #tpu.memory_space<semaphore_mem>>
        %dma_start3A = arith.constant 0 : i32
        %dma_start3A_18 = tpu.memref_slice %arg7[%mul3A_2, %dma_start3A] : memref<10240x128xf32, #tpu.memory_space<vmem_shared>> -> memref<640x128xf32, #tpu.memory_space<vmem_shared>>
        %dma_start3A_19 = arith.constant 0 : i32
        %dma_start3A_20 = tpu.memref_slice %arg2[%mul3A_2, %dma_start3A_19] : memref<10240x128xf32, #tpu.memory_space<hbm>> -> memref<640x128xf32, #tpu.memory_space<hbm>>
        tpu.enqueue_dma source(%dma_start3A_20 : memref<640x128xf32, #tpu.memory_space<hbm>>) target(%dma_start3A_18 : memref<640x128xf32, #tpu.memory_space<vmem_shared>>) target_semaphore(%run_scoped3A : memref<!tpu.dma_semaphore, #tpu.memory_space<semaphore_mem>>)
        %dma_wait3A = arith.constant 0 : i32
        %dma_wait3A_21 = tpu.memref_slice %arg7[%mul3A_2, %dma_wait3A] : memref<10240x128xf32, #tpu.memory_space<vmem_shared>> -> memref<640x128xf32, #tpu.memory_space<vmem_shared>>
        %dma_wait3A_22 = arith.constant 0 : i32
        %dma_wait3A_23 = tpu.memref_slice %arg2[%mul3A_2, %dma_wait3A_22] : memref<10240x128xf32, #tpu.memory_space<hbm>> -> memref<640x128xf32, #tpu.memory_space<hbm>>
        tpu.wait_dma2 semaphore(%run_scoped3A : memref<!tpu.dma_semaphore, #tpu.memory_space<semaphore_mem>>) src(%dma_wait3A_23 : memref<640x128xf32, #tpu.memory_space<hbm>>) dst(%dma_wait3A_21 : memref<640x128xf32, #tpu.memory_space<vmem_shared>>)
        tpu.yield
      }) : () -> ()
    } else {
    }
    %eq3A_5 = arith.constant 1 : i32
    %eq3A_6 = arith.cmpi eq, %arg0, %eq3A_5 : i32
    %convert_element_type3A_7 = arith.extui %eq3A_6 : i1 to i32
    %cond3A_8 = arith.constant 0 : i32
    %cond3A_9 = arith.cmpi ne, %convert_element_type3A_7, %cond3A_8 : i32
    scf.if %cond3A_9 {
      "tpu.region"() ({
        %run_scoped3A = tpu.sem_alloc : memref<!tpu.dma_semaphore, #tpu.memory_space<semaphore_mem>>
        %dma_start3A = arith.constant 0 : i32
        %dma_start3A_18 = tpu.memref_slice %arg7[%mul3A_2, %dma_start3A] : memref<10240x128xf32, #tpu.memory_space<vmem_shared>> -> memref<640x128xf32, #tpu.memory_space<vmem_shared>>
        %dma_start3A_19 = arith.constant 0 : i32
        %dma_start3A_20 = tpu.memref_slice %arg3[%mul3A_2, %dma_start3A_19] : memref<10240x128xf32, #tpu.memory_space<hbm>> -> memref<640x128xf32, #tpu.memory_space<hbm>>
        tpu.enqueue_dma source(%dma_start3A_20 : memref<640x128xf32, #tpu.memory_space<hbm>>) target(%dma_start3A_18 : memref<640x128xf32, #tpu.memory_space<vmem_shared>>) target_semaphore(%run_scoped3A : memref<!tpu.dma_semaphore, #tpu.memory_space<semaphore_mem>>)
        %dma_wait3A = arith.constant 0 : i32
        %dma_wait3A_21 = tpu.memref_slice %arg7[%mul3A_2, %dma_wait3A] : memref<10240x128xf32, #tpu.memory_space<vmem_shared>> -> memref<640x128xf32, #tpu.memory_space<vmem_shared>>
        %dma_wait3A_22 = arith.constant 0 : i32
        %dma_wait3A_23 = tpu.memref_slice %arg3[%mul3A_2, %dma_wait3A_22] : memref<10240x128xf32, #tpu.memory_space<hbm>> -> memref<640x128xf32, #tpu.memory_space<hbm>>
        tpu.wait_dma2 semaphore(%run_scoped3A : memref<!tpu.dma_semaphore, #tpu.memory_space<semaphore_mem>>) src(%dma_wait3A_23 : memref<640x128xf32, #tpu.memory_space<hbm>>) dst(%dma_wait3A_21 : memref<640x128xf32, #tpu.memory_space<vmem_shared>>)
        tpu.yield
      }) : () -> ()
    } else {
    }
    %barrier3A = arith.constant 0 : index
    tpu.barrier barrier_id(%barrier3A)
    %mul3A_10 = arith.constant 10112 : i32
    %mul3A_11 = arith.muli %add3A, %mul3A_10 : i32
    %scan3A = arith.constant 0 : i32
    %scan3A_12 = arith.constant 0 : i32
    %scan3A_13 = arith.constant 79 : i32
    %scan3A_14 = arith.addi %scan3A_12, %scan3A_13 : i32
    %scan3A_15 = arith.constant 1 : i32
    scf.for %scan3A_18 = %scan3A_12 to %scan3A_14 step %scan3A_15  : i32 {
      %mul3A_19 = arith.constant 128 : i32
      %mul3A_20 = arith.muli %scan3A_18, %mul3A_19 : i32
      %add3A_21 = arith.addi %mul3A_11, %mul3A_20 : i32
      "tpu.region"() ({
        %run_scoped3A = tpu.sem_alloc : memref<!tpu.dma_semaphore, #tpu.memory_space<semaphore_mem>>
        %dma_start3A_26 = tpu.memref_slice %arg4[%add3A_21] : memref<323584xi32, #tpu.memory_space<hbm>> -> memref<128xi32, #tpu.memory_space<hbm>>
        %dma_start3A_27 = tpu.memref_slice %arg4[%add3A_21] : memref<323584xi32, #tpu.memory_space<hbm>> -> memref<128xi32, #tpu.memory_space<hbm>>
        tpu.enqueue_dma source(%dma_start3A_27 : memref<128xi32, #tpu.memory_space<hbm>>) target(%arg8 : memref<128xi32, #tpu.memory_space<vmem>>) target_semaphore(%run_scoped3A : memref<!tpu.dma_semaphore, #tpu.memory_space<semaphore_mem>>)
        %dma_wait3A_28 = tpu.memref_slice %arg4[%add3A_21] : memref<323584xi32, #tpu.memory_space<hbm>> -> memref<128xi32, #tpu.memory_space<hbm>>
        %dma_wait3A_29 = tpu.memref_slice %arg4[%add3A_21] : memref<323584xi32, #tpu.memory_space<hbm>> -> memref<128xi32, #tpu.memory_space<hbm>>
        tpu.wait_dma2 semaphore(%run_scoped3A : memref<!tpu.dma_semaphore, #tpu.memory_space<semaphore_mem>>) src(%dma_wait3A_29 : memref<128xi32, #tpu.memory_space<hbm>>) dst(%arg8 : memref<128xi32, #tpu.memory_space<vmem>>)
        tpu.yield
      }) : () -> ()
      "tpu.region"() ({
        %run_scoped3A = tpu.sem_alloc : memref<!tpu.dma_semaphore, #tpu.memory_space<semaphore_mem>>
        %dma_start3A_26 = tpu.memref_slice %arg5[%add3A_21] : memref<323584xi32, #tpu.memory_space<hbm>> -> memref<128xi32, #tpu.memory_space<hbm>>
        %dma_start3A_27 = tpu.memref_slice %arg5[%add3A_21] : memref<323584xi32, #tpu.memory_space<hbm>> -> memref<128xi32, #tpu.memory_space<hbm>>
        tpu.enqueue_dma source(%dma_start3A_27 : memref<128xi32, #tpu.memory_space<hbm>>) target(%arg9 : memref<128xi32, #tpu.memory_space<vmem>>) target_semaphore(%run_scoped3A : memref<!tpu.dma_semaphore, #tpu.memory_space<semaphore_mem>>)
        %dma_wait3A_28 = tpu.memref_slice %arg5[%add3A_21] : memref<323584xi32, #tpu.memory_space<hbm>> -> memref<128xi32, #tpu.memory_space<hbm>>
        %dma_wait3A_29 = tpu.memref_slice %arg5[%add3A_21] : memref<323584xi32, #tpu.memory_space<hbm>> -> memref<128xi32, #tpu.memory_space<hbm>>
        tpu.wait_dma2 semaphore(%run_scoped3A : memref<!tpu.dma_semaphore, #tpu.memory_space<semaphore_mem>>) src(%dma_wait3A_29 : memref<128xi32, #tpu.memory_space<hbm>>) dst(%arg9 : memref<128xi32, #tpu.memory_space<vmem>>)
        tpu.yield
      }) : () -> ()
      %dma_start3A = arith.constant 0 : i32
      %dma_start3A_22 = arith.constant 0 : i32
      %dma_start3A_23 = tpu.memref_slice %arg2[%dma_start3A, %dma_start3A_22] : memref<10240x128xf32, #tpu.memory_space<hbm>> -> memref<10240x128xf32, #tpu.memory_space<hbm>>
      tpu.enqueue_indirect_dma source(%dma_start3A_23 : memref<10240x128xf32, #tpu.memory_space<hbm>>) target(%arg10 : memref<128x128xf32, #tpu.memory_space<vmem>>) offsets(%arg8 : memref<128xi32, #tpu.memory_space<vmem>>) semaphore(%arg11 : memref<!tpu.dma_semaphore, #tpu.memory_space<semaphore_mem>>)
      %dma_wait3A = arith.constant 0 : i32
      %dma_wait3A_24 = arith.constant 0 : i32
      %dma_wait3A_25 = tpu.memref_slice %arg2[%dma_wait3A, %dma_wait3A_24] : memref<10240x128xf32, #tpu.memory_space<hbm>> -> memref<10240x128xf32, #tpu.memory_space<hbm>>
      tpu.wait_indirect_dma semaphore(%arg11 : memref<!tpu.dma_semaphore, #tpu.memory_space<semaphore_mem>>) src(%dma_wait3A_25 : memref<10240x128xf32, #tpu.memory_space<hbm>>) dst(%arg10 : memref<128x128xf32, #tpu.memory_space<vmem>>)
      "tpu.region"() ({
        %run_scoped3A = tpu.sem_alloc : memref<!tpu.dma_semaphore, #tpu.memory_space<semaphore_mem>>
        %dma_start3A_26 = arith.constant 0 : i32
        %dma_start3A_27 = arith.constant 0 : i32
        %dma_start3A_28 = tpu.memref_slice %arg7[%dma_start3A_26, %dma_start3A_27] : memref<10240x128xf32, #tpu.memory_space<vmem_shared>> -> memref<10240x128xf32, #tpu.memory_space<vmem_shared>>
        tpu.enqueue_indirect_dma source(%arg10 : memref<128x128xf32, #tpu.memory_space<vmem>>) target(%dma_start3A_28 : memref<10240x128xf32, #tpu.memory_space<vmem_shared>>) offsets(%arg9 : memref<128xi32, #tpu.memory_space<vmem>>) semaphore(%run_scoped3A : memref<!tpu.dma_semaphore, #tpu.memory_space<semaphore_mem>>) {add = true}
        %dma_wait3A_29 = arith.constant 0 : i32
        %dma_wait3A_30 = arith.constant 0 : i32
        %dma_wait3A_31 = tpu.memref_slice %arg7[%dma_wait3A_29, %dma_wait3A_30] : memref<10240x128xf32, #tpu.memory_space<vmem_shared>> -> memref<10240x128xf32, #tpu.memory_space<vmem_shared>>
        tpu.wait_indirect_dma semaphore(%run_scoped3A : memref<!tpu.dma_semaphore, #tpu.memory_space<semaphore_mem>>) src(%arg10 : memref<128x128xf32, #tpu.memory_space<vmem>>) dst(%dma_wait3A_31 : memref<10240x128xf32, #tpu.memory_space<vmem_shared>>)
        tpu.yield
      }) : () -> ()
    }
    %scan3A_16 = arith.constant 79 : i32
    %barrier3A_17 = arith.constant 0 : index
    tpu.barrier barrier_id(%barrier3A_17)
    "tpu.region"() ({
      %run_scoped3A = tpu.sem_alloc : memref<!tpu.dma_semaphore, #tpu.memory_space<semaphore_mem>>
      %dma_start3A = arith.constant 0 : i32
      %dma_start3A_18 = arith.constant 0 : i32
      %dma_start3A_19 = tpu.memref_slice %arg6[%arg0, %dma_start3A, %dma_start3A_18] : memref<2x10240x128xf32, #tpu.memory_space<hbm>> -> memref<1x10240x128xf32, #tpu.memory_space<hbm>>
      %dma_start3A_20 = tpu.memref_squeeze %dma_start3A_19 : memref<1x10240x128xf32, #tpu.memory_space<hbm>> -> memref<10240x128xf32, #tpu.memory_space<hbm>>
      %dma_start3A_21 = arith.constant 0 : i32
      %dma_start3A_22 = tpu.memref_slice %dma_start3A_20[%mul3A_2, %dma_start3A_21] : memref<10240x128xf32, #tpu.memory_space<hbm>> -> memref<640x128xf32, #tpu.memory_space<hbm>>
      %dma_start3A_23 = arith.constant 0 : i32
      %dma_start3A_24 = tpu.memref_slice %arg7[%mul3A_2, %dma_start3A_23] : memref<10240x128xf32, #tpu.memory_space<vmem_shared>> -> memref<640x128xf32, #tpu.memory_space<vmem_shared>>
      tpu.enqueue_dma source(%dma_start3A_24 : memref<640x128xf32, #tpu.memory_space<vmem_shared>>) target(%dma_start3A_22 : memref<640x128xf32, #tpu.memory_space<hbm>>) target_semaphore(%run_scoped3A : memref<!tpu.dma_semaphore, #tpu.memory_space<semaphore_mem>>)
      %dma_wait3A = arith.constant 0 : i32
      %dma_wait3A_25 = arith.constant 0 : i32
      %dma_wait3A_26 = tpu.memref_slice %arg6[%arg0, %dma_wait3A, %dma_wait3A_25] : memref<2x10240x128xf32, #tpu.memory_space<hbm>> -> memref<1x10240x128xf32, #tpu.memory_space<hbm>>
      %dma_wait3A_27 = tpu.memref_squeeze %dma_wait3A_26 : memref<1x10240x128xf32, #tpu.memory_space<hbm>> -> memref<10240x128xf32, #tpu.memory_space<hbm>>
      %dma_wait3A_28 = arith.constant 0 : i32
      %dma_wait3A_29 = tpu.memref_slice %dma_wait3A_27[%mul3A_2, %dma_wait3A_28] : memref<10240x128xf32, #tpu.memory_space<hbm>> -> memref<640x128xf32, #tpu.memory_space<hbm>>
      %dma_wait3A_30 = arith.constant 0 : i32
      %dma_wait3A_31 = tpu.memref_slice %arg7[%mul3A_2, %dma_wait3A_30] : memref<10240x128xf32, #tpu.memory_space<vmem_shared>> -> memref<640x128xf32, #tpu.memory_space<vmem_shared>>
      tpu.wait_dma2 semaphore(%run_scoped3A : memref<!tpu.dma_semaphore, #tpu.memory_space<semaphore_mem>>) src(%dma_wait3A_31 : memref<640x128xf32, #tpu.memory_space<vmem_shared>>) dst(%dma_wait3A_29 : memref<640x128xf32, #tpu.memory_space<hbm>>)
      tpu.yield
    }) : () -> ()
    return
  }
}

#map = affine_map<(d0, d1) -> (0, 0)>
#map1 = affine_map<(d0, d1) -> (0)>
#map2 = affine_map<(d0, d1) -> (0, 0, 0)>
module attributes {stable_mosaic.version = 14 : i64} {
  func.func @_sc_propagate(%arg0: i32, %arg1: i32, %arg2: memref<10240x128xf32, #tpu.memory_space<hbm>>, %arg3: memref<10240x128xf32, #tpu.memory_space<hbm>>, %arg4: memref<323584xi32, #tpu.memory_space<hbm>>, %arg5: memref<323584xi32, #tpu.memory_space<hbm>>, %arg6: memref<2x10240x128xf32, #tpu.memory_space<hbm>>, %arg7: memref<10240x128xf32, #tpu.memory_space<vmem_shared>>, %arg8: memref<128xi32, #tpu.memory_space<vmem>>, %arg9: memref<128xi32, #tpu.memory_space<vmem>>, %arg10: memref<128x128xf32, #tpu.memory_space<vmem>>, %arg11: memref<!tpu.dma_semaphore, #tpu.memory_space<semaphore_mem>>) attributes {dimension_semantics = [#tpu.dimension_semantics<core_parallel>, #tpu.dimension_semantics<subcore_parallel>], iteration_bounds = array<i64: 2, 16>, scalar_prefetch = 0 : i64, scratch_operands = 5 : i64, tpu.core_type = #tpu.core_type<sc_vector_subcore>, window_params = [{transform_indices = #map}, {transform_indices = #map}, {transform_indices = #map1}, {transform_indices = #map1}, {transform_indices = #map2}]} {
    %mul3A = arith.constant 2 : i32
    %mul3A_0 = arith.muli %arg1, %mul3A : i32
    %add3A = arith.addi %mul3A_0, %arg0 : i32
    %mul3A_1 = arith.constant 640 : i32
    %mul3A_2 = arith.muli %arg1, %mul3A_1 : i32
    %eq3A = arith.constant 0 : i32
    %eq3A_3 = arith.cmpi eq, %arg0, %eq3A : i32
    %convert_element_type3A = arith.extui %eq3A_3 : i1 to i32
    %cond3A = arith.constant 0 : i32
    %cond3A_4 = arith.cmpi ne, %convert_element_type3A, %cond3A : i32
    scf.if %cond3A_4 {
      "tpu.region"() ({
        %run_scoped3A = tpu.sem_alloc : memref<!tpu.dma_semaphore, #tpu.memory_space<semaphore_mem>>
        %dma_start3A = arith.constant 0 : i32
        %dma_start3A_18 = tpu.memref_slice %arg7[%mul3A_2, %dma_start3A] : memref<10240x128xf32, #tpu.memory_space<vmem_shared>> -> memref<640x128xf32, #tpu.memory_space<vmem_shared>>
        %dma_start3A_19 = arith.constant 0 : i32
        %dma_start3A_20 = tpu.memref_slice %arg2[%mul3A_2, %dma_start3A_19] : memref<10240x128xf32, #tpu.memory_space<hbm>> -> memref<640x128xf32, #tpu.memory_space<hbm>>
        tpu.enqueue_dma source(%dma_start3A_20 : memref<640x128xf32, #tpu.memory_space<hbm>>) target(%dma_start3A_18 : memref<640x128xf32, #tpu.memory_space<vmem_shared>>) target_semaphore(%run_scoped3A : memref<!tpu.dma_semaphore, #tpu.memory_space<semaphore_mem>>)
        %dma_wait3A = arith.constant 0 : i32
        %dma_wait3A_21 = tpu.memref_slice %arg7[%mul3A_2, %dma_wait3A] : memref<10240x128xf32, #tpu.memory_space<vmem_shared>> -> memref<640x128xf32, #tpu.memory_space<vmem_shared>>
        %dma_wait3A_22 = arith.constant 0 : i32
        %dma_wait3A_23 = tpu.memref_slice %arg2[%mul3A_2, %dma_wait3A_22] : memref<10240x128xf32, #tpu.memory_space<hbm>> -> memref<640x128xf32, #tpu.memory_space<hbm>>
        tpu.wait_dma2 semaphore(%run_scoped3A : memref<!tpu.dma_semaphore, #tpu.memory_space<semaphore_mem>>) src(%dma_wait3A_23 : memref<640x128xf32, #tpu.memory_space<hbm>>) dst(%dma_wait3A_21 : memref<640x128xf32, #tpu.memory_space<vmem_shared>>)
        tpu.yield
      }) : () -> ()
    } else {
    }
    %eq3A_5 = arith.constant 1 : i32
    %eq3A_6 = arith.cmpi eq, %arg0, %eq3A_5 : i32
    %convert_element_type3A_7 = arith.extui %eq3A_6 : i1 to i32
    %cond3A_8 = arith.constant 0 : i32
    %cond3A_9 = arith.cmpi ne, %convert_element_type3A_7, %cond3A_8 : i32
    scf.if %cond3A_9 {
      "tpu.region"() ({
        %run_scoped3A = tpu.sem_alloc : memref<!tpu.dma_semaphore, #tpu.memory_space<semaphore_mem>>
        %dma_start3A = arith.constant 0 : i32
        %dma_start3A_18 = tpu.memref_slice %arg7[%mul3A_2, %dma_start3A] : memref<10240x128xf32, #tpu.memory_space<vmem_shared>> -> memref<640x128xf32, #tpu.memory_space<vmem_shared>>
        %dma_start3A_19 = arith.constant 0 : i32
        %dma_start3A_20 = tpu.memref_slice %arg3[%mul3A_2, %dma_start3A_19] : memref<10240x128xf32, #tpu.memory_space<hbm>> -> memref<640x128xf32, #tpu.memory_space<hbm>>
        tpu.enqueue_dma source(%dma_start3A_20 : memref<640x128xf32, #tpu.memory_space<hbm>>) target(%dma_start3A_18 : memref<640x128xf32, #tpu.memory_space<vmem_shared>>) target_semaphore(%run_scoped3A : memref<!tpu.dma_semaphore, #tpu.memory_space<semaphore_mem>>)
        %dma_wait3A = arith.constant 0 : i32
        %dma_wait3A_21 = tpu.memref_slice %arg7[%mul3A_2, %dma_wait3A] : memref<10240x128xf32, #tpu.memory_space<vmem_shared>> -> memref<640x128xf32, #tpu.memory_space<vmem_shared>>
        %dma_wait3A_22 = arith.constant 0 : i32
        %dma_wait3A_23 = tpu.memref_slice %arg3[%mul3A_2, %dma_wait3A_22] : memref<10240x128xf32, #tpu.memory_space<hbm>> -> memref<640x128xf32, #tpu.memory_space<hbm>>
        tpu.wait_dma2 semaphore(%run_scoped3A : memref<!tpu.dma_semaphore, #tpu.memory_space<semaphore_mem>>) src(%dma_wait3A_23 : memref<640x128xf32, #tpu.memory_space<hbm>>) dst(%dma_wait3A_21 : memref<640x128xf32, #tpu.memory_space<vmem_shared>>)
        tpu.yield
      }) : () -> ()
    } else {
    }
    %barrier3A = arith.constant 0 : index
    tpu.barrier barrier_id(%barrier3A)
    %mul3A_10 = arith.constant 10112 : i32
    %mul3A_11 = arith.muli %add3A, %mul3A_10 : i32
    %scan3A = arith.constant 0 : i32
    %scan3A_12 = arith.constant 0 : i32
    %scan3A_13 = arith.constant 79 : i32
    %scan3A_14 = arith.addi %scan3A_12, %scan3A_13 : i32
    %scan3A_15 = arith.constant 1 : i32
    scf.for %scan3A_18 = %scan3A_12 to %scan3A_14 step %scan3A_15  : i32 {
      %mul3A_19 = arith.constant 128 : i32
      %mul3A_20 = arith.muli %scan3A_18, %mul3A_19 : i32
      %add3A_21 = arith.addi %mul3A_11, %mul3A_20 : i32
      "tpu.region"() ({
        %run_scoped3A = tpu.sem_alloc : memref<!tpu.dma_semaphore, #tpu.memory_space<semaphore_mem>>
        %dma_start3A_26 = tpu.memref_slice %arg4[%add3A_21] : memref<323584xi32, #tpu.memory_space<hbm>> -> memref<128xi32, #tpu.memory_space<hbm>>
        %dma_start3A_27 = tpu.memref_slice %arg4[%add3A_21] : memref<323584xi32, #tpu.memory_space<hbm>> -> memref<128xi32, #tpu.memory_space<hbm>>
        tpu.enqueue_dma source(%dma_start3A_27 : memref<128xi32, #tpu.memory_space<hbm>>) target(%arg8 : memref<128xi32, #tpu.memory_space<vmem>>) target_semaphore(%run_scoped3A : memref<!tpu.dma_semaphore, #tpu.memory_space<semaphore_mem>>)
        %dma_wait3A_28 = tpu.memref_slice %arg4[%add3A_21] : memref<323584xi32, #tpu.memory_space<hbm>> -> memref<128xi32, #tpu.memory_space<hbm>>
        %dma_wait3A_29 = tpu.memref_slice %arg4[%add3A_21] : memref<323584xi32, #tpu.memory_space<hbm>> -> memref<128xi32, #tpu.memory_space<hbm>>
        tpu.wait_dma2 semaphore(%run_scoped3A : memref<!tpu.dma_semaphore, #tpu.memory_space<semaphore_mem>>) src(%dma_wait3A_29 : memref<128xi32, #tpu.memory_space<hbm>>) dst(%arg8 : memref<128xi32, #tpu.memory_space<vmem>>)
        tpu.yield
      }) : () -> ()
      "tpu.region"() ({
        %run_scoped3A = tpu.sem_alloc : memref<!tpu.dma_semaphore, #tpu.memory_space<semaphore_mem>>
        %dma_start3A_26 = tpu.memref_slice %arg5[%add3A_21] : memref<323584xi32, #tpu.memory_space<hbm>> -> memref<128xi32, #tpu.memory_space<hbm>>
        %dma_start3A_27 = tpu.memref_slice %arg5[%add3A_21] : memref<323584xi32, #tpu.memory_space<hbm>> -> memref<128xi32, #tpu.memory_space<hbm>>
        tpu.enqueue_dma source(%dma_start3A_27 : memref<128xi32, #tpu.memory_space<hbm>>) target(%arg9 : memref<128xi32, #tpu.memory_space<vmem>>) target_semaphore(%run_scoped3A : memref<!tpu.dma_semaphore, #tpu.memory_space<semaphore_mem>>)
        %dma_wait3A_28 = tpu.memref_slice %arg5[%add3A_21] : memref<323584xi32, #tpu.memory_space<hbm>> -> memref<128xi32, #tpu.memory_space<hbm>>
        %dma_wait3A_29 = tpu.memref_slice %arg5[%add3A_21] : memref<323584xi32, #tpu.memory_space<hbm>> -> memref<128xi32, #tpu.memory_space<hbm>>
        tpu.wait_dma2 semaphore(%run_scoped3A : memref<!tpu.dma_semaphore, #tpu.memory_space<semaphore_mem>>) src(%dma_wait3A_29 : memref<128xi32, #tpu.memory_space<hbm>>) dst(%arg9 : memref<128xi32, #tpu.memory_space<vmem>>)
        tpu.yield
      }) : () -> ()
      %dma_start3A = arith.constant 0 : i32
      %dma_start3A_22 = arith.constant 0 : i32
      %dma_start3A_23 = tpu.memref_slice %arg2[%dma_start3A, %dma_start3A_22] : memref<10240x128xf32, #tpu.memory_space<hbm>> -> memref<10240x128xf32, #tpu.memory_space<hbm>>
      tpu.enqueue_indirect_dma source(%dma_start3A_23 : memref<10240x128xf32, #tpu.memory_space<hbm>>) target(%arg10 : memref<128x128xf32, #tpu.memory_space<vmem>>) offsets(%arg8 : memref<128xi32, #tpu.memory_space<vmem>>) semaphore(%arg11 : memref<!tpu.dma_semaphore, #tpu.memory_space<semaphore_mem>>)
      %dma_wait3A = arith.constant 0 : i32
      %dma_wait3A_24 = arith.constant 0 : i32
      %dma_wait3A_25 = tpu.memref_slice %arg2[%dma_wait3A, %dma_wait3A_24] : memref<10240x128xf32, #tpu.memory_space<hbm>> -> memref<10240x128xf32, #tpu.memory_space<hbm>>
      tpu.wait_indirect_dma semaphore(%arg11 : memref<!tpu.dma_semaphore, #tpu.memory_space<semaphore_mem>>) src(%dma_wait3A_25 : memref<10240x128xf32, #tpu.memory_space<hbm>>) dst(%arg10 : memref<128x128xf32, #tpu.memory_space<vmem>>)
      "tpu.region"() ({
        %run_scoped3A = tpu.sem_alloc : memref<!tpu.dma_semaphore, #tpu.memory_space<semaphore_mem>>
        %dma_start3A_26 = arith.constant 0 : i32
        %dma_start3A_27 = arith.constant 0 : i32
        %dma_start3A_28 = tpu.memref_slice %arg7[%dma_start3A_26, %dma_start3A_27] : memref<10240x128xf32, #tpu.memory_space<vmem_shared>> -> memref<10240x128xf32, #tpu.memory_space<vmem_shared>>
        tpu.enqueue_indirect_dma source(%arg10 : memref<128x128xf32, #tpu.memory_space<vmem>>) target(%dma_start3A_28 : memref<10240x128xf32, #tpu.memory_space<vmem_shared>>) offsets(%arg9 : memref<128xi32, #tpu.memory_space<vmem>>) semaphore(%run_scoped3A : memref<!tpu.dma_semaphore, #tpu.memory_space<semaphore_mem>>) {add = true}
        %dma_wait3A_29 = arith.constant 0 : i32
        %dma_wait3A_30 = arith.constant 0 : i32
        %dma_wait3A_31 = tpu.memref_slice %arg7[%dma_wait3A_29, %dma_wait3A_30] : memref<10240x128xf32, #tpu.memory_space<vmem_shared>> -> memref<10240x128xf32, #tpu.memory_space<vmem_shared>>
        tpu.wait_indirect_dma semaphore(%run_scoped3A : memref<!tpu.dma_semaphore, #tpu.memory_space<semaphore_mem>>) src(%arg10 : memref<128x128xf32, #tpu.memory_space<vmem>>) dst(%dma_wait3A_31 : memref<10240x128xf32, #tpu.memory_space<vmem_shared>>)
        tpu.yield
      }) : () -> ()
    }
    %scan3A_16 = arith.constant 79 : i32
    %barrier3A_17 = arith.constant 0 : index
    tpu.barrier barrier_id(%barrier3A_17)
    "tpu.region"() ({
      %run_scoped3A = tpu.sem_alloc : memref<!tpu.dma_semaphore, #tpu.memory_space<semaphore_mem>>
      %dma_start3A = arith.constant 0 : i32
      %dma_start3A_18 = arith.constant 0 : i32
      %dma_start3A_19 = tpu.memref_slice %arg6[%arg0, %dma_start3A, %dma_start3A_18] : memref<2x10240x128xf32, #tpu.memory_space<hbm>> -> memref<1x10240x128xf32, #tpu.memory_space<hbm>>
      %dma_start3A_20 = tpu.memref_squeeze %dma_start3A_19 : memref<1x10240x128xf32, #tpu.memory_space<hbm>> -> memref<10240x128xf32, #tpu.memory_space<hbm>>
      %dma_start3A_21 = arith.constant 0 : i32
      %dma_start3A_22 = tpu.memref_slice %dma_start3A_20[%mul3A_2, %dma_start3A_21] : memref<10240x128xf32, #tpu.memory_space<hbm>> -> memref<640x128xf32, #tpu.memory_space<hbm>>
      %dma_start3A_23 = arith.constant 0 : i32
      %dma_start3A_24 = tpu.memref_slice %arg7[%mul3A_2, %dma_start3A_23] : memref<10240x128xf32, #tpu.memory_space<vmem_shared>> -> memref<640x128xf32, #tpu.memory_space<vmem_shared>>
      tpu.enqueue_dma source(%dma_start3A_24 : memref<640x128xf32, #tpu.memory_space<vmem_shared>>) target(%dma_start3A_22 : memref<640x128xf32, #tpu.memory_space<hbm>>) target_semaphore(%run_scoped3A : memref<!tpu.dma_semaphore, #tpu.memory_space<semaphore_mem>>)
      %dma_wait3A = arith.constant 0 : i32
      %dma_wait3A_25 = arith.constant 0 : i32
      %dma_wait3A_26 = tpu.memref_slice %arg6[%arg0, %dma_wait3A, %dma_wait3A_25] : memref<2x10240x128xf32, #tpu.memory_space<hbm>> -> memref<1x10240x128xf32, #tpu.memory_space<hbm>>
      %dma_wait3A_27 = tpu.memref_squeeze %dma_wait3A_26 : memref<1x10240x128xf32, #tpu.memory_space<hbm>> -> memref<10240x128xf32, #tpu.memory_space<hbm>>
      %dma_wait3A_28 = arith.constant 0 : i32
      %dma_wait3A_29 = tpu.memref_slice %dma_wait3A_27[%mul3A_2, %dma_wait3A_28] : memref<10240x128xf32, #tpu.memory_space<hbm>> -> memref<640x128xf32, #tpu.memory_space<hbm>>
      %dma_wait3A_30 = arith.constant 0 : i32
      %dma_wait3A_31 = tpu.memref_slice %arg7[%mul3A_2, %dma_wait3A_30] : memref<10240x128xf32, #tpu.memory_space<vmem_shared>> -> memref<640x128xf32, #tpu.memory_space<vmem_shared>>
      tpu.wait_dma2 semaphore(%run_scoped3A : memref<!tpu.dma_semaphore, #tpu.memory_space<semaphore_mem>>) src(%dma_wait3A_31 : memref<640x128xf32, #tpu.memory_space<vmem_shared>>) dst(%dma_wait3A_29 : memref<640x128xf32, #tpu.memory_space<hbm>>)
      tpu.yield
    }) : () -> ()
    return
  }
}

#map = affine_map<(d0, d1) -> (0, 0)>
#map1 = affine_map<(d0, d1) -> (0)>
#map2 = affine_map<(d0, d1) -> (0, 0, 0)>
module attributes {stable_mosaic.version = 14 : i64} {
  func.func @_sc_propagate(%arg0: i32, %arg1: i32, %arg2: memref<10240x128xf32, #tpu.memory_space<hbm>>, %arg3: memref<10240x128xf32, #tpu.memory_space<hbm>>, %arg4: memref<323584xi32, #tpu.memory_space<hbm>>, %arg5: memref<323584xi32, #tpu.memory_space<hbm>>, %arg6: memref<2x10240x128xf32, #tpu.memory_space<hbm>>, %arg7: memref<10240x128xf32, #tpu.memory_space<vmem_shared>>, %arg8: memref<128xi32, #tpu.memory_space<vmem>>, %arg9: memref<128xi32, #tpu.memory_space<vmem>>, %arg10: memref<128x128xf32, #tpu.memory_space<vmem>>, %arg11: memref<!tpu.dma_semaphore, #tpu.memory_space<semaphore_mem>>) attributes {dimension_semantics = [#tpu.dimension_semantics<core_parallel>, #tpu.dimension_semantics<subcore_parallel>], iteration_bounds = array<i64: 2, 16>, scalar_prefetch = 0 : i64, scratch_operands = 5 : i64, tpu.core_type = #tpu.core_type<sc_vector_subcore>, window_params = [{transform_indices = #map}, {transform_indices = #map}, {transform_indices = #map1}, {transform_indices = #map1}, {transform_indices = #map2}]} {
    %mul3A = arith.constant 2 : i32
    %mul3A_0 = arith.muli %arg1, %mul3A : i32
    %add3A = arith.addi %mul3A_0, %arg0 : i32
    %mul3A_1 = arith.constant 640 : i32
    %mul3A_2 = arith.muli %arg1, %mul3A_1 : i32
    %eq3A = arith.constant 0 : i32
    %eq3A_3 = arith.cmpi eq, %arg0, %eq3A : i32
    %convert_element_type3A = arith.extui %eq3A_3 : i1 to i32
    %cond3A = arith.constant 0 : i32
    %cond3A_4 = arith.cmpi ne, %convert_element_type3A, %cond3A : i32
    scf.if %cond3A_4 {
      "tpu.region"() ({
        %run_scoped3A = tpu.sem_alloc : memref<!tpu.dma_semaphore, #tpu.memory_space<semaphore_mem>>
        %dma_start3A = arith.constant 0 : i32
        %dma_start3A_18 = tpu.memref_slice %arg7[%mul3A_2, %dma_start3A] : memref<10240x128xf32, #tpu.memory_space<vmem_shared>> -> memref<640x128xf32, #tpu.memory_space<vmem_shared>>
        %dma_start3A_19 = arith.constant 0 : i32
        %dma_start3A_20 = tpu.memref_slice %arg2[%mul3A_2, %dma_start3A_19] : memref<10240x128xf32, #tpu.memory_space<hbm>> -> memref<640x128xf32, #tpu.memory_space<hbm>>
        tpu.enqueue_dma source(%dma_start3A_20 : memref<640x128xf32, #tpu.memory_space<hbm>>) target(%dma_start3A_18 : memref<640x128xf32, #tpu.memory_space<vmem_shared>>) target_semaphore(%run_scoped3A : memref<!tpu.dma_semaphore, #tpu.memory_space<semaphore_mem>>)
        %dma_wait3A = arith.constant 0 : i32
        %dma_wait3A_21 = tpu.memref_slice %arg7[%mul3A_2, %dma_wait3A] : memref<10240x128xf32, #tpu.memory_space<vmem_shared>> -> memref<640x128xf32, #tpu.memory_space<vmem_shared>>
        %dma_wait3A_22 = arith.constant 0 : i32
        %dma_wait3A_23 = tpu.memref_slice %arg2[%mul3A_2, %dma_wait3A_22] : memref<10240x128xf32, #tpu.memory_space<hbm>> -> memref<640x128xf32, #tpu.memory_space<hbm>>
        tpu.wait_dma2 semaphore(%run_scoped3A : memref<!tpu.dma_semaphore, #tpu.memory_space<semaphore_mem>>) src(%dma_wait3A_23 : memref<640x128xf32, #tpu.memory_space<hbm>>) dst(%dma_wait3A_21 : memref<640x128xf32, #tpu.memory_space<vmem_shared>>)
        tpu.yield
      }) : () -> ()
    } else {
    }
    %eq3A_5 = arith.constant 1 : i32
    %eq3A_6 = arith.cmpi eq, %arg0, %eq3A_5 : i32
    %convert_element_type3A_7 = arith.extui %eq3A_6 : i1 to i32
    %cond3A_8 = arith.constant 0 : i32
    %cond3A_9 = arith.cmpi ne, %convert_element_type3A_7, %cond3A_8 : i32
    scf.if %cond3A_9 {
      "tpu.region"() ({
        %run_scoped3A = tpu.sem_alloc : memref<!tpu.dma_semaphore, #tpu.memory_space<semaphore_mem>>
        %dma_start3A = arith.constant 0 : i32
        %dma_start3A_18 = tpu.memref_slice %arg7[%mul3A_2, %dma_start3A] : memref<10240x128xf32, #tpu.memory_space<vmem_shared>> -> memref<640x128xf32, #tpu.memory_space<vmem_shared>>
        %dma_start3A_19 = arith.constant 0 : i32
        %dma_start3A_20 = tpu.memref_slice %arg3[%mul3A_2, %dma_start3A_19] : memref<10240x128xf32, #tpu.memory_space<hbm>> -> memref<640x128xf32, #tpu.memory_space<hbm>>
        tpu.enqueue_dma source(%dma_start3A_20 : memref<640x128xf32, #tpu.memory_space<hbm>>) target(%dma_start3A_18 : memref<640x128xf32, #tpu.memory_space<vmem_shared>>) target_semaphore(%run_scoped3A : memref<!tpu.dma_semaphore, #tpu.memory_space<semaphore_mem>>)
        %dma_wait3A = arith.constant 0 : i32
        %dma_wait3A_21 = tpu.memref_slice %arg7[%mul3A_2, %dma_wait3A] : memref<10240x128xf32, #tpu.memory_space<vmem_shared>> -> memref<640x128xf32, #tpu.memory_space<vmem_shared>>
        %dma_wait3A_22 = arith.constant 0 : i32
        %dma_wait3A_23 = tpu.memref_slice %arg3[%mul3A_2, %dma_wait3A_22] : memref<10240x128xf32, #tpu.memory_space<hbm>> -> memref<640x128xf32, #tpu.memory_space<hbm>>
        tpu.wait_dma2 semaphore(%run_scoped3A : memref<!tpu.dma_semaphore, #tpu.memory_space<semaphore_mem>>) src(%dma_wait3A_23 : memref<640x128xf32, #tpu.memory_space<hbm>>) dst(%dma_wait3A_21 : memref<640x128xf32, #tpu.memory_space<vmem_shared>>)
        tpu.yield
      }) : () -> ()
    } else {
    }
    %barrier3A = arith.constant 0 : index
    tpu.barrier barrier_id(%barrier3A)
    %mul3A_10 = arith.constant 10112 : i32
    %mul3A_11 = arith.muli %add3A, %mul3A_10 : i32
    %scan3A = arith.constant 0 : i32
    %scan3A_12 = arith.constant 0 : i32
    %scan3A_13 = arith.constant 79 : i32
    %scan3A_14 = arith.addi %scan3A_12, %scan3A_13 : i32
    %scan3A_15 = arith.constant 1 : i32
    scf.for %scan3A_18 = %scan3A_12 to %scan3A_14 step %scan3A_15  : i32 {
      %mul3A_19 = arith.constant 128 : i32
      %mul3A_20 = arith.muli %scan3A_18, %mul3A_19 : i32
      %add3A_21 = arith.addi %mul3A_11, %mul3A_20 : i32
      "tpu.region"() ({
        %run_scoped3A = tpu.sem_alloc : memref<!tpu.dma_semaphore, #tpu.memory_space<semaphore_mem>>
        %dma_start3A_26 = tpu.memref_slice %arg4[%add3A_21] : memref<323584xi32, #tpu.memory_space<hbm>> -> memref<128xi32, #tpu.memory_space<hbm>>
        %dma_start3A_27 = tpu.memref_slice %arg4[%add3A_21] : memref<323584xi32, #tpu.memory_space<hbm>> -> memref<128xi32, #tpu.memory_space<hbm>>
        tpu.enqueue_dma source(%dma_start3A_27 : memref<128xi32, #tpu.memory_space<hbm>>) target(%arg8 : memref<128xi32, #tpu.memory_space<vmem>>) target_semaphore(%run_scoped3A : memref<!tpu.dma_semaphore, #tpu.memory_space<semaphore_mem>>)
        %dma_wait3A_28 = tpu.memref_slice %arg4[%add3A_21] : memref<323584xi32, #tpu.memory_space<hbm>> -> memref<128xi32, #tpu.memory_space<hbm>>
        %dma_wait3A_29 = tpu.memref_slice %arg4[%add3A_21] : memref<323584xi32, #tpu.memory_space<hbm>> -> memref<128xi32, #tpu.memory_space<hbm>>
        tpu.wait_dma2 semaphore(%run_scoped3A : memref<!tpu.dma_semaphore, #tpu.memory_space<semaphore_mem>>) src(%dma_wait3A_29 : memref<128xi32, #tpu.memory_space<hbm>>) dst(%arg8 : memref<128xi32, #tpu.memory_space<vmem>>)
        tpu.yield
      }) : () -> ()
      "tpu.region"() ({
        %run_scoped3A = tpu.sem_alloc : memref<!tpu.dma_semaphore, #tpu.memory_space<semaphore_mem>>
        %dma_start3A_26 = tpu.memref_slice %arg5[%add3A_21] : memref<323584xi32, #tpu.memory_space<hbm>> -> memref<128xi32, #tpu.memory_space<hbm>>
        %dma_start3A_27 = tpu.memref_slice %arg5[%add3A_21] : memref<323584xi32, #tpu.memory_space<hbm>> -> memref<128xi32, #tpu.memory_space<hbm>>
        tpu.enqueue_dma source(%dma_start3A_27 : memref<128xi32, #tpu.memory_space<hbm>>) target(%arg9 : memref<128xi32, #tpu.memory_space<vmem>>) target_semaphore(%run_scoped3A : memref<!tpu.dma_semaphore, #tpu.memory_space<semaphore_mem>>)
        %dma_wait3A_28 = tpu.memref_slice %arg5[%add3A_21] : memref<323584xi32, #tpu.memory_space<hbm>> -> memref<128xi32, #tpu.memory_space<hbm>>
        %dma_wait3A_29 = tpu.memref_slice %arg5[%add3A_21] : memref<323584xi32, #tpu.memory_space<hbm>> -> memref<128xi32, #tpu.memory_space<hbm>>
        tpu.wait_dma2 semaphore(%run_scoped3A : memref<!tpu.dma_semaphore, #tpu.memory_space<semaphore_mem>>) src(%dma_wait3A_29 : memref<128xi32, #tpu.memory_space<hbm>>) dst(%arg9 : memref<128xi32, #tpu.memory_space<vmem>>)
        tpu.yield
      }) : () -> ()
      %dma_start3A = arith.constant 0 : i32
      %dma_start3A_22 = arith.constant 0 : i32
      %dma_start3A_23 = tpu.memref_slice %arg2[%dma_start3A, %dma_start3A_22] : memref<10240x128xf32, #tpu.memory_space<hbm>> -> memref<10240x128xf32, #tpu.memory_space<hbm>>
      tpu.enqueue_indirect_dma source(%dma_start3A_23 : memref<10240x128xf32, #tpu.memory_space<hbm>>) target(%arg10 : memref<128x128xf32, #tpu.memory_space<vmem>>) offsets(%arg8 : memref<128xi32, #tpu.memory_space<vmem>>) semaphore(%arg11 : memref<!tpu.dma_semaphore, #tpu.memory_space<semaphore_mem>>)
      %dma_wait3A = arith.constant 0 : i32
      %dma_wait3A_24 = arith.constant 0 : i32
      %dma_wait3A_25 = tpu.memref_slice %arg2[%dma_wait3A, %dma_wait3A_24] : memref<10240x128xf32, #tpu.memory_space<hbm>> -> memref<10240x128xf32, #tpu.memory_space<hbm>>
      tpu.wait_indirect_dma semaphore(%arg11 : memref<!tpu.dma_semaphore, #tpu.memory_space<semaphore_mem>>) src(%dma_wait3A_25 : memref<10240x128xf32, #tpu.memory_space<hbm>>) dst(%arg10 : memref<128x128xf32, #tpu.memory_space<vmem>>)
      "tpu.region"() ({
        %run_scoped3A = tpu.sem_alloc : memref<!tpu.dma_semaphore, #tpu.memory_space<semaphore_mem>>
        %dma_start3A_26 = arith.constant 0 : i32
        %dma_start3A_27 = arith.constant 0 : i32
        %dma_start3A_28 = tpu.memref_slice %arg7[%dma_start3A_26, %dma_start3A_27] : memref<10240x128xf32, #tpu.memory_space<vmem_shared>> -> memref<10240x128xf32, #tpu.memory_space<vmem_shared>>
        tpu.enqueue_indirect_dma source(%arg10 : memref<128x128xf32, #tpu.memory_space<vmem>>) target(%dma_start3A_28 : memref<10240x128xf32, #tpu.memory_space<vmem_shared>>) offsets(%arg9 : memref<128xi32, #tpu.memory_space<vmem>>) semaphore(%run_scoped3A : memref<!tpu.dma_semaphore, #tpu.memory_space<semaphore_mem>>) {add = true}
        %dma_wait3A_29 = arith.constant 0 : i32
        %dma_wait3A_30 = arith.constant 0 : i32
        %dma_wait3A_31 = tpu.memref_slice %arg7[%dma_wait3A_29, %dma_wait3A_30] : memref<10240x128xf32, #tpu.memory_space<vmem_shared>> -> memref<10240x128xf32, #tpu.memory_space<vmem_shared>>
        tpu.wait_indirect_dma semaphore(%run_scoped3A : memref<!tpu.dma_semaphore, #tpu.memory_space<semaphore_mem>>) src(%arg10 : memref<128x128xf32, #tpu.memory_space<vmem>>) dst(%dma_wait3A_31 : memref<10240x128xf32, #tpu.memory_space<vmem_shared>>)
        tpu.yield
      }) : () -> ()
    }
    %scan3A_16 = arith.constant 79 : i32
    %barrier3A_17 = arith.constant 0 : index
    tpu.barrier barrier_id(%barrier3A_17)
    "tpu.region"() ({
      %run_scoped3A = tpu.sem_alloc : memref<!tpu.dma_semaphore, #tpu.memory_space<semaphore_mem>>
      %dma_start3A = arith.constant 0 : i32
      %dma_start3A_18 = arith.constant 0 : i32
      %dma_start3A_19 = tpu.memref_slice %arg6[%arg0, %dma_start3A, %dma_start3A_18] : memref<2x10240x128xf32, #tpu.memory_space<hbm>> -> memref<1x10240x128xf32, #tpu.memory_space<hbm>>
      %dma_start3A_20 = tpu.memref_squeeze %dma_start3A_19 : memref<1x10240x128xf32, #tpu.memory_space<hbm>> -> memref<10240x128xf32, #tpu.memory_space<hbm>>
      %dma_start3A_21 = arith.constant 0 : i32
      %dma_start3A_22 = tpu.memref_slice %dma_start3A_20[%mul3A_2, %dma_start3A_21] : memref<10240x128xf32, #tpu.memory_space<hbm>> -> memref<640x128xf32, #tpu.memory_space<hbm>>
      %dma_start3A_23 = arith.constant 0 : i32
      %dma_start3A_24 = tpu.memref_slice %arg7[%mul3A_2, %dma_start3A_23] : memref<10240x128xf32, #tpu.memory_space<vmem_shared>> -> memref<640x128xf32, #tpu.memory_space<vmem_shared>>
      tpu.enqueue_dma source(%dma_start3A_24 : memref<640x128xf32, #tpu.memory_space<vmem_shared>>) target(%dma_start3A_22 : memref<640x128xf32, #tpu.memory_space<hbm>>) target_semaphore(%run_scoped3A : memref<!tpu.dma_semaphore, #tpu.memory_space<semaphore_mem>>)
      %dma_wait3A = arith.constant 0 : i32
      %dma_wait3A_25 = arith.constant 0 : i32
      %dma_wait3A_26 = tpu.memref_slice %arg6[%arg0, %dma_wait3A, %dma_wait3A_25] : memref<2x10240x128xf32, #tpu.memory_space<hbm>> -> memref<1x10240x128xf32, #tpu.memory_space<hbm>>
      %dma_wait3A_27 = tpu.memref_squeeze %dma_wait3A_26 : memref<1x10240x128xf32, #tpu.memory_space<hbm>> -> memref<10240x128xf32, #tpu.memory_space<hbm>>
      %dma_wait3A_28 = arith.constant 0 : i32
      %dma_wait3A_29 = tpu.memref_slice %dma_wait3A_27[%mul3A_2, %dma_wait3A_28] : memref<10240x128xf32, #tpu.memory_space<hbm>> -> memref<640x128xf32, #tpu.memory_space<hbm>>
      %dma_wait3A_30 = arith.constant 0 : i32
      %dma_wait3A_31 = tpu.memref_slice %arg7[%mul3A_2, %dma_wait3A_30] : memref<10240x128xf32, #tpu.memory_space<vmem_shared>> -> memref<640x128xf32, #tpu.memory_space<vmem_shared>>
      tpu.wait_dma2 semaphore(%run_scoped3A : memref<!tpu.dma_semaphore, #tpu.memory_space<semaphore_mem>>) src(%dma_wait3A_31 : memref<640x128xf32, #tpu.memory_space<vmem_shared>>) dst(%dma_wait3A_29 : memref<640x128xf32, #tpu.memory_space<hbm>>)
      tpu.yield
    }) : () -> ()
    return
  }
}

#map = affine_map<(d0, d1) -> (0, 0)>
#map1 = affine_map<(d0, d1) -> (0)>
#map2 = affine_map<(d0, d1) -> (0, 0, 0)>
module attributes {stable_mosaic.version = 14 : i64} {
  func.func @_sc_propagate(%arg0: i32, %arg1: i32, %arg2: memref<10240x128xf32, #tpu.memory_space<hbm>>, %arg3: memref<10240x128xf32, #tpu.memory_space<hbm>>, %arg4: memref<323584xi32, #tpu.memory_space<hbm>>, %arg5: memref<323584xi32, #tpu.memory_space<hbm>>, %arg6: memref<2x10240x128xf32, #tpu.memory_space<hbm>>, %arg7: memref<10240x128xf32, #tpu.memory_space<vmem_shared>>, %arg8: memref<128xi32, #tpu.memory_space<vmem>>, %arg9: memref<128xi32, #tpu.memory_space<vmem>>, %arg10: memref<128x128xf32, #tpu.memory_space<vmem>>, %arg11: memref<!tpu.dma_semaphore, #tpu.memory_space<semaphore_mem>>) attributes {dimension_semantics = [#tpu.dimension_semantics<core_parallel>, #tpu.dimension_semantics<subcore_parallel>], iteration_bounds = array<i64: 2, 16>, scalar_prefetch = 0 : i64, scratch_operands = 5 : i64, tpu.core_type = #tpu.core_type<sc_vector_subcore>, window_params = [{transform_indices = #map}, {transform_indices = #map}, {transform_indices = #map1}, {transform_indices = #map1}, {transform_indices = #map2}]} {
    %mul3A = arith.constant 2 : i32
    %mul3A_0 = arith.muli %arg1, %mul3A : i32
    %add3A = arith.addi %mul3A_0, %arg0 : i32
    %mul3A_1 = arith.constant 640 : i32
    %mul3A_2 = arith.muli %arg1, %mul3A_1 : i32
    %eq3A = arith.constant 0 : i32
    %eq3A_3 = arith.cmpi eq, %arg0, %eq3A : i32
    %convert_element_type3A = arith.extui %eq3A_3 : i1 to i32
    %cond3A = arith.constant 0 : i32
    %cond3A_4 = arith.cmpi ne, %convert_element_type3A, %cond3A : i32
    scf.if %cond3A_4 {
      "tpu.region"() ({
        %run_scoped3A = tpu.sem_alloc : memref<!tpu.dma_semaphore, #tpu.memory_space<semaphore_mem>>
        %dma_start3A = arith.constant 0 : i32
        %dma_start3A_18 = tpu.memref_slice %arg7[%mul3A_2, %dma_start3A] : memref<10240x128xf32, #tpu.memory_space<vmem_shared>> -> memref<640x128xf32, #tpu.memory_space<vmem_shared>>
        %dma_start3A_19 = arith.constant 0 : i32
        %dma_start3A_20 = tpu.memref_slice %arg2[%mul3A_2, %dma_start3A_19] : memref<10240x128xf32, #tpu.memory_space<hbm>> -> memref<640x128xf32, #tpu.memory_space<hbm>>
        tpu.enqueue_dma source(%dma_start3A_20 : memref<640x128xf32, #tpu.memory_space<hbm>>) target(%dma_start3A_18 : memref<640x128xf32, #tpu.memory_space<vmem_shared>>) target_semaphore(%run_scoped3A : memref<!tpu.dma_semaphore, #tpu.memory_space<semaphore_mem>>)
        %dma_wait3A = arith.constant 0 : i32
        %dma_wait3A_21 = tpu.memref_slice %arg7[%mul3A_2, %dma_wait3A] : memref<10240x128xf32, #tpu.memory_space<vmem_shared>> -> memref<640x128xf32, #tpu.memory_space<vmem_shared>>
        %dma_wait3A_22 = arith.constant 0 : i32
        %dma_wait3A_23 = tpu.memref_slice %arg2[%mul3A_2, %dma_wait3A_22] : memref<10240x128xf32, #tpu.memory_space<hbm>> -> memref<640x128xf32, #tpu.memory_space<hbm>>
        tpu.wait_dma2 semaphore(%run_scoped3A : memref<!tpu.dma_semaphore, #tpu.memory_space<semaphore_mem>>) src(%dma_wait3A_23 : memref<640x128xf32, #tpu.memory_space<hbm>>) dst(%dma_wait3A_21 : memref<640x128xf32, #tpu.memory_space<vmem_shared>>)
        tpu.yield
      }) : () -> ()
    } else {
    }
    %eq3A_5 = arith.constant 1 : i32
    %eq3A_6 = arith.cmpi eq, %arg0, %eq3A_5 : i32
    %convert_element_type3A_7 = arith.extui %eq3A_6 : i1 to i32
    %cond3A_8 = arith.constant 0 : i32
    %cond3A_9 = arith.cmpi ne, %convert_element_type3A_7, %cond3A_8 : i32
    scf.if %cond3A_9 {
      "tpu.region"() ({
        %run_scoped3A = tpu.sem_alloc : memref<!tpu.dma_semaphore, #tpu.memory_space<semaphore_mem>>
        %dma_start3A = arith.constant 0 : i32
        %dma_start3A_18 = tpu.memref_slice %arg7[%mul3A_2, %dma_start3A] : memref<10240x128xf32, #tpu.memory_space<vmem_shared>> -> memref<640x128xf32, #tpu.memory_space<vmem_shared>>
        %dma_start3A_19 = arith.constant 0 : i32
        %dma_start3A_20 = tpu.memref_slice %arg3[%mul3A_2, %dma_start3A_19] : memref<10240x128xf32, #tpu.memory_space<hbm>> -> memref<640x128xf32, #tpu.memory_space<hbm>>
        tpu.enqueue_dma source(%dma_start3A_20 : memref<640x128xf32, #tpu.memory_space<hbm>>) target(%dma_start3A_18 : memref<640x128xf32, #tpu.memory_space<vmem_shared>>) target_semaphore(%run_scoped3A : memref<!tpu.dma_semaphore, #tpu.memory_space<semaphore_mem>>)
        %dma_wait3A = arith.constant 0 : i32
        %dma_wait3A_21 = tpu.memref_slice %arg7[%mul3A_2, %dma_wait3A] : memref<10240x128xf32, #tpu.memory_space<vmem_shared>> -> memref<640x128xf32, #tpu.memory_space<vmem_shared>>
        %dma_wait3A_22 = arith.constant 0 : i32
        %dma_wait3A_23 = tpu.memref_slice %arg3[%mul3A_2, %dma_wait3A_22] : memref<10240x128xf32, #tpu.memory_space<hbm>> -> memref<640x128xf32, #tpu.memory_space<hbm>>
        tpu.wait_dma2 semaphore(%run_scoped3A : memref<!tpu.dma_semaphore, #tpu.memory_space<semaphore_mem>>) src(%dma_wait3A_23 : memref<640x128xf32, #tpu.memory_space<hbm>>) dst(%dma_wait3A_21 : memref<640x128xf32, #tpu.memory_space<vmem_shared>>)
        tpu.yield
      }) : () -> ()
    } else {
    }
    %barrier3A = arith.constant 0 : index
    tpu.barrier barrier_id(%barrier3A)
    %mul3A_10 = arith.constant 10112 : i32
    %mul3A_11 = arith.muli %add3A, %mul3A_10 : i32
    %scan3A = arith.constant 0 : i32
    %scan3A_12 = arith.constant 0 : i32
    %scan3A_13 = arith.constant 79 : i32
    %scan3A_14 = arith.addi %scan3A_12, %scan3A_13 : i32
    %scan3A_15 = arith.constant 1 : i32
    scf.for %scan3A_18 = %scan3A_12 to %scan3A_14 step %scan3A_15  : i32 {
      %mul3A_19 = arith.constant 128 : i32
      %mul3A_20 = arith.muli %scan3A_18, %mul3A_19 : i32
      %add3A_21 = arith.addi %mul3A_11, %mul3A_20 : i32
      "tpu.region"() ({
        %run_scoped3A = tpu.sem_alloc : memref<!tpu.dma_semaphore, #tpu.memory_space<semaphore_mem>>
        %dma_start3A_26 = tpu.memref_slice %arg4[%add3A_21] : memref<323584xi32, #tpu.memory_space<hbm>> -> memref<128xi32, #tpu.memory_space<hbm>>
        %dma_start3A_27 = tpu.memref_slice %arg4[%add3A_21] : memref<323584xi32, #tpu.memory_space<hbm>> -> memref<128xi32, #tpu.memory_space<hbm>>
        tpu.enqueue_dma source(%dma_start3A_27 : memref<128xi32, #tpu.memory_space<hbm>>) target(%arg8 : memref<128xi32, #tpu.memory_space<vmem>>) target_semaphore(%run_scoped3A : memref<!tpu.dma_semaphore, #tpu.memory_space<semaphore_mem>>)
        %dma_wait3A_28 = tpu.memref_slice %arg4[%add3A_21] : memref<323584xi32, #tpu.memory_space<hbm>> -> memref<128xi32, #tpu.memory_space<hbm>>
        %dma_wait3A_29 = tpu.memref_slice %arg4[%add3A_21] : memref<323584xi32, #tpu.memory_space<hbm>> -> memref<128xi32, #tpu.memory_space<hbm>>
        tpu.wait_dma2 semaphore(%run_scoped3A : memref<!tpu.dma_semaphore, #tpu.memory_space<semaphore_mem>>) src(%dma_wait3A_29 : memref<128xi32, #tpu.memory_space<hbm>>) dst(%arg8 : memref<128xi32, #tpu.memory_space<vmem>>)
        tpu.yield
      }) : () -> ()
      "tpu.region"() ({
        %run_scoped3A = tpu.sem_alloc : memref<!tpu.dma_semaphore, #tpu.memory_space<semaphore_mem>>
        %dma_start3A_26 = tpu.memref_slice %arg5[%add3A_21] : memref<323584xi32, #tpu.memory_space<hbm>> -> memref<128xi32, #tpu.memory_space<hbm>>
        %dma_start3A_27 = tpu.memref_slice %arg5[%add3A_21] : memref<323584xi32, #tpu.memory_space<hbm>> -> memref<128xi32, #tpu.memory_space<hbm>>
        tpu.enqueue_dma source(%dma_start3A_27 : memref<128xi32, #tpu.memory_space<hbm>>) target(%arg9 : memref<128xi32, #tpu.memory_space<vmem>>) target_semaphore(%run_scoped3A : memref<!tpu.dma_semaphore, #tpu.memory_space<semaphore_mem>>)
        %dma_wait3A_28 = tpu.memref_slice %arg5[%add3A_21] : memref<323584xi32, #tpu.memory_space<hbm>> -> memref<128xi32, #tpu.memory_space<hbm>>
        %dma_wait3A_29 = tpu.memref_slice %arg5[%add3A_21] : memref<323584xi32, #tpu.memory_space<hbm>> -> memref<128xi32, #tpu.memory_space<hbm>>
        tpu.wait_dma2 semaphore(%run_scoped3A : memref<!tpu.dma_semaphore, #tpu.memory_space<semaphore_mem>>) src(%dma_wait3A_29 : memref<128xi32, #tpu.memory_space<hbm>>) dst(%arg9 : memref<128xi32, #tpu.memory_space<vmem>>)
        tpu.yield
      }) : () -> ()
      %dma_start3A = arith.constant 0 : i32
      %dma_start3A_22 = arith.constant 0 : i32
      %dma_start3A_23 = tpu.memref_slice %arg2[%dma_start3A, %dma_start3A_22] : memref<10240x128xf32, #tpu.memory_space<hbm>> -> memref<10240x128xf32, #tpu.memory_space<hbm>>
      tpu.enqueue_indirect_dma source(%dma_start3A_23 : memref<10240x128xf32, #tpu.memory_space<hbm>>) target(%arg10 : memref<128x128xf32, #tpu.memory_space<vmem>>) offsets(%arg8 : memref<128xi32, #tpu.memory_space<vmem>>) semaphore(%arg11 : memref<!tpu.dma_semaphore, #tpu.memory_space<semaphore_mem>>)
      %dma_wait3A = arith.constant 0 : i32
      %dma_wait3A_24 = arith.constant 0 : i32
      %dma_wait3A_25 = tpu.memref_slice %arg2[%dma_wait3A, %dma_wait3A_24] : memref<10240x128xf32, #tpu.memory_space<hbm>> -> memref<10240x128xf32, #tpu.memory_space<hbm>>
      tpu.wait_indirect_dma semaphore(%arg11 : memref<!tpu.dma_semaphore, #tpu.memory_space<semaphore_mem>>) src(%dma_wait3A_25 : memref<10240x128xf32, #tpu.memory_space<hbm>>) dst(%arg10 : memref<128x128xf32, #tpu.memory_space<vmem>>)
      "tpu.region"() ({
        %run_scoped3A = tpu.sem_alloc : memref<!tpu.dma_semaphore, #tpu.memory_space<semaphore_mem>>
        %dma_start3A_26 = arith.constant 0 : i32
        %dma_start3A_27 = arith.constant 0 : i32
        %dma_start3A_28 = tpu.memref_slice %arg7[%dma_start3A_26, %dma_start3A_27] : memref<10240x128xf32, #tpu.memory_space<vmem_shared>> -> memref<10240x128xf32, #tpu.memory_space<vmem_shared>>
        tpu.enqueue_indirect_dma source(%arg10 : memref<128x128xf32, #tpu.memory_space<vmem>>) target(%dma_start3A_28 : memref<10240x128xf32, #tpu.memory_space<vmem_shared>>) offsets(%arg9 : memref<128xi32, #tpu.memory_space<vmem>>) semaphore(%run_scoped3A : memref<!tpu.dma_semaphore, #tpu.memory_space<semaphore_mem>>) {add = true}
        %dma_wait3A_29 = arith.constant 0 : i32
        %dma_wait3A_30 = arith.constant 0 : i32
        %dma_wait3A_31 = tpu.memref_slice %arg7[%dma_wait3A_29, %dma_wait3A_30] : memref<10240x128xf32, #tpu.memory_space<vmem_shared>> -> memref<10240x128xf32, #tpu.memory_space<vmem_shared>>
        tpu.wait_indirect_dma semaphore(%run_scoped3A : memref<!tpu.dma_semaphore, #tpu.memory_space<semaphore_mem>>) src(%arg10 : memref<128x128xf32, #tpu.memory_space<vmem>>) dst(%dma_wait3A_31 : memref<10240x128xf32, #tpu.memory_space<vmem_shared>>)
        tpu.yield
      }) : () -> ()
    }
    %scan3A_16 = arith.constant 79 : i32
    %barrier3A_17 = arith.constant 0 : index
    tpu.barrier barrier_id(%barrier3A_17)
    "tpu.region"() ({
      %run_scoped3A = tpu.sem_alloc : memref<!tpu.dma_semaphore, #tpu.memory_space<semaphore_mem>>
      %dma_start3A = arith.constant 0 : i32
      %dma_start3A_18 = arith.constant 0 : i32
      %dma_start3A_19 = tpu.memref_slice %arg6[%arg0, %dma_start3A, %dma_start3A_18] : memref<2x10240x128xf32, #tpu.memory_space<hbm>> -> memref<1x10240x128xf32, #tpu.memory_space<hbm>>
      %dma_start3A_20 = tpu.memref_squeeze %dma_start3A_19 : memref<1x10240x128xf32, #tpu.memory_space<hbm>> -> memref<10240x128xf32, #tpu.memory_space<hbm>>
      %dma_start3A_21 = arith.constant 0 : i32
      %dma_start3A_22 = tpu.memref_slice %dma_start3A_20[%mul3A_2, %dma_start3A_21] : memref<10240x128xf32, #tpu.memory_space<hbm>> -> memref<640x128xf32, #tpu.memory_space<hbm>>
      %dma_start3A_23 = arith.constant 0 : i32
      %dma_start3A_24 = tpu.memref_slice %arg7[%mul3A_2, %dma_start3A_23] : memref<10240x128xf32, #tpu.memory_space<vmem_shared>> -> memref<640x128xf32, #tpu.memory_space<vmem_shared>>
      tpu.enqueue_dma source(%dma_start3A_24 : memref<640x128xf32, #tpu.memory_space<vmem_shared>>) target(%dma_start3A_22 : memref<640x128xf32, #tpu.memory_space<hbm>>) target_semaphore(%run_scoped3A : memref<!tpu.dma_semaphore, #tpu.memory_space<semaphore_mem>>)
      %dma_wait3A = arith.constant 0 : i32
      %dma_wait3A_25 = arith.constant 0 : i32
      %dma_wait3A_26 = tpu.memref_slice %arg6[%arg0, %dma_wait3A, %dma_wait3A_25] : memref<2x10240x128xf32, #tpu.memory_space<hbm>> -> memref<1x10240x128xf32, #tpu.memory_space<hbm>>
      %dma_wait3A_27 = tpu.memref_squeeze %dma_wait3A_26 : memref<1x10240x128xf32, #tpu.memory_space<hbm>> -> memref<10240x128xf32, #tpu.memory_space<hbm>>
      %dma_wait3A_28 = arith.constant 0 : i32
      %dma_wait3A_29 = tpu.memref_slice %dma_wait3A_27[%mul3A_2, %dma_wait3A_28] : memref<10240x128xf32, #tpu.memory_space<hbm>> -> memref<640x128xf32, #tpu.memory_space<hbm>>
      %dma_wait3A_30 = arith.constant 0 : i32
      %dma_wait3A_31 = tpu.memref_slice %arg7[%mul3A_2, %dma_wait3A_30] : memref<10240x128xf32, #tpu.memory_space<vmem_shared>> -> memref<640x128xf32, #tpu.memory_space<vmem_shared>>
      tpu.wait_dma2 semaphore(%run_scoped3A : memref<!tpu.dma_semaphore, #tpu.memory_space<semaphore_mem>>) src(%dma_wait3A_31 : memref<640x128xf32, #tpu.memory_space<vmem_shared>>) dst(%dma_wait3A_29 : memref<640x128xf32, #tpu.memory_space<hbm>>)
      tpu.yield
    }) : () -> ()
    return
  }
}

#map = affine_map<(d0, d1) -> (0, 0)>
#map1 = affine_map<(d0, d1) -> (0)>
#map2 = affine_map<(d0, d1) -> (0, 0, 0)>
module attributes {stable_mosaic.version = 14 : i64} {
  func.func @_sc_propagate(%arg0: i32, %arg1: i32, %arg2: memref<10240x128xf32, #tpu.memory_space<hbm>>, %arg3: memref<10240x128xf32, #tpu.memory_space<hbm>>, %arg4: memref<323584xi32, #tpu.memory_space<hbm>>, %arg5: memref<323584xi32, #tpu.memory_space<hbm>>, %arg6: memref<2x10240x128xf32, #tpu.memory_space<hbm>>, %arg7: memref<10240x128xf32, #tpu.memory_space<vmem_shared>>, %arg8: memref<128xi32, #tpu.memory_space<vmem>>, %arg9: memref<128xi32, #tpu.memory_space<vmem>>, %arg10: memref<128x128xf32, #tpu.memory_space<vmem>>, %arg11: memref<!tpu.dma_semaphore, #tpu.memory_space<semaphore_mem>>) attributes {dimension_semantics = [#tpu.dimension_semantics<core_parallel>, #tpu.dimension_semantics<subcore_parallel>], iteration_bounds = array<i64: 2, 16>, scalar_prefetch = 0 : i64, scratch_operands = 5 : i64, tpu.core_type = #tpu.core_type<sc_vector_subcore>, window_params = [{transform_indices = #map}, {transform_indices = #map}, {transform_indices = #map1}, {transform_indices = #map1}, {transform_indices = #map2}]} {
    %mul3A = arith.constant 2 : i32
    %mul3A_0 = arith.muli %arg1, %mul3A : i32
    %add3A = arith.addi %mul3A_0, %arg0 : i32
    %mul3A_1 = arith.constant 640 : i32
    %mul3A_2 = arith.muli %arg1, %mul3A_1 : i32
    %eq3A = arith.constant 0 : i32
    %eq3A_3 = arith.cmpi eq, %arg0, %eq3A : i32
    %convert_element_type3A = arith.extui %eq3A_3 : i1 to i32
    %cond3A = arith.constant 0 : i32
    %cond3A_4 = arith.cmpi ne, %convert_element_type3A, %cond3A : i32
    scf.if %cond3A_4 {
      "tpu.region"() ({
        %run_scoped3A = tpu.sem_alloc : memref<!tpu.dma_semaphore, #tpu.memory_space<semaphore_mem>>
        %dma_start3A = arith.constant 0 : i32
        %dma_start3A_18 = tpu.memref_slice %arg7[%mul3A_2, %dma_start3A] : memref<10240x128xf32, #tpu.memory_space<vmem_shared>> -> memref<640x128xf32, #tpu.memory_space<vmem_shared>>
        %dma_start3A_19 = arith.constant 0 : i32
        %dma_start3A_20 = tpu.memref_slice %arg2[%mul3A_2, %dma_start3A_19] : memref<10240x128xf32, #tpu.memory_space<hbm>> -> memref<640x128xf32, #tpu.memory_space<hbm>>
        tpu.enqueue_dma source(%dma_start3A_20 : memref<640x128xf32, #tpu.memory_space<hbm>>) target(%dma_start3A_18 : memref<640x128xf32, #tpu.memory_space<vmem_shared>>) target_semaphore(%run_scoped3A : memref<!tpu.dma_semaphore, #tpu.memory_space<semaphore_mem>>)
        %dma_wait3A = arith.constant 0 : i32
        %dma_wait3A_21 = tpu.memref_slice %arg7[%mul3A_2, %dma_wait3A] : memref<10240x128xf32, #tpu.memory_space<vmem_shared>> -> memref<640x128xf32, #tpu.memory_space<vmem_shared>>
        %dma_wait3A_22 = arith.constant 0 : i32
        %dma_wait3A_23 = tpu.memref_slice %arg2[%mul3A_2, %dma_wait3A_22] : memref<10240x128xf32, #tpu.memory_space<hbm>> -> memref<640x128xf32, #tpu.memory_space<hbm>>
        tpu.wait_dma2 semaphore(%run_scoped3A : memref<!tpu.dma_semaphore, #tpu.memory_space<semaphore_mem>>) src(%dma_wait3A_23 : memref<640x128xf32, #tpu.memory_space<hbm>>) dst(%dma_wait3A_21 : memref<640x128xf32, #tpu.memory_space<vmem_shared>>)
        tpu.yield
      }) : () -> ()
    } else {
    }
    %eq3A_5 = arith.constant 1 : i32
    %eq3A_6 = arith.cmpi eq, %arg0, %eq3A_5 : i32
    %convert_element_type3A_7 = arith.extui %eq3A_6 : i1 to i32
    %cond3A_8 = arith.constant 0 : i32
    %cond3A_9 = arith.cmpi ne, %convert_element_type3A_7, %cond3A_8 : i32
    scf.if %cond3A_9 {
      "tpu.region"() ({
        %run_scoped3A = tpu.sem_alloc : memref<!tpu.dma_semaphore, #tpu.memory_space<semaphore_mem>>
        %dma_start3A = arith.constant 0 : i32
        %dma_start3A_18 = tpu.memref_slice %arg7[%mul3A_2, %dma_start3A] : memref<10240x128xf32, #tpu.memory_space<vmem_shared>> -> memref<640x128xf32, #tpu.memory_space<vmem_shared>>
        %dma_start3A_19 = arith.constant 0 : i32
        %dma_start3A_20 = tpu.memref_slice %arg3[%mul3A_2, %dma_start3A_19] : memref<10240x128xf32, #tpu.memory_space<hbm>> -> memref<640x128xf32, #tpu.memory_space<hbm>>
        tpu.enqueue_dma source(%dma_start3A_20 : memref<640x128xf32, #tpu.memory_space<hbm>>) target(%dma_start3A_18 : memref<640x128xf32, #tpu.memory_space<vmem_shared>>) target_semaphore(%run_scoped3A : memref<!tpu.dma_semaphore, #tpu.memory_space<semaphore_mem>>)
        %dma_wait3A = arith.constant 0 : i32
        %dma_wait3A_21 = tpu.memref_slice %arg7[%mul3A_2, %dma_wait3A] : memref<10240x128xf32, #tpu.memory_space<vmem_shared>> -> memref<640x128xf32, #tpu.memory_space<vmem_shared>>
        %dma_wait3A_22 = arith.constant 0 : i32
        %dma_wait3A_23 = tpu.memref_slice %arg3[%mul3A_2, %dma_wait3A_22] : memref<10240x128xf32, #tpu.memory_space<hbm>> -> memref<640x128xf32, #tpu.memory_space<hbm>>
        tpu.wait_dma2 semaphore(%run_scoped3A : memref<!tpu.dma_semaphore, #tpu.memory_space<semaphore_mem>>) src(%dma_wait3A_23 : memref<640x128xf32, #tpu.memory_space<hbm>>) dst(%dma_wait3A_21 : memref<640x128xf32, #tpu.memory_space<vmem_shared>>)
        tpu.yield
      }) : () -> ()
    } else {
    }
    %barrier3A = arith.constant 0 : index
    tpu.barrier barrier_id(%barrier3A)
    %mul3A_10 = arith.constant 10112 : i32
    %mul3A_11 = arith.muli %add3A, %mul3A_10 : i32
    %scan3A = arith.constant 0 : i32
    %scan3A_12 = arith.constant 0 : i32
    %scan3A_13 = arith.constant 79 : i32
    %scan3A_14 = arith.addi %scan3A_12, %scan3A_13 : i32
    %scan3A_15 = arith.constant 1 : i32
    scf.for %scan3A_18 = %scan3A_12 to %scan3A_14 step %scan3A_15  : i32 {
      %mul3A_19 = arith.constant 128 : i32
      %mul3A_20 = arith.muli %scan3A_18, %mul3A_19 : i32
      %add3A_21 = arith.addi %mul3A_11, %mul3A_20 : i32
      "tpu.region"() ({
        %run_scoped3A = tpu.sem_alloc : memref<!tpu.dma_semaphore, #tpu.memory_space<semaphore_mem>>
        %dma_start3A_26 = tpu.memref_slice %arg4[%add3A_21] : memref<323584xi32, #tpu.memory_space<hbm>> -> memref<128xi32, #tpu.memory_space<hbm>>
        %dma_start3A_27 = tpu.memref_slice %arg4[%add3A_21] : memref<323584xi32, #tpu.memory_space<hbm>> -> memref<128xi32, #tpu.memory_space<hbm>>
        tpu.enqueue_dma source(%dma_start3A_27 : memref<128xi32, #tpu.memory_space<hbm>>) target(%arg8 : memref<128xi32, #tpu.memory_space<vmem>>) target_semaphore(%run_scoped3A : memref<!tpu.dma_semaphore, #tpu.memory_space<semaphore_mem>>)
        %dma_wait3A_28 = tpu.memref_slice %arg4[%add3A_21] : memref<323584xi32, #tpu.memory_space<hbm>> -> memref<128xi32, #tpu.memory_space<hbm>>
        %dma_wait3A_29 = tpu.memref_slice %arg4[%add3A_21] : memref<323584xi32, #tpu.memory_space<hbm>> -> memref<128xi32, #tpu.memory_space<hbm>>
        tpu.wait_dma2 semaphore(%run_scoped3A : memref<!tpu.dma_semaphore, #tpu.memory_space<semaphore_mem>>) src(%dma_wait3A_29 : memref<128xi32, #tpu.memory_space<hbm>>) dst(%arg8 : memref<128xi32, #tpu.memory_space<vmem>>)
        tpu.yield
      }) : () -> ()
      "tpu.region"() ({
        %run_scoped3A = tpu.sem_alloc : memref<!tpu.dma_semaphore, #tpu.memory_space<semaphore_mem>>
        %dma_start3A_26 = tpu.memref_slice %arg5[%add3A_21] : memref<323584xi32, #tpu.memory_space<hbm>> -> memref<128xi32, #tpu.memory_space<hbm>>
        %dma_start3A_27 = tpu.memref_slice %arg5[%add3A_21] : memref<323584xi32, #tpu.memory_space<hbm>> -> memref<128xi32, #tpu.memory_space<hbm>>
        tpu.enqueue_dma source(%dma_start3A_27 : memref<128xi32, #tpu.memory_space<hbm>>) target(%arg9 : memref<128xi32, #tpu.memory_space<vmem>>) target_semaphore(%run_scoped3A : memref<!tpu.dma_semaphore, #tpu.memory_space<semaphore_mem>>)
        %dma_wait3A_28 = tpu.memref_slice %arg5[%add3A_21] : memref<323584xi32, #tpu.memory_space<hbm>> -> memref<128xi32, #tpu.memory_space<hbm>>
        %dma_wait3A_29 = tpu.memref_slice %arg5[%add3A_21] : memref<323584xi32, #tpu.memory_space<hbm>> -> memref<128xi32, #tpu.memory_space<hbm>>
        tpu.wait_dma2 semaphore(%run_scoped3A : memref<!tpu.dma_semaphore, #tpu.memory_space<semaphore_mem>>) src(%dma_wait3A_29 : memref<128xi32, #tpu.memory_space<hbm>>) dst(%arg9 : memref<128xi32, #tpu.memory_space<vmem>>)
        tpu.yield
      }) : () -> ()
      %dma_start3A = arith.constant 0 : i32
      %dma_start3A_22 = arith.constant 0 : i32
      %dma_start3A_23 = tpu.memref_slice %arg2[%dma_start3A, %dma_start3A_22] : memref<10240x128xf32, #tpu.memory_space<hbm>> -> memref<10240x128xf32, #tpu.memory_space<hbm>>
      tpu.enqueue_indirect_dma source(%dma_start3A_23 : memref<10240x128xf32, #tpu.memory_space<hbm>>) target(%arg10 : memref<128x128xf32, #tpu.memory_space<vmem>>) offsets(%arg8 : memref<128xi32, #tpu.memory_space<vmem>>) semaphore(%arg11 : memref<!tpu.dma_semaphore, #tpu.memory_space<semaphore_mem>>)
      %dma_wait3A = arith.constant 0 : i32
      %dma_wait3A_24 = arith.constant 0 : i32
      %dma_wait3A_25 = tpu.memref_slice %arg2[%dma_wait3A, %dma_wait3A_24] : memref<10240x128xf32, #tpu.memory_space<hbm>> -> memref<10240x128xf32, #tpu.memory_space<hbm>>
      tpu.wait_indirect_dma semaphore(%arg11 : memref<!tpu.dma_semaphore, #tpu.memory_space<semaphore_mem>>) src(%dma_wait3A_25 : memref<10240x128xf32, #tpu.memory_space<hbm>>) dst(%arg10 : memref<128x128xf32, #tpu.memory_space<vmem>>)
      "tpu.region"() ({
        %run_scoped3A = tpu.sem_alloc : memref<!tpu.dma_semaphore, #tpu.memory_space<semaphore_mem>>
        %dma_start3A_26 = arith.constant 0 : i32
        %dma_start3A_27 = arith.constant 0 : i32
        %dma_start3A_28 = tpu.memref_slice %arg7[%dma_start3A_26, %dma_start3A_27] : memref<10240x128xf32, #tpu.memory_space<vmem_shared>> -> memref<10240x128xf32, #tpu.memory_space<vmem_shared>>
        tpu.enqueue_indirect_dma source(%arg10 : memref<128x128xf32, #tpu.memory_space<vmem>>) target(%dma_start3A_28 : memref<10240x128xf32, #tpu.memory_space<vmem_shared>>) offsets(%arg9 : memref<128xi32, #tpu.memory_space<vmem>>) semaphore(%run_scoped3A : memref<!tpu.dma_semaphore, #tpu.memory_space<semaphore_mem>>) {add = true}
        %dma_wait3A_29 = arith.constant 0 : i32
        %dma_wait3A_30 = arith.constant 0 : i32
        %dma_wait3A_31 = tpu.memref_slice %arg7[%dma_wait3A_29, %dma_wait3A_30] : memref<10240x128xf32, #tpu.memory_space<vmem_shared>> -> memref<10240x128xf32, #tpu.memory_space<vmem_shared>>
        tpu.wait_indirect_dma semaphore(%run_scoped3A : memref<!tpu.dma_semaphore, #tpu.memory_space<semaphore_mem>>) src(%arg10 : memref<128x128xf32, #tpu.memory_space<vmem>>) dst(%dma_wait3A_31 : memref<10240x128xf32, #tpu.memory_space<vmem_shared>>)
        tpu.yield
      }) : () -> ()
    }
    %scan3A_16 = arith.constant 79 : i32
    %barrier3A_17 = arith.constant 0 : index
    tpu.barrier barrier_id(%barrier3A_17)
    "tpu.region"() ({
      %run_scoped3A = tpu.sem_alloc : memref<!tpu.dma_semaphore, #tpu.memory_space<semaphore_mem>>
      %dma_start3A = arith.constant 0 : i32
      %dma_start3A_18 = arith.constant 0 : i32
      %dma_start3A_19 = tpu.memref_slice %arg6[%arg0, %dma_start3A, %dma_start3A_18] : memref<2x10240x128xf32, #tpu.memory_space<hbm>> -> memref<1x10240x128xf32, #tpu.memory_space<hbm>>
      %dma_start3A_20 = tpu.memref_squeeze %dma_start3A_19 : memref<1x10240x128xf32, #tpu.memory_space<hbm>> -> memref<10240x128xf32, #tpu.memory_space<hbm>>
      %dma_start3A_21 = arith.constant 0 : i32
      %dma_start3A_22 = tpu.memref_slice %dma_start3A_20[%mul3A_2, %dma_start3A_21] : memref<10240x128xf32, #tpu.memory_space<hbm>> -> memref<640x128xf32, #tpu.memory_space<hbm>>
      %dma_start3A_23 = arith.constant 0 : i32
      %dma_start3A_24 = tpu.memref_slice %arg7[%mul3A_2, %dma_start3A_23] : memref<10240x128xf32, #tpu.memory_space<vmem_shared>> -> memref<640x128xf32, #tpu.memory_space<vmem_shared>>
      tpu.enqueue_dma source(%dma_start3A_24 : memref<640x128xf32, #tpu.memory_space<vmem_shared>>) target(%dma_start3A_22 : memref<640x128xf32, #tpu.memory_space<hbm>>) target_semaphore(%run_scoped3A : memref<!tpu.dma_semaphore, #tpu.memory_space<semaphore_mem>>)
      %dma_wait3A = arith.constant 0 : i32
      %dma_wait3A_25 = arith.constant 0 : i32
      %dma_wait3A_26 = tpu.memref_slice %arg6[%arg0, %dma_wait3A, %dma_wait3A_25] : memref<2x10240x128xf32, #tpu.memory_space<hbm>> -> memref<1x10240x128xf32, #tpu.memory_space<hbm>>
      %dma_wait3A_27 = tpu.memref_squeeze %dma_wait3A_26 : memref<1x10240x128xf32, #tpu.memory_space<hbm>> -> memref<10240x128xf32, #tpu.memory_space<hbm>>
      %dma_wait3A_28 = arith.constant 0 : i32
      %dma_wait3A_29 = tpu.memref_slice %dma_wait3A_27[%mul3A_2, %dma_wait3A_28] : memref<10240x128xf32, #tpu.memory_space<hbm>> -> memref<640x128xf32, #tpu.memory_space<hbm>>
      %dma_wait3A_30 = arith.constant 0 : i32
      %dma_wait3A_31 = tpu.memref_slice %arg7[%mul3A_2, %dma_wait3A_30] : memref<10240x128xf32, #tpu.memory_space<vmem_shared>> -> memref<640x128xf32, #tpu.memory_space<vmem_shared>>
      tpu.wait_dma2 semaphore(%run_scoped3A : memref<!tpu.dma_semaphore, #tpu.memory_space<semaphore_mem>>) src(%dma_wait3A_31 : memref<640x128xf32, #tpu.memory_space<vmem_shared>>) dst(%dma_wait3A_29 : memref<640x128xf32, #tpu.memory_space<hbm>>)
      tpu.yield
    }) : () -> ()
    return
  }
}

#map = affine_map<(d0, d1) -> (0, 0)>
#map1 = affine_map<(d0, d1) -> (0)>
#map2 = affine_map<(d0, d1) -> (0, 0, 0)>
module attributes {stable_mosaic.version = 14 : i64} {
  func.func @_sc_propagate(%arg0: i32, %arg1: i32, %arg2: memref<10240x128xf32, #tpu.memory_space<hbm>>, %arg3: memref<10240x128xf32, #tpu.memory_space<hbm>>, %arg4: memref<323584xi32, #tpu.memory_space<hbm>>, %arg5: memref<323584xi32, #tpu.memory_space<hbm>>, %arg6: memref<2x10240x128xf32, #tpu.memory_space<hbm>>, %arg7: memref<10240x128xf32, #tpu.memory_space<vmem_shared>>, %arg8: memref<128xi32, #tpu.memory_space<vmem>>, %arg9: memref<128xi32, #tpu.memory_space<vmem>>, %arg10: memref<128x128xf32, #tpu.memory_space<vmem>>, %arg11: memref<!tpu.dma_semaphore, #tpu.memory_space<semaphore_mem>>) attributes {dimension_semantics = [#tpu.dimension_semantics<core_parallel>, #tpu.dimension_semantics<subcore_parallel>], iteration_bounds = array<i64: 2, 16>, scalar_prefetch = 0 : i64, scratch_operands = 5 : i64, tpu.core_type = #tpu.core_type<sc_vector_subcore>, window_params = [{transform_indices = #map}, {transform_indices = #map}, {transform_indices = #map1}, {transform_indices = #map1}, {transform_indices = #map2}]} {
    %mul3A = arith.constant 2 : i32
    %mul3A_0 = arith.muli %arg1, %mul3A : i32
    %add3A = arith.addi %mul3A_0, %arg0 : i32
    %mul3A_1 = arith.constant 640 : i32
    %mul3A_2 = arith.muli %arg1, %mul3A_1 : i32
    %eq3A = arith.constant 0 : i32
    %eq3A_3 = arith.cmpi eq, %arg0, %eq3A : i32
    %convert_element_type3A = arith.extui %eq3A_3 : i1 to i32
    %cond3A = arith.constant 0 : i32
    %cond3A_4 = arith.cmpi ne, %convert_element_type3A, %cond3A : i32
    scf.if %cond3A_4 {
      "tpu.region"() ({
        %run_scoped3A = tpu.sem_alloc : memref<!tpu.dma_semaphore, #tpu.memory_space<semaphore_mem>>
        %dma_start3A = arith.constant 0 : i32
        %dma_start3A_18 = tpu.memref_slice %arg7[%mul3A_2, %dma_start3A] : memref<10240x128xf32, #tpu.memory_space<vmem_shared>> -> memref<640x128xf32, #tpu.memory_space<vmem_shared>>
        %dma_start3A_19 = arith.constant 0 : i32
        %dma_start3A_20 = tpu.memref_slice %arg2[%mul3A_2, %dma_start3A_19] : memref<10240x128xf32, #tpu.memory_space<hbm>> -> memref<640x128xf32, #tpu.memory_space<hbm>>
        tpu.enqueue_dma source(%dma_start3A_20 : memref<640x128xf32, #tpu.memory_space<hbm>>) target(%dma_start3A_18 : memref<640x128xf32, #tpu.memory_space<vmem_shared>>) target_semaphore(%run_scoped3A : memref<!tpu.dma_semaphore, #tpu.memory_space<semaphore_mem>>)
        %dma_wait3A = arith.constant 0 : i32
        %dma_wait3A_21 = tpu.memref_slice %arg7[%mul3A_2, %dma_wait3A] : memref<10240x128xf32, #tpu.memory_space<vmem_shared>> -> memref<640x128xf32, #tpu.memory_space<vmem_shared>>
        %dma_wait3A_22 = arith.constant 0 : i32
        %dma_wait3A_23 = tpu.memref_slice %arg2[%mul3A_2, %dma_wait3A_22] : memref<10240x128xf32, #tpu.memory_space<hbm>> -> memref<640x128xf32, #tpu.memory_space<hbm>>
        tpu.wait_dma2 semaphore(%run_scoped3A : memref<!tpu.dma_semaphore, #tpu.memory_space<semaphore_mem>>) src(%dma_wait3A_23 : memref<640x128xf32, #tpu.memory_space<hbm>>) dst(%dma_wait3A_21 : memref<640x128xf32, #tpu.memory_space<vmem_shared>>)
        tpu.yield
      }) : () -> ()
    } else {
    }
    %eq3A_5 = arith.constant 1 : i32
    %eq3A_6 = arith.cmpi eq, %arg0, %eq3A_5 : i32
    %convert_element_type3A_7 = arith.extui %eq3A_6 : i1 to i32
    %cond3A_8 = arith.constant 0 : i32
    %cond3A_9 = arith.cmpi ne, %convert_element_type3A_7, %cond3A_8 : i32
    scf.if %cond3A_9 {
      "tpu.region"() ({
        %run_scoped3A = tpu.sem_alloc : memref<!tpu.dma_semaphore, #tpu.memory_space<semaphore_mem>>
        %dma_start3A = arith.constant 0 : i32
        %dma_start3A_18 = tpu.memref_slice %arg7[%mul3A_2, %dma_start3A] : memref<10240x128xf32, #tpu.memory_space<vmem_shared>> -> memref<640x128xf32, #tpu.memory_space<vmem_shared>>
        %dma_start3A_19 = arith.constant 0 : i32
        %dma_start3A_20 = tpu.memref_slice %arg3[%mul3A_2, %dma_start3A_19] : memref<10240x128xf32, #tpu.memory_space<hbm>> -> memref<640x128xf32, #tpu.memory_space<hbm>>
        tpu.enqueue_dma source(%dma_start3A_20 : memref<640x128xf32, #tpu.memory_space<hbm>>) target(%dma_start3A_18 : memref<640x128xf32, #tpu.memory_space<vmem_shared>>) target_semaphore(%run_scoped3A : memref<!tpu.dma_semaphore, #tpu.memory_space<semaphore_mem>>)
        %dma_wait3A = arith.constant 0 : i32
        %dma_wait3A_21 = tpu.memref_slice %arg7[%mul3A_2, %dma_wait3A] : memref<10240x128xf32, #tpu.memory_space<vmem_shared>> -> memref<640x128xf32, #tpu.memory_space<vmem_shared>>
        %dma_wait3A_22 = arith.constant 0 : i32
        %dma_wait3A_23 = tpu.memref_slice %arg3[%mul3A_2, %dma_wait3A_22] : memref<10240x128xf32, #tpu.memory_space<hbm>> -> memref<640x128xf32, #tpu.memory_space<hbm>>
        tpu.wait_dma2 semaphore(%run_scoped3A : memref<!tpu.dma_semaphore, #tpu.memory_space<semaphore_mem>>) src(%dma_wait3A_23 : memref<640x128xf32, #tpu.memory_space<hbm>>) dst(%dma_wait3A_21 : memref<640x128xf32, #tpu.memory_space<vmem_shared>>)
        tpu.yield
      }) : () -> ()
    } else {
    }
    %barrier3A = arith.constant 0 : index
    tpu.barrier barrier_id(%barrier3A)
    %mul3A_10 = arith.constant 10112 : i32
    %mul3A_11 = arith.muli %add3A, %mul3A_10 : i32
    %scan3A = arith.constant 0 : i32
    %scan3A_12 = arith.constant 0 : i32
    %scan3A_13 = arith.constant 79 : i32
    %scan3A_14 = arith.addi %scan3A_12, %scan3A_13 : i32
    %scan3A_15 = arith.constant 1 : i32
    scf.for %scan3A_18 = %scan3A_12 to %scan3A_14 step %scan3A_15  : i32 {
      %mul3A_19 = arith.constant 128 : i32
      %mul3A_20 = arith.muli %scan3A_18, %mul3A_19 : i32
      %add3A_21 = arith.addi %mul3A_11, %mul3A_20 : i32
      "tpu.region"() ({
        %run_scoped3A = tpu.sem_alloc : memref<!tpu.dma_semaphore, #tpu.memory_space<semaphore_mem>>
        %dma_start3A_26 = tpu.memref_slice %arg4[%add3A_21] : memref<323584xi32, #tpu.memory_space<hbm>> -> memref<128xi32, #tpu.memory_space<hbm>>
        %dma_start3A_27 = tpu.memref_slice %arg4[%add3A_21] : memref<323584xi32, #tpu.memory_space<hbm>> -> memref<128xi32, #tpu.memory_space<hbm>>
        tpu.enqueue_dma source(%dma_start3A_27 : memref<128xi32, #tpu.memory_space<hbm>>) target(%arg8 : memref<128xi32, #tpu.memory_space<vmem>>) target_semaphore(%run_scoped3A : memref<!tpu.dma_semaphore, #tpu.memory_space<semaphore_mem>>)
        %dma_wait3A_28 = tpu.memref_slice %arg4[%add3A_21] : memref<323584xi32, #tpu.memory_space<hbm>> -> memref<128xi32, #tpu.memory_space<hbm>>
        %dma_wait3A_29 = tpu.memref_slice %arg4[%add3A_21] : memref<323584xi32, #tpu.memory_space<hbm>> -> memref<128xi32, #tpu.memory_space<hbm>>
        tpu.wait_dma2 semaphore(%run_scoped3A : memref<!tpu.dma_semaphore, #tpu.memory_space<semaphore_mem>>) src(%dma_wait3A_29 : memref<128xi32, #tpu.memory_space<hbm>>) dst(%arg8 : memref<128xi32, #tpu.memory_space<vmem>>)
        tpu.yield
      }) : () -> ()
      "tpu.region"() ({
        %run_scoped3A = tpu.sem_alloc : memref<!tpu.dma_semaphore, #tpu.memory_space<semaphore_mem>>
        %dma_start3A_26 = tpu.memref_slice %arg5[%add3A_21] : memref<323584xi32, #tpu.memory_space<hbm>> -> memref<128xi32, #tpu.memory_space<hbm>>
        %dma_start3A_27 = tpu.memref_slice %arg5[%add3A_21] : memref<323584xi32, #tpu.memory_space<hbm>> -> memref<128xi32, #tpu.memory_space<hbm>>
        tpu.enqueue_dma source(%dma_start3A_27 : memref<128xi32, #tpu.memory_space<hbm>>) target(%arg9 : memref<128xi32, #tpu.memory_space<vmem>>) target_semaphore(%run_scoped3A : memref<!tpu.dma_semaphore, #tpu.memory_space<semaphore_mem>>)
        %dma_wait3A_28 = tpu.memref_slice %arg5[%add3A_21] : memref<323584xi32, #tpu.memory_space<hbm>> -> memref<128xi32, #tpu.memory_space<hbm>>
        %dma_wait3A_29 = tpu.memref_slice %arg5[%add3A_21] : memref<323584xi32, #tpu.memory_space<hbm>> -> memref<128xi32, #tpu.memory_space<hbm>>
        tpu.wait_dma2 semaphore(%run_scoped3A : memref<!tpu.dma_semaphore, #tpu.memory_space<semaphore_mem>>) src(%dma_wait3A_29 : memref<128xi32, #tpu.memory_space<hbm>>) dst(%arg9 : memref<128xi32, #tpu.memory_space<vmem>>)
        tpu.yield
      }) : () -> ()
      %dma_start3A = arith.constant 0 : i32
      %dma_start3A_22 = arith.constant 0 : i32
      %dma_start3A_23 = tpu.memref_slice %arg2[%dma_start3A, %dma_start3A_22] : memref<10240x128xf32, #tpu.memory_space<hbm>> -> memref<10240x128xf32, #tpu.memory_space<hbm>>
      tpu.enqueue_indirect_dma source(%dma_start3A_23 : memref<10240x128xf32, #tpu.memory_space<hbm>>) target(%arg10 : memref<128x128xf32, #tpu.memory_space<vmem>>) offsets(%arg8 : memref<128xi32, #tpu.memory_space<vmem>>) semaphore(%arg11 : memref<!tpu.dma_semaphore, #tpu.memory_space<semaphore_mem>>)
      %dma_wait3A = arith.constant 0 : i32
      %dma_wait3A_24 = arith.constant 0 : i32
      %dma_wait3A_25 = tpu.memref_slice %arg2[%dma_wait3A, %dma_wait3A_24] : memref<10240x128xf32, #tpu.memory_space<hbm>> -> memref<10240x128xf32, #tpu.memory_space<hbm>>
      tpu.wait_indirect_dma semaphore(%arg11 : memref<!tpu.dma_semaphore, #tpu.memory_space<semaphore_mem>>) src(%dma_wait3A_25 : memref<10240x128xf32, #tpu.memory_space<hbm>>) dst(%arg10 : memref<128x128xf32, #tpu.memory_space<vmem>>)
      "tpu.region"() ({
        %run_scoped3A = tpu.sem_alloc : memref<!tpu.dma_semaphore, #tpu.memory_space<semaphore_mem>>
        %dma_start3A_26 = arith.constant 0 : i32
        %dma_start3A_27 = arith.constant 0 : i32
        %dma_start3A_28 = tpu.memref_slice %arg7[%dma_start3A_26, %dma_start3A_27] : memref<10240x128xf32, #tpu.memory_space<vmem_shared>> -> memref<10240x128xf32, #tpu.memory_space<vmem_shared>>
        tpu.enqueue_indirect_dma source(%arg10 : memref<128x128xf32, #tpu.memory_space<vmem>>) target(%dma_start3A_28 : memref<10240x128xf32, #tpu.memory_space<vmem_shared>>) offsets(%arg9 : memref<128xi32, #tpu.memory_space<vmem>>) semaphore(%run_scoped3A : memref<!tpu.dma_semaphore, #tpu.memory_space<semaphore_mem>>) {add = true}
        %dma_wait3A_29 = arith.constant 0 : i32
        %dma_wait3A_30 = arith.constant 0 : i32
        %dma_wait3A_31 = tpu.memref_slice %arg7[%dma_wait3A_29, %dma_wait3A_30] : memref<10240x128xf32, #tpu.memory_space<vmem_shared>> -> memref<10240x128xf32, #tpu.memory_space<vmem_shared>>
        tpu.wait_indirect_dma semaphore(%run_scoped3A : memref<!tpu.dma_semaphore, #tpu.memory_space<semaphore_mem>>) src(%arg10 : memref<128x128xf32, #tpu.memory_space<vmem>>) dst(%dma_wait3A_31 : memref<10240x128xf32, #tpu.memory_space<vmem_shared>>)
        tpu.yield
      }) : () -> ()
    }
    %scan3A_16 = arith.constant 79 : i32
    %barrier3A_17 = arith.constant 0 : index
    tpu.barrier barrier_id(%barrier3A_17)
    "tpu.region"() ({
      %run_scoped3A = tpu.sem_alloc : memref<!tpu.dma_semaphore, #tpu.memory_space<semaphore_mem>>
      %dma_start3A = arith.constant 0 : i32
      %dma_start3A_18 = arith.constant 0 : i32
      %dma_start3A_19 = tpu.memref_slice %arg6[%arg0, %dma_start3A, %dma_start3A_18] : memref<2x10240x128xf32, #tpu.memory_space<hbm>> -> memref<1x10240x128xf32, #tpu.memory_space<hbm>>
      %dma_start3A_20 = tpu.memref_squeeze %dma_start3A_19 : memref<1x10240x128xf32, #tpu.memory_space<hbm>> -> memref<10240x128xf32, #tpu.memory_space<hbm>>
      %dma_start3A_21 = arith.constant 0 : i32
      %dma_start3A_22 = tpu.memref_slice %dma_start3A_20[%mul3A_2, %dma_start3A_21] : memref<10240x128xf32, #tpu.memory_space<hbm>> -> memref<640x128xf32, #tpu.memory_space<hbm>>
      %dma_start3A_23 = arith.constant 0 : i32
      %dma_start3A_24 = tpu.memref_slice %arg7[%mul3A_2, %dma_start3A_23] : memref<10240x128xf32, #tpu.memory_space<vmem_shared>> -> memref<640x128xf32, #tpu.memory_space<vmem_shared>>
      tpu.enqueue_dma source(%dma_start3A_24 : memref<640x128xf32, #tpu.memory_space<vmem_shared>>) target(%dma_start3A_22 : memref<640x128xf32, #tpu.memory_space<hbm>>) target_semaphore(%run_scoped3A : memref<!tpu.dma_semaphore, #tpu.memory_space<semaphore_mem>>)
      %dma_wait3A = arith.constant 0 : i32
      %dma_wait3A_25 = arith.constant 0 : i32
      %dma_wait3A_26 = tpu.memref_slice %arg6[%arg0, %dma_wait3A, %dma_wait3A_25] : memref<2x10240x128xf32, #tpu.memory_space<hbm>> -> memref<1x10240x128xf32, #tpu.memory_space<hbm>>
      %dma_wait3A_27 = tpu.memref_squeeze %dma_wait3A_26 : memref<1x10240x128xf32, #tpu.memory_space<hbm>> -> memref<10240x128xf32, #tpu.memory_space<hbm>>
      %dma_wait3A_28 = arith.constant 0 : i32
      %dma_wait3A_29 = tpu.memref_slice %dma_wait3A_27[%mul3A_2, %dma_wait3A_28] : memref<10240x128xf32, #tpu.memory_space<hbm>> -> memref<640x128xf32, #tpu.memory_space<hbm>>
      %dma_wait3A_30 = arith.constant 0 : i32
      %dma_wait3A_31 = tpu.memref_slice %arg7[%mul3A_2, %dma_wait3A_30] : memref<10240x128xf32, #tpu.memory_space<vmem_shared>> -> memref<640x128xf32, #tpu.memory_space<vmem_shared>>
      tpu.wait_dma2 semaphore(%run_scoped3A : memref<!tpu.dma_semaphore, #tpu.memory_space<semaphore_mem>>) src(%dma_wait3A_31 : memref<640x128xf32, #tpu.memory_space<vmem_shared>>) dst(%dma_wait3A_29 : memref<640x128xf32, #tpu.memory_space<hbm>>)
      tpu.yield
    }) : () -> ()
    return
  }
}

#map = affine_map<(d0, d1) -> (0, 0)>
#map1 = affine_map<(d0, d1) -> (0)>
#map2 = affine_map<(d0, d1) -> (0, 0, 0)>
module attributes {stable_mosaic.version = 14 : i64} {
  func.func @_sc_propagate(%arg0: i32, %arg1: i32, %arg2: memref<10240x128xf32, #tpu.memory_space<hbm>>, %arg3: memref<10240x128xf32, #tpu.memory_space<hbm>>, %arg4: memref<323584xi32, #tpu.memory_space<hbm>>, %arg5: memref<323584xi32, #tpu.memory_space<hbm>>, %arg6: memref<2x10240x128xf32, #tpu.memory_space<hbm>>, %arg7: memref<10240x128xf32, #tpu.memory_space<vmem_shared>>, %arg8: memref<128xi32, #tpu.memory_space<vmem>>, %arg9: memref<128xi32, #tpu.memory_space<vmem>>, %arg10: memref<128x128xf32, #tpu.memory_space<vmem>>, %arg11: memref<!tpu.dma_semaphore, #tpu.memory_space<semaphore_mem>>) attributes {dimension_semantics = [#tpu.dimension_semantics<core_parallel>, #tpu.dimension_semantics<subcore_parallel>], iteration_bounds = array<i64: 2, 16>, scalar_prefetch = 0 : i64, scratch_operands = 5 : i64, tpu.core_type = #tpu.core_type<sc_vector_subcore>, window_params = [{transform_indices = #map}, {transform_indices = #map}, {transform_indices = #map1}, {transform_indices = #map1}, {transform_indices = #map2}]} {
    %mul3A = arith.constant 2 : i32
    %mul3A_0 = arith.muli %arg1, %mul3A : i32
    %add3A = arith.addi %mul3A_0, %arg0 : i32
    %mul3A_1 = arith.constant 640 : i32
    %mul3A_2 = arith.muli %arg1, %mul3A_1 : i32
    %eq3A = arith.constant 0 : i32
    %eq3A_3 = arith.cmpi eq, %arg0, %eq3A : i32
    %convert_element_type3A = arith.extui %eq3A_3 : i1 to i32
    %cond3A = arith.constant 0 : i32
    %cond3A_4 = arith.cmpi ne, %convert_element_type3A, %cond3A : i32
    scf.if %cond3A_4 {
      "tpu.region"() ({
        %run_scoped3A = tpu.sem_alloc : memref<!tpu.dma_semaphore, #tpu.memory_space<semaphore_mem>>
        %dma_start3A = arith.constant 0 : i32
        %dma_start3A_18 = tpu.memref_slice %arg7[%mul3A_2, %dma_start3A] : memref<10240x128xf32, #tpu.memory_space<vmem_shared>> -> memref<640x128xf32, #tpu.memory_space<vmem_shared>>
        %dma_start3A_19 = arith.constant 0 : i32
        %dma_start3A_20 = tpu.memref_slice %arg2[%mul3A_2, %dma_start3A_19] : memref<10240x128xf32, #tpu.memory_space<hbm>> -> memref<640x128xf32, #tpu.memory_space<hbm>>
        tpu.enqueue_dma source(%dma_start3A_20 : memref<640x128xf32, #tpu.memory_space<hbm>>) target(%dma_start3A_18 : memref<640x128xf32, #tpu.memory_space<vmem_shared>>) target_semaphore(%run_scoped3A : memref<!tpu.dma_semaphore, #tpu.memory_space<semaphore_mem>>)
        %dma_wait3A = arith.constant 0 : i32
        %dma_wait3A_21 = tpu.memref_slice %arg7[%mul3A_2, %dma_wait3A] : memref<10240x128xf32, #tpu.memory_space<vmem_shared>> -> memref<640x128xf32, #tpu.memory_space<vmem_shared>>
        %dma_wait3A_22 = arith.constant 0 : i32
        %dma_wait3A_23 = tpu.memref_slice %arg2[%mul3A_2, %dma_wait3A_22] : memref<10240x128xf32, #tpu.memory_space<hbm>> -> memref<640x128xf32, #tpu.memory_space<hbm>>
        tpu.wait_dma2 semaphore(%run_scoped3A : memref<!tpu.dma_semaphore, #tpu.memory_space<semaphore_mem>>) src(%dma_wait3A_23 : memref<640x128xf32, #tpu.memory_space<hbm>>) dst(%dma_wait3A_21 : memref<640x128xf32, #tpu.memory_space<vmem_shared>>)
        tpu.yield
      }) : () -> ()
    } else {
    }
    %eq3A_5 = arith.constant 1 : i32
    %eq3A_6 = arith.cmpi eq, %arg0, %eq3A_5 : i32
    %convert_element_type3A_7 = arith.extui %eq3A_6 : i1 to i32
    %cond3A_8 = arith.constant 0 : i32
    %cond3A_9 = arith.cmpi ne, %convert_element_type3A_7, %cond3A_8 : i32
    scf.if %cond3A_9 {
      "tpu.region"() ({
        %run_scoped3A = tpu.sem_alloc : memref<!tpu.dma_semaphore, #tpu.memory_space<semaphore_mem>>
        %dma_start3A = arith.constant 0 : i32
        %dma_start3A_18 = tpu.memref_slice %arg7[%mul3A_2, %dma_start3A] : memref<10240x128xf32, #tpu.memory_space<vmem_shared>> -> memref<640x128xf32, #tpu.memory_space<vmem_shared>>
        %dma_start3A_19 = arith.constant 0 : i32
        %dma_start3A_20 = tpu.memref_slice %arg3[%mul3A_2, %dma_start3A_19] : memref<10240x128xf32, #tpu.memory_space<hbm>> -> memref<640x128xf32, #tpu.memory_space<hbm>>
        tpu.enqueue_dma source(%dma_start3A_20 : memref<640x128xf32, #tpu.memory_space<hbm>>) target(%dma_start3A_18 : memref<640x128xf32, #tpu.memory_space<vmem_shared>>) target_semaphore(%run_scoped3A : memref<!tpu.dma_semaphore, #tpu.memory_space<semaphore_mem>>)
        %dma_wait3A = arith.constant 0 : i32
        %dma_wait3A_21 = tpu.memref_slice %arg7[%mul3A_2, %dma_wait3A] : memref<10240x128xf32, #tpu.memory_space<vmem_shared>> -> memref<640x128xf32, #tpu.memory_space<vmem_shared>>
        %dma_wait3A_22 = arith.constant 0 : i32
        %dma_wait3A_23 = tpu.memref_slice %arg3[%mul3A_2, %dma_wait3A_22] : memref<10240x128xf32, #tpu.memory_space<hbm>> -> memref<640x128xf32, #tpu.memory_space<hbm>>
        tpu.wait_dma2 semaphore(%run_scoped3A : memref<!tpu.dma_semaphore, #tpu.memory_space<semaphore_mem>>) src(%dma_wait3A_23 : memref<640x128xf32, #tpu.memory_space<hbm>>) dst(%dma_wait3A_21 : memref<640x128xf32, #tpu.memory_space<vmem_shared>>)
        tpu.yield
      }) : () -> ()
    } else {
    }
    %barrier3A = arith.constant 0 : index
    tpu.barrier barrier_id(%barrier3A)
    %mul3A_10 = arith.constant 10112 : i32
    %mul3A_11 = arith.muli %add3A, %mul3A_10 : i32
    %scan3A = arith.constant 0 : i32
    %scan3A_12 = arith.constant 0 : i32
    %scan3A_13 = arith.constant 79 : i32
    %scan3A_14 = arith.addi %scan3A_12, %scan3A_13 : i32
    %scan3A_15 = arith.constant 1 : i32
    scf.for %scan3A_18 = %scan3A_12 to %scan3A_14 step %scan3A_15  : i32 {
      %mul3A_19 = arith.constant 128 : i32
      %mul3A_20 = arith.muli %scan3A_18, %mul3A_19 : i32
      %add3A_21 = arith.addi %mul3A_11, %mul3A_20 : i32
      "tpu.region"() ({
        %run_scoped3A = tpu.sem_alloc : memref<!tpu.dma_semaphore, #tpu.memory_space<semaphore_mem>>
        %dma_start3A_26 = tpu.memref_slice %arg4[%add3A_21] : memref<323584xi32, #tpu.memory_space<hbm>> -> memref<128xi32, #tpu.memory_space<hbm>>
        %dma_start3A_27 = tpu.memref_slice %arg4[%add3A_21] : memref<323584xi32, #tpu.memory_space<hbm>> -> memref<128xi32, #tpu.memory_space<hbm>>
        tpu.enqueue_dma source(%dma_start3A_27 : memref<128xi32, #tpu.memory_space<hbm>>) target(%arg8 : memref<128xi32, #tpu.memory_space<vmem>>) target_semaphore(%run_scoped3A : memref<!tpu.dma_semaphore, #tpu.memory_space<semaphore_mem>>)
        %dma_wait3A_28 = tpu.memref_slice %arg4[%add3A_21] : memref<323584xi32, #tpu.memory_space<hbm>> -> memref<128xi32, #tpu.memory_space<hbm>>
        %dma_wait3A_29 = tpu.memref_slice %arg4[%add3A_21] : memref<323584xi32, #tpu.memory_space<hbm>> -> memref<128xi32, #tpu.memory_space<hbm>>
        tpu.wait_dma2 semaphore(%run_scoped3A : memref<!tpu.dma_semaphore, #tpu.memory_space<semaphore_mem>>) src(%dma_wait3A_29 : memref<128xi32, #tpu.memory_space<hbm>>) dst(%arg8 : memref<128xi32, #tpu.memory_space<vmem>>)
        tpu.yield
      }) : () -> ()
      "tpu.region"() ({
        %run_scoped3A = tpu.sem_alloc : memref<!tpu.dma_semaphore, #tpu.memory_space<semaphore_mem>>
        %dma_start3A_26 = tpu.memref_slice %arg5[%add3A_21] : memref<323584xi32, #tpu.memory_space<hbm>> -> memref<128xi32, #tpu.memory_space<hbm>>
        %dma_start3A_27 = tpu.memref_slice %arg5[%add3A_21] : memref<323584xi32, #tpu.memory_space<hbm>> -> memref<128xi32, #tpu.memory_space<hbm>>
        tpu.enqueue_dma source(%dma_start3A_27 : memref<128xi32, #tpu.memory_space<hbm>>) target(%arg9 : memref<128xi32, #tpu.memory_space<vmem>>) target_semaphore(%run_scoped3A : memref<!tpu.dma_semaphore, #tpu.memory_space<semaphore_mem>>)
        %dma_wait3A_28 = tpu.memref_slice %arg5[%add3A_21] : memref<323584xi32, #tpu.memory_space<hbm>> -> memref<128xi32, #tpu.memory_space<hbm>>
        %dma_wait3A_29 = tpu.memref_slice %arg5[%add3A_21] : memref<323584xi32, #tpu.memory_space<hbm>> -> memref<128xi32, #tpu.memory_space<hbm>>
        tpu.wait_dma2 semaphore(%run_scoped3A : memref<!tpu.dma_semaphore, #tpu.memory_space<semaphore_mem>>) src(%dma_wait3A_29 : memref<128xi32, #tpu.memory_space<hbm>>) dst(%arg9 : memref<128xi32, #tpu.memory_space<vmem>>)
        tpu.yield
      }) : () -> ()
      %dma_start3A = arith.constant 0 : i32
      %dma_start3A_22 = arith.constant 0 : i32
      %dma_start3A_23 = tpu.memref_slice %arg2[%dma_start3A, %dma_start3A_22] : memref<10240x128xf32, #tpu.memory_space<hbm>> -> memref<10240x128xf32, #tpu.memory_space<hbm>>
      tpu.enqueue_indirect_dma source(%dma_start3A_23 : memref<10240x128xf32, #tpu.memory_space<hbm>>) target(%arg10 : memref<128x128xf32, #tpu.memory_space<vmem>>) offsets(%arg8 : memref<128xi32, #tpu.memory_space<vmem>>) semaphore(%arg11 : memref<!tpu.dma_semaphore, #tpu.memory_space<semaphore_mem>>)
      %dma_wait3A = arith.constant 0 : i32
      %dma_wait3A_24 = arith.constant 0 : i32
      %dma_wait3A_25 = tpu.memref_slice %arg2[%dma_wait3A, %dma_wait3A_24] : memref<10240x128xf32, #tpu.memory_space<hbm>> -> memref<10240x128xf32, #tpu.memory_space<hbm>>
      tpu.wait_indirect_dma semaphore(%arg11 : memref<!tpu.dma_semaphore, #tpu.memory_space<semaphore_mem>>) src(%dma_wait3A_25 : memref<10240x128xf32, #tpu.memory_space<hbm>>) dst(%arg10 : memref<128x128xf32, #tpu.memory_space<vmem>>)
      "tpu.region"() ({
        %run_scoped3A = tpu.sem_alloc : memref<!tpu.dma_semaphore, #tpu.memory_space<semaphore_mem>>
        %dma_start3A_26 = arith.constant 0 : i32
        %dma_start3A_27 = arith.constant 0 : i32
        %dma_start3A_28 = tpu.memref_slice %arg7[%dma_start3A_26, %dma_start3A_27] : memref<10240x128xf32, #tpu.memory_space<vmem_shared>> -> memref<10240x128xf32, #tpu.memory_space<vmem_shared>>
        tpu.enqueue_indirect_dma source(%arg10 : memref<128x128xf32, #tpu.memory_space<vmem>>) target(%dma_start3A_28 : memref<10240x128xf32, #tpu.memory_space<vmem_shared>>) offsets(%arg9 : memref<128xi32, #tpu.memory_space<vmem>>) semaphore(%run_scoped3A : memref<!tpu.dma_semaphore, #tpu.memory_space<semaphore_mem>>) {add = true}
        %dma_wait3A_29 = arith.constant 0 : i32
        %dma_wait3A_30 = arith.constant 0 : i32
        %dma_wait3A_31 = tpu.memref_slice %arg7[%dma_wait3A_29, %dma_wait3A_30] : memref<10240x128xf32, #tpu.memory_space<vmem_shared>> -> memref<10240x128xf32, #tpu.memory_space<vmem_shared>>
        tpu.wait_indirect_dma semaphore(%run_scoped3A : memref<!tpu.dma_semaphore, #tpu.memory_space<semaphore_mem>>) src(%arg10 : memref<128x128xf32, #tpu.memory_space<vmem>>) dst(%dma_wait3A_31 : memref<10240x128xf32, #tpu.memory_space<vmem_shared>>)
        tpu.yield
      }) : () -> ()
    }
    %scan3A_16 = arith.constant 79 : i32
    %barrier3A_17 = arith.constant 0 : index
    tpu.barrier barrier_id(%barrier3A_17)
    "tpu.region"() ({
      %run_scoped3A = tpu.sem_alloc : memref<!tpu.dma_semaphore, #tpu.memory_space<semaphore_mem>>
      %dma_start3A = arith.constant 0 : i32
      %dma_start3A_18 = arith.constant 0 : i32
      %dma_start3A_19 = tpu.memref_slice %arg6[%arg0, %dma_start3A, %dma_start3A_18] : memref<2x10240x128xf32, #tpu.memory_space<hbm>> -> memref<1x10240x128xf32, #tpu.memory_space<hbm>>
      %dma_start3A_20 = tpu.memref_squeeze %dma_start3A_19 : memref<1x10240x128xf32, #tpu.memory_space<hbm>> -> memref<10240x128xf32, #tpu.memory_space<hbm>>
      %dma_start3A_21 = arith.constant 0 : i32
      %dma_start3A_22 = tpu.memref_slice %dma_start3A_20[%mul3A_2, %dma_start3A_21] : memref<10240x128xf32, #tpu.memory_space<hbm>> -> memref<640x128xf32, #tpu.memory_space<hbm>>
      %dma_start3A_23 = arith.constant 0 : i32
      %dma_start3A_24 = tpu.memref_slice %arg7[%mul3A_2, %dma_start3A_23] : memref<10240x128xf32, #tpu.memory_space<vmem_shared>> -> memref<640x128xf32, #tpu.memory_space<vmem_shared>>
      tpu.enqueue_dma source(%dma_start3A_24 : memref<640x128xf32, #tpu.memory_space<vmem_shared>>) target(%dma_start3A_22 : memref<640x128xf32, #tpu.memory_space<hbm>>) target_semaphore(%run_scoped3A : memref<!tpu.dma_semaphore, #tpu.memory_space<semaphore_mem>>)
      %dma_wait3A = arith.constant 0 : i32
      %dma_wait3A_25 = arith.constant 0 : i32
      %dma_wait3A_26 = tpu.memref_slice %arg6[%arg0, %dma_wait3A, %dma_wait3A_25] : memref<2x10240x128xf32, #tpu.memory_space<hbm>> -> memref<1x10240x128xf32, #tpu.memory_space<hbm>>
      %dma_wait3A_27 = tpu.memref_squeeze %dma_wait3A_26 : memref<1x10240x128xf32, #tpu.memory_space<hbm>> -> memref<10240x128xf32, #tpu.memory_space<hbm>>
      %dma_wait3A_28 = arith.constant 0 : i32
      %dma_wait3A_29 = tpu.memref_slice %dma_wait3A_27[%mul3A_2, %dma_wait3A_28] : memref<10240x128xf32, #tpu.memory_space<hbm>> -> memref<640x128xf32, #tpu.memory_space<hbm>>
      %dma_wait3A_30 = arith.constant 0 : i32
      %dma_wait3A_31 = tpu.memref_slice %arg7[%mul3A_2, %dma_wait3A_30] : memref<10240x128xf32, #tpu.memory_space<vmem_shared>> -> memref<640x128xf32, #tpu.memory_space<vmem_shared>>
      tpu.wait_dma2 semaphore(%run_scoped3A : memref<!tpu.dma_semaphore, #tpu.memory_space<semaphore_mem>>) src(%dma_wait3A_31 : memref<640x128xf32, #tpu.memory_space<vmem_shared>>) dst(%dma_wait3A_29 : memref<640x128xf32, #tpu.memory_space<hbm>>)
      tpu.yield
    }) : () -> ()
    return
  }
}

module attributes {stable_mosaic.version = 14 : i64} {
  func.func @_prep_body(%arg0: i32, %arg1: memref<2x512x128xf32, #tpu.memory_space<vmem>>, %arg2: memref<512x128xf32, #tpu.memory_space<vmem>>, %arg3: memref<512x1xf32, #tpu.memory_space<vmem>>, %arg4: memref<512x128xf32, #tpu.memory_space<vmem>>) attributes {dimension_semantics = [#tpu.dimension_semantics<arbitrary>], iteration_bounds = array<i64: 20>, scalar_prefetch = 0 : i64, scratch_operands = 0 : i64, tpu.core_type = #tpu.core_type<tc>, window_params = [{transform_indices = @transform_0, window_bounds = array<i64: 2, 512, 128>}, {transform_indices = @transform_1, window_bounds = array<i64: 512, 128>}, {transform_indices = @transform_2, window_bounds = array<i64: 512, 1>}, {transform_indices = @transform_3, window_bounds = array<i64: 512, 128>}]} {
    %get3A = arith.constant 0 : index
    %get3A_0 = arith.constant 0 : index
    %get3A_1 = arith.constant 0 : index
    %get3A_2 = vector.load %arg1[%get3A, %get3A_0, %get3A_1] : memref<2x512x128xf32, #tpu.memory_space<vmem>>, vector<1x512x1xf32>
    %get3A_3 = vector.shape_cast %get3A_2 : vector<1x512x1xf32> to vector<512x1xf32>
    %get3A_4 = arith.constant 1 : index
    %get3A_5 = arith.constant 0 : index
    %get3A_6 = arith.constant 0 : index
    %get3A_7 = vector.load %arg1[%get3A_4, %get3A_5, %get3A_6] : memref<2x512x128xf32, #tpu.memory_space<vmem>>, vector<1x512x1xf32>
    %get3A_8 = vector.shape_cast %get3A_7 : vector<1x512x1xf32> to vector<512x1xf32>
    %add3A = arith.addf %get3A_3, %get3A_8 : vector<512x1xf32>
    %add3A_9 = arith.constant 1.000000e+00 : f32
    %add3A_10 = vector.broadcast %add3A_9 : f32 to vector<512x1xf32>
    %add3A_11 = arith.addf %add3A, %add3A_10 : vector<512x1xf32>
    %mul3A = arith.constant 512 : i32
    %mul3A_12 = arith.muli %arg0, %mul3A : i32
    %iota3A = tpu.iota {dimensions = array<i32: 0>} : vector<512x1xi32>
    %add3A_13 = vector.broadcast %mul3A_12 : i32 to vector<512x1xi32>
    %add3A_14 = arith.addi %add3A_13, %iota3A : vector<512x1xi32>
    %lt3A = arith.constant 10000 : i32
    %lt3A_15 = vector.broadcast %lt3A : i32 to vector<512x1xi32>
    %lt3A_16 = arith.cmpi slt, %add3A_14, %lt3A_15 : vector<512x1xi32>
    %max3A = arith.constant 1.000000e+00 : f32
    %max3A_17 = vector.broadcast %max3A : f32 to vector<512x1xf32>
    %max3A_18 = arith.maximumf %add3A_11, %max3A_17 : vector<512x1xf32>
    %rsqrt3A = math.rsqrt %max3A_18 : vector<512x1xf32>
    %jit3A = arith.constant 0.000000e+00 : f32
    %broadcast_in_dim3A = vector.broadcast %jit3A : f32 to vector<512x1xf32>
    %select_n3A = arith.select %lt3A_16, %rsqrt3A, %broadcast_in_dim3A : vector<512x1xi1>, vector<512x1xf32>
    %swap3A = arith.constant 0 : index
    %swap3A_19 = arith.constant 0 : index
    %swap3A_20 = vector.load %arg3[%swap3A, %swap3A_19] : memref<512x1xf32, #tpu.memory_space<vmem>>, vector<512x1xf32>
    tpu.vector_store %arg3[%swap3A, %swap3A_19], %select_n3A {strides = array<i32>} : memref<512x1xf32, #tpu.memory_space<vmem>>, vector<512x1xf32>,
    %get3A_21 = arith.constant 0 : index
    %get3A_22 = arith.constant 0 : index
    %get3A_23 = vector.load %arg2[%get3A_21, %get3A_22] : memref<512x128xf32, #tpu.memory_space<vmem>>, vector<512x128xf32>
    %mul3A_24 = vector.broadcast %select_n3A : vector<512x1xf32> to vector<512x128xf32>
    %mul3A_25 = arith.mulf %get3A_23, %mul3A_24 : vector<512x128xf32>
    %swap3A_26 = arith.constant 0 : index
    %swap3A_27 = arith.constant 0 : index
    %swap3A_28 = vector.load %arg4[%swap3A_26, %swap3A_27] : memref<512x128xf32, #tpu.memory_space<vmem>>, vector<512x128xf32>
    tpu.vector_store %arg4[%swap3A_26, %swap3A_27], %mul3A_25 {strides = array<i32>} : memref<512x128xf32, #tpu.memory_space<vmem>>, vector<512x128xf32>,
    return
  }
  func.func @transform_0(%arg0: i32) -> (i32, i32, i32) {
    %c0_i32 = arith.constant 0 : i32
    %c0_i32_0 = arith.constant 0 : i32
    %c0_i32_1 = arith.constant 0 : i32
    return %c0_i32, %arg0, %c0_i32_0 : i32, i32, i32
  }
  func.func @transform_1(%arg0: i32) -> (i32, i32) {
    %c0_i32 = arith.constant 0 : i32
    %c0_i32_0 = arith.constant 0 : i32
    return %arg0, %c0_i32 : i32, i32
  }
  func.func @transform_2(%arg0: i32) -> (i32, i32) {
    %c0_i32 = arith.constant 0 : i32
    %c0_i32_0 = arith.constant 0 : i32
    return %arg0, %c0_i32 : i32, i32
  }
  func.func @transform_3(%arg0: i32) -> (i32, i32) {
    %c0_i32 = arith.constant 0 : i32
    %c0_i32_0 = arith.constant 0 : i32
    return %arg0, %c0_i32 : i32, i32
  }
}

module attributes {stable_mosaic.version = 14 : i64} {
  func.func @_combine_body(%arg0: i32, %arg1: memref<2x512x128xf32, #tpu.memory_space<vmem>>, %arg2: memref<512x1xf32, #tpu.memory_space<vmem>>, %arg3: memref<512x128xf32, #tpu.memory_space<vmem>>, %arg4: memref<512x128xf32, #tpu.memory_space<vmem>>, %arg5: memref<512x128xf32, #tpu.memory_space<vmem>>) attributes {dimension_semantics = [#tpu.dimension_semantics<arbitrary>], iteration_bounds = array<i64: 20>, scalar_prefetch = 0 : i64, scratch_operands = 0 : i64, tpu.core_type = #tpu.core_type<tc>, window_params = [{transform_indices = @transform_0, window_bounds = array<i64: 2, 512, 128>}, {transform_indices = @transform_1, window_bounds = array<i64: 512, 1>}, {transform_indices = @transform_2, window_bounds = array<i64: 512, 128>}, {transform_indices = @transform_3, window_bounds = array<i64: 512, 128>}, {transform_indices = @transform_4, window_bounds = array<i64: 512, 128>}]} {
    %get3A = arith.constant 0 : index
    %get3A_0 = arith.constant 0 : index
    %get3A_1 = arith.constant 0 : index
    %get3A_2 = vector.load %arg1[%get3A, %get3A_0, %get3A_1] : memref<2x512x128xf32, #tpu.memory_space<vmem>>, vector<1x512x128xf32>
    %get3A_3 = vector.shape_cast %get3A_2 : vector<1x512x128xf32> to vector<512x128xf32>
    %get3A_4 = arith.constant 1 : index
    %get3A_5 = arith.constant 0 : index
    %get3A_6 = arith.constant 0 : index
    %get3A_7 = vector.load %arg1[%get3A_4, %get3A_5, %get3A_6] : memref<2x512x128xf32, #tpu.memory_space<vmem>>, vector<1x512x128xf32>
    %get3A_8 = vector.shape_cast %get3A_7 : vector<1x512x128xf32> to vector<512x128xf32>
    %add3A = arith.addf %get3A_3, %get3A_8 : vector<512x128xf32>
    %get3A_9 = arith.constant 0 : index
    %get3A_10 = arith.constant 0 : index
    %get3A_11 = vector.load %arg2[%get3A_9, %get3A_10] : memref<512x1xf32, #tpu.memory_space<vmem>>, vector<512x1xf32>
    %mul3A = vector.broadcast %get3A_11 : vector<512x1xf32> to vector<512x128xf32>
    %mul3A_12 = arith.mulf %add3A, %mul3A : vector<512x128xf32>
    %get3A_13 = arith.constant 0 : index
    %get3A_14 = arith.constant 0 : index
    %get3A_15 = vector.load %arg3[%get3A_13, %get3A_14] : memref<512x128xf32, #tpu.memory_space<vmem>>, vector<512x128xf32>
    %add3A_16 = arith.addf %get3A_15, %mul3A_12 : vector<512x128xf32>
    %swap3A = arith.constant 0 : index
    %swap3A_17 = arith.constant 0 : index
    %swap3A_18 = vector.load %arg5[%swap3A, %swap3A_17] : memref<512x128xf32, #tpu.memory_space<vmem>>, vector<512x128xf32>
    tpu.vector_store %arg5[%swap3A, %swap3A_17], %add3A_16 {strides = array<i32>} : memref<512x128xf32, #tpu.memory_space<vmem>>, vector<512x128xf32>,
    %mul3A_19 = vector.broadcast %get3A_11 : vector<512x1xf32> to vector<512x128xf32>
    %mul3A_20 = arith.mulf %mul3A_12, %mul3A_19 : vector<512x128xf32>
    %swap3A_21 = arith.constant 0 : index
    %swap3A_22 = arith.constant 0 : index
    %swap3A_23 = vector.load %arg4[%swap3A_21, %swap3A_22] : memref<512x128xf32, #tpu.memory_space<vmem>>, vector<512x128xf32>
    tpu.vector_store %arg4[%swap3A_21, %swap3A_22], %mul3A_20 {strides = array<i32>} : memref<512x128xf32, #tpu.memory_space<vmem>>, vector<512x128xf32>,
    return
  }
  func.func @transform_0(%arg0: i32) -> (i32, i32, i32) {
    %c0_i32 = arith.constant 0 : i32
    %c0_i32_0 = arith.constant 0 : i32
    %c0_i32_1 = arith.constant 0 : i32
    return %c0_i32, %arg0, %c0_i32_0 : i32, i32, i32
  }
  func.func @transform_1(%arg0: i32) -> (i32, i32) {
    %c0_i32 = arith.constant 0 : i32
    %c0_i32_0 = arith.constant 0 : i32
    return %arg0, %c0_i32 : i32, i32
  }
  func.func @transform_2(%arg0: i32) -> (i32, i32) {
    %c0_i32 = arith.constant 0 : i32
    %c0_i32_0 = arith.constant 0 : i32
    return %arg0, %c0_i32 : i32, i32
  }
  func.func @transform_3(%arg0: i32) -> (i32, i32) {
    %c0_i32 = arith.constant 0 : i32
    %c0_i32_0 = arith.constant 0 : i32
    return %arg0, %c0_i32 : i32, i32
  }
  func.func @transform_4(%arg0: i32) -> (i32, i32) {
    %c0_i32 = arith.constant 0 : i32
    %c0_i32_0 = arith.constant 0 : i32
    return %arg0, %c0_i32 : i32, i32
  }
}

module attributes {stable_mosaic.version = 14 : i64} {
  func.func @_combine_body(%arg0: i32, %arg1: memref<2x512x128xf32, #tpu.memory_space<vmem>>, %arg2: memref<512x1xf32, #tpu.memory_space<vmem>>, %arg3: memref<512x128xf32, #tpu.memory_space<vmem>>, %arg4: memref<512x128xf32, #tpu.memory_space<vmem>>, %arg5: memref<512x128xf32, #tpu.memory_space<vmem>>) attributes {dimension_semantics = [#tpu.dimension_semantics<arbitrary>], iteration_bounds = array<i64: 20>, scalar_prefetch = 0 : i64, scratch_operands = 0 : i64, tpu.core_type = #tpu.core_type<tc>, window_params = [{transform_indices = @transform_0, window_bounds = array<i64: 2, 512, 128>}, {transform_indices = @transform_1, window_bounds = array<i64: 512, 1>}, {transform_indices = @transform_2, window_bounds = array<i64: 512, 128>}, {transform_indices = @transform_3, window_bounds = array<i64: 512, 128>}, {transform_indices = @transform_4, window_bounds = array<i64: 512, 128>}]} {
    %get3A = arith.constant 0 : index
    %get3A_0 = arith.constant 0 : index
    %get3A_1 = arith.constant 0 : index
    %get3A_2 = vector.load %arg1[%get3A, %get3A_0, %get3A_1] : memref<2x512x128xf32, #tpu.memory_space<vmem>>, vector<1x512x128xf32>
    %get3A_3 = vector.shape_cast %get3A_2 : vector<1x512x128xf32> to vector<512x128xf32>
    %get3A_4 = arith.constant 1 : index
    %get3A_5 = arith.constant 0 : index
    %get3A_6 = arith.constant 0 : index
    %get3A_7 = vector.load %arg1[%get3A_4, %get3A_5, %get3A_6] : memref<2x512x128xf32, #tpu.memory_space<vmem>>, vector<1x512x128xf32>
    %get3A_8 = vector.shape_cast %get3A_7 : vector<1x512x128xf32> to vector<512x128xf32>
    %add3A = arith.addf %get3A_3, %get3A_8 : vector<512x128xf32>
    %get3A_9 = arith.constant 0 : index
    %get3A_10 = arith.constant 0 : index
    %get3A_11 = vector.load %arg2[%get3A_9, %get3A_10] : memref<512x1xf32, #tpu.memory_space<vmem>>, vector<512x1xf32>
    %mul3A = vector.broadcast %get3A_11 : vector<512x1xf32> to vector<512x128xf32>
    %mul3A_12 = arith.mulf %add3A, %mul3A : vector<512x128xf32>
    %get3A_13 = arith.constant 0 : index
    %get3A_14 = arith.constant 0 : index
    %get3A_15 = vector.load %arg3[%get3A_13, %get3A_14] : memref<512x128xf32, #tpu.memory_space<vmem>>, vector<512x128xf32>
    %add3A_16 = arith.addf %get3A_15, %mul3A_12 : vector<512x128xf32>
    %swap3A = arith.constant 0 : index
    %swap3A_17 = arith.constant 0 : index
    %swap3A_18 = vector.load %arg5[%swap3A, %swap3A_17] : memref<512x128xf32, #tpu.memory_space<vmem>>, vector<512x128xf32>
    tpu.vector_store %arg5[%swap3A, %swap3A_17], %add3A_16 {strides = array<i32>} : memref<512x128xf32, #tpu.memory_space<vmem>>, vector<512x128xf32>,
    %mul3A_19 = vector.broadcast %get3A_11 : vector<512x1xf32> to vector<512x128xf32>
    %mul3A_20 = arith.mulf %mul3A_12, %mul3A_19 : vector<512x128xf32>
    %swap3A_21 = arith.constant 0 : index
    %swap3A_22 = arith.constant 0 : index
    %swap3A_23 = vector.load %arg4[%swap3A_21, %swap3A_22] : memref<512x128xf32, #tpu.memory_space<vmem>>, vector<512x128xf32>
    tpu.vector_store %arg4[%swap3A_21, %swap3A_22], %mul3A_20 {strides = array<i32>} : memref<512x128xf32, #tpu.memory_space<vmem>>, vector<512x128xf32>,
    return
  }
  func.func @transform_0(%arg0: i32) -> (i32, i32, i32) {
    %c0_i32 = arith.constant 0 : i32
    %c0_i32_0 = arith.constant 0 : i32
    %c0_i32_1 = arith.constant 0 : i32
    return %c0_i32, %arg0, %c0_i32_0 : i32, i32, i32
  }
  func.func @transform_1(%arg0: i32) -> (i32, i32) {
    %c0_i32 = arith.constant 0 : i32
    %c0_i32_0 = arith.constant 0 : i32
    return %arg0, %c0_i32 : i32, i32
  }
  func.func @transform_2(%arg0: i32) -> (i32, i32) {
    %c0_i32 = arith.constant 0 : i32
    %c0_i32_0 = arith.constant 0 : i32
    return %arg0, %c0_i32 : i32, i32
  }
  func.func @transform_3(%arg0: i32) -> (i32, i32) {
    %c0_i32 = arith.constant 0 : i32
    %c0_i32_0 = arith.constant 0 : i32
    return %arg0, %c0_i32 : i32, i32
  }
  func.func @transform_4(%arg0: i32) -> (i32, i32) {
    %c0_i32 = arith.constant 0 : i32
    %c0_i32_0 = arith.constant 0 : i32
    return %arg0, %c0_i32 : i32, i32
  }
}

module attributes {stable_mosaic.version = 14 : i64} {
  func.func @_heads_body(%arg0: i32, %arg1: memref<512x128xf32, #tpu.memory_space<vmem>>, %arg2: memref<512x128xf32, #tpu.memory_space<vmem>>, %arg3: memref<512x128xf32, #tpu.memory_space<vmem>>, %arg4: memref<512x128xf32, #tpu.memory_space<vmem>>, %arg5: memref<3x128x128xf32, #tpu.memory_space<vmem>>, %arg6: memref<3x1x128xf32, #tpu.memory_space<vmem>>, %arg7: memref<3x512x128xf32, #tpu.memory_space<vmem>>, %arg8: memref<3x1x128xf32, #tpu.memory_space<vmem>>, %arg9: memref<3x1x128xf32, #tpu.memory_space<vmem>>) attributes {dimension_semantics = [#tpu.dimension_semantics<arbitrary>], iteration_bounds = array<i64: 20>, scalar_prefetch = 0 : i64, scratch_operands = 0 : i64, tpu.core_type = #tpu.core_type<tc>, window_params = [{transform_indices = @transform_0, window_bounds = array<i64: 512, 128>}, {transform_indices = @transform_1, window_bounds = array<i64: 512, 128>}, {transform_indices = @transform_2, window_bounds = array<i64: 512, 128>}, {transform_indices = @transform_3, window_bounds = array<i64: 512, 128>}, {pipeline_mode = #tpu.pipeline_mode<synchronous>, transform_indices = @transform_4, window_bounds = array<i64: 3, 128, 128>}, {pipeline_mode = #tpu.pipeline_mode<synchronous>, transform_indices = @transform_5, window_bounds = array<i64: 3, 1, 128>}, {transform_indices = @transform_6, window_bounds = array<i64: 3, 512, 128>}, {pipeline_mode = #tpu.pipeline_mode<synchronous>, transform_indices = @transform_7, window_bounds = array<i64: 3, 1, 128>}, {pipeline_mode = #tpu.pipeline_mode<synchronous>, transform_indices = @transform_8, window_bounds = array<i64: 3, 1, 128>}]} {
    %eq3A = arith.constant 0 : i32
    %eq3A_0 = arith.cmpi eq, %arg0, %eq3A : i32
    %convert_element_type3A = arith.extui %eq3A_0 : i1 to i32
    %cond3A = arith.constant 0 : i32
    %cond3A_1 = arith.cmpi ne, %convert_element_type3A, %cond3A : i32
    scf.if %cond3A_1 {
      %broadcast_in_dim3A_195 = arith.constant 0.000000e+00 : f32
      %broadcast_in_dim3A_196 = vector.broadcast %broadcast_in_dim3A_195 : f32 to vector<3x1x128xf32>
      %swap3A_197 = arith.constant 0 : index
      %swap3A_198 = arith.constant 0 : index
      %swap3A_199 = arith.constant 0 : index
      %swap3A_200 = vector.load %arg8[%swap3A_197, %swap3A_198, %swap3A_199] : memref<3x1x128xf32, #tpu.memory_space<vmem>>, vector<3x1x128xf32>
      tpu.vector_store %arg8[%swap3A_197, %swap3A_198, %swap3A_199], %broadcast_in_dim3A_196 {strides = array<i32>} : memref<3x1x128xf32, #tpu.memory_space<vmem>>, vector<3x1x128xf32>,
      %broadcast_in_dim3A_201 = arith.constant 0.000000e+00 : f32
      %broadcast_in_dim3A_202 = vector.broadcast %broadcast_in_dim3A_201 : f32 to vector<3x1x128xf32>
      %swap3A_203 = arith.constant 0 : index
      %swap3A_204 = arith.constant 0 : index
      %swap3A_205 = arith.constant 0 : index
      %swap3A_206 = vector.load %arg9[%swap3A_203, %swap3A_204, %swap3A_205] : memref<3x1x128xf32, #tpu.memory_space<vmem>>, vector<3x1x128xf32>
      tpu.vector_store %arg9[%swap3A_203, %swap3A_204, %swap3A_205], %broadcast_in_dim3A_202 {strides = array<i32>} : memref<3x1x128xf32, #tpu.memory_space<vmem>>, vector<3x1x128xf32>,
    } else {
    }
    %get3A = arith.constant 0 : index
    %get3A_2 = arith.constant 0 : index
    %get3A_3 = vector.load %arg1[%get3A, %get3A_2] : memref<512x128xf32, #tpu.memory_space<vmem>>, vector<512x128xf32>
    %mul3A = arith.constant 512 : i32
    %mul3A_4 = arith.muli %arg0, %mul3A : i32
    %iota3A = tpu.iota {dimensions = array<i32: 0>} : vector<512x1xi32>
    %add3A = vector.broadcast %mul3A_4 : i32 to vector<512x1xi32>
    %add3A_5 = arith.addi %add3A, %iota3A : vector<512x1xi32>
    %lt3A = arith.constant 10000 : i32
    %lt3A_6 = vector.broadcast %lt3A : i32 to vector<512x1xi32>
    %lt3A_7 = arith.cmpi slt, %add3A_5, %lt3A_6 : vector<512x1xi32>
    %convert_element_type3A_8 = arith.extui %lt3A_7 : vector<512x1xi1> to vector<512x1xi32>
    %convert_element_type3A_9 = arith.sitofp %convert_element_type3A_8 : vector<512x1xi32> to vector<512x1xf32>
    %mul3A_10 = arith.constant 1.000000e-01 : f32
    %mul3A_11 = vector.broadcast %mul3A_10 : f32 to vector<512x128xf32>
    %mul3A_12 = arith.mulf %mul3A_11, %get3A_3 : vector<512x128xf32>
    %get3A_13 = arith.constant 0 : index
    %get3A_14 = arith.constant 0 : index
    %get3A_15 = vector.load %arg2[%get3A_13, %get3A_14] : memref<512x128xf32, #tpu.memory_space<vmem>>, vector<512x128xf32>
    %mul3A_16 = arith.constant 4.500000e-01 : f32
    %mul3A_17 = vector.broadcast %mul3A_16 : f32 to vector<512x128xf32>
    %mul3A_18 = arith.mulf %mul3A_17, %get3A_15 : vector<512x128xf32>
    %add3A_19 = arith.addf %mul3A_12, %mul3A_18 : vector<512x128xf32>
    %get3A_20 = arith.constant 0 : index
    %get3A_21 = arith.constant 0 : index
    %get3A_22 = arith.constant 0 : index
    %get3A_23 = vector.load %arg5[%get3A_20, %get3A_21, %get3A_22] : memref<3x128x128xf32, #tpu.memory_space<vmem>>, vector<1x128x128xf32>
    %get3A_24 = vector.shape_cast %get3A_23 : vector<1x128x128xf32> to vector<128x128xf32>
    %dot_general3A = arith.constant dense<0.000000e+00> : vector<512x128xf32>
    %dot_general3A_25 = tpu.matmul %add3A_19, %get3A_24, %dot_general3A {dimension_numbers = #tpu.dot_dimension_numbers<[1], [1], [0], [0], [0, 0, 1, 0], [], []>, precision = #tpu.contract_precision<fp32>, transpose_lhs_hint = false} : vector<512x128xf32>, vector<128x128xf32>, vector<512x128xf32> -> vector<512x128xf32>
    %get3A_26 = arith.constant 0 : index
    %get3A_27 = arith.constant 0 : index
    %get3A_28 = arith.constant 0 : index
    %get3A_29 = vector.load %arg6[%get3A_26, %get3A_27, %get3A_28] : memref<3x1x128xf32, #tpu.memory_space<vmem>>, vector<1x1x128xf32>
    %get3A_30 = vector.shape_cast %get3A_29 : vector<1x1x128xf32> to vector<1x128xf32>
    %add3A_31 = vector.broadcast %get3A_30 : vector<1x128xf32> to vector<512x128xf32>
    %add3A_32 = arith.addf %dot_general3A_25, %add3A_31 : vector<512x128xf32>
    %swap3A = arith.constant 0 : index
    %swap3A_33 = arith.constant 0 : index
    %swap3A_34 = arith.constant 0 : index
    %swap3A_35 = vector.load %arg7[%swap3A, %swap3A_33, %swap3A_34] : memref<3x512x128xf32, #tpu.memory_space<vmem>>, vector<1x512x128xf32>
    %swap3A_36 = vector.shape_cast %swap3A_35 : vector<1x512x128xf32> to vector<512x128xf32>
    %swap3A_37 = vector.shape_cast %add3A_32 : vector<512x128xf32> to vector<1x512x128xf32>
    tpu.vector_store %arg7[%swap3A, %swap3A_33, %swap3A_34], %swap3A_37 {strides = array<i32>} : memref<3x512x128xf32, #tpu.memory_space<vmem>>, vector<1x512x128xf32>,
    %mul3A_38 = vector.broadcast %convert_element_type3A_9 : vector<512x1xf32> to vector<512x128xf32>
    %mul3A_39 = arith.mulf %add3A_32, %mul3A_38 : vector<512x128xf32>
    %get3A_40 = arith.constant 0 : index
    %get3A_41 = arith.constant 0 : index
    %get3A_42 = arith.constant 0 : index
    %get3A_43 = vector.load %arg8[%get3A_40, %get3A_41, %get3A_42] : memref<3x1x128xf32, #tpu.memory_space<vmem>>, vector<1x1x128xf32>
    %get3A_44 = vector.shape_cast %get3A_43 : vector<1x1x128xf32> to vector<1x128xf32>
    %reduce_sum3A = arith.constant dense<0.000000e+00> : vector<128xf32>
    %reduce_sum3A_45 = vector.multi_reduction <add>, %mul3A_39, %reduce_sum3A [0] : vector<512x128xf32> to vector<128xf32>
    %broadcast_in_dim3A = vector.shape_cast %reduce_sum3A_45 : vector<128xf32> to vector<1x128xf32>
    %add3A_46 = arith.addf %get3A_44, %broadcast_in_dim3A : vector<1x128xf32>
    %swap3A_47 = arith.constant 0 : index
    %swap3A_48 = arith.constant 0 : index
    %swap3A_49 = arith.constant 0 : index
    %swap3A_50 = vector.load %arg8[%swap3A_47, %swap3A_48, %swap3A_49] : memref<3x1x128xf32, #tpu.memory_space<vmem>>, vector<1x1x128xf32>
    %swap3A_51 = vector.shape_cast %swap3A_50 : vector<1x1x128xf32> to vector<1x128xf32>
    %swap3A_52 = vector.shape_cast %add3A_46 : vector<1x128xf32> to vector<1x1x128xf32>
    tpu.vector_store %arg8[%swap3A_47, %swap3A_48, %swap3A_49], %swap3A_52 {strides = array<i32>} : memref<3x1x128xf32, #tpu.memory_space<vmem>>, vector<1x1x128xf32>,
    %get3A_53 = arith.constant 0 : index
    %get3A_54 = arith.constant 0 : index
    %get3A_55 = arith.constant 0 : index
    %get3A_56 = vector.load %arg9[%get3A_53, %get3A_54, %get3A_55] : memref<3x1x128xf32, #tpu.memory_space<vmem>>, vector<1x1x128xf32>
    %get3A_57 = vector.shape_cast %get3A_56 : vector<1x1x128xf32> to vector<1x128xf32>
    %mul3A_58 = arith.mulf %mul3A_39, %mul3A_39 : vector<512x128xf32>
    %reduce_sum3A_59 = arith.constant dense<0.000000e+00> : vector<128xf32>
    %reduce_sum3A_60 = vector.multi_reduction <add>, %mul3A_58, %reduce_sum3A_59 [0] : vector<512x128xf32> to vector<128xf32>
    %broadcast_in_dim3A_61 = vector.shape_cast %reduce_sum3A_60 : vector<128xf32> to vector<1x128xf32>
    %add3A_62 = arith.addf %get3A_57, %broadcast_in_dim3A_61 : vector<1x128xf32>
    %swap3A_63 = arith.constant 0 : index
    %swap3A_64 = arith.constant 0 : index
    %swap3A_65 = arith.constant 0 : index
    %swap3A_66 = vector.load %arg9[%swap3A_63, %swap3A_64, %swap3A_65] : memref<3x1x128xf32, #tpu.memory_space<vmem>>, vector<1x1x128xf32>
    %swap3A_67 = vector.shape_cast %swap3A_66 : vector<1x1x128xf32> to vector<1x128xf32>
    %swap3A_68 = vector.shape_cast %add3A_62 : vector<1x128xf32> to vector<1x1x128xf32>
    tpu.vector_store %arg9[%swap3A_63, %swap3A_64, %swap3A_65], %swap3A_68 {strides = array<i32>} : memref<3x1x128xf32, #tpu.memory_space<vmem>>, vector<1x1x128xf32>,
    %mul3A_69 = arith.constant 1.000000e-01 : f32
    %mul3A_70 = vector.broadcast %mul3A_69 : f32 to vector<512x128xf32>
    %mul3A_71 = arith.mulf %mul3A_70, %get3A_3 : vector<512x128xf32>
    %get3A_72 = arith.constant 0 : index
    %get3A_73 = arith.constant 0 : index
    %get3A_74 = vector.load %arg3[%get3A_72, %get3A_73] : memref<512x128xf32, #tpu.memory_space<vmem>>, vector<512x128xf32>
    %mul3A_75 = arith.constant 2.250000e-01 : f32
    %mul3A_76 = vector.broadcast %mul3A_75 : f32 to vector<512x128xf32>
    %mul3A_77 = arith.mulf %mul3A_76, %get3A_74 : vector<512x128xf32>
    %add3A_78 = arith.addf %mul3A_71, %mul3A_77 : vector<512x128xf32>
    %get3A_79 = arith.constant 1 : index
    %get3A_80 = arith.constant 0 : index
    %get3A_81 = arith.constant 0 : index
    %get3A_82 = vector.load %arg5[%get3A_79, %get3A_80, %get3A_81] : memref<3x128x128xf32, #tpu.memory_space<vmem>>, vector<1x128x128xf32>
    %get3A_83 = vector.shape_cast %get3A_82 : vector<1x128x128xf32> to vector<128x128xf32>
    %dot_general3A_84 = arith.constant dense<0.000000e+00> : vector<512x128xf32>
    %dot_general3A_85 = tpu.matmul %add3A_78, %get3A_83, %dot_general3A_84 {dimension_numbers = #tpu.dot_dimension_numbers<[1], [1], [0], [0], [0, 0, 1, 0], [], []>, precision = #tpu.contract_precision<fp32>, transpose_lhs_hint = false} : vector<512x128xf32>, vector<128x128xf32>, vector<512x128xf32> -> vector<512x128xf32>
    %get3A_86 = arith.constant 1 : index
    %get3A_87 = arith.constant 0 : index
    %get3A_88 = arith.constant 0 : index
    %get3A_89 = vector.load %arg6[%get3A_86, %get3A_87, %get3A_88] : memref<3x1x128xf32, #tpu.memory_space<vmem>>, vector<1x1x128xf32>
    %get3A_90 = vector.shape_cast %get3A_89 : vector<1x1x128xf32> to vector<1x128xf32>
    %add3A_91 = vector.broadcast %get3A_90 : vector<1x128xf32> to vector<512x128xf32>
    %add3A_92 = arith.addf %dot_general3A_85, %add3A_91 : vector<512x128xf32>
    %swap3A_93 = arith.constant 1 : index
    %swap3A_94 = arith.constant 0 : index
    %swap3A_95 = arith.constant 0 : index
    %swap3A_96 = vector.load %arg7[%swap3A_93, %swap3A_94, %swap3A_95] : memref<3x512x128xf32, #tpu.memory_space<vmem>>, vector<1x512x128xf32>
    %swap3A_97 = vector.shape_cast %swap3A_96 : vector<1x512x128xf32> to vector<512x128xf32>
    %swap3A_98 = vector.shape_cast %add3A_92 : vector<512x128xf32> to vector<1x512x128xf32>
    tpu.vector_store %arg7[%swap3A_93, %swap3A_94, %swap3A_95], %swap3A_98 {strides = array<i32>} : memref<3x512x128xf32, #tpu.memory_space<vmem>>, vector<1x512x128xf32>,
    %mul3A_99 = vector.broadcast %convert_element_type3A_9 : vector<512x1xf32> to vector<512x128xf32>
    %mul3A_100 = arith.mulf %add3A_92, %mul3A_99 : vector<512x128xf32>
    %get3A_101 = arith.constant 1 : index
    %get3A_102 = arith.constant 0 : index
    %get3A_103 = arith.constant 0 : index
    %get3A_104 = vector.load %arg8[%get3A_101, %get3A_102, %get3A_103] : memref<3x1x128xf32, #tpu.memory_space<vmem>>, vector<1x1x128xf32>
    %get3A_105 = vector.shape_cast %get3A_104 : vector<1x1x128xf32> to vector<1x128xf32>
    %reduce_sum3A_106 = arith.constant dense<0.000000e+00> : vector<128xf32>
    %reduce_sum3A_107 = vector.multi_reduction <add>, %mul3A_100, %reduce_sum3A_106 [0] : vector<512x128xf32> to vector<128xf32>
    %broadcast_in_dim3A_108 = vector.shape_cast %reduce_sum3A_107 : vector<128xf32> to vector<1x128xf32>
    %add3A_109 = arith.addf %get3A_105, %broadcast_in_dim3A_108 : vector<1x128xf32>
    %swap3A_110 = arith.constant 1 : index
    %swap3A_111 = arith.constant 0 : index
    %swap3A_112 = arith.constant 0 : index
    %swap3A_113 = vector.load %arg8[%swap3A_110, %swap3A_111, %swap3A_112] : memref<3x1x128xf32, #tpu.memory_space<vmem>>, vector<1x1x128xf32>
    %swap3A_114 = vector.shape_cast %swap3A_113 : vector<1x1x128xf32> to vector<1x128xf32>
    %swap3A_115 = vector.shape_cast %add3A_109 : vector<1x128xf32> to vector<1x1x128xf32>
    tpu.vector_store %arg8[%swap3A_110, %swap3A_111, %swap3A_112], %swap3A_115 {strides = array<i32>} : memref<3x1x128xf32, #tpu.memory_space<vmem>>, vector<1x1x128xf32>,
    %get3A_116 = arith.constant 1 : index
    %get3A_117 = arith.constant 0 : index
    %get3A_118 = arith.constant 0 : index
    %get3A_119 = vector.load %arg9[%get3A_116, %get3A_117, %get3A_118] : memref<3x1x128xf32, #tpu.memory_space<vmem>>, vector<1x1x128xf32>
    %get3A_120 = vector.shape_cast %get3A_119 : vector<1x1x128xf32> to vector<1x128xf32>
    %mul3A_121 = arith.mulf %mul3A_100, %mul3A_100 : vector<512x128xf32>
    %reduce_sum3A_122 = arith.constant dense<0.000000e+00> : vector<128xf32>
    %reduce_sum3A_123 = vector.multi_reduction <add>, %mul3A_121, %reduce_sum3A_122 [0] : vector<512x128xf32> to vector<128xf32>
    %broadcast_in_dim3A_124 = vector.shape_cast %reduce_sum3A_123 : vector<128xf32> to vector<1x128xf32>
    %add3A_125 = arith.addf %get3A_120, %broadcast_in_dim3A_124 : vector<1x128xf32>
    %swap3A_126 = arith.constant 1 : index
    %swap3A_127 = arith.constant 0 : index
    %swap3A_128 = arith.constant 0 : index
    %swap3A_129 = vector.load %arg9[%swap3A_126, %swap3A_127, %swap3A_128] : memref<3x1x128xf32, #tpu.memory_space<vmem>>, vector<1x1x128xf32>
    %swap3A_130 = vector.shape_cast %swap3A_129 : vector<1x1x128xf32> to vector<1x128xf32>
    %swap3A_131 = vector.shape_cast %add3A_125 : vector<1x128xf32> to vector<1x1x128xf32>
    tpu.vector_store %arg9[%swap3A_126, %swap3A_127, %swap3A_128], %swap3A_131 {strides = array<i32>} : memref<3x1x128xf32, #tpu.memory_space<vmem>>, vector<1x1x128xf32>,
    %mul3A_132 = arith.constant 1.000000e-01 : f32
    %mul3A_133 = vector.broadcast %mul3A_132 : f32 to vector<512x128xf32>
    %mul3A_134 = arith.mulf %mul3A_133, %get3A_3 : vector<512x128xf32>
    %get3A_135 = arith.constant 0 : index
    %get3A_136 = arith.constant 0 : index
    %get3A_137 = vector.load %arg4[%get3A_135, %get3A_136] : memref<512x128xf32, #tpu.memory_space<vmem>>, vector<512x128xf32>
    %mul3A_138 = arith.constant 1.125000e-01 : f32
    %mul3A_139 = vector.broadcast %mul3A_138 : f32 to vector<512x128xf32>
    %mul3A_140 = arith.mulf %mul3A_139, %get3A_137 : vector<512x128xf32>
    %add3A_141 = arith.addf %mul3A_134, %mul3A_140 : vector<512x128xf32>
    %get3A_142 = arith.constant 2 : index
    %get3A_143 = arith.constant 0 : index
    %get3A_144 = arith.constant 0 : index
    %get3A_145 = vector.load %arg5[%get3A_142, %get3A_143, %get3A_144] : memref<3x128x128xf32, #tpu.memory_space<vmem>>, vector<1x128x128xf32>
    %get3A_146 = vector.shape_cast %get3A_145 : vector<1x128x128xf32> to vector<128x128xf32>
    %dot_general3A_147 = arith.constant dense<0.000000e+00> : vector<512x128xf32>
    %dot_general3A_148 = tpu.matmul %add3A_141, %get3A_146, %dot_general3A_147 {dimension_numbers = #tpu.dot_dimension_numbers<[1], [1], [0], [0], [0, 0, 1, 0], [], []>, precision = #tpu.contract_precision<fp32>, transpose_lhs_hint = false} : vector<512x128xf32>, vector<128x128xf32>, vector<512x128xf32> -> vector<512x128xf32>
    %get3A_149 = arith.constant 2 : index
    %get3A_150 = arith.constant 0 : index
    %get3A_151 = arith.constant 0 : index
    %get3A_152 = vector.load %arg6[%get3A_149, %get3A_150, %get3A_151] : memref<3x1x128xf32, #tpu.memory_space<vmem>>, vector<1x1x128xf32>
    %get3A_153 = vector.shape_cast %get3A_152 : vector<1x1x128xf32> to vector<1x128xf32>
    %add3A_154 = vector.broadcast %get3A_153 : vector<1x128xf32> to vector<512x128xf32>
    %add3A_155 = arith.addf %dot_general3A_148, %add3A_154 : vector<512x128xf32>
    %swap3A_156 = arith.constant 2 : index
    %swap3A_157 = arith.constant 0 : index
    %swap3A_158 = arith.constant 0 : index
    %swap3A_159 = vector.load %arg7[%swap3A_156, %swap3A_157, %swap3A_158] : memref<3x512x128xf32, #tpu.memory_space<vmem>>, vector<1x512x128xf32>
    %swap3A_160 = vector.shape_cast %swap3A_159 : vector<1x512x128xf32> to vector<512x128xf32>
    %swap3A_161 = vector.shape_cast %add3A_155 : vector<512x128xf32> to vector<1x512x128xf32>
    tpu.vector_store %arg7[%swap3A_156, %swap3A_157, %swap3A_158], %swap3A_161 {strides = array<i32>} : memref<3x512x128xf32, #tpu.memory_space<vmem>>, vector<1x512x128xf32>,
    %mul3A_162 = vector.broadcast %convert_element_type3A_9 : vector<512x1xf32> to vector<512x128xf32>
    %mul3A_163 = arith.mulf %add3A_155, %mul3A_162 : vector<512x128xf32>
    %get3A_164 = arith.constant 2 : index
    %get3A_165 = arith.constant 0 : index
    %get3A_166 = arith.constant 0 : index
    %get3A_167 = vector.load %arg8[%get3A_164, %get3A_165, %get3A_166] : memref<3x1x128xf32, #tpu.memory_space<vmem>>, vector<1x1x128xf32>
    %get3A_168 = vector.shape_cast %get3A_167 : vector<1x1x128xf32> to vector<1x128xf32>
    %reduce_sum3A_169 = arith.constant dense<0.000000e+00> : vector<128xf32>
    %reduce_sum3A_170 = vector.multi_reduction <add>, %mul3A_163, %reduce_sum3A_169 [0] : vector<512x128xf32> to vector<128xf32>
    %broadcast_in_dim3A_171 = vector.shape_cast %reduce_sum3A_170 : vector<128xf32> to vector<1x128xf32>
    %add3A_172 = arith.addf %get3A_168, %broadcast_in_dim3A_171 : vector<1x128xf32>
    %swap3A_173 = arith.constant 2 : index
    %swap3A_174 = arith.constant 0 : index
    %swap3A_175 = arith.constant 0 : index
    %swap3A_176 = vector.load %arg8[%swap3A_173, %swap3A_174, %swap3A_175] : memref<3x1x128xf32, #tpu.memory_space<vmem>>, vector<1x1x128xf32>
    %swap3A_177 = vector.shape_cast %swap3A_176 : vector<1x1x128xf32> to vector<1x128xf32>
    %swap3A_178 = vector.shape_cast %add3A_172 : vector<1x128xf32> to vector<1x1x128xf32>
    tpu.vector_store %arg8[%swap3A_173, %swap3A_174, %swap3A_175], %swap3A_178 {strides = array<i32>} : memref<3x1x128xf32, #tpu.memory_space<vmem>>, vector<1x1x128xf32>,
    %get3A_179 = arith.constant 2 : index
    %get3A_180 = arith.constant 0 : index
    %get3A_181 = arith.constant 0 : index
    %get3A_182 = vector.load %arg9[%get3A_179, %get3A_180, %get3A_181] : memref<3x1x128xf32, #tpu.memory_space<vmem>>, vector<1x1x128xf32>
    %get3A_183 = vector.shape_cast %get3A_182 : vector<1x1x128xf32> to vector<1x128xf32>
    %mul3A_184 = arith.mulf %mul3A_163, %mul3A_163 : vector<512x128xf32>
    %reduce_sum3A_185 = arith.constant dense<0.000000e+00> : vector<128xf32>
    %reduce_sum3A_186 = vector.multi_reduction <add>, %mul3A_184, %reduce_sum3A_185 [0] : vector<512x128xf32> to vector<128xf32>
    %broadcast_in_dim3A_187 = vector.shape_cast %reduce_sum3A_186 : vector<128xf32> to vector<1x128xf32>
    %add3A_188 = arith.addf %get3A_183, %broadcast_in_dim3A_187 : vector<1x128xf32>
    %swap3A_189 = arith.constant 2 : index
    %swap3A_190 = arith.constant 0 : index
    %swap3A_191 = arith.constant 0 : index
    %swap3A_192 = vector.load %arg9[%swap3A_189, %swap3A_190, %swap3A_191] : memref<3x1x128xf32, #tpu.memory_space<vmem>>, vector<1x1x128xf32>
    %swap3A_193 = vector.shape_cast %swap3A_192 : vector<1x1x128xf32> to vector<1x128xf32>
    %swap3A_194 = vector.shape_cast %add3A_188 : vector<1x128xf32> to vector<1x1x128xf32>
    tpu.vector_store %arg9[%swap3A_189, %swap3A_190, %swap3A_191], %swap3A_194 {strides = array<i32>} : memref<3x1x128xf32, #tpu.memory_space<vmem>>, vector<1x1x128xf32>,
    return
  }
  func.func @transform_0(%arg0: i32) -> (i32, i32) {
    %c0_i32 = arith.constant 0 : i32
    %c0_i32_0 = arith.constant 0 : i32
    return %arg0, %c0_i32 : i32, i32
  }
  func.func @transform_1(%arg0: i32) -> (i32, i32) {
    %c0_i32 = arith.constant 0 : i32
    %c0_i32_0 = arith.constant 0 : i32
    return %arg0, %c0_i32 : i32, i32
  }
  func.func @transform_2(%arg0: i32) -> (i32, i32) {
    %c0_i32 = arith.constant 0 : i32
    %c0_i32_0 = arith.constant 0 : i32
    return %arg0, %c0_i32 : i32, i32
  }
  func.func @transform_3(%arg0: i32) -> (i32, i32) {
    %c0_i32 = arith.constant 0 : i32
    %c0_i32_0 = arith.constant 0 : i32
    return %arg0, %c0_i32 : i32, i32
  }
  func.func @transform_4(%arg0: i32) -> (i32, i32, i32) {
    %c0_i32 = arith.constant 0 : i32
    %c0_i32_0 = arith.constant 0 : i32
    %c0_i32_1 = arith.constant 0 : i32
    %c0_i32_2 = arith.constant 0 : i32
    return %c0_i32, %c0_i32_0, %c0_i32_1 : i32, i32, i32
  }
  func.func @transform_5(%arg0: i32) -> (i32, i32, i32) {
    %c0_i32 = arith.constant 0 : i32
    %c0_i32_0 = arith.constant 0 : i32
    %c0_i32_1 = arith.constant 0 : i32
    %c0_i32_2 = arith.constant 0 : i32
    return %c0_i32, %c0_i32_0, %c0_i32_1 : i32, i32, i32
  }
  func.func @transform_6(%arg0: i32) -> (i32, i32, i32) {
    %c0_i32 = arith.constant 0 : i32
    %c0_i32_0 = arith.constant 0 : i32
    %c0_i32_1 = arith.constant 0 : i32
    return %c0_i32, %arg0, %c0_i32_0 : i32, i32, i32
  }
  func.func @transform_7(%arg0: i32) -> (i32, i32, i32) {
    %c0_i32 = arith.constant 0 : i32
    %c0_i32_0 = arith.constant 0 : i32
    %c0_i32_1 = arith.constant 0 : i32
    %c0_i32_2 = arith.constant 0 : i32
    return %c0_i32, %c0_i32_0, %c0_i32_1 : i32, i32, i32
  }
  func.func @transform_8(%arg0: i32) -> (i32, i32, i32) {
    %c0_i32 = arith.constant 0 : i32
    %c0_i32_0 = arith.constant 0 : i32
    %c0_i32_1 = arith.constant 0 : i32
    %c0_i32_2 = arith.constant 0 : i32
    return %c0_i32, %c0_i32_0, %c0_i32_1 : i32, i32, i32
  }
}

module attributes {stable_mosaic.version = 14 : i64} {
  func.func @_bngelu_body(%arg0: i32, %arg1: memref<3x512x128xf32, #tpu.memory_space<vmem>>, %arg2: memref<3x1x128xf32, #tpu.memory_space<vmem>>, %arg3: memref<3x1x128xf32, #tpu.memory_space<vmem>>, %arg4: memref<3x1x128xf32, #tpu.memory_space<vmem>>, %arg5: memref<3x1x128xf32, #tpu.memory_space<vmem>>, %arg6: memref<3x512x128xf32, #tpu.memory_space<vmem>>) attributes {dimension_semantics = [#tpu.dimension_semantics<arbitrary>], iteration_bounds = array<i64: 20>, scalar_prefetch = 0 : i64, scratch_operands = 0 : i64, tpu.core_type = #tpu.core_type<tc>, window_params = [{transform_indices = @transform_0, window_bounds = array<i64: 3, 512, 128>}, {pipeline_mode = #tpu.pipeline_mode<synchronous>, transform_indices = @transform_1, window_bounds = array<i64: 3, 1, 128>}, {pipeline_mode = #tpu.pipeline_mode<synchronous>, transform_indices = @transform_2, window_bounds = array<i64: 3, 1, 128>}, {pipeline_mode = #tpu.pipeline_mode<synchronous>, transform_indices = @transform_3, window_bounds = array<i64: 3, 1, 128>}, {pipeline_mode = #tpu.pipeline_mode<synchronous>, transform_indices = @transform_4, window_bounds = array<i64: 3, 1, 128>}, {transform_indices = @transform_5, window_bounds = array<i64: 3, 512, 128>}]} {
    %get3A = arith.constant 0 : index
    %get3A_0 = arith.constant 0 : index
    %get3A_1 = arith.constant 0 : index
    %get3A_2 = vector.load %arg1[%get3A, %get3A_0, %get3A_1] : memref<3x512x128xf32, #tpu.memory_space<vmem>>, vector<1x512x128xf32>
    %get3A_3 = vector.shape_cast %get3A_2 : vector<1x512x128xf32> to vector<512x128xf32>
    %get3A_4 = arith.constant 0 : index
    %get3A_5 = arith.constant 0 : index
    %get3A_6 = arith.constant 0 : index
    %get3A_7 = vector.load %arg2[%get3A_4, %get3A_5, %get3A_6] : memref<3x1x128xf32, #tpu.memory_space<vmem>>, vector<1x1x128xf32>
    %get3A_8 = vector.shape_cast %get3A_7 : vector<1x1x128xf32> to vector<1x128xf32>
    %div3A = arith.constant 1.000000e+04 : f32
    %div3A_9 = vector.broadcast %div3A : f32 to vector<1x128xf32>
    %div3A_10 = arith.divf %get3A_8, %div3A_9 : vector<1x128xf32>
    %get3A_11 = arith.constant 0 : index
    %get3A_12 = arith.constant 0 : index
    %get3A_13 = arith.constant 0 : index
    %get3A_14 = vector.load %arg3[%get3A_11, %get3A_12, %get3A_13] : memref<3x1x128xf32, #tpu.memory_space<vmem>>, vector<1x1x128xf32>
    %get3A_15 = vector.shape_cast %get3A_14 : vector<1x1x128xf32> to vector<1x128xf32>
    %div3A_16 = arith.constant 1.000000e+04 : f32
    %div3A_17 = vector.broadcast %div3A_16 : f32 to vector<1x128xf32>
    %div3A_18 = arith.divf %get3A_15, %div3A_17 : vector<1x128xf32>
    %mul3A = arith.mulf %div3A_10, %div3A_10 : vector<1x128xf32>
    %sub3A = arith.subf %div3A_18, %mul3A : vector<1x128xf32>
    %add3A = arith.constant 9.99999974E-6 : f32
    %add3A_19 = vector.broadcast %add3A : f32 to vector<1x128xf32>
    %add3A_20 = arith.addf %sub3A, %add3A_19 : vector<1x128xf32>
    %rsqrt3A = math.rsqrt %add3A_20 : vector<1x128xf32>
    %sub3A_21 = vector.broadcast %div3A_10 : vector<1x128xf32> to vector<512x128xf32>
    %sub3A_22 = arith.subf %get3A_3, %sub3A_21 : vector<512x128xf32>
    %mul3A_23 = vector.broadcast %rsqrt3A : vector<1x128xf32> to vector<512x128xf32>
    %mul3A_24 = arith.mulf %sub3A_22, %mul3A_23 : vector<512x128xf32>
    %get3A_25 = arith.constant 0 : index
    %get3A_26 = arith.constant 0 : index
    %get3A_27 = arith.constant 0 : index
    %get3A_28 = vector.load %arg4[%get3A_25, %get3A_26, %get3A_27] : memref<3x1x128xf32, #tpu.memory_space<vmem>>, vector<1x1x128xf32>
    %get3A_29 = vector.shape_cast %get3A_28 : vector<1x1x128xf32> to vector<1x128xf32>
    %mul3A_30 = vector.broadcast %get3A_29 : vector<1x128xf32> to vector<512x128xf32>
    %mul3A_31 = arith.mulf %mul3A_24, %mul3A_30 : vector<512x128xf32>
    %get3A_32 = arith.constant 0 : index
    %get3A_33 = arith.constant 0 : index
    %get3A_34 = arith.constant 0 : index
    %get3A_35 = vector.load %arg5[%get3A_32, %get3A_33, %get3A_34] : memref<3x1x128xf32, #tpu.memory_space<vmem>>, vector<1x1x128xf32>
    %get3A_36 = vector.shape_cast %get3A_35 : vector<1x1x128xf32> to vector<1x128xf32>
    %add3A_37 = vector.broadcast %get3A_36 : vector<1x128xf32> to vector<512x128xf32>
    %add3A_38 = arith.addf %mul3A_31, %add3A_37 : vector<512x128xf32>
    %mul3A_39 = arith.constant 5.000000e-01 : f32
    %mul3A_40 = vector.broadcast %mul3A_39 : f32 to vector<512x128xf32>
    %mul3A_41 = arith.mulf %add3A_38, %mul3A_40 : vector<512x128xf32>
    %mul3A_42 = arith.constant 0.707106769 : f32
    %mul3A_43 = vector.broadcast %mul3A_42 : f32 to vector<512x128xf32>
    %mul3A_44 = arith.mulf %add3A_38, %mul3A_43 : vector<512x128xf32>
    %sign3A = tpu.bitcast %mul3A_44 : vector<512x128xf32> -> vector<512x128xi32>
    %sign3A_45 = arith.constant -2147483648 : i32
    %sign3A_46 = vector.broadcast %sign3A_45 : i32 to vector<512x128xi32>
    %sign3A_47 = arith.andi %sign3A, %sign3A_46 : vector<512x128xi32>
    %sign3A_48 = arith.constant 1065353216 : i32
    %sign3A_49 = vector.broadcast %sign3A_48 : i32 to vector<512x128xi32>
    %sign3A_50 = arith.ori %sign3A_49, %sign3A_47 : vector<512x128xi32>
    %sign3A_51 = tpu.bitcast %sign3A_50 : vector<512x128xi32> -> vector<512x128xf32>
    %sign3A_52 = math.absf %mul3A_44 : vector<512x128xf32>
    %sign3A_53 = arith.constant 0.000000e+00 : f32
    %sign3A_54 = vector.broadcast %sign3A_53 : f32 to vector<512x128xf32>
    %sign3A_55 = arith.cmpf ogt, %sign3A_52, %sign3A_54 : vector<512x128xf32>
    %sign3A_56 = arith.select %sign3A_55, %sign3A_51, %mul3A_44 : vector<512x128xi1>, vector<512x128xf32>
    %abs3A = math.absf %mul3A_44 : vector<512x128xf32>
    %mul3A_57 = arith.constant 0.327591091 : f32
    %mul3A_58 = vector.broadcast %mul3A_57 : f32 to vector<512x128xf32>
    %mul3A_59 = arith.mulf %mul3A_58, %abs3A : vector<512x128xf32>
    %add3A_60 = arith.constant 1.000000e+00 : f32
    %add3A_61 = vector.broadcast %add3A_60 : f32 to vector<512x128xf32>
    %add3A_62 = arith.addf %add3A_61, %mul3A_59 : vector<512x128xf32>
    %div3A_63 = arith.constant 1.000000e+00 : f32
    %div3A_64 = vector.broadcast %div3A_63 : f32 to vector<512x128xf32>
    %div3A_65 = arith.divf %div3A_64, %add3A_62 : vector<512x128xf32>
    %mul3A_66 = arith.constant 1.06140542 : f32
    %mul3A_67 = vector.broadcast %mul3A_66 : f32 to vector<512x128xf32>
    %mul3A_68 = arith.mulf %mul3A_67, %div3A_65 : vector<512x128xf32>
    %add3A_69 = arith.constant -1.45315206 : f32
    %add3A_70 = vector.broadcast %add3A_69 : f32 to vector<512x128xf32>
    %add3A_71 = arith.addf %mul3A_68, %add3A_70 : vector<512x128xf32>
    %mul3A_72 = arith.mulf %add3A_71, %div3A_65 : vector<512x128xf32>
    %add3A_73 = arith.constant 1.42141378 : f32
    %add3A_74 = vector.broadcast %add3A_73 : f32 to vector<512x128xf32>
    %add3A_75 = arith.addf %mul3A_72, %add3A_74 : vector<512x128xf32>
    %mul3A_76 = arith.mulf %add3A_75, %div3A_65 : vector<512x128xf32>
    %add3A_77 = arith.constant -0.284496725 : f32
    %add3A_78 = vector.broadcast %add3A_77 : f32 to vector<512x128xf32>
    %add3A_79 = arith.addf %mul3A_76, %add3A_78 : vector<512x128xf32>
    %mul3A_80 = arith.mulf %add3A_79, %div3A_65 : vector<512x128xf32>
    %add3A_81 = arith.constant 0.254829586 : f32
    %add3A_82 = vector.broadcast %add3A_81 : f32 to vector<512x128xf32>
    %add3A_83 = arith.addf %mul3A_80, %add3A_82 : vector<512x128xf32>
    %mul3A_84 = arith.mulf %add3A_83, %div3A_65 : vector<512x128xf32>
    %neg3A = arith.constant 0.000000e+00 : f32
    %neg3A_85 = vector.broadcast %neg3A : f32 to vector<512x128xf32>
    %neg3A_86 = arith.subf %neg3A_85, %abs3A : vector<512x128xf32>
    %mul3A_87 = arith.mulf %neg3A_86, %abs3A : vector<512x128xf32>
    %exp3A = math.exp %mul3A_87 : vector<512x128xf32>
    %mul3A_88 = arith.mulf %mul3A_84, %exp3A : vector<512x128xf32>
    %sub3A_89 = arith.constant 1.000000e+00 : f32
    %sub3A_90 = vector.broadcast %sub3A_89 : f32 to vector<512x128xf32>
    %sub3A_91 = arith.subf %sub3A_90, %mul3A_88 : vector<512x128xf32>
    %mul3A_92 = arith.mulf %sign3A_56, %sub3A_91 : vector<512x128xf32>
    %add3A_93 = arith.constant 1.000000e+00 : f32
    %add3A_94 = vector.broadcast %add3A_93 : f32 to vector<512x128xf32>
    %add3A_95 = arith.addf %add3A_94, %mul3A_92 : vector<512x128xf32>
    %mul3A_96 = arith.mulf %mul3A_41, %add3A_95 : vector<512x128xf32>
    %swap3A = arith.constant 0 : index
    %swap3A_97 = arith.constant 0 : index
    %swap3A_98 = arith.constant 0 : index
    %swap3A_99 = vector.load %arg6[%swap3A, %swap3A_97, %swap3A_98] : memref<3x512x128xf32, #tpu.memory_space<vmem>>, vector<1x512x128xf32>
    %swap3A_100 = vector.shape_cast %swap3A_99 : vector<1x512x128xf32> to vector<512x128xf32>
    %swap3A_101 = vector.shape_cast %mul3A_96 : vector<512x128xf32> to vector<1x512x128xf32>
    tpu.vector_store %arg6[%swap3A, %swap3A_97, %swap3A_98], %swap3A_101 {strides = array<i32>} : memref<3x512x128xf32, #tpu.memory_space<vmem>>, vector<1x512x128xf32>,
    %get3A_102 = arith.constant 1 : index
    %get3A_103 = arith.constant 0 : index
    %get3A_104 = arith.constant 0 : index
    %get3A_105 = vector.load %arg1[%get3A_102, %get3A_103, %get3A_104] : memref<3x512x128xf32, #tpu.memory_space<vmem>>, vector<1x512x128xf32>
    %get3A_106 = vector.shape_cast %get3A_105 : vector<1x512x128xf32> to vector<512x128xf32>
    %get3A_107 = arith.constant 1 : index
    %get3A_108 = arith.constant 0 : index
    %get3A_109 = arith.constant 0 : index
    %get3A_110 = vector.load %arg2[%get3A_107, %get3A_108, %get3A_109] : memref<3x1x128xf32, #tpu.memory_space<vmem>>, vector<1x1x128xf32>
    %get3A_111 = vector.shape_cast %get3A_110 : vector<1x1x128xf32> to vector<1x128xf32>
    %div3A_112 = arith.constant 1.000000e+04 : f32
    %div3A_113 = vector.broadcast %div3A_112 : f32 to vector<1x128xf32>
    %div3A_114 = arith.divf %get3A_111, %div3A_113 : vector<1x128xf32>
    %get3A_115 = arith.constant 1 : index
    %get3A_116 = arith.constant 0 : index
    %get3A_117 = arith.constant 0 : index
    %get3A_118 = vector.load %arg3[%get3A_115, %get3A_116, %get3A_117] : memref<3x1x128xf32, #tpu.memory_space<vmem>>, vector<1x1x128xf32>
    %get3A_119 = vector.shape_cast %get3A_118 : vector<1x1x128xf32> to vector<1x128xf32>
    %div3A_120 = arith.constant 1.000000e+04 : f32
    %div3A_121 = vector.broadcast %div3A_120 : f32 to vector<1x128xf32>
    %div3A_122 = arith.divf %get3A_119, %div3A_121 : vector<1x128xf32>
    %mul3A_123 = arith.mulf %div3A_114, %div3A_114 : vector<1x128xf32>
    %sub3A_124 = arith.subf %div3A_122, %mul3A_123 : vector<1x128xf32>
    %add3A_125 = arith.constant 9.99999974E-6 : f32
    %add3A_126 = vector.broadcast %add3A_125 : f32 to vector<1x128xf32>
    %add3A_127 = arith.addf %sub3A_124, %add3A_126 : vector<1x128xf32>
    %rsqrt3A_128 = math.rsqrt %add3A_127 : vector<1x128xf32>
    %sub3A_129 = vector.broadcast %div3A_114 : vector<1x128xf32> to vector<512x128xf32>
    %sub3A_130 = arith.subf %get3A_106, %sub3A_129 : vector<512x128xf32>
    %mul3A_131 = vector.broadcast %rsqrt3A_128 : vector<1x128xf32> to vector<512x128xf32>
    %mul3A_132 = arith.mulf %sub3A_130, %mul3A_131 : vector<512x128xf32>
    %get3A_133 = arith.constant 1 : index
    %get3A_134 = arith.constant 0 : index
    %get3A_135 = arith.constant 0 : index
    %get3A_136 = vector.load %arg4[%get3A_133, %get3A_134, %get3A_135] : memref<3x1x128xf32, #tpu.memory_space<vmem>>, vector<1x1x128xf32>
    %get3A_137 = vector.shape_cast %get3A_136 : vector<1x1x128xf32> to vector<1x128xf32>
    %mul3A_138 = vector.broadcast %get3A_137 : vector<1x128xf32> to vector<512x128xf32>
    %mul3A_139 = arith.mulf %mul3A_132, %mul3A_138 : vector<512x128xf32>
    %get3A_140 = arith.constant 1 : index
    %get3A_141 = arith.constant 0 : index
    %get3A_142 = arith.constant 0 : index
    %get3A_143 = vector.load %arg5[%get3A_140, %get3A_141, %get3A_142] : memref<3x1x128xf32, #tpu.memory_space<vmem>>, vector<1x1x128xf32>
    %get3A_144 = vector.shape_cast %get3A_143 : vector<1x1x128xf32> to vector<1x128xf32>
    %add3A_145 = vector.broadcast %get3A_144 : vector<1x128xf32> to vector<512x128xf32>
    %add3A_146 = arith.addf %mul3A_139, %add3A_145 : vector<512x128xf32>
    %mul3A_147 = arith.constant 5.000000e-01 : f32
    %mul3A_148 = vector.broadcast %mul3A_147 : f32 to vector<512x128xf32>
    %mul3A_149 = arith.mulf %add3A_146, %mul3A_148 : vector<512x128xf32>
    %mul3A_150 = arith.constant 0.707106769 : f32
    %mul3A_151 = vector.broadcast %mul3A_150 : f32 to vector<512x128xf32>
    %mul3A_152 = arith.mulf %add3A_146, %mul3A_151 : vector<512x128xf32>
    %sign3A_153 = tpu.bitcast %mul3A_152 : vector<512x128xf32> -> vector<512x128xi32>
    %sign3A_154 = arith.constant -2147483648 : i32
    %sign3A_155 = vector.broadcast %sign3A_154 : i32 to vector<512x128xi32>
    %sign3A_156 = arith.andi %sign3A_153, %sign3A_155 : vector<512x128xi32>
    %sign3A_157 = arith.constant 1065353216 : i32
    %sign3A_158 = vector.broadcast %sign3A_157 : i32 to vector<512x128xi32>
    %sign3A_159 = arith.ori %sign3A_158, %sign3A_156 : vector<512x128xi32>
    %sign3A_160 = tpu.bitcast %sign3A_159 : vector<512x128xi32> -> vector<512x128xf32>
    %sign3A_161 = math.absf %mul3A_152 : vector<512x128xf32>
    %sign3A_162 = arith.constant 0.000000e+00 : f32
    %sign3A_163 = vector.broadcast %sign3A_162 : f32 to vector<512x128xf32>
    %sign3A_164 = arith.cmpf ogt, %sign3A_161, %sign3A_163 : vector<512x128xf32>
    %sign3A_165 = arith.select %sign3A_164, %sign3A_160, %mul3A_152 : vector<512x128xi1>, vector<512x128xf32>
    %abs3A_166 = math.absf %mul3A_152 : vector<512x128xf32>
    %mul3A_167 = arith.constant 0.327591091 : f32
    %mul3A_168 = vector.broadcast %mul3A_167 : f32 to vector<512x128xf32>
    %mul3A_169 = arith.mulf %mul3A_168, %abs3A_166 : vector<512x128xf32>
    %add3A_170 = arith.constant 1.000000e+00 : f32
    %add3A_171 = vector.broadcast %add3A_170 : f32 to vector<512x128xf32>
    %add3A_172 = arith.addf %add3A_171, %mul3A_169 : vector<512x128xf32>
    %div3A_173 = arith.constant 1.000000e+00 : f32
    %div3A_174 = vector.broadcast %div3A_173 : f32 to vector<512x128xf32>
    %div3A_175 = arith.divf %div3A_174, %add3A_172 : vector<512x128xf32>
    %mul3A_176 = arith.constant 1.06140542 : f32
    %mul3A_177 = vector.broadcast %mul3A_176 : f32 to vector<512x128xf32>
    %mul3A_178 = arith.mulf %mul3A_177, %div3A_175 : vector<512x128xf32>
    %add3A_179 = arith.constant -1.45315206 : f32
    %add3A_180 = vector.broadcast %add3A_179 : f32 to vector<512x128xf32>
    %add3A_181 = arith.addf %mul3A_178, %add3A_180 : vector<512x128xf32>
    %mul3A_182 = arith.mulf %add3A_181, %div3A_175 : vector<512x128xf32>
    %add3A_183 = arith.constant 1.42141378 : f32
    %add3A_184 = vector.broadcast %add3A_183 : f32 to vector<512x128xf32>
    %add3A_185 = arith.addf %mul3A_182, %add3A_184 : vector<512x128xf32>
    %mul3A_186 = arith.mulf %add3A_185, %div3A_175 : vector<512x128xf32>
    %add3A_187 = arith.constant -0.284496725 : f32
    %add3A_188 = vector.broadcast %add3A_187 : f32 to vector<512x128xf32>
    %add3A_189 = arith.addf %mul3A_186, %add3A_188 : vector<512x128xf32>
    %mul3A_190 = arith.mulf %add3A_189, %div3A_175 : vector<512x128xf32>
    %add3A_191 = arith.constant 0.254829586 : f32
    %add3A_192 = vector.broadcast %add3A_191 : f32 to vector<512x128xf32>
    %add3A_193 = arith.addf %mul3A_190, %add3A_192 : vector<512x128xf32>
    %mul3A_194 = arith.mulf %add3A_193, %div3A_175 : vector<512x128xf32>
    %neg3A_195 = arith.constant 0.000000e+00 : f32
    %neg3A_196 = vector.broadcast %neg3A_195 : f32 to vector<512x128xf32>
    %neg3A_197 = arith.subf %neg3A_196, %abs3A_166 : vector<512x128xf32>
    %mul3A_198 = arith.mulf %neg3A_197, %abs3A_166 : vector<512x128xf32>
    %exp3A_199 = math.exp %mul3A_198 : vector<512x128xf32>
    %mul3A_200 = arith.mulf %mul3A_194, %exp3A_199 : vector<512x128xf32>
    %sub3A_201 = arith.constant 1.000000e+00 : f32
    %sub3A_202 = vector.broadcast %sub3A_201 : f32 to vector<512x128xf32>
    %sub3A_203 = arith.subf %sub3A_202, %mul3A_200 : vector<512x128xf32>
    %mul3A_204 = arith.mulf %sign3A_165, %sub3A_203 : vector<512x128xf32>
    %add3A_205 = arith.constant 1.000000e+00 : f32
    %add3A_206 = vector.broadcast %add3A_205 : f32 to vector<512x128xf32>
    %add3A_207 = arith.addf %add3A_206, %mul3A_204 : vector<512x128xf32>
    %mul3A_208 = arith.mulf %mul3A_149, %add3A_207 : vector<512x128xf32>
    %swap3A_209 = arith.constant 1 : index
    %swap3A_210 = arith.constant 0 : index
    %swap3A_211 = arith.constant 0 : index
    %swap3A_212 = vector.load %arg6[%swap3A_209, %swap3A_210, %swap3A_211] : memref<3x512x128xf32, #tpu.memory_space<vmem>>, vector<1x512x128xf32>
    %swap3A_213 = vector.shape_cast %swap3A_212 : vector<1x512x128xf32> to vector<512x128xf32>
    %swap3A_214 = vector.shape_cast %mul3A_208 : vector<512x128xf32> to vector<1x512x128xf32>
    tpu.vector_store %arg6[%swap3A_209, %swap3A_210, %swap3A_211], %swap3A_214 {strides = array<i32>} : memref<3x512x128xf32, #tpu.memory_space<vmem>>, vector<1x512x128xf32>,
    %get3A_215 = arith.constant 2 : index
    %get3A_216 = arith.constant 0 : index
    %get3A_217 = arith.constant 0 : index
    %get3A_218 = vector.load %arg1[%get3A_215, %get3A_216, %get3A_217] : memref<3x512x128xf32, #tpu.memory_space<vmem>>, vector<1x512x128xf32>
    %get3A_219 = vector.shape_cast %get3A_218 : vector<1x512x128xf32> to vector<512x128xf32>
    %get3A_220 = arith.constant 2 : index
    %get3A_221 = arith.constant 0 : index
    %get3A_222 = arith.constant 0 : index
    %get3A_223 = vector.load %arg2[%get3A_220, %get3A_221, %get3A_222] : memref<3x1x128xf32, #tpu.memory_space<vmem>>, vector<1x1x128xf32>
    %get3A_224 = vector.shape_cast %get3A_223 : vector<1x1x128xf32> to vector<1x128xf32>
    %div3A_225 = arith.constant 1.000000e+04 : f32
    %div3A_226 = vector.broadcast %div3A_225 : f32 to vector<1x128xf32>
    %div3A_227 = arith.divf %get3A_224, %div3A_226 : vector<1x128xf32>
    %get3A_228 = arith.constant 2 : index
    %get3A_229 = arith.constant 0 : index
    %get3A_230 = arith.constant 0 : index
    %get3A_231 = vector.load %arg3[%get3A_228, %get3A_229, %get3A_230] : memref<3x1x128xf32, #tpu.memory_space<vmem>>, vector<1x1x128xf32>
    %get3A_232 = vector.shape_cast %get3A_231 : vector<1x1x128xf32> to vector<1x128xf32>
    %div3A_233 = arith.constant 1.000000e+04 : f32
    %div3A_234 = vector.broadcast %div3A_233 : f32 to vector<1x128xf32>
    %div3A_235 = arith.divf %get3A_232, %div3A_234 : vector<1x128xf32>
    %mul3A_236 = arith.mulf %div3A_227, %div3A_227 : vector<1x128xf32>
    %sub3A_237 = arith.subf %div3A_235, %mul3A_236 : vector<1x128xf32>
    %add3A_238 = arith.constant 9.99999974E-6 : f32
    %add3A_239 = vector.broadcast %add3A_238 : f32 to vector<1x128xf32>
    %add3A_240 = arith.addf %sub3A_237, %add3A_239 : vector<1x128xf32>
    %rsqrt3A_241 = math.rsqrt %add3A_240 : vector<1x128xf32>
    %sub3A_242 = vector.broadcast %div3A_227 : vector<1x128xf32> to vector<512x128xf32>
    %sub3A_243 = arith.subf %get3A_219, %sub3A_242 : vector<512x128xf32>
    %mul3A_244 = vector.broadcast %rsqrt3A_241 : vector<1x128xf32> to vector<512x128xf32>
    %mul3A_245 = arith.mulf %sub3A_243, %mul3A_244 : vector<512x128xf32>
    %get3A_246 = arith.constant 2 : index
    %get3A_247 = arith.constant 0 : index
    %get3A_248 = arith.constant 0 : index
    %get3A_249 = vector.load %arg4[%get3A_246, %get3A_247, %get3A_248] : memref<3x1x128xf32, #tpu.memory_space<vmem>>, vector<1x1x128xf32>
    %get3A_250 = vector.shape_cast %get3A_249 : vector<1x1x128xf32> to vector<1x128xf32>
    %mul3A_251 = vector.broadcast %get3A_250 : vector<1x128xf32> to vector<512x128xf32>
    %mul3A_252 = arith.mulf %mul3A_245, %mul3A_251 : vector<512x128xf32>
    %get3A_253 = arith.constant 2 : index
    %get3A_254 = arith.constant 0 : index
    %get3A_255 = arith.constant 0 : index
    %get3A_256 = vector.load %arg5[%get3A_253, %get3A_254, %get3A_255] : memref<3x1x128xf32, #tpu.memory_space<vmem>>, vector<1x1x128xf32>
    %get3A_257 = vector.shape_cast %get3A_256 : vector<1x1x128xf32> to vector<1x128xf32>
    %add3A_258 = vector.broadcast %get3A_257 : vector<1x128xf32> to vector<512x128xf32>
    %add3A_259 = arith.addf %mul3A_252, %add3A_258 : vector<512x128xf32>
    %mul3A_260 = arith.constant 5.000000e-01 : f32
    %mul3A_261 = vector.broadcast %mul3A_260 : f32 to vector<512x128xf32>
    %mul3A_262 = arith.mulf %add3A_259, %mul3A_261 : vector<512x128xf32>
    %mul3A_263 = arith.constant 0.707106769 : f32
    %mul3A_264 = vector.broadcast %mul3A_263 : f32 to vector<512x128xf32>
    %mul3A_265 = arith.mulf %add3A_259, %mul3A_264 : vector<512x128xf32>
    %sign3A_266 = tpu.bitcast %mul3A_265 : vector<512x128xf32> -> vector<512x128xi32>
    %sign3A_267 = arith.constant -2147483648 : i32
    %sign3A_268 = vector.broadcast %sign3A_267 : i32 to vector<512x128xi32>
    %sign3A_269 = arith.andi %sign3A_266, %sign3A_268 : vector<512x128xi32>
    %sign3A_270 = arith.constant 1065353216 : i32
    %sign3A_271 = vector.broadcast %sign3A_270 : i32 to vector<512x128xi32>
    %sign3A_272 = arith.ori %sign3A_271, %sign3A_269 : vector<512x128xi32>
    %sign3A_273 = tpu.bitcast %sign3A_272 : vector<512x128xi32> -> vector<512x128xf32>
    %sign3A_274 = math.absf %mul3A_265 : vector<512x128xf32>
    %sign3A_275 = arith.constant 0.000000e+00 : f32
    %sign3A_276 = vector.broadcast %sign3A_275 : f32 to vector<512x128xf32>
    %sign3A_277 = arith.cmpf ogt, %sign3A_274, %sign3A_276 : vector<512x128xf32>
    %sign3A_278 = arith.select %sign3A_277, %sign3A_273, %mul3A_265 : vector<512x128xi1>, vector<512x128xf32>
    %abs3A_279 = math.absf %mul3A_265 : vector<512x128xf32>
    %mul3A_280 = arith.constant 0.327591091 : f32
    %mul3A_281 = vector.broadcast %mul3A_280 : f32 to vector<512x128xf32>
    %mul3A_282 = arith.mulf %mul3A_281, %abs3A_279 : vector<512x128xf32>
    %add3A_283 = arith.constant 1.000000e+00 : f32
    %add3A_284 = vector.broadcast %add3A_283 : f32 to vector<512x128xf32>
    %add3A_285 = arith.addf %add3A_284, %mul3A_282 : vector<512x128xf32>
    %div3A_286 = arith.constant 1.000000e+00 : f32
    %div3A_287 = vector.broadcast %div3A_286 : f32 to vector<512x128xf32>
    %div3A_288 = arith.divf %div3A_287, %add3A_285 : vector<512x128xf32>
    %mul3A_289 = arith.constant 1.06140542 : f32
    %mul3A_290 = vector.broadcast %mul3A_289 : f32 to vector<512x128xf32>
    %mul3A_291 = arith.mulf %mul3A_290, %div3A_288 : vector<512x128xf32>
    %add3A_292 = arith.constant -1.45315206 : f32
    %add3A_293 = vector.broadcast %add3A_292 : f32 to vector<512x128xf32>
    %add3A_294 = arith.addf %mul3A_291, %add3A_293 : vector<512x128xf32>
    %mul3A_295 = arith.mulf %add3A_294, %div3A_288 : vector<512x128xf32>
    %add3A_296 = arith.constant 1.42141378 : f32
    %add3A_297 = vector.broadcast %add3A_296 : f32 to vector<512x128xf32>
    %add3A_298 = arith.addf %mul3A_295, %add3A_297 : vector<512x128xf32>
    %mul3A_299 = arith.mulf %add3A_298, %div3A_288 : vector<512x128xf32>
    %add3A_300 = arith.constant -0.284496725 : f32
    %add3A_301 = vector.broadcast %add3A_300 : f32 to vector<512x128xf32>
    %add3A_302 = arith.addf %mul3A_299, %add3A_301 : vector<512x128xf32>
    %mul3A_303 = arith.mulf %add3A_302, %div3A_288 : vector<512x128xf32>
    %add3A_304 = arith.constant 0.254829586 : f32
    %add3A_305 = vector.broadcast %add3A_304 : f32 to vector<512x128xf32>
    %add3A_306 = arith.addf %mul3A_303, %add3A_305 : vector<512x128xf32>
    %mul3A_307 = arith.mulf %add3A_306, %div3A_288 : vector<512x128xf32>
    %neg3A_308 = arith.constant 0.000000e+00 : f32
    %neg3A_309 = vector.broadcast %neg3A_308 : f32 to vector<512x128xf32>
    %neg3A_310 = arith.subf %neg3A_309, %abs3A_279 : vector<512x128xf32>
    %mul3A_311 = arith.mulf %neg3A_310, %abs3A_279 : vector<512x128xf32>
    %exp3A_312 = math.exp %mul3A_311 : vector<512x128xf32>
    %mul3A_313 = arith.mulf %mul3A_307, %exp3A_312 : vector<512x128xf32>
    %sub3A_314 = arith.constant 1.000000e+00 : f32
    %sub3A_315 = vector.broadcast %sub3A_314 : f32 to vector<512x128xf32>
    %sub3A_316 = arith.subf %sub3A_315, %mul3A_313 : vector<512x128xf32>
    %mul3A_317 = arith.mulf %sign3A_278, %sub3A_316 : vector<512x128xf32>
    %add3A_318 = arith.constant 1.000000e+00 : f32
    %add3A_319 = vector.broadcast %add3A_318 : f32 to vector<512x128xf32>
    %add3A_320 = arith.addf %add3A_319, %mul3A_317 : vector<512x128xf32>
    %mul3A_321 = arith.mulf %mul3A_262, %add3A_320 : vector<512x128xf32>
    %swap3A_322 = arith.constant 2 : index
    %swap3A_323 = arith.constant 0 : index
    %swap3A_324 = arith.constant 0 : index
    %swap3A_325 = vector.load %arg6[%swap3A_322, %swap3A_323, %swap3A_324] : memref<3x512x128xf32, #tpu.memory_space<vmem>>, vector<1x512x128xf32>
    %swap3A_326 = vector.shape_cast %swap3A_325 : vector<1x512x128xf32> to vector<512x128xf32>
    %swap3A_327 = vector.shape_cast %mul3A_321 : vector<512x128xf32> to vector<1x512x128xf32>
    tpu.vector_store %arg6[%swap3A_322, %swap3A_323, %swap3A_324], %swap3A_327 {strides = array<i32>} : memref<3x512x128xf32, #tpu.memory_space<vmem>>, vector<1x512x128xf32>,
    return
  }
  func.func @transform_0(%arg0: i32) -> (i32, i32, i32) {
    %c0_i32 = arith.constant 0 : i32
    %c0_i32_0 = arith.constant 0 : i32
    %c0_i32_1 = arith.constant 0 : i32
    return %c0_i32, %arg0, %c0_i32_0 : i32, i32, i32
  }
  func.func @transform_1(%arg0: i32) -> (i32, i32, i32) {
    %c0_i32 = arith.constant 0 : i32
    %c0_i32_0 = arith.constant 0 : i32
    %c0_i32_1 = arith.constant 0 : i32
    %c0_i32_2 = arith.constant 0 : i32
    return %c0_i32, %c0_i32_0, %c0_i32_1 : i32, i32, i32
  }
  func.func @transform_2(%arg0: i32) -> (i32, i32, i32) {
    %c0_i32 = arith.constant 0 : i32
    %c0_i32_0 = arith.constant 0 : i32
    %c0_i32_1 = arith.constant 0 : i32
    %c0_i32_2 = arith.constant 0 : i32
    return %c0_i32, %c0_i32_0, %c0_i32_1 : i32, i32, i32
  }
  func.func @transform_3(%arg0: i32) -> (i32, i32, i32) {
    %c0_i32 = arith.constant 0 : i32
    %c0_i32_0 = arith.constant 0 : i32
    %c0_i32_1 = arith.constant 0 : i32
    %c0_i32_2 = arith.constant 0 : i32
    return %c0_i32, %c0_i32_0, %c0_i32_1 : i32, i32, i32
  }
  func.func @transform_4(%arg0: i32) -> (i32, i32, i32) {
    %c0_i32 = arith.constant 0 : i32
    %c0_i32_0 = arith.constant 0 : i32
    %c0_i32_1 = arith.constant 0 : i32
    %c0_i32_2 = arith.constant 0 : i32
    return %c0_i32, %c0_i32_0, %c0_i32_1 : i32, i32, i32
  }
  func.func @transform_5(%arg0: i32) -> (i32, i32, i32) {
    %c0_i32 = arith.constant 0 : i32
    %c0_i32_0 = arith.constant 0 : i32
    %c0_i32_1 = arith.constant 0 : i32
    return %c0_i32, %arg0, %c0_i32_0 : i32, i32, i32
  }
}

</mosaic_0001>

<sc_bundles>
// kernel: kernel.22.cloned.1.call-start
scs
__scs_entry_jumppad:
0x0: {  	(pc) =	sbr.rel $0x88, $3  }
0x1: {  	(tag) =	ssettag $0x0;
	lr =	simm.s32 $0x1  }
0x2: {  	[smem:$0x3F93] =	sst lr;
	_ =	strace $0xD0000000  }
0x3: {  	_ = 	snop  }
0x4: {  	_ = 	snop  }
0x5: {  	_ = 	snop  }
0x6: {  	_ = 	snop  }
0x7: {  	_ = 	snop  }
__scs_overlays_trampoline_lowered:
0x8: {  	[smem:$0x3FA2] =	sst s0  }
0x9: {  	[smem:$0x3FA3] =	sst s1  }
0xa: {  	[smem:$0x3FA4] =	sst s2  }
0xb: {  	[smem:$0x3FA5] =	sst s3  }
0xc: {  	[smem:$0x3FA6] =	sst s4  }
0xd: {  	[smem:$0x3FA7] =	sst s5  }
0xe: {  	[smem:$0x3FA8] =	sst s6  }
0xf: {  	[smem:$0x3FA9] =	sst s7  }
0x10: {  	[smem:$0x3FAA] =	sst s8  }
0x11: {  	[smem:$0x3FAB] =	sst s9;
	s0 =	simm.s32 @!p0 $0x0  }
0x12: {  	s1 =	sld [smem:$0x3F91];
	s0 =	simm.s32 @p0 $0x1  }
0x13: {  	[smem:$0x3FAC] =	sst s0;
	s0 =	simm.s32 @!p1 $0x0  }
0x14: {  	s2 =	sld [smem:$0x3F90];
	s0 =	simm.s32 @p1 $0x1  }
0x15: {  	[smem:$0x3FAD] =	sst s0;
	s0 =	simm.s32 @!p2 $0x0  }
0x16: {  	s3 =	sld [smem:$0x3FDB];
	s0 =	simm.s32 @p2 $0x1  }
0x17: {  	s4 =	simm.s32 $0x1BF5;
	[smem:$0x3FAF] =	sst s0  }
0x18: {  	s0 =	sld [smem:$0x3F92];
	_ =	swait.ge [sflag:s4], $0x0  }
0x19: {  	s7 =	sld [smem:$0x3F93]  }
0x1a: {  	s8 =	sadd.s32 $0xFFFFE003, lr  }
0x1b: {  	s9 =	sadd.s32 $0xFFFFFEF7, lr;
	s5 =	simm.s32 $0xFFFFFFFF;
	p2 =	slt.u32 s8, $0xFFFFF086  }
0x1c: {  	p1 =	slt.u32 s9, $0xF7A;
	s5 =	simm.s32 @!p2 $0x0  }
0x1d: {  	s5 =	simm.s32 @p1 $0x1;
	p0 =	seq.s32 s7, s2  }
0x1e: {  	s7 =	smul.u32 @!p0 $0xF7A, s2;
	p2 =	seq.s32 @!p0 s5, $0x0  }
0x1f: {  	s9 =	smul.u32 $0xF7A, s1;
	s8 =	simm.s32 @!p0 $0x1BF5;
	p2 =	por !p2, p0  }
0x20: {  	[sflag:s8] =	ssyncset.s32 @!p0 $0xFFFFF086;
	s6 =	sadd.s32 @!p0 s3, s7;
	s7 =	simm.s32 @!p0 $0x108  }
0x21: {  	s3 =	sadd.s32 s3, s9;
	s6 =	sadd.s32 @!p0 $0x88, s6;
	s7 =	simm.s32 @p2 $0x1082  }
0x22: {  	[simem:s7], [sflag:s8] =	dma.local @!p0 [hbm:s6], $0xF7A  }
0x23: {  	s9 =	sor.u32 $0xD0000000, s2;
	s6 =	simm.s32 $0x108;
	_ =	swait.ge @!p0 [sflag:s8], $0x0  }
0x24: {  	s3 =	sadd.s32 $0x88, s3;
	s6 =	simm.s32 @!p1 $0x1082;
	[sflag:s4] =	ssyncset.s32 $0xFFFFF086  }
0x25: {  	[simem:s6], [sflag:s4] =	dma.local [hbm:s3], $0xF7A  }
0x26: {  	[smem:$0x3F93] =	sst s1;
	(tag) =	ssettag s2;
	_ =	strace s9  }
0x27: {  	s1 =	sld [smem:$0x3FA3]  }
0x28: {  	s2 =	sld [smem:$0x3FA4]  }
0x29: {  	s4 =	sld [smem:$0x3FA6]  }
0x2a: {  	p0 =	seq.s32 s5, $0x0;
	s5 =	sld [smem:$0x3FA7]  }
0x2b: {  	s6 =	sld [smem:$0x3FA8]  }
0x2c: {  	s7 =	sld [smem:$0x3FA9]  }
0x2d: {  	s3 =	simm.s32 $0x108;
	s8 =	sld [smem:$0x3FAA]  }
0x2e: {  	s3 =	simm.s32 @!p0 $0x1082;
	s9 =	sld [smem:$0x3FAB]  }
0x2f: {  	lr =	sadd.s32 s0, s3;
	s0 =	sld [smem:$0x3FA2]  }
0x30: {  	s3 =	sld [smem:$0x3FA5]  }
0x31: {  	[smem:$0x3FAE] =	sst s10  }
0x32: {  	s10 =	sld [smem:$0x3FAC];
	_ =	sdelay $0x3  }
0x33: {  	p0 =	seq.s32 s10, $0x1;
	s10 =	sld [smem:$0x3FAE];
	_ =	sdelay $0x3  }
0x34: {  	[smem:$0x3FAE] =	sst s10  }
0x35: {  	s10 =	sld [smem:$0x3FAD];
	_ =	sdelay $0x3  }
0x36: {  	p1 =	seq.s32 s10, $0x1;
	s10 =	sld [smem:$0x3FAE];
	_ =	sdelay $0x3  }
0x37: {  	[smem:$0x3FAE] =	sst s10  }
0x38: {  	s10 =	sld [smem:$0x3FAF]  }
0x39: {  	_ = 	snop;
	(pc) =	sbr.ind lr, $3  }
0x3a: {  	_ = 	snop  }
0x3b: {  	_ = 	snop  }
0x3c: {  	p2 =	seq.s32 s10, $0x1;
	s10 =	sld [smem:$0x3FAE]  }
0x3d: {  	_ =	shalt  }
0x3e: {  	_ =	shalt  }
0x3f: {  	_ =	shalt  }
0x40: {  	_ =	shalt  }
0x41: {  	_ =	shalt  }
0x42: {  	_ =	shalt  }
0x43: {  	_ =	shalt  }
0x44: {  	_ =	shalt  }
0x45: {  	_ =	shalt  }
0x46: {  	_ =	shalt  }
0x47: {  	_ =	shalt  }
0x48: {  	_ =	shalt  }
0x49: {  	_ =	shalt  }
0x4a: {  	_ =	shalt  }
0x4b: {  	_ =	shalt  }
0x4c: {  	_ =	shalt  }
0x4d: {  	_ =	shalt  }
0x4e: {  	_ =	shalt  }
0x4f: {  	_ =	shalt  }
0x50: {  	_ =	shalt  }
0x51: {  	_ =	shalt  }
0x52: {  	_ =	shalt  }
0x53: {  	_ =	shalt  }
0x54: {  	_ =	shalt  }
0x55: {  	_ =	shalt  }
0x56: {  	_ =	shalt  }
0x57: {  	_ =	shalt  }
0x58: {  	_ =	shalt  }
0x59: {  	_ =	shalt  }
0x5a: {  	_ =	shalt  }
0x5b: {  	_ =	shalt  }
0x5c: {  	_ =	shalt  }
0x5d: {  	_ =	shalt  }
0x5e: {  	_ =	shalt  }
0x5f: {  	_ =	shalt  }
0x60: {  	_ =	shalt  }
0x61: {  	_ =	shalt  }
0x62: {  	_ =	shalt  }
0x63: {  	_ =	shalt  }
0x64: {  	_ =	shalt  }
0x65: {  	_ =	shalt  }
0x66: {  	_ =	shalt  }
0x67: {  	_ =	shalt  }
0x68: {  	_ =	shalt  }
0x69: {  	_ =	shalt  }
0x6a: {  	_ =	shalt  }
0x6b: {  	_ =	shalt  }
0x6c: {  	_ =	shalt  }
0x6d: {  	_ =	shalt  }
0x6e: {  	_ =	shalt  }
0x6f: {  	_ =	shalt  }
0x70: {  	_ =	shalt  }
0x71: {  	_ =	shalt  }
0x72: {  	_ =	shalt  }
0x73: {  	_ =	shalt  }
0x74: {  	_ =	shalt  }
0x75: {  	_ =	shalt  }
0x76: {  	_ =	shalt  }
0x77: {  	_ =	shalt  }
0x78: {  	_ =	shalt  }
0x79: {  	_ =	shalt  }
0x7a: {  	_ =	shalt  }
0x7b: {  	_ =	shalt  }
0x7c: {  	_ =	shalt  }
0x7d: {  	_ =	shalt  }
0x7e: {  	_ =	shalt  }
0x7f: {  	_ =	shalt  }
0x80: {  	_ =	shalt  }
0x81: {  	_ =	shalt  }
0x82: {  	_ =	shalt  }
0x83: {  	_ =	shalt  }
0x84: {  	_ =	shalt  }
0x85: {  	_ =	shalt  }
0x86: {  	_ =	shalt  }
0x87: {  	_ =	shalt  }
.Lfunc_end0:
.L_simem_size_0:
called_computation_lowered:
.L_overlay_start_0:
0x88: {  	s2 =	sld [smem:$0x3FD9]  }
0x89: {  	s3 =	sld [smem:$0x3FFE];
	_ =	sdelay $0x1  }
0x8a: {  	s1 =	srdreg.scid  }
0x8b: {  	s0 =	sand.u32 $0x1, s1  }
0x8c: {  	s14 =	sshll.u32 s0, $0xA;
	s2 =	sadd.s32 s3, s2  }
0x8d: {  	s2 =	sadd.s32 s2, s14  }
0x8e: {  	[smem:$0x3FBA] =	sst s2  }
0x8f: {  	_ = 	snop  }
0x90: {  	s2 =	sld [smem:$0x3FD0];
	_ =	sdelay $0x2  }
0x91: {  	s15 =	simm.s32 $0xA;
	s4 =	simm.s32 $0x10  }
0x92: {  	[smem:s4], [sflag:s15] =	dma.local [hbm:s2], $0x1  }
0x93: {  	_ =	swait.eq [sflag:s15], $0x1  }
0x94: {  	[sflag:s15] =	ssyncset.done $0x0  }
0x95: {  	s16 =	sld [smem:$0x10];
	[sflag:s15] =	ssyncadd.s32 $0xFFFFFFFF  }
0x96: {  	s17 =	sld [smem:$0x12];
	(tm) =	ssettm $0x1  }
0x97: {  	s18 =	sld [smem:$0x3FFB];
	_ =	sdelay $0x3  }
0x98: {  	_ =	strace s18  }
0x99: {  	s4 =	sld [smem:$0x3FFC];
	_ =	sdelay $0x3  }
0x9a: {  	_ =	strace s4  }
0x9b: {  	s4 =	sld [smem:$0x3FFD];
	_ =	sdelay $0x3  }
0x9c: {  	_ =	strace s4  }
0x9d: {  	_ =	strace $0x8FFFFFFF  }
0x9e: {  	s19 =	sld [smem:$0x3FDB];
	_ =	sdelay $0x1  }
0x9f: {  	s5 =	simm.s32 $_scs_section_size  }
0xa0: {  	s6 =	simm.s32 $_size__tile_overlayer_lowered;
	s7 =	simm.s32 $_tile_overlayer_lowered  }
0xa1: {  	s22 =	simm.s32 $0x1BFF;
	s21 =	sshll.u32 s7, $0x1;
	s4 =	sadd.s32 s5, s19  }
0xa2: {  	s8 =	simm.s32 $0x0;
	s20 =	sshll.u32 s6, $0x1;
	s6 =	sadd.s32 s21, s4  }
0xa3: {  	[timem:s8], [sflag:s22] =	dma.local [hbm:s6], s20  }
0xa4: {  	_ =	swait.ge [sflag:s22], s20  }
0xa5: {  	s5 =	ssub.s32 $0x0, s20;
	[sflag:s22] =	ssyncset.done $0x0  }
0xa6: {  	[sflag:s22] =	ssyncadd.s32 s5;
	_ =	sdelay $0x1  }
0xa7: {  	s23 =	simm.s32 $0x1B8B  }
0xa8: {  	_ =	swait.ge [sflag:s23], $0x1  }
0xa9: {  	[sflag:s23] =	ssyncset.done $0x0  }
0xaa: {  	s25 =	simm.s32 $0x1B8E;
	s24 =	sld [smem:$0x3FFE];
	[sflag:s23] =	ssyncadd.s32 $0xFFFFFFFF  }
0xab: {  	s26 =	simm.s32 $execute0_lowered;
	[smem:$0x3FD2] =	sst s25  }
0xac: {  	s6 =	sshll.u32 s26, $0x1;
	_ =	strace $0x80000046;
	[dreg:$0x1] =	wrdreg $0xFFFFFFFF  }
0xad: {  	s28 =	simm.s32 $_size_execute0_lowered;
	s4 =	sadd.s32 s4, s6;
	[dreg:$0x0] =	wrdreg $0x0  }
0xae: {  	s6 =	sshll.u32 s28, $0x1;
	[dreg:$0x2] =	wrdreg s4  }
0xaf: {  	[dreg:$0x3] =	wrdreg s6  }
0xb0: {  	[dreg:$0x4] =	wrdreg $0xC0  }
0xb1: {  	_ =	task [dreg:s8], $0x5FFFF  }
0xb2: {  	[dreg:$0x1] =	wrdreg $0xFFFFFFFF  }
0xb3: {  	[dreg:$0x0] =	wrdreg $0x60  }
0xb4: {  	[dreg:$0x2] =	wrdreg s16  }
0xb5: {  	[dreg:$0x3] =	wrdreg s24  }
0xb6: {  	[dreg:$0x4] =	wrdreg s17  }
0xb7: {  	[dreg:$0x5] =	wrdreg $0x0  }
0xb8: {  	[dreg:$0x6] =	wrdreg $0x9  }
0xb9: {  	_ =	task.clear_ibuf [dreg:s8], $0x7FFFF;
	_ =	strace $0x90000046  }
0xba: {  	s29 =	simm.s32 $0x9;
	_ =	strace $0x80000048  }
0xbb: {  	_ =	swait.ge [sflag:s29], $0x1  }
0xbc: {  	[sflag:s29] =	ssyncadd.s32 $0xFFFFFFFF  }
0xbd: {  	_ =	strace $0x90000048  }
0xbe: {  	_ =	sfence  }
0xbf: {  	s30 =	sld [smem:$0x0];
	_ =	sdelay $0x2  }
0xc0: {  	s31 =	sshll.u32 s1, $0xD;
	s1 =	sshrl.u32 s1, $0x2  }
0xc1: {  	s3 =	sand.u32 $0x4000, s31;
	s1 =	sadd.s32 s1, s30  }
0xc2: {  	s0 =	sor.u32 s3, s0;
	s1 =	sshll.u32 s1, $0x11  }
0xc3: {  	s0 =	sor.u32 s1, s0  }
0xc4: {  	s0 =	sadd.s32 $0x8F2B, s0  }
0xc5: {  	[sflag:s0] =	ssyncadd.remote.s32 $0x1  }
0xc6: {  	_ =	sfence.sel $0xFFFF  }
0xc7: {  	[dreg:$0x0] =	wrdreg $0xFFFFFFFF;
	(pc) =	sbr.abs _section_cstart, $3  }
0xc8: {  	[dreg:$0x1] =	wrdreg $0xFFFFFFFF  }
0xc9: {  	_ =	task.clear_ibuf [dreg:s8], $0x2FFFF;
	_ =	strace $0x9FFFFFFF  }
0xca: {  	(tm) =	ssettm $0x7FFFFFFF  }
0xcb: {  	_ =	shalt  }
tec
execute0_lowered:
.L_overlay_start_1:
0x0: {  	(tag) =	ssettag $0x1  }
0x1: {  	s7 =	rddreg [dreg:$0x0]  }
0x2: {  	s5 =	rddreg [dreg:$0x1]  }
0x3: {  	s2 =	rddreg [dreg:$0x2]  }
0x4: {  	s0 =	stileid.u32;
	s1 =	srdreg.scid  }
0x5: {  	s3 =	rddreg [dreg:$0x3];
	s4 =	simm.s32 $0x0;
	s14 =	smul.u32 $0x2800, s0  }
0x6: {  	s6 =	sand.u32 $0x1, s1;
	s1 =	rddreg [dreg:$0x4];
	s9 =	smul.u32 $0x50000, s0  }
0x7: {  	[smem:$0x7FF] =	sst s4;
	s12 =	smul.u32 $0x9E0, s0  }
0x8: {  	s30 =	sshll.u32 s0, $0x6;
	s8 =	smul.u32 $0x28000, s6;
	_ =	strace $0x80000047  }
0x9: {  	s11 =	ssub.s32 $0x2, s6;
	s13 =	smul.u32 $0x4F0, s6;
	s6 =	sor.u32 $0x1C01, s30  }
0xa: {  	s10 =	sadd.s32 s14, s5;
	s29 =	sshrl.u32 s11, $0x1;
	s9 =	sshrl.u32 s9, $0x2  }
0xb: {  	s31 =	sadd.s32 s12, s7;
	s12 =	simm.s32 $0x14000;
	s8 =	sadd.s32 s8, s5  }
0xc: {  	s11 =	ssub.s32 s11, s29;
	s9 =	sadd.s32 s9, s3;
	s5 =	sadd.s32 $0x7C00, s10  }
0xd: {  	s10 =	simm.s32 $0x1;
	s15 =	sadd.s32 $0x2FC00, s8;
	s7 =	smax.u32 s11, $0x1  }
0xe: {  	s8 =	sadd.s32 s13, s31;
	s9 =	sshrl.u32 s9, $0x3;
	s11 =	simm.s32 $0x14080  }
0xf: {  	s13 =	simm.s32 $0x80;
	s14 =	sadd.s32 s14, s15;
	s15 =	simm.s32 $0x0  }
.LBB2_1:
0x10: {  	[spmem:s9], [sflag:s6] =	dma.local [hbm:s5], $0x2800  }
0x11: {  	_ =	swait.ge [sflag:s10], $0x2800  }
0x12: {  	[sflag:s10] =	ssyncset.done $0x0  }
0x13: {  	[sflag:s10] =	ssyncadd.s32 $0xFFFFD800  }
0x14: {  	[tilespmem:s11], [sflag:$0x1] =	stream.linear.gather [hbm4b:s2+s4], $0x4000, $0x38;
	[tilespmem:$0x18080] =	vst v63  }
0x15: {  	_ =	swait.ge [sflag:s10], $0x4000  }
0x16: {  	[sflag:s10] =	ssyncset.done $0x0  }
0x17: {  	[sflag:s10] =	ssyncadd.s32 $0xFFFFC000  }
0x18: {  	s16 =	sadd.s32 $0x0, s8;
	[bflag:$0x0] =	sbarrier.arrive $0xFFFF  }
0x19: {  	[tilespmem:s12], [sflag:$0x1] =	stream.linear.gather [hbm4b:s16+s4], $0x80, $0x38;
	[tilespmem:$0x18080] =	vst v63  }
0x1a: {  	_ =	swait.ge [sflag:s10], $0x80  }
0x1b: {  	[sflag:s10] =	ssyncset.done $0x0  }
0x1c: {  	[sflag:s10] =	ssyncadd.s32 $0xFFFFFF80  }
0x1d: {  	[spmem:s3] =	stream.indirect.scatter.add.f32 [tilespmem:s11], [sflag:$0x1], $0x80, s12, s13, $0xb8;
	[tilespmem:$0x18080] =	vst v63  }
0x1e: {  	_ =	swait.ge [sflag:s10], $0x4000  }
0x1f: {  	s17 =	simm.s32 $0x20;
	s16 =	simm.s32 $0x10;
	[sflag:s10] =	ssyncset.done $0x0  }
.LBB2_2:
0x20: {  	s18 =	sadd.s32 s16, s8  }
0x21: {  	[sflag:s10] =	ssyncadd.s32 $0xFFFFC000;
	s16 =	smov.u32 s17;
	s19 =	sadd.s32 $0x10, s17  }
0x22: {  	[tilespmem:s12], [sflag:$0x1] =	stream.linear.gather [hbm4b:s18+s4], $0x80, $0x38;
	[tilespmem:$0x18080] =	vst v63  }
0x23: {  	p0 =	sne.s32 s17, $0x4E0;
	_ =	swait.ge [sflag:s10], $0x80  }
.Ltmp0:
0x24: {  	[sflag:s10] =	ssyncset.done $0x0;
	(pc) =	sbr.rel @p0 .LBB2_2-.Ltmp0, $4  }
0x25: {  	[sflag:s10] =	ssyncadd.s32 $0xFFFFFF80  }
0x26: {  	[spmem:s3] =	stream.indirect.scatter.add.f32 [tilespmem:s11], [sflag:$0x1], $0x80, s12, s13, $0xb8;
	[tilespmem:$0x18080] =	vst v63  }
0x27: {  	_ =	swait.ge [sflag:s10], $0x4000  }
0x28: {  	s17 =	smov.u32 s19;
	[sflag:s10] =	ssyncset.done $0x0  }
0x29: {  	s16 =	sadd.s32 s16, s8;
	[sflag:s10] =	ssyncadd.s32 $0xFFFFC000  }
0x2a: {  	[tilespmem:s12], [sflag:$0x1] =	stream.linear.gather [hbm4b:s16+s4], $0x80, $0x38;
	[tilespmem:$0x18080] =	vst v63  }
0x2b: {  	_ =	swait.ge [sflag:s10], $0x80  }
0x2c: {  	[sflag:s10] =	ssyncset.done $0x0  }
0x2d: {  	[sflag:s10] =	ssyncadd.s32 $0xFFFFFF80  }
0x2e: {  	[spmem:s3] =	stream.indirect.scatter.add.f32 [tilespmem:s11], [sflag:$0x1], $0x80, s12, s13, $0xb8;
	[tilespmem:$0x18080] =	vst v63  }
0x2f: {  	_ =	swait.ge [sflag:s10], $0x4000  }
0x30: {  	s15 =	sadd.s32 $0x1, s15;
	[sflag:s10] =	ssyncset.done $0x0  }
0x31: {  	p0 =	sne.s32 s15, s7;
	[sflag:s10] =	ssyncadd.s32 $0xFFFFC000  }
.Ltmp1:
0x32: {  	[bflag:$0x0] =	sbarrier.arrive $0xFFFF;
	(pc) =	sbr.rel @p0 .LBB2_1-.Ltmp1, $4  }
0x33: {  	[hbm:s14], [sflag:s6] =	dma.local [spmem:s9], $0x2800  }
0x34: {  	_ =	swait.ge [sflag:s10], $0x2800  }
0x35: {  	[sflag:s10] =	ssyncset.done $0x0  }
0x36: {  	[sflag:s10] =	ssyncadd.s32 $0xFFFFD800  }
0x37: {  	_ =	sfence.sel $0x180000  }
0x38: {  	[bflag:$0x0] =	sbarrier.arrive $0xFFFF  }
0x39: {  	p0 =	sne.s32 s0, $0x0;
	_ =	strace $0x90000047  }
0x3a: {  	s0 =	sadd.s32 @!p0 $0x100000, s1;
	[bflag:$0x2] =	sbarrier.arrive $0xFFFF  }
0x3b: {  	[sflag:s0] =	ssyncadd.tile.s32 @!p0 $0x1;
	_ =	shalt  }
.Lfunc_end2:
_tile_overlayer_lowered:
.L_overlay_start_2:
0x3c: {  	(tag) =	ssettag $0x2  }
0x3d: {  	s0 =	rddreg [dreg:$0x0];
	s2 =	stileid.u32  }
0x3e: {  	s1 =	rddreg [dreg:$0x1];
	p0 =	sne.s32 s2, $0x0  }
0x3f: {  	s3 =	rddreg [dreg:$0x2];
	[bflag:$0x3] =	sbarrier.arrive $0xFFFF;
	s2 =	simm.s32 @!p0 $0x1C01  }
0x40: {  	[timem:s3], [sflag:s2] =	dma.local @!p0 [hbm:s0], s1  }
0x41: {  	s0 =	simm.s32 @!p0 $0x1  }
0x42: {  	_ =	swait.ge @!p0 [sflag:s0], s1  }
0x43: {  	s1 =	ssub.s32 @!p0 $0x0, s1;
	[sflag:s0] =	ssyncset.done @!p0 $0x0  }
0x44: {  	[sflag:s0] =	ssyncadd.s32 @!p0 s1  }
0x45: {  	[bflag:$0x3] =	sbarrier.arrive $0xFFFF  }
0x46: {  	_ =	shalt  }

// kernel: kernel.25.cloned.1.call-start
scs
__scs_entry_jumppad:
0x0: {  	(pc) =	sbr.rel $0x88, $3  }
0x1: {  	(tag) =	ssettag $0x0;
	lr =	simm.s32 $0x1  }
0x2: {  	[smem:$0x3F93] =	sst lr;
	_ =	strace $0xD0000000  }
0x3: {  	_ = 	snop  }
0x4: {  	_ = 	snop  }
0x5: {  	_ = 	snop  }
0x6: {  	_ = 	snop  }
0x7: {  	_ = 	snop  }
__scs_overlays_trampoline_lowered:
0x8: {  	[smem:$0x3FA2] =	sst s0  }
0x9: {  	[smem:$0x3FA3] =	sst s1  }
0xa: {  	[smem:$0x3FA4] =	sst s2  }
0xb: {  	[smem:$0x3FA5] =	sst s3  }
0xc: {  	[smem:$0x3FA6] =	sst s4  }
0xd: {  	[smem:$0x3FA7] =	sst s5  }
0xe: {  	[smem:$0x3FA8] =	sst s6  }
0xf: {  	[smem:$0x3FA9] =	sst s7  }
0x10: {  	[smem:$0x3FAA] =	sst s8  }
0x11: {  	[smem:$0x3FAB] =	sst s9;
	s0 =	simm.s32 @!p0 $0x0  }
0x12: {  	s1 =	sld [smem:$0x3F91];
	s0 =	simm.s32 @p0 $0x1  }
0x13: {  	[smem:$0x3FAC] =	sst s0;
	s0 =	simm.s32 @!p1 $0x0  }
0x14: {  	s2 =	sld [smem:$0x3F90];
	s0 =	simm.s32 @p1 $0x1  }
0x15: {  	[smem:$0x3FAD] =	sst s0;
	s0 =	simm.s32 @!p2 $0x0  }
0x16: {  	s3 =	sld [smem:$0x3FDB];
	s0 =	simm.s32 @p2 $0x1  }
0x17: {  	s4 =	simm.s32 $0x1BF5;
	[smem:$0x3FAF] =	sst s0  }
0x18: {  	s0 =	sld [smem:$0x3F92];
	_ =	swait.ge [sflag:s4], $0x0  }
0x19: {  	s7 =	sld [smem:$0x3F93]  }
0x1a: {  	s8 =	sadd.s32 $0xFFFFE003, lr  }
0x1b: {  	s9 =	sadd.s32 $0xFFFFFEF7, lr;
	s5 =	simm.s32 $0xFFFFFFFF;
	p2 =	slt.u32 s8, $0xFFFFF086  }
0x1c: {  	p1 =	slt.u32 s9, $0xF7A;
	s5 =	simm.s32 @!p2 $0x0  }
0x1d: {  	s5 =	simm.s32 @p1 $0x1;
	p0 =	seq.s32 s7, s2  }
0x1e: {  	s7 =	smul.u32 @!p0 $0xF7A, s2;
	p2 =	seq.s32 @!p0 s5, $0x0  }
0x1f: {  	s9 =	smul.u32 $0xF7A, s1;
	s8 =	simm.s32 @!p0 $0x1BF5;
	p2 =	por !p2, p0  }
0x20: {  	[sflag:s8] =	ssyncset.s32 @!p0 $0xFFFFF086;
	s6 =	sadd.s32 @!p0 s3, s7;
	s7 =	simm.s32 @!p0 $0x108  }
0x21: {  	s3 =	sadd.s32 s3, s9;
	s6 =	sadd.s32 @!p0 $0x88, s6;
	s7 =	simm.s32 @p2 $0x1082  }
0x22: {  	[simem:s7], [sflag:s8] =	dma.local @!p0 [hbm:s6], $0xF7A  }
0x23: {  	s9 =	sor.u32 $0xD0000000, s2;
	s6 =	simm.s32 $0x108;
	_ =	swait.ge @!p0 [sflag:s8], $0x0  }
0x24: {  	s3 =	sadd.s32 $0x88, s3;
	s6 =	simm.s32 @!p1 $0x1082;
	[sflag:s4] =	ssyncset.s32 $0xFFFFF086  }
0x25: {  	[simem:s6], [sflag:s4] =	dma.local [hbm:s3], $0xF7A  }
0x26: {  	[smem:$0x3F93] =	sst s1;
	(tag) =	ssettag s2;
	_ =	strace s9  }
0x27: {  	s1 =	sld [smem:$0x3FA3]  }
0x28: {  	s2 =	sld [smem:$0x3FA4]  }
0x29: {  	s4 =	sld [smem:$0x3FA6]  }
0x2a: {  	p0 =	seq.s32 s5, $0x0;
	s5 =	sld [smem:$0x3FA7]  }
0x2b: {  	s6 =	sld [smem:$0x3FA8]  }
0x2c: {  	s7 =	sld [smem:$0x3FA9]  }
0x2d: {  	s3 =	simm.s32 $0x108;
	s8 =	sld [smem:$0x3FAA]  }
0x2e: {  	s3 =	simm.s32 @!p0 $0x1082;
	s9 =	sld [smem:$0x3FAB]  }
0x2f: {  	lr =	sadd.s32 s0, s3;
	s0 =	sld [smem:$0x3FA2]  }
0x30: {  	s3 =	sld [smem:$0x3FA5]  }
0x31: {  	[smem:$0x3FAE] =	sst s10  }
0x32: {  	s10 =	sld [smem:$0x3FAC];
	_ =	sdelay $0x3  }
0x33: {  	p0 =	seq.s32 s10, $0x1;
	s10 =	sld [smem:$0x3FAE];
	_ =	sdelay $0x3  }
0x34: {  	[smem:$0x3FAE] =	sst s10  }
0x35: {  	s10 =	sld [smem:$0x3FAD];
	_ =	sdelay $0x3  }
0x36: {  	p1 =	seq.s32 s10, $0x1;
	s10 =	sld [smem:$0x3FAE];
	_ =	sdelay $0x3  }
0x37: {  	[smem:$0x3FAE] =	sst s10  }
0x38: {  	s10 =	sld [smem:$0x3FAF]  }
0x39: {  	_ = 	snop;
	(pc) =	sbr.ind lr, $3  }
0x3a: {  	_ = 	snop  }
0x3b: {  	_ = 	snop  }
0x3c: {  	p2 =	seq.s32 s10, $0x1;
	s10 =	sld [smem:$0x3FAE]  }
0x3d: {  	_ =	shalt  }
0x3e: {  	_ =	shalt  }
0x3f: {  	_ =	shalt  }
0x40: {  	_ =	shalt  }
0x41: {  	_ =	shalt  }
0x42: {  	_ =	shalt  }
0x43: {  	_ =	shalt  }
0x44: {  	_ =	shalt  }
0x45: {  	_ =	shalt  }
0x46: {  	_ =	shalt  }
0x47: {  	_ =	shalt  }
0x48: {  	_ =	shalt  }
0x49: {  	_ =	shalt  }
0x4a: {  	_ =	shalt  }
0x4b: {  	_ =	shalt  }
0x4c: {  	_ =	shalt  }
0x4d: {  	_ =	shalt  }
0x4e: {  	_ =	shalt  }
0x4f: {  	_ =	shalt  }
0x50: {  	_ =	shalt  }
0x51: {  	_ =	shalt  }
0x52: {  	_ =	shalt  }
0x53: {  	_ =	shalt  }
0x54: {  	_ =	shalt  }
0x55: {  	_ =	shalt  }
0x56: {  	_ =	shalt  }
0x57: {  	_ =	shalt  }
0x58: {  	_ =	shalt  }
0x59: {  	_ =	shalt  }
0x5a: {  	_ =	shalt  }
0x5b: {  	_ =	shalt  }
0x5c: {  	_ =	shalt  }
0x5d: {  	_ =	shalt  }
0x5e: {  	_ =	shalt  }
0x5f: {  	_ =	shalt  }
0x60: {  	_ =	shalt  }
0x61: {  	_ =	shalt  }
0x62: {  	_ =	shalt  }
0x63: {  	_ =	shalt  }
0x64: {  	_ =	shalt  }
0x65: {  	_ =	shalt  }
0x66: {  	_ =	shalt  }
0x67: {  	_ =	shalt  }
0x68: {  	_ =	shalt  }
0x69: {  	_ =	shalt  }
0x6a: {  	_ =	shalt  }
0x6b: {  	_ =	shalt  }
0x6c: {  	_ =	shalt  }
0x6d: {  	_ =	shalt  }
0x6e: {  	_ =	shalt  }
0x6f: {  	_ =	shalt  }
0x70: {  	_ =	shalt  }
0x71: {  	_ =	shalt  }
0x72: {  	_ =	shalt  }
0x73: {  	_ =	shalt  }
0x74: {  	_ =	shalt  }
0x75: {  	_ =	shalt  }
0x76: {  	_ =	shalt  }
0x77: {  	_ =	shalt  }
0x78: {  	_ =	shalt  }
0x79: {  	_ =	shalt  }
0x7a: {  	_ =	shalt  }
0x7b: {  	_ =	shalt  }
0x7c: {  	_ =	shalt  }
0x7d: {  	_ =	shalt  }
0x7e: {  	_ =	shalt  }
0x7f: {  	_ =	shalt  }
0x80: {  	_ =	shalt  }
0x81: {  	_ =	shalt  }
0x82: {  	_ =	shalt  }
0x83: {  	_ =	shalt  }
0x84: {  	_ =	shalt  }
0x85: {  	_ =	shalt  }
0x86: {  	_ =	shalt  }
0x87: {  	_ =	shalt  }
.Lfunc_end0:
.L_simem_size_0:
called_computation.1_lowered:
.L_overlay_start_0:
0x88: {  	s2 =	sld [smem:$0x3FD9]  }
0x89: {  	s3 =	sld [smem:$0x3FFE];
	_ =	sdelay $0x1  }
0x8a: {  	s1 =	srdreg.scid  }
0x8b: {  	s0 =	sand.u32 $0x1, s1  }
0x8c: {  	s14 =	sshll.u32 s0, $0xA;
	s2 =	sadd.s32 s3, s2  }
0x8d: {  	s2 =	sadd.s32 s2, s14  }
0x8e: {  	[smem:$0x3FBA] =	sst s2  }
0x8f: {  	_ = 	snop  }
0x90: {  	s2 =	sld [smem:$0x3FD0];
	_ =	sdelay $0x2  }
0x91: {  	s15 =	simm.s32 $0xA;
	s4 =	simm.s32 $0x10  }
0x92: {  	[smem:s4], [sflag:s15] =	dma.local [hbm:s2], $0x1  }
0x93: {  	_ =	swait.eq [sflag:s15], $0x1  }
0x94: {  	[sflag:s15] =	ssyncset.done $0x0  }
0x95: {  	s16 =	sld [smem:$0x10];
	[sflag:s15] =	ssyncadd.s32 $0xFFFFFFFF  }
0x96: {  	s17 =	sld [smem:$0x11];
	(tm) =	ssettm $0x1  }
0x97: {  	s18 =	sld [smem:$0x3FFB];
	_ =	sdelay $0x3  }
0x98: {  	_ =	strace s18  }
0x99: {  	s4 =	sld [smem:$0x3FFC];
	_ =	sdelay $0x3  }
0x9a: {  	_ =	strace s4  }
0x9b: {  	s4 =	sld [smem:$0x3FFD];
	_ =	sdelay $0x3  }
0x9c: {  	_ =	strace s4  }
0x9d: {  	_ =	strace $0x8FFFFFFF  }
0x9e: {  	s19 =	sld [smem:$0x3FDB];
	_ =	sdelay $0x1  }
0x9f: {  	s5 =	simm.s32 $_scs_section_size  }
0xa0: {  	s6 =	simm.s32 $_size__tile_overlayer_lowered;
	s7 =	simm.s32 $_tile_overlayer_lowered  }
0xa1: {  	s22 =	simm.s32 $0x1BFF;
	s21 =	sshll.u32 s7, $0x1;
	s4 =	sadd.s32 s5, s19  }
0xa2: {  	s8 =	simm.s32 $0x0;
	s20 =	sshll.u32 s6, $0x1;
	s6 =	sadd.s32 s21, s4  }
0xa3: {  	[timem:s8], [sflag:s22] =	dma.local [hbm:s6], s20  }
0xa4: {  	_ =	swait.ge [sflag:s22], s20  }
0xa5: {  	s5 =	ssub.s32 $0x0, s20;
	[sflag:s22] =	ssyncset.done $0x0  }
0xa6: {  	[sflag:s22] =	ssyncadd.s32 s5;
	_ =	sdelay $0x1  }
0xa7: {  	s23 =	simm.s32 $0x1B8B  }
0xa8: {  	_ =	swait.ge [sflag:s23], $0x1  }
0xa9: {  	[sflag:s23] =	ssyncset.done $0x0  }
0xaa: {  	s25 =	simm.s32 $0x1B8E;
	s24 =	sld [smem:$0x3FFE];
	[sflag:s23] =	ssyncadd.s32 $0xFFFFFFFF  }
0xab: {  	s26 =	simm.s32 $execute0_lowered;
	[smem:$0x3FD2] =	sst s25  }
0xac: {  	s6 =	sshll.u32 s26, $0x1;
	_ =	strace $0x80000049;
	[dreg:$0x1] =	wrdreg $0xFFFFFFFF  }
0xad: {  	s28 =	simm.s32 $_size_execute0_lowered;
	s4 =	sadd.s32 s4, s6;
	[dreg:$0x0] =	wrdreg $0x0  }
0xae: {  	s6 =	sshll.u32 s28, $0x1;
	[dreg:$0x2] =	wrdreg s4  }
0xaf: {  	[dreg:$0x3] =	wrdreg s6  }
0xb0: {  	[dreg:$0x4] =	wrdreg $0xC0  }
0xb1: {  	_ =	task [dreg:s8], $0x5FFFF  }
0xb2: {  	[dreg:$0x1] =	wrdreg $0xFFFFFFFF  }
0xb3: {  	[dreg:$0x0] =	wrdreg $0x60  }
0xb4: {  	[dreg:$0x2] =	wrdreg s24  }
0xb5: {  	[dreg:$0x3] =	wrdreg s17  }
0xb6: {  	[dreg:$0x4] =	wrdreg s16  }
0xb7: {  	[dreg:$0x5] =	wrdreg $0x0  }
0xb8: {  	[dreg:$0x6] =	wrdreg $0x9  }
0xb9: {  	_ =	task.clear_ibuf [dreg:s8], $0x7FFFF;
	_ =	strace $0x90000049  }
0xba: {  	s29 =	simm.s32 $0x9;
	_ =	strace $0x8000004B  }
0xbb: {  	_ =	swait.ge [sflag:s29], $0x1  }
0xbc: {  	[sflag:s29] =	ssyncadd.s32 $0xFFFFFFFF  }
0xbd: {  	_ =	strace $0x9000004B  }
0xbe: {  	_ =	sfence  }
0xbf: {  	s30 =	sld [smem:$0x0];
	_ =	sdelay $0x2  }
0xc0: {  	s31 =	sshll.u32 s1, $0xD;
	s1 =	sshrl.u32 s1, $0x2  }
0xc1: {  	s3 =	sand.u32 $0x4000, s31;
	s1 =	sadd.s32 s1, s30  }
0xc2: {  	s0 =	sor.u32 s3, s0;
	s1 =	sshll.u32 s1, $0x11  }
0xc3: {  	s0 =	sor.u32 s1, s0  }
0xc4: {  	s0 =	sadd.s32 $0x8F2B, s0  }
0xc5: {  	[sflag:s0] =	ssyncadd.remote.s32 $0x1  }
0xc6: {  	_ =	sfence.sel $0xFFFF  }
0xc7: {  	[dreg:$0x0] =	wrdreg $0xFFFFFFFF;
	(pc) =	sbr.abs _section_cstart, $3  }
0xc8: {  	[dreg:$0x1] =	wrdreg $0xFFFFFFFF  }
0xc9: {  	_ =	task.clear_ibuf [dreg:s8], $0x2FFFF;
	_ =	strace $0x9FFFFFFF  }
0xca: {  	(tm) =	ssettm $0x7FFFFFFF  }
0xcb: {  	_ =	shalt  }
tec
execute0_lowered:
.L_overlay_start_1:
0x0: {  	(tag) =	ssettag $0x1  }
0x1: {  	s5 =	rddreg [dreg:$0x0]  }
0x2: {  	s7 =	rddreg [dreg:$0x1]  }
0x3: {  	s8 =	rddreg [dreg:$0x2]  }
0x4: {  	s1 =	rddreg [dreg:$0x3]  }
0x5: {  	s0 =	rddreg [dreg:$0x4];
	s3 =	srdreg.scid  }
0x6: {  	s2 =	simm.s32 $0x0;
	s14 =	simm.s32 $0x80;
	s9 =	sand.u32 $0x1, s3  }
0x7: {  	s15 =	simm.s32 $0x14100;
	s3 =	stileid.u32;
	s6 =	smul.u32 $0x28000, s9  }
0x8: {  	s16 =	simm.s32 $0x1;
	[smem:$0x7FF] =	sst s2;
	s11 =	smul.u32 $0x50000, s3  }
0x9: {  	s4 =	sadd.s32 $0x2FC00, s5;
	s12 =	sadd.s32 $0x7C00, s5;
	s17 =	smul.u32 $0x2800, s3  }
0xa: {  	_ =	strace $0x8000004A;
	s10 =	ssub.s32 $0x2, s9;
	s30 =	smul.u32 $0x9E0, s3  }
0xb: {  	p0 =	seq.s32 s9, $0x1;
	s9 =	smul.u32 $0x4F0, s9;
	s13 =	sshrl.u32 s10, $0x1  }
0xc: {  	s31 =	sshll.u32 s3, $0x6;
	s5 =	sadd.s32 s6, s5;
	s28 =	ssub.s32 s10, s13  }
0xd: {  	s29 =	sshrl.u32 s11, $0x2;
	s11 =	smov.u32 s4;
	s8 =	sadd.s32 s30, s8  }
0xe: {  	s13 =	simm.s32 $0x14080;
	s10 =	sadd.s32 s29, s1;
	s18 =	sadd.s32 $0xA7C00, s5  }
0xf: {  	s11 =	smov.u32 @p0 s12;
	s5 =	smax.u32 s28, $0x1;
	s12 =	sadd.s32 s30, s7  }
0x10: {  	s7 =	sor.u32 $0x1C02, s31;
	s8 =	sadd.s32 s9, s8;
	s6 =	sadd.s32 s11, s17  }
0x11: {  	s9 =	sadd.s32 s9, s12;
	s10 =	sshrl.u32 s10, $0x3;
	s11 =	simm.s32 $0x2  }
0x12: {  	s12 =	simm.s32 $0x14000;
	s17 =	sadd.s32 s17, s18;
	s18 =	simm.s32 $0x0  }
.LBB2_1:
0x13: {  	[spmem:s10], [sflag:s7] =	dma.local [hbm:s6], $0x2800  }
0x14: {  	_ =	swait.ge [sflag:s11], $0x2800  }
0x15: {  	[sflag:s11] =	ssyncset.done $0x0  }
0x16: {  	[sflag:s11] =	ssyncadd.s32 $0xFFFFD800  }
0x17: {  	s19 =	sadd.s32 $0x0, s9;
	[bflag:$0x0] =	sbarrier.arrive $0xFFFF  }
0x18: {  	[tilespmem:s12], [sflag:$0x2] =	stream.linear.gather [hbm4b:s19+s2], $0x80, $0x38;
	[tilespmem:$0x18100] =	vst v63  }
0x19: {  	_ =	swait.ge [sflag:s11], $0x80  }
0x1a: {  	[sflag:s11] =	ssyncset.done $0x0  }
0x1b: {  	s31 =	sadd.s32 $0x0, s8;
	[sflag:s11] =	ssyncadd.s32 $0xFFFFFF80  }
0x1c: {  	[tilespmem:s13], [sflag:$0x2] =	stream.linear.gather [hbm4b:s31+s2], $0x80, $0x38;
	[tilespmem:$0x18100] =	vst v63  }
0x1d: {  	_ =	swait.ge [sflag:s11], $0x80  }
0x1e: {  	[sflag:s11] =	ssyncset.done $0x0  }
0x1f: {  	[sflag:s11] =	ssyncadd.s32 $0xFFFFFF80  }
0x20: {  	[tilespmem:s15], [sflag:$0x1] =	stream.indirect.gather [hbm4b:s4+s14], $0x80, s12, s14, $0xb8;
	[tilespmem:$0x18100] =	vst v63  }
0x21: {  	_ =	swait.ge [sflag:s16], $0x4000  }
0x22: {  	[sflag:s16] =	ssyncset.done $0x0  }
0x23: {  	[sflag:s16] =	ssyncadd.s32 $0xFFFFC000  }
0x24: {  	[spmem:s1] =	stream.indirect.scatter.add.f32 [tilespmem:s15], [sflag:$0x2], $0x80, s13, s14, $0xb8;
	[tilespmem:$0x18100] =	vst v63  }
0x25: {  	_ =	swait.ge [sflag:s11], $0x4000  }
0x26: {  	s20 =	simm.s32 $0x20;
	s19 =	simm.s32 $0x10;
	[sflag:s11] =	ssyncset.done $0x0  }
.LBB2_2:
0x27: {  	s21 =	sadd.s32 s19, s9  }
0x28: {  	[sflag:s11] =	ssyncadd.s32 $0xFFFFC000;
	s22 =	smov.u32 s20;
	s23 =	sadd.s32 $0x10, s20  }
0x29: {  	[tilespmem:s12], [sflag:$0x2] =	stream.linear.gather [hbm4b:s21+s2], $0x80, $0x38;
	[tilespmem:$0x18100] =	vst v63  }
0x2a: {  	p0 =	sne.s32 s20, $0x4E0;
	_ =	swait.ge [sflag:s11], $0x80  }
0x2b: {  	[sflag:s11] =	ssyncset.done $0x0  }
0x2c: {  	s20 =	sadd.s32 s19, s8;
	s19 =	smov.u32 s22;
	[sflag:s11] =	ssyncadd.s32 $0xFFFFFF80  }
0x2d: {  	[tilespmem:s13], [sflag:$0x2] =	stream.linear.gather [hbm4b:s20+s2], $0x80, $0x38;
	[tilespmem:$0x18100] =	vst v63  }
0x2e: {  	_ =	swait.ge [sflag:s11], $0x80  }
0x2f: {  	[sflag:s11] =	ssyncset.done $0x0  }
0x30: {  	[sflag:s11] =	ssyncadd.s32 $0xFFFFFF80  }
0x31: {  	[tilespmem:s15], [sflag:$0x1] =	stream.indirect.gather [hbm4b:s4+s14], $0x80, s12, s14, $0xb8;
	[tilespmem:$0x18100] =	vst v63  }
0x32: {  	_ =	swait.ge [sflag:s16], $0x4000  }
.Ltmp0:
0x33: {  	[sflag:s16] =	ssyncset.done $0x0;
	(pc) =	sbr.rel @p0 .LBB2_2-.Ltmp0, $4  }
0x34: {  	[sflag:s16] =	ssyncadd.s32 $0xFFFFC000  }
0x35: {  	[spmem:s1] =	stream.indirect.scatter.add.f32 [tilespmem:s15], [sflag:$0x2], $0x80, s13, s14, $0xb8;
	[tilespmem:$0x18100] =	vst v63  }
0x36: {  	_ =	swait.ge [sflag:s11], $0x4000  }
0x37: {  	s20 =	smov.u32 s23;
	[sflag:s11] =	ssyncset.done $0x0  }
0x38: {  	s20 =	sadd.s32 s19, s9;
	[sflag:s11] =	ssyncadd.s32 $0xFFFFC000  }
0x39: {  	[tilespmem:s12], [sflag:$0x2] =	stream.linear.gather [hbm4b:s20+s2], $0x80, $0x38;
	[tilespmem:$0x18100] =	vst v63  }
0x3a: {  	_ =	swait.ge [sflag:s11], $0x80  }
0x3b: {  	[sflag:s11] =	ssyncset.done $0x0  }
0x3c: {  	s31 =	sadd.s32 s19, s8;
	[sflag:s11] =	ssyncadd.s32 $0xFFFFFF80  }
0x3d: {  	[tilespmem:s13], [sflag:$0x2] =	stream.linear.gather [hbm4b:s31+s2], $0x80, $0x38;
	[tilespmem:$0x18100] =	vst v63  }
0x3e: {  	_ =	swait.ge [sflag:s11], $0x80  }
0x3f: {  	[sflag:s11] =	ssyncset.done $0x0  }
0x40: {  	[sflag:s11] =	ssyncadd.s32 $0xFFFFFF80  }
0x41: {  	[tilespmem:s15], [sflag:$0x1] =	stream.indirect.gather [hbm4b:s4+s14], $0x80, s12, s14, $0xb8;
	[tilespmem:$0x18100] =	vst v63  }
0x42: {  	_ =	swait.ge [sflag:s16], $0x4000  }
0x43: {  	[sflag:s16] =	ssyncset.done $0x0  }
0x44: {  	[sflag:s16] =	ssyncadd.s32 $0xFFFFC000  }
0x45: {  	[spmem:s1] =	stream.indirect.scatter.add.f32 [tilespmem:s15], [sflag:$0x2], $0x80, s13, s14, $0xb8;
	[tilespmem:$0x18100] =	vst v63  }
0x46: {  	_ =	swait.ge [sflag:s11], $0x4000  }
0x47: {  	s18 =	sadd.s32 $0x1, s18;
	[sflag:s11] =	ssyncset.done $0x0  }
0x48: {  	p0 =	sne.s32 s18, s5;
	[sflag:s11] =	ssyncadd.s32 $0xFFFFC000  }
.Ltmp1:
0x49: {  	[bflag:$0x0] =	sbarrier.arrive $0xFFFF;
	(pc) =	sbr.rel @p0 .LBB2_1-.Ltmp1, $4  }
0x4a: {  	[hbm:s17], [sflag:s7] =	dma.local [spmem:s10], $0x2800  }
0x4b: {  	_ =	swait.ge [sflag:s11], $0x2800  }
0x4c: {  	[sflag:s11] =	ssyncset.done $0x0  }
0x4d: {  	[sflag:s11] =	ssyncadd.s32 $0xFFFFD800  }
0x4e: {  	_ =	sfence.sel $0x180000  }
0x4f: {  	[bflag:$0x0] =	sbarrier.arrive $0xFFFF  }
0x50: {  	p0 =	sne.s32 s3, $0x0;
	_ =	strace $0x9000004A  }
0x51: {  	s0 =	sadd.s32 @!p0 $0x100000, s0;
	[bflag:$0x2] =	sbarrier.arrive $0xFFFF  }
0x52: {  	[sflag:s0] =	ssyncadd.tile.s32 @!p0 $0x1;
	_ =	shalt  }
.Lfunc_end2:
_tile_overlayer_lowered:
.L_overlay_start_2:
0x53: {  	(tag) =	ssettag $0x2  }
0x54: {  	s0 =	rddreg [dreg:$0x0];
	s2 =	stileid.u32  }
0x55: {  	s1 =	rddreg [dreg:$0x1];
	p0 =	sne.s32 s2, $0x0  }
0x56: {  	s3 =	rddreg [dreg:$0x2];
	[bflag:$0x3] =	sbarrier.arrive $0xFFFF;
	s2 =	simm.s32 @!p0 $0x1C02  }
0x57: {  	[timem:s3], [sflag:s2] =	dma.local @!p0 [hbm:s0], s1  }
0x58: {  	s0 =	simm.s32 @!p0 $0x2  }
0x59: {  	_ =	swait.ge @!p0 [sflag:s0], s1  }
0x5a: {  	s1 =	ssub.s32 @!p0 $0x0, s1;
	[sflag:s0] =	ssyncset.done @!p0 $0x0  }
0x5b: {  	[sflag:s0] =	ssyncadd.s32 @!p0 s1  }
0x5c: {  	[bflag:$0x3] =	sbarrier.arrive $0xFFFF  }
0x5d: {  	_ =	shalt  }

// kernel: kernel.28.cloned.1.call-start
scs
__scs_entry_jumppad:
0x0: {  	(pc) =	sbr.rel $0x88, $3  }
0x1: {  	(tag) =	ssettag $0x0;
	lr =	simm.s32 $0x1  }
0x2: {  	[smem:$0x3F93] =	sst lr;
	_ =	strace $0xD0000000  }
0x3: {  	_ = 	snop  }
0x4: {  	_ = 	snop  }
0x5: {  	_ = 	snop  }
0x6: {  	_ = 	snop  }
0x7: {  	_ = 	snop  }
__scs_overlays_trampoline_lowered:
0x8: {  	[smem:$0x3FA2] =	sst s0  }
0x9: {  	[smem:$0x3FA3] =	sst s1  }
0xa: {  	[smem:$0x3FA4] =	sst s2  }
0xb: {  	[smem:$0x3FA5] =	sst s3  }
0xc: {  	[smem:$0x3FA6] =	sst s4  }
0xd: {  	[smem:$0x3FA7] =	sst s5  }
0xe: {  	[smem:$0x3FA8] =	sst s6  }
0xf: {  	[smem:$0x3FA9] =	sst s7  }
0x10: {  	[smem:$0x3FAA] =	sst s8  }
0x11: {  	[smem:$0x3FAB] =	sst s9;
	s0 =	simm.s32 @!p0 $0x0  }
0x12: {  	s1 =	sld [smem:$0x3F91];
	s0 =	simm.s32 @p0 $0x1  }
0x13: {  	[smem:$0x3FAC] =	sst s0;
	s0 =	simm.s32 @!p1 $0x0  }
0x14: {  	s2 =	sld [smem:$0x3F90];
	s0 =	simm.s32 @p1 $0x1  }
0x15: {  	[smem:$0x3FAD] =	sst s0;
	s0 =	simm.s32 @!p2 $0x0  }
0x16: {  	s3 =	sld [smem:$0x3FDB];
	s0 =	simm.s32 @p2 $0x1  }
0x17: {  	s4 =	simm.s32 $0x1BF5;
	[smem:$0x3FAF] =	sst s0  }
0x18: {  	s0 =	sld [smem:$0x3F92];
	_ =	swait.ge [sflag:s4], $0x0  }
0x19: {  	s7 =	sld [smem:$0x3F93]  }
0x1a: {  	s8 =	sadd.s32 $0xFFFFE003, lr  }
0x1b: {  	s9 =	sadd.s32 $0xFFFFFEF7, lr;
	s5 =	simm.s32 $0xFFFFFFFF;
	p2 =	slt.u32 s8, $0xFFFFF086  }
0x1c: {  	p1 =	slt.u32 s9, $0xF7A;
	s5 =	simm.s32 @!p2 $0x0  }
0x1d: {  	s5 =	simm.s32 @p1 $0x1;
	p0 =	seq.s32 s7, s2  }
0x1e: {  	s7 =	smul.u32 @!p0 $0xF7A, s2;
	p2 =	seq.s32 @!p0 s5, $0x0  }
0x1f: {  	s9 =	smul.u32 $0xF7A, s1;
	s8 =	simm.s32 @!p0 $0x1BF5;
	p2 =	por !p2, p0  }
0x20: {  	[sflag:s8] =	ssyncset.s32 @!p0 $0xFFFFF086;
	s6 =	sadd.s32 @!p0 s3, s7;
	s7 =	simm.s32 @!p0 $0x108  }
0x21: {  	s3 =	sadd.s32 s3, s9;
	s6 =	sadd.s32 @!p0 $0x88, s6;
	s7 =	simm.s32 @p2 $0x1082  }
0x22: {  	[simem:s7], [sflag:s8] =	dma.local @!p0 [hbm:s6], $0xF7A  }
0x23: {  	s9 =	sor.u32 $0xD0000000, s2;
	s6 =	simm.s32 $0x108;
	_ =	swait.ge @!p0 [sflag:s8], $0x0  }
0x24: {  	s3 =	sadd.s32 $0x88, s3;
	s6 =	simm.s32 @!p1 $0x1082;
	[sflag:s4] =	ssyncset.s32 $0xFFFFF086  }
0x25: {  	[simem:s6], [sflag:s4] =	dma.local [hbm:s3], $0xF7A  }
0x26: {  	[smem:$0x3F93] =	sst s1;
	(tag) =	ssettag s2;
	_ =	strace s9  }
0x27: {  	s1 =	sld [smem:$0x3FA3]  }
0x28: {  	s2 =	sld [smem:$0x3FA4]  }
0x29: {  	s4 =	sld [smem:$0x3FA6]  }
0x2a: {  	p0 =	seq.s32 s5, $0x0;
	s5 =	sld [smem:$0x3FA7]  }
0x2b: {  	s6 =	sld [smem:$0x3FA8]  }
0x2c: {  	s7 =	sld [smem:$0x3FA9]  }
0x2d: {  	s3 =	simm.s32 $0x108;
	s8 =	sld [smem:$0x3FAA]  }
0x2e: {  	s3 =	simm.s32 @!p0 $0x1082;
	s9 =	sld [smem:$0x3FAB]  }
0x2f: {  	lr =	sadd.s32 s0, s3;
	s0 =	sld [smem:$0x3FA2]  }
0x30: {  	s3 =	sld [smem:$0x3FA5]  }
0x31: {  	[smem:$0x3FAE] =	sst s10  }
0x32: {  	s10 =	sld [smem:$0x3FAC];
	_ =	sdelay $0x3  }
0x33: {  	p0 =	seq.s32 s10, $0x1;
	s10 =	sld [smem:$0x3FAE];
	_ =	sdelay $0x3  }
0x34: {  	[smem:$0x3FAE] =	sst s10  }
0x35: {  	s10 =	sld [smem:$0x3FAD];
	_ =	sdelay $0x3  }
0x36: {  	p1 =	seq.s32 s10, $0x1;
	s10 =	sld [smem:$0x3FAE];
	_ =	sdelay $0x3  }
0x37: {  	[smem:$0x3FAE] =	sst s10  }
0x38: {  	s10 =	sld [smem:$0x3FAF]  }
0x39: {  	_ = 	snop;
	(pc) =	sbr.ind lr, $3  }
0x3a: {  	_ = 	snop  }
0x3b: {  	_ = 	snop  }
0x3c: {  	p2 =	seq.s32 s10, $0x1;
	s10 =	sld [smem:$0x3FAE]  }
0x3d: {  	_ =	shalt  }
0x3e: {  	_ =	shalt  }
0x3f: {  	_ =	shalt  }
0x40: {  	_ =	shalt  }
0x41: {  	_ =	shalt  }
0x42: {  	_ =	shalt  }
0x43: {  	_ =	shalt  }
0x44: {  	_ =	shalt  }
0x45: {  	_ =	shalt  }
0x46: {  	_ =	shalt  }
0x47: {  	_ =	shalt  }
0x48: {  	_ =	shalt  }
0x49: {  	_ =	shalt  }
0x4a: {  	_ =	shalt  }
0x4b: {  	_ =	shalt  }
0x4c: {  	_ =	shalt  }
0x4d: {  	_ =	shalt  }
0x4e: {  	_ =	shalt  }
0x4f: {  	_ =	shalt  }
0x50: {  	_ =	shalt  }
0x51: {  	_ =	shalt  }
0x52: {  	_ =	shalt  }
0x53: {  	_ =	shalt  }
0x54: {  	_ =	shalt  }
0x55: {  	_ =	shalt  }
0x56: {  	_ =	shalt  }
0x57: {  	_ =	shalt  }
0x58: {  	_ =	shalt  }
0x59: {  	_ =	shalt  }
0x5a: {  	_ =	shalt  }
0x5b: {  	_ =	shalt  }
0x5c: {  	_ =	shalt  }
0x5d: {  	_ =	shalt  }
0x5e: {  	_ =	shalt  }
0x5f: {  	_ =	shalt  }
0x60: {  	_ =	shalt  }
0x61: {  	_ =	shalt  }
0x62: {  	_ =	shalt  }
0x63: {  	_ =	shalt  }
0x64: {  	_ =	shalt  }
0x65: {  	_ =	shalt  }
0x66: {  	_ =	shalt  }
0x67: {  	_ =	shalt  }
0x68: {  	_ =	shalt  }
0x69: {  	_ =	shalt  }
0x6a: {  	_ =	shalt  }
0x6b: {  	_ =	shalt  }
0x6c: {  	_ =	shalt  }
0x6d: {  	_ =	shalt  }
0x6e: {  	_ =	shalt  }
0x6f: {  	_ =	shalt  }
0x70: {  	_ =	shalt  }
0x71: {  	_ =	shalt  }
0x72: {  	_ =	shalt  }
0x73: {  	_ =	shalt  }
0x74: {  	_ =	shalt  }
0x75: {  	_ =	shalt  }
0x76: {  	_ =	shalt  }
0x77: {  	_ =	shalt  }
0x78: {  	_ =	shalt  }
0x79: {  	_ =	shalt  }
0x7a: {  	_ =	shalt  }
0x7b: {  	_ =	shalt  }
0x7c: {  	_ =	shalt  }
0x7d: {  	_ =	shalt  }
0x7e: {  	_ =	shalt  }
0x7f: {  	_ =	shalt  }
0x80: {  	_ =	shalt  }
0x81: {  	_ =	shalt  }
0x82: {  	_ =	shalt  }
0x83: {  	_ =	shalt  }
0x84: {  	_ =	shalt  }
0x85: {  	_ =	shalt  }
0x86: {  	_ =	shalt  }
0x87: {  	_ =	shalt  }
.Lfunc_end0:
.L_simem_size_0:
called_computation.2_lowered:
.L_overlay_start_0:
0x88: {  	s2 =	sld [smem:$0x3FD9]  }
0x89: {  	s3 =	sld [smem:$0x3FFE];
	_ =	sdelay $0x1  }
0x8a: {  	s1 =	srdreg.scid  }
0x8b: {  	s0 =	sand.u32 $0x1, s1  }
0x8c: {  	s14 =	sshll.u32 s0, $0xA;
	s2 =	sadd.s32 s3, s2  }
0x8d: {  	s2 =	sadd.s32 s2, s14  }
0x8e: {  	[smem:$0x3FBA] =	sst s2  }
0x8f: {  	_ = 	snop  }
0x90: {  	s2 =	sld [smem:$0x3FD0];
	_ =	sdelay $0x2  }
0x91: {  	s15 =	simm.s32 $0xA;
	s4 =	simm.s32 $0x10  }
0x92: {  	[smem:s4], [sflag:s15] =	dma.local [hbm:s2], $0x1  }
0x93: {  	_ =	swait.eq [sflag:s15], $0x1  }
0x94: {  	[sflag:s15] =	ssyncset.done $0x0  }
0x95: {  	s16 =	sld [smem:$0x10];
	[sflag:s15] =	ssyncadd.s32 $0xFFFFFFFF  }
0x96: {  	s17 =	sld [smem:$0x11];
	(tm) =	ssettm $0x1  }
0x97: {  	s18 =	sld [smem:$0x3FFB];
	_ =	sdelay $0x3  }
0x98: {  	_ =	strace s18  }
0x99: {  	s4 =	sld [smem:$0x3FFC];
	_ =	sdelay $0x3  }
0x9a: {  	_ =	strace s4  }
0x9b: {  	s4 =	sld [smem:$0x3FFD];
	_ =	sdelay $0x3  }
0x9c: {  	_ =	strace s4  }
0x9d: {  	_ =	strace $0x8FFFFFFF  }
0x9e: {  	s19 =	sld [smem:$0x3FDB];
	_ =	sdelay $0x1  }
0x9f: {  	s5 =	simm.s32 $_scs_section_size  }
0xa0: {  	s6 =	simm.s32 $_size__tile_overlayer_lowered;
	s7 =	simm.s32 $_tile_overlayer_lowered  }
0xa1: {  	s22 =	simm.s32 $0x1BFF;
	s21 =	sshll.u32 s7, $0x1;
	s4 =	sadd.s32 s5, s19  }
0xa2: {  	s8 =	simm.s32 $0x0;
	s20 =	sshll.u32 s6, $0x1;
	s6 =	sadd.s32 s21, s4  }
0xa3: {  	[timem:s8], [sflag:s22] =	dma.local [hbm:s6], s20  }
0xa4: {  	_ =	swait.ge [sflag:s22], s20  }
0xa5: {  	s5 =	ssub.s32 $0x0, s20;
	[sflag:s22] =	ssyncset.done $0x0  }
0xa6: {  	[sflag:s22] =	ssyncadd.s32 s5;
	_ =	sdelay $0x1  }
0xa7: {  	s23 =	simm.s32 $0x1B8B  }
0xa8: {  	_ =	swait.ge [sflag:s23], $0x1  }
0xa9: {  	[sflag:s23] =	ssyncset.done $0x0  }
0xaa: {  	s25 =	simm.s32 $0x1B8E;
	s24 =	sld [smem:$0x3FFE];
	[sflag:s23] =	ssyncadd.s32 $0xFFFFFFFF  }
0xab: {  	s26 =	simm.s32 $execute0_lowered;
	[smem:$0x3FD2] =	sst s25  }
0xac: {  	s6 =	sshll.u32 s26, $0x1;
	_ =	strace $0x8000004C;
	[dreg:$0x1] =	wrdreg $0xFFFFFFFF  }
0xad: {  	s28 =	simm.s32 $_size_execute0_lowered;
	s4 =	sadd.s32 s4, s6;
	[dreg:$0x0] =	wrdreg $0x0  }
0xae: {  	s6 =	sshll.u32 s28, $0x1;
	[dreg:$0x2] =	wrdreg s4  }
0xaf: {  	[dreg:$0x3] =	wrdreg s6  }
0xb0: {  	[dreg:$0x4] =	wrdreg $0xC0  }
0xb1: {  	_ =	task [dreg:s8], $0x5FFFF  }
0xb2: {  	[dreg:$0x1] =	wrdreg $0xFFFFFFFF  }
0xb3: {  	[dreg:$0x0] =	wrdreg $0x60  }
0xb4: {  	[dreg:$0x2] =	wrdreg s24  }
0xb5: {  	[dreg:$0x3] =	wrdreg s17  }
0xb6: {  	[dreg:$0x4] =	wrdreg s16  }
0xb7: {  	[dreg:$0x5] =	wrdreg $0x0  }
0xb8: {  	[dreg:$0x6] =	wrdreg $0x9  }
0xb9: {  	_ =	task.clear_ibuf [dreg:s8], $0x7FFFF;
	_ =	strace $0x9000004C  }
0xba: {  	s29 =	simm.s32 $0x9;
	_ =	strace $0x8000004E  }
0xbb: {  	_ =	swait.ge [sflag:s29], $0x1  }
0xbc: {  	[sflag:s29] =	ssyncadd.s32 $0xFFFFFFFF  }
0xbd: {  	_ =	strace $0x9000004E  }
0xbe: {  	_ =	sfence  }
0xbf: {  	s30 =	sld [smem:$0x0];
	_ =	sdelay $0x2  }
0xc0: {  	s31 =	sshll.u32 s1, $0xD;
	s1 =	sshrl.u32 s1, $0x2  }
0xc1: {  	s3 =	sand.u32 $0x4000, s31;
	s1 =	sadd.s32 s1, s30  }
0xc2: {  	s0 =	sor.u32 s3, s0;
	s1 =	sshll.u32 s1, $0x11  }
0xc3: {  	s0 =	sor.u32 s1, s0  }
0xc4: {  	s0 =	sadd.s32 $0x8F2B, s0  }
0xc5: {  	[sflag:s0] =	ssyncadd.remote.s32 $0x1  }
0xc6: {  	_ =	sfence.sel $0xFFFF  }
0xc7: {  	[dreg:$0x0] =	wrdreg $0xFFFFFFFF;
	(pc) =	sbr.abs _section_cstart, $3  }
0xc8: {  	[dreg:$0x1] =	wrdreg $0xFFFFFFFF  }
0xc9: {  	_ =	task.clear_ibuf [dreg:s8], $0x2FFFF;
	_ =	strace $0x9FFFFFFF  }
0xca: {  	(tm) =	ssettm $0x7FFFFFFF  }
0xcb: {  	_ =	shalt  }
tec
execute0_lowered:
.L_overlay_start_1:
0x0: {  	(tag) =	ssettag $0x1  }
0x1: {  	s5 =	rddreg [dreg:$0x0]  }
0x2: {  	s7 =	rddreg [dreg:$0x1]  }
0x3: {  	s8 =	rddreg [dreg:$0x2]  }
0x4: {  	s1 =	rddreg [dreg:$0x3]  }
0x5: {  	s0 =	rddreg [dreg:$0x4];
	s3 =	srdreg.scid  }
0x6: {  	s2 =	simm.s32 $0x0;
	s14 =	simm.s32 $0x80;
	s9 =	sand.u32 $0x1, s3  }
0x7: {  	s15 =	simm.s32 $0x14100;
	s3 =	stileid.u32;
	s6 =	smul.u32 $0x28000, s9  }
0x8: {  	s16 =	simm.s32 $0x1;
	[smem:$0x7FF] =	sst s2;
	s11 =	smul.u32 $0x50000, s3  }
0x9: {  	s4 =	sadd.s32 $0x2FC00, s5;
	s12 =	sadd.s32 $0x7C00, s5;
	s17 =	smul.u32 $0x2800, s3  }
0xa: {  	_ =	strace $0x8000004D;
	s10 =	ssub.s32 $0x2, s9;
	s30 =	smul.u32 $0x9E0, s3  }
0xb: {  	p0 =	seq.s32 s9, $0x1;
	s9 =	smul.u32 $0x4F0, s9;
	s13 =	sshrl.u32 s10, $0x1  }
0xc: {  	s31 =	sshll.u32 s3, $0x6;
	s5 =	sadd.s32 s6, s5;
	s28 =	ssub.s32 s10, s13  }
0xd: {  	s29 =	sshrl.u32 s11, $0x2;
	s11 =	smov.u32 s4;
	s8 =	sadd.s32 s30, s8  }
0xe: {  	s13 =	simm.s32 $0x14080;
	s10 =	sadd.s32 s29, s1;
	s18 =	sadd.s32 $0xA7C00, s5  }
0xf: {  	s11 =	smov.u32 @p0 s12;
	s5 =	smax.u32 s28, $0x1;
	s12 =	sadd.s32 s30, s7  }
0x10: {  	s7 =	sor.u32 $0x1C02, s31;
	s8 =	sadd.s32 s9, s8;
	s6 =	sadd.s32 s11, s17  }
0x11: {  	s9 =	sadd.s32 s9, s12;
	s10 =	sshrl.u32 s10, $0x3;
	s11 =	simm.s32 $0x2  }
0x12: {  	s12 =	simm.s32 $0x14000;
	s17 =	sadd.s32 s17, s18;
	s18 =	simm.s32 $0x0  }
.LBB2_1:
0x13: {  	[spmem:s10], [sflag:s7] =	dma.local [hbm:s6], $0x2800  }
0x14: {  	_ =	swait.ge [sflag:s11], $0x2800  }
0x15: {  	[sflag:s11] =	ssyncset.done $0x0  }
0x16: {  	[sflag:s11] =	ssyncadd.s32 $0xFFFFD800  }
0x17: {  	s19 =	sadd.s32 $0x0, s9;
	[bflag:$0x0] =	sbarrier.arrive $0xFFFF  }
0x18: {  	[tilespmem:s12], [sflag:$0x2] =	stream.linear.gather [hbm4b:s19+s2], $0x80, $0x38;
	[tilespmem:$0x18100] =	vst v63  }
0x19: {  	_ =	swait.ge [sflag:s11], $0x80  }
0x1a: {  	[sflag:s11] =	ssyncset.done $0x0  }
0x1b: {  	s31 =	sadd.s32 $0x0, s8;
	[sflag:s11] =	ssyncadd.s32 $0xFFFFFF80  }
0x1c: {  	[tilespmem:s13], [sflag:$0x2] =	stream.linear.gather [hbm4b:s31+s2], $0x80, $0x38;
	[tilespmem:$0x18100] =	vst v63  }
0x1d: {  	_ =	swait.ge [sflag:s11], $0x80  }
0x1e: {  	[sflag:s11] =	ssyncset.done $0x0  }
0x1f: {  	[sflag:s11] =	ssyncadd.s32 $0xFFFFFF80  }
0x20: {  	[tilespmem:s15], [sflag:$0x1] =	stream.indirect.gather [hbm4b:s4+s14], $0x80, s12, s14, $0xb8;
	[tilespmem:$0x18100] =	vst v63  }
0x21: {  	_ =	swait.ge [sflag:s16], $0x4000  }
0x22: {  	[sflag:s16] =	ssyncset.done $0x0  }
0x23: {  	[sflag:s16] =	ssyncadd.s32 $0xFFFFC000  }
0x24: {  	[spmem:s1] =	stream.indirect.scatter.add.f32 [tilespmem:s15], [sflag:$0x2], $0x80, s13, s14, $0xb8;
	[tilespmem:$0x18100] =	vst v63  }
0x25: {  	_ =	swait.ge [sflag:s11], $0x4000  }
0x26: {  	s20 =	simm.s32 $0x20;
	s19 =	simm.s32 $0x10;
	[sflag:s11] =	ssyncset.done $0x0  }
.LBB2_2:
0x27: {  	s21 =	sadd.s32 s19, s9  }
0x28: {  	[sflag:s11] =	ssyncadd.s32 $0xFFFFC000;
	s22 =	smov.u32 s20;
	s23 =	sadd.s32 $0x10, s20  }
0x29: {  	[tilespmem:s12], [sflag:$0x2] =	stream.linear.gather [hbm4b:s21+s2], $0x80, $0x38;
	[tilespmem:$0x18100] =	vst v63  }
0x2a: {  	p0 =	sne.s32 s20, $0x4E0;
	_ =	swait.ge [sflag:s11], $0x80  }
0x2b: {  	[sflag:s11] =	ssyncset.done $0x0  }
0x2c: {  	s20 =	sadd.s32 s19, s8;
	s19 =	smov.u32 s22;
	[sflag:s11] =	ssyncadd.s32 $0xFFFFFF80  }
0x2d: {  	[tilespmem:s13], [sflag:$0x2] =	stream.linear.gather [hbm4b:s20+s2], $0x80, $0x38;
	[tilespmem:$0x18100] =	vst v63  }
0x2e: {  	_ =	swait.ge [sflag:s11], $0x80  }
0x2f: {  	[sflag:s11] =	ssyncset.done $0x0  }
0x30: {  	[sflag:s11] =	ssyncadd.s32 $0xFFFFFF80  }
0x31: {  	[tilespmem:s15], [sflag:$0x1] =	stream.indirect.gather [hbm4b:s4+s14], $0x80, s12, s14, $0xb8;
	[tilespmem:$0x18100] =	vst v63  }
0x32: {  	_ =	swait.ge [sflag:s16], $0x4000  }
.Ltmp0:
0x33: {  	[sflag:s16] =	ssyncset.done $0x0;
	(pc) =	sbr.rel @p0 .LBB2_2-.Ltmp0, $4  }
0x34: {  	[sflag:s16] =	ssyncadd.s32 $0xFFFFC000  }
0x35: {  	[spmem:s1] =	stream.indirect.scatter.add.f32 [tilespmem:s15], [sflag:$0x2], $0x80, s13, s14, $0xb8;
	[tilespmem:$0x18100] =	vst v63  }
0x36: {  	_ =	swait.ge [sflag:s11], $0x4000  }
0x37: {  	s20 =	smov.u32 s23;
	[sflag:s11] =	ssyncset.done $0x0  }
0x38: {  	s20 =	sadd.s32 s19, s9;
	[sflag:s11] =	ssyncadd.s32 $0xFFFFC000  }
0x39: {  	[tilespmem:s12], [sflag:$0x2] =	stream.linear.gather [hbm4b:s20+s2], $0x80, $0x38;
	[tilespmem:$0x18100] =	vst v63  }
0x3a: {  	_ =	swait.ge [sflag:s11], $0x80  }
0x3b: {  	[sflag:s11] =	ssyncset.done $0x0  }
0x3c: {  	s31 =	sadd.s32 s19, s8;
	[sflag:s11] =	ssyncadd.s32 $0xFFFFFF80  }
0x3d: {  	[tilespmem:s13], [sflag:$0x2] =	stream.linear.gather [hbm4b:s31+s2], $0x80, $0x38;
	[tilespmem:$0x18100] =	vst v63  }
0x3e: {  	_ =	swait.ge [sflag:s11], $0x80  }
0x3f: {  	[sflag:s11] =	ssyncset.done $0x0  }
0x40: {  	[sflag:s11] =	ssyncadd.s32 $0xFFFFFF80  }
0x41: {  	[tilespmem:s15], [sflag:$0x1] =	stream.indirect.gather [hbm4b:s4+s14], $0x80, s12, s14, $0xb8;
	[tilespmem:$0x18100] =	vst v63  }
0x42: {  	_ =	swait.ge [sflag:s16], $0x4000  }
0x43: {  	[sflag:s16] =	ssyncset.done $0x0  }
0x44: {  	[sflag:s16] =	ssyncadd.s32 $0xFFFFC000  }
0x45: {  	[spmem:s1] =	stream.indirect.scatter.add.f32 [tilespmem:s15], [sflag:$0x2], $0x80, s13, s14, $0xb8;
	[tilespmem:$0x18100] =	vst v63  }
0x46: {  	_ =	swait.ge [sflag:s11], $0x4000  }
0x47: {  	s18 =	sadd.s32 $0x1, s18;
	[sflag:s11] =	ssyncset.done $0x0  }
0x48: {  	p0 =	sne.s32 s18, s5;
	[sflag:s11] =	ssyncadd.s32 $0xFFFFC000  }
.Ltmp1:
0x49: {  	[bflag:$0x0] =	sbarrier.arrive $0xFFFF;
	(pc) =	sbr.rel @p0 .LBB2_1-.Ltmp1, $4  }
0x4a: {  	[hbm:s17], [sflag:s7] =	dma.local [spmem:s10], $0x2800  }
0x4b: {  	_ =	swait.ge [sflag:s11], $0x2800  }
0x4c: {  	[sflag:s11] =	ssyncset.done $0x0  }
0x4d: {  	[sflag:s11] =	ssyncadd.s32 $0xFFFFD800  }
0x4e: {  	_ =	sfence.sel $0x180000  }
0x4f: {  	[bflag:$0x0] =	sbarrier.arrive $0xFFFF  }
0x50: {  	p0 =	sne.s32 s3, $0x0;
	_ =	strace $0x9000004D  }
0x51: {  	s0 =	sadd.s32 @!p0 $0x100000, s0;
	[bflag:$0x2] =	sbarrier.arrive $0xFFFF  }
0x52: {  	[sflag:s0] =	ssyncadd.tile.s32 @!p0 $0x1;
	_ =	shalt  }
.Lfunc_end2:
_tile_overlayer_lowered:
.L_overlay_start_2:
0x53: {  	(tag) =	ssettag $0x2  }
0x54: {  	s0 =	rddreg [dreg:$0x0];
	s2 =	stileid.u32  }
0x55: {  	s1 =	rddreg [dreg:$0x1];
	p0 =	sne.s32 s2, $0x0  }
0x56: {  	s3 =	rddreg [dreg:$0x2];
	[bflag:$0x3] =	sbarrier.arrive $0xFFFF;
	s2 =	simm.s32 @!p0 $0x1C02  }
0x57: {  	[timem:s3], [sflag:s2] =	dma.local @!p0 [hbm:s0], s1  }
0x58: {  	s0 =	simm.s32 @!p0 $0x2  }
0x59: {  	_ =	swait.ge @!p0 [sflag:s0], s1  }
0x5a: {  	s1 =	ssub.s32 @!p0 $0x0, s1;
	[sflag:s0] =	ssyncset.done @!p0 $0x0  }
0x5b: {  	[sflag:s0] =	ssyncadd.s32 @!p0 s1  }
0x5c: {  	[bflag:$0x3] =	sbarrier.arrive $0xFFFF  }
0x5d: {  	_ =	shalt  }

// kernel: kernel.31.cloned.1.call-start
scs
__scs_entry_jumppad:
0x0: {  	(pc) =	sbr.rel $0x88, $3  }
0x1: {  	(tag) =	ssettag $0x0;
	lr =	simm.s32 $0x1  }
0x2: {  	[smem:$0x3F93] =	sst lr;
	_ =	strace $0xD0000000  }
0x3: {  	_ = 	snop  }
0x4: {  	_ = 	snop  }
0x5: {  	_ = 	snop  }
0x6: {  	_ = 	snop  }
0x7: {  	_ = 	snop  }
__scs_overlays_trampoline_lowered:
0x8: {  	[smem:$0x3FA2] =	sst s0  }
0x9: {  	[smem:$0x3FA3] =	sst s1  }
0xa: {  	[smem:$0x3FA4] =	sst s2  }
0xb: {  	[smem:$0x3FA5] =	sst s3  }
0xc: {  	[smem:$0x3FA6] =	sst s4  }
0xd: {  	[smem:$0x3FA7] =	sst s5  }
0xe: {  	[smem:$0x3FA8] =	sst s6  }
0xf: {  	[smem:$0x3FA9] =	sst s7  }
0x10: {  	[smem:$0x3FAA] =	sst s8  }
0x11: {  	[smem:$0x3FAB] =	sst s9;
	s0 =	simm.s32 @!p0 $0x0  }
0x12: {  	s1 =	sld [smem:$0x3F91];
	s0 =	simm.s32 @p0 $0x1  }
0x13: {  	[smem:$0x3FAC] =	sst s0;
	s0 =	simm.s32 @!p1 $0x0  }
0x14: {  	s2 =	sld [smem:$0x3F90];
	s0 =	simm.s32 @p1 $0x1  }
0x15: {  	[smem:$0x3FAD] =	sst s0;
	s0 =	simm.s32 @!p2 $0x0  }
0x16: {  	s3 =	sld [smem:$0x3FDB];
	s0 =	simm.s32 @p2 $0x1  }
0x17: {  	s4 =	simm.s32 $0x1BF5;
	[smem:$0x3FAF] =	sst s0  }
0x18: {  	s0 =	sld [smem:$0x3F92];
	_ =	swait.ge [sflag:s4], $0x0  }
0x19: {  	s7 =	sld [smem:$0x3F93]  }
0x1a: {  	s8 =	sadd.s32 $0xFFFFE003, lr  }
0x1b: {  	s9 =	sadd.s32 $0xFFFFFEF7, lr;
	s5 =	simm.s32 $0xFFFFFFFF;
	p2 =	slt.u32 s8, $0xFFFFF086  }
0x1c: {  	p1 =	slt.u32 s9, $0xF7A;
	s5 =	simm.s32 @!p2 $0x0  }
0x1d: {  	s5 =	simm.s32 @p1 $0x1;
	p0 =	seq.s32 s7, s2  }
0x1e: {  	s7 =	smul.u32 @!p0 $0xF7A, s2;
	p2 =	seq.s32 @!p0 s5, $0x0  }
0x1f: {  	s9 =	smul.u32 $0xF7A, s1;
	s8 =	simm.s32 @!p0 $0x1BF5;
	p2 =	por !p2, p0  }
0x20: {  	[sflag:s8] =	ssyncset.s32 @!p0 $0xFFFFF086;
	s6 =	sadd.s32 @!p0 s3, s7;
	s7 =	simm.s32 @!p0 $0x108  }
0x21: {  	s3 =	sadd.s32 s3, s9;
	s6 =	sadd.s32 @!p0 $0x88, s6;
	s7 =	simm.s32 @p2 $0x1082  }
0x22: {  	[simem:s7], [sflag:s8] =	dma.local @!p0 [hbm:s6], $0xF7A  }
0x23: {  	s9 =	sor.u32 $0xD0000000, s2;
	s6 =	simm.s32 $0x108;
	_ =	swait.ge @!p0 [sflag:s8], $0x0  }
0x24: {  	s3 =	sadd.s32 $0x88, s3;
	s6 =	simm.s32 @!p1 $0x1082;
	[sflag:s4] =	ssyncset.s32 $0xFFFFF086  }
0x25: {  	[simem:s6], [sflag:s4] =	dma.local [hbm:s3], $0xF7A  }
0x26: {  	[smem:$0x3F93] =	sst s1;
	(tag) =	ssettag s2;
	_ =	strace s9  }
0x27: {  	s1 =	sld [smem:$0x3FA3]  }
0x28: {  	s2 =	sld [smem:$0x3FA4]  }
0x29: {  	s4 =	sld [smem:$0x3FA6]  }
0x2a: {  	p0 =	seq.s32 s5, $0x0;
	s5 =	sld [smem:$0x3FA7]  }
0x2b: {  	s6 =	sld [smem:$0x3FA8]  }
0x2c: {  	s7 =	sld [smem:$0x3FA9]  }
0x2d: {  	s3 =	simm.s32 $0x108;
	s8 =	sld [smem:$0x3FAA]  }
0x2e: {  	s3 =	simm.s32 @!p0 $0x1082;
	s9 =	sld [smem:$0x3FAB]  }
0x2f: {  	lr =	sadd.s32 s0, s3;
	s0 =	sld [smem:$0x3FA2]  }
0x30: {  	s3 =	sld [smem:$0x3FA5]  }
0x31: {  	[smem:$0x3FAE] =	sst s10  }
0x32: {  	s10 =	sld [smem:$0x3FAC];
	_ =	sdelay $0x3  }
0x33: {  	p0 =	seq.s32 s10, $0x1;
	s10 =	sld [smem:$0x3FAE];
	_ =	sdelay $0x3  }
0x34: {  	[smem:$0x3FAE] =	sst s10  }
0x35: {  	s10 =	sld [smem:$0x3FAD];
	_ =	sdelay $0x3  }
0x36: {  	p1 =	seq.s32 s10, $0x1;
	s10 =	sld [smem:$0x3FAE];
	_ =	sdelay $0x3  }
0x37: {  	[smem:$0x3FAE] =	sst s10  }
0x38: {  	s10 =	sld [smem:$0x3FAF]  }
0x39: {  	_ = 	snop;
	(pc) =	sbr.ind lr, $3  }
0x3a: {  	_ = 	snop  }
0x3b: {  	_ = 	snop  }
0x3c: {  	p2 =	seq.s32 s10, $0x1;
	s10 =	sld [smem:$0x3FAE]  }
0x3d: {  	_ =	shalt  }
0x3e: {  	_ =	shalt  }
0x3f: {  	_ =	shalt  }
0x40: {  	_ =	shalt  }
0x41: {  	_ =	shalt  }
0x42: {  	_ =	shalt  }
0x43: {  	_ =	shalt  }
0x44: {  	_ =	shalt  }
0x45: {  	_ =	shalt  }
0x46: {  	_ =	shalt  }
0x47: {  	_ =	shalt  }
0x48: {  	_ =	shalt  }
0x49: {  	_ =	shalt  }
0x4a: {  	_ =	shalt  }
0x4b: {  	_ =	shalt  }
0x4c: {  	_ =	shalt  }
0x4d: {  	_ =	shalt  }
0x4e: {  	_ =	shalt  }
0x4f: {  	_ =	shalt  }
0x50: {  	_ =	shalt  }
0x51: {  	_ =	shalt  }
0x52: {  	_ =	shalt  }
0x53: {  	_ =	shalt  }
0x54: {  	_ =	shalt  }
0x55: {  	_ =	shalt  }
0x56: {  	_ =	shalt  }
0x57: {  	_ =	shalt  }
0x58: {  	_ =	shalt  }
0x59: {  	_ =	shalt  }
0x5a: {  	_ =	shalt  }
0x5b: {  	_ =	shalt  }
0x5c: {  	_ =	shalt  }
0x5d: {  	_ =	shalt  }
0x5e: {  	_ =	shalt  }
0x5f: {  	_ =	shalt  }
0x60: {  	_ =	shalt  }
0x61: {  	_ =	shalt  }
0x62: {  	_ =	shalt  }
0x63: {  	_ =	shalt  }
0x64: {  	_ =	shalt  }
0x65: {  	_ =	shalt  }
0x66: {  	_ =	shalt  }
0x67: {  	_ =	shalt  }
0x68: {  	_ =	shalt  }
0x69: {  	_ =	shalt  }
0x6a: {  	_ =	shalt  }
0x6b: {  	_ =	shalt  }
0x6c: {  	_ =	shalt  }
0x6d: {  	_ =	shalt  }
0x6e: {  	_ =	shalt  }
0x6f: {  	_ =	shalt  }
0x70: {  	_ =	shalt  }
0x71: {  	_ =	shalt  }
0x72: {  	_ =	shalt  }
0x73: {  	_ =	shalt  }
0x74: {  	_ =	shalt  }
0x75: {  	_ =	shalt  }
0x76: {  	_ =	shalt  }
0x77: {  	_ =	shalt  }
0x78: {  	_ =	shalt  }
0x79: {  	_ =	shalt  }
0x7a: {  	_ =	shalt  }
0x7b: {  	_ =	shalt  }
0x7c: {  	_ =	shalt  }
0x7d: {  	_ =	shalt  }
0x7e: {  	_ =	shalt  }
0x7f: {  	_ =	shalt  }
0x80: {  	_ =	shalt  }
0x81: {  	_ =	shalt  }
0x82: {  	_ =	shalt  }
0x83: {  	_ =	shalt  }
0x84: {  	_ =	shalt  }
0x85: {  	_ =	shalt  }
0x86: {  	_ =	shalt  }
0x87: {  	_ =	shalt  }
.Lfunc_end0:
.L_simem_size_0:
called_computation.3_lowered:
.L_overlay_start_0:
0x88: {  	s2 =	sld [smem:$0x3FD9]  }
0x89: {  	s3 =	sld [smem:$0x3FFE];
	_ =	sdelay $0x1  }
0x8a: {  	s1 =	srdreg.scid  }
0x8b: {  	s0 =	sand.u32 $0x1, s1  }
0x8c: {  	s14 =	sshll.u32 s0, $0xA;
	s2 =	sadd.s32 s3, s2  }
0x8d: {  	s2 =	sadd.s32 s2, s14  }
0x8e: {  	[smem:$0x3FBA] =	sst s2  }
0x8f: {  	_ = 	snop  }
0x90: {  	s2 =	sld [smem:$0x3FD0];
	_ =	sdelay $0x2  }
0x91: {  	s15 =	simm.s32 $0xA;
	s4 =	simm.s32 $0x10  }
0x92: {  	[smem:s4], [sflag:s15] =	dma.local [hbm:s2], $0x1  }
0x93: {  	_ =	swait.eq [sflag:s15], $0x1  }
0x94: {  	[sflag:s15] =	ssyncset.done $0x0  }
0x95: {  	s16 =	sld [smem:$0x10];
	[sflag:s15] =	ssyncadd.s32 $0xFFFFFFFF  }
0x96: {  	s17 =	sld [smem:$0x11];
	(tm) =	ssettm $0x1  }
0x97: {  	s18 =	sld [smem:$0x3FFB];
	_ =	sdelay $0x3  }
0x98: {  	_ =	strace s18  }
0x99: {  	s4 =	sld [smem:$0x3FFC];
	_ =	sdelay $0x3  }
0x9a: {  	_ =	strace s4  }
0x9b: {  	s4 =	sld [smem:$0x3FFD];
	_ =	sdelay $0x3  }
0x9c: {  	_ =	strace s4  }
0x9d: {  	_ =	strace $0x8FFFFFFF  }
0x9e: {  	s19 =	sld [smem:$0x3FDB];
	_ =	sdelay $0x1  }
0x9f: {  	s5 =	simm.s32 $_scs_section_size  }
0xa0: {  	s6 =	simm.s32 $_size__tile_overlayer_lowered;
	s7 =	simm.s32 $_tile_overlayer_lowered  }
0xa1: {  	s22 =	simm.s32 $0x1BFF;
	s21 =	sshll.u32 s7, $0x1;
	s4 =	sadd.s32 s5, s19  }
0xa2: {  	s8 =	simm.s32 $0x0;
	s20 =	sshll.u32 s6, $0x1;
	s6 =	sadd.s32 s21, s4  }
0xa3: {  	[timem:s8], [sflag:s22] =	dma.local [hbm:s6], s20  }
0xa4: {  	_ =	swait.ge [sflag:s22], s20  }
0xa5: {  	s5 =	ssub.s32 $0x0, s20;
	[sflag:s22] =	ssyncset.done $0x0  }
0xa6: {  	[sflag:s22] =	ssyncadd.s32 s5;
	_ =	sdelay $0x1  }
0xa7: {  	s23 =	simm.s32 $0x1B8B  }
0xa8: {  	_ =	swait.ge [sflag:s23], $0x1  }
0xa9: {  	[sflag:s23] =	ssyncset.done $0x0  }
0xaa: {  	s25 =	simm.s32 $0x1B8E;
	s24 =	sld [smem:$0x3FFE];
	[sflag:s23] =	ssyncadd.s32 $0xFFFFFFFF  }
0xab: {  	s26 =	simm.s32 $execute0_lowered;
	[smem:$0x3FD2] =	sst s25  }
0xac: {  	s6 =	sshll.u32 s26, $0x1;
	_ =	strace $0x8000004F;
	[dreg:$0x1] =	wrdreg $0xFFFFFFFF  }
0xad: {  	s28 =	simm.s32 $_size_execute0_lowered;
	s4 =	sadd.s32 s4, s6;
	[dreg:$0x0] =	wrdreg $0x0  }
0xae: {  	s6 =	sshll.u32 s28, $0x1;
	[dreg:$0x2] =	wrdreg s4  }
0xaf: {  	[dreg:$0x3] =	wrdreg s6  }
0xb0: {  	[dreg:$0x4] =	wrdreg $0xC0  }
0xb1: {  	_ =	task [dreg:s8], $0x5FFFF  }
0xb2: {  	[dreg:$0x1] =	wrdreg $0xFFFFFFFF  }
0xb3: {  	[dreg:$0x0] =	wrdreg $0x60  }
0xb4: {  	[dreg:$0x2] =	wrdreg s24  }
0xb5: {  	[dreg:$0x3] =	wrdreg s17  }
0xb6: {  	[dreg:$0x4] =	wrdreg s16  }
0xb7: {  	[dreg:$0x5] =	wrdreg $0x0  }
0xb8: {  	[dreg:$0x6] =	wrdreg $0x9  }
0xb9: {  	_ =	task.clear_ibuf [dreg:s8], $0x7FFFF;
	_ =	strace $0x9000004F  }
0xba: {  	s29 =	simm.s32 $0x9;
	_ =	strace $0x80000051  }
0xbb: {  	_ =	swait.ge [sflag:s29], $0x1  }
0xbc: {  	[sflag:s29] =	ssyncadd.s32 $0xFFFFFFFF  }
0xbd: {  	_ =	strace $0x90000051  }
0xbe: {  	_ =	sfence  }
0xbf: {  	s30 =	sld [smem:$0x0];
	_ =	sdelay $0x2  }
0xc0: {  	s31 =	sshll.u32 s1, $0xD;
	s1 =	sshrl.u32 s1, $0x2  }
0xc1: {  	s3 =	sand.u32 $0x4000, s31;
	s1 =	sadd.s32 s1, s30  }
0xc2: {  	s0 =	sor.u32 s3, s0;
	s1 =	sshll.u32 s1, $0x11  }
0xc3: {  	s0 =	sor.u32 s1, s0  }
0xc4: {  	s0 =	sadd.s32 $0x8F2B, s0  }
0xc5: {  	[sflag:s0] =	ssyncadd.remote.s32 $0x1  }
0xc6: {  	_ =	sfence.sel $0xFFFF  }
0xc7: {  	[dreg:$0x0] =	wrdreg $0xFFFFFFFF;
	(pc) =	sbr.abs _section_cstart, $3  }
0xc8: {  	[dreg:$0x1] =	wrdreg $0xFFFFFFFF  }
0xc9: {  	_ =	task.clear_ibuf [dreg:s8], $0x2FFFF;
	_ =	strace $0x9FFFFFFF  }
0xca: {  	(tm) =	ssettm $0x7FFFFFFF  }
0xcb: {  	_ =	shalt  }
tec
execute0_lowered:
.L_overlay_start_1:
0x0: {  	(tag) =	ssettag $0x1  }
0x1: {  	s5 =	rddreg [dreg:$0x0]  }
0x2: {  	s7 =	rddreg [dreg:$0x1]  }
0x3: {  	s8 =	rddreg [dreg:$0x2]  }
0x4: {  	s1 =	rddreg [dreg:$0x3]  }
0x5: {  	s0 =	rddreg [dreg:$0x4];
	s3 =	srdreg.scid  }
0x6: {  	s2 =	simm.s32 $0x0;
	s14 =	simm.s32 $0x80;
	s9 =	sand.u32 $0x1, s3  }
0x7: {  	s15 =	simm.s32 $0x14100;
	s3 =	stileid.u32;
	s6 =	smul.u32 $0x28000, s9  }
0x8: {  	s16 =	simm.s32 $0x1;
	[smem:$0x7FF] =	sst s2;
	s11 =	smul.u32 $0x50000, s3  }
0x9: {  	s4 =	sadd.s32 $0x2FC00, s5;
	s12 =	sadd.s32 $0x7C00, s5;
	s17 =	smul.u32 $0x2800, s3  }
0xa: {  	_ =	strace $0x80000050;
	s10 =	ssub.s32 $0x2, s9;
	s30 =	smul.u32 $0x9E0, s3  }
0xb: {  	p0 =	seq.s32 s9, $0x1;
	s9 =	smul.u32 $0x4F0, s9;
	s13 =	sshrl.u32 s10, $0x1  }
0xc: {  	s31 =	sshll.u32 s3, $0x6;
	s5 =	sadd.s32 s6, s5;
	s28 =	ssub.s32 s10, s13  }
0xd: {  	s29 =	sshrl.u32 s11, $0x2;
	s11 =	smov.u32 s4;
	s8 =	sadd.s32 s30, s8  }
0xe: {  	s13 =	simm.s32 $0x14080;
	s10 =	sadd.s32 s29, s1;
	s18 =	sadd.s32 $0xA7C00, s5  }
0xf: {  	s11 =	smov.u32 @p0 s12;
	s5 =	smax.u32 s28, $0x1;
	s12 =	sadd.s32 s30, s7  }
0x10: {  	s7 =	sor.u32 $0x1C02, s31;
	s8 =	sadd.s32 s9, s8;
	s6 =	sadd.s32 s11, s17  }
0x11: {  	s9 =	sadd.s32 s9, s12;
	s10 =	sshrl.u32 s10, $0x3;
	s11 =	simm.s32 $0x2  }
0x12: {  	s12 =	simm.s32 $0x14000;
	s17 =	sadd.s32 s17, s18;
	s18 =	simm.s32 $0x0  }
.LBB2_1:
0x13: {  	[spmem:s10], [sflag:s7] =	dma.local [hbm:s6], $0x2800  }
0x14: {  	_ =	swait.ge [sflag:s11], $0x2800  }
0x15: {  	[sflag:s11] =	ssyncset.done $0x0  }
0x16: {  	[sflag:s11] =	ssyncadd.s32 $0xFFFFD800  }
0x17: {  	s19 =	sadd.s32 $0x0, s9;
	[bflag:$0x0] =	sbarrier.arrive $0xFFFF  }
0x18: {  	[tilespmem:s12], [sflag:$0x2] =	stream.linear.gather [hbm4b:s19+s2], $0x80, $0x38;
	[tilespmem:$0x18100] =	vst v63  }
0x19: {  	_ =	swait.ge [sflag:s11], $0x80  }
0x1a: {  	[sflag:s11] =	ssyncset.done $0x0  }
0x1b: {  	s31 =	sadd.s32 $0x0, s8;
	[sflag:s11] =	ssyncadd.s32 $0xFFFFFF80  }
0x1c: {  	[tilespmem:s13], [sflag:$0x2] =	stream.linear.gather [hbm4b:s31+s2], $0x80, $0x38;
	[tilespmem:$0x18100] =	vst v63  }
0x1d: {  	_ =	swait.ge [sflag:s11], $0x80  }
0x1e: {  	[sflag:s11] =	ssyncset.done $0x0  }
0x1f: {  	[sflag:s11] =	ssyncadd.s32 $0xFFFFFF80  }
0x20: {  	[tilespmem:s15], [sflag:$0x1] =	stream.indirect.gather [hbm4b:s4+s14], $0x80, s12, s14, $0xb8;
	[tilespmem:$0x18100] =	vst v63  }
0x21: {  	_ =	swait.ge [sflag:s16], $0x4000  }
0x22: {  	[sflag:s16] =	ssyncset.done $0x0  }
0x23: {  	[sflag:s16] =	ssyncadd.s32 $0xFFFFC000  }
0x24: {  	[spmem:s1] =	stream.indirect.scatter.add.f32 [tilespmem:s15], [sflag:$0x2], $0x80, s13, s14, $0xb8;
	[tilespmem:$0x18100] =	vst v63  }
0x25: {  	_ =	swait.ge [sflag:s11], $0x4000  }
0x26: {  	s20 =	simm.s32 $0x20;
	s19 =	simm.s32 $0x10;
	[sflag:s11] =	ssyncset.done $0x0  }
.LBB2_2:
0x27: {  	s21 =	sadd.s32 s19, s9  }
0x28: {  	[sflag:s11] =	ssyncadd.s32 $0xFFFFC000;
	s22 =	smov.u32 s20;
	s23 =	sadd.s32 $0x10, s20  }
0x29: {  	[tilespmem:s12], [sflag:$0x2] =	stream.linear.gather [hbm4b:s21+s2], $0x80, $0x38;
	[tilespmem:$0x18100] =	vst v63  }
0x2a: {  	p0 =	sne.s32 s20, $0x4E0;
	_ =	swait.ge [sflag:s11], $0x80  }
0x2b: {  	[sflag:s11] =	ssyncset.done $0x0  }
0x2c: {  	s20 =	sadd.s32 s19, s8;
	s19 =	smov.u32 s22;
	[sflag:s11] =	ssyncadd.s32 $0xFFFFFF80  }
0x2d: {  	[tilespmem:s13], [sflag:$0x2] =	stream.linear.gather [hbm4b:s20+s2], $0x80, $0x38;
	[tilespmem:$0x18100] =	vst v63  }
0x2e: {  	_ =	swait.ge [sflag:s11], $0x80  }
0x2f: {  	[sflag:s11] =	ssyncset.done $0x0  }
0x30: {  	[sflag:s11] =	ssyncadd.s32 $0xFFFFFF80  }
0x31: {  	[tilespmem:s15], [sflag:$0x1] =	stream.indirect.gather [hbm4b:s4+s14], $0x80, s12, s14, $0xb8;
	[tilespmem:$0x18100] =	vst v63  }
0x32: {  	_ =	swait.ge [sflag:s16], $0x4000  }
.Ltmp0:
0x33: {  	[sflag:s16] =	ssyncset.done $0x0;
	(pc) =	sbr.rel @p0 .LBB2_2-.Ltmp0, $4  }
0x34: {  	[sflag:s16] =	ssyncadd.s32 $0xFFFFC000  }
0x35: {  	[spmem:s1] =	stream.indirect.scatter.add.f32 [tilespmem:s15], [sflag:$0x2], $0x80, s13, s14, $0xb8;
	[tilespmem:$0x18100] =	vst v63  }
0x36: {  	_ =	swait.ge [sflag:s11], $0x4000  }
0x37: {  	s20 =	smov.u32 s23;
	[sflag:s11] =	ssyncset.done $0x0  }
0x38: {  	s20 =	sadd.s32 s19, s9;
	[sflag:s11] =	ssyncadd.s32 $0xFFFFC000  }
0x39: {  	[tilespmem:s12], [sflag:$0x2] =	stream.linear.gather [hbm4b:s20+s2], $0x80, $0x38;
	[tilespmem:$0x18100] =	vst v63  }
0x3a: {  	_ =	swait.ge [sflag:s11], $0x80  }
0x3b: {  	[sflag:s11] =	ssyncset.done $0x0  }
0x3c: {  	s31 =	sadd.s32 s19, s8;
	[sflag:s11] =	ssyncadd.s32 $0xFFFFFF80  }
0x3d: {  	[tilespmem:s13], [sflag:$0x2] =	stream.linear.gather [hbm4b:s31+s2], $0x80, $0x38;
	[tilespmem:$0x18100] =	vst v63  }
0x3e: {  	_ =	swait.ge [sflag:s11], $0x80  }
0x3f: {  	[sflag:s11] =	ssyncset.done $0x0  }
0x40: {  	[sflag:s11] =	ssyncadd.s32 $0xFFFFFF80  }
0x41: {  	[tilespmem:s15], [sflag:$0x1] =	stream.indirect.gather [hbm4b:s4+s14], $0x80, s12, s14, $0xb8;
	[tilespmem:$0x18100] =	vst v63  }
0x42: {  	_ =	swait.ge [sflag:s16], $0x4000  }
0x43: {  	[sflag:s16] =	ssyncset.done $0x0  }
0x44: {  	[sflag:s16] =	ssyncadd.s32 $0xFFFFC000  }
0x45: {  	[spmem:s1] =	stream.indirect.scatter.add.f32 [tilespmem:s15], [sflag:$0x2], $0x80, s13, s14, $0xb8;
	[tilespmem:$0x18100] =	vst v63  }
0x46: {  	_ =	swait.ge [sflag:s11], $0x4000  }
0x47: {  	s18 =	sadd.s32 $0x1, s18;
	[sflag:s11] =	ssyncset.done $0x0  }
0x48: {  	p0 =	sne.s32 s18, s5;
	[sflag:s11] =	ssyncadd.s32 $0xFFFFC000  }
.Ltmp1:
0x49: {  	[bflag:$0x0] =	sbarrier.arrive $0xFFFF;
	(pc) =	sbr.rel @p0 .LBB2_1-.Ltmp1, $4  }
0x4a: {  	[hbm:s17], [sflag:s7] =	dma.local [spmem:s10], $0x2800  }
0x4b: {  	_ =	swait.ge [sflag:s11], $0x2800  }
0x4c: {  	[sflag:s11] =	ssyncset.done $0x0  }
0x4d: {  	[sflag:s11] =	ssyncadd.s32 $0xFFFFD800  }
0x4e: {  	_ =	sfence.sel $0x180000  }
0x4f: {  	[bflag:$0x0] =	sbarrier.arrive $0xFFFF  }
0x50: {  	p0 =	sne.s32 s3, $0x0;
	_ =	strace $0x90000050  }
0x51: {  	s0 =	sadd.s32 @!p0 $0x100000, s0;
	[bflag:$0x2] =	sbarrier.arrive $0xFFFF  }
0x52: {  	[sflag:s0] =	ssyncadd.tile.s32 @!p0 $0x1;
	_ =	shalt  }
.Lfunc_end2:
_tile_overlayer_lowered:
.L_overlay_start_2:
0x53: {  	(tag) =	ssettag $0x2  }
0x54: {  	s0 =	rddreg [dreg:$0x0];
	s2 =	stileid.u32  }
0x55: {  	s1 =	rddreg [dreg:$0x1];
	p0 =	sne.s32 s2, $0x0  }
0x56: {  	s3 =	rddreg [dreg:$0x2];
	[bflag:$0x3] =	sbarrier.arrive $0xFFFF;
	s2 =	simm.s32 @!p0 $0x1C02  }
0x57: {  	[timem:s3], [sflag:s2] =	dma.local @!p0 [hbm:s0], s1  }
0x58: {  	s0 =	simm.s32 @!p0 $0x2  }
0x59: {  	_ =	swait.ge @!p0 [sflag:s0], s1  }
0x5a: {  	s1 =	ssub.s32 @!p0 $0x0, s1;
	[sflag:s0] =	ssyncset.done @!p0 $0x0  }
0x5b: {  	[sflag:s0] =	ssyncadd.s32 @!p0 s1  }
0x5c: {  	[bflag:$0x3] =	sbarrier.arrive $0xFFFF  }
0x5d: {  	_ =	shalt  }

// kernel: kernel.34.cloned.1.call-start
scs
__scs_entry_jumppad:
0x0: {  	(pc) =	sbr.rel $0x88, $3  }
0x1: {  	(tag) =	ssettag $0x0;
	lr =	simm.s32 $0x1  }
0x2: {  	[smem:$0x3F93] =	sst lr;
	_ =	strace $0xD0000000  }
0x3: {  	_ = 	snop  }
0x4: {  	_ = 	snop  }
0x5: {  	_ = 	snop  }
0x6: {  	_ = 	snop  }
0x7: {  	_ = 	snop  }
__scs_overlays_trampoline_lowered:
0x8: {  	[smem:$0x3FA2] =	sst s0  }
0x9: {  	[smem:$0x3FA3] =	sst s1  }
0xa: {  	[smem:$0x3FA4] =	sst s2  }
0xb: {  	[smem:$0x3FA5] =	sst s3  }
0xc: {  	[smem:$0x3FA6] =	sst s4  }
0xd: {  	[smem:$0x3FA7] =	sst s5  }
0xe: {  	[smem:$0x3FA8] =	sst s6  }
0xf: {  	[smem:$0x3FA9] =	sst s7  }
0x10: {  	[smem:$0x3FAA] =	sst s8  }
0x11: {  	[smem:$0x3FAB] =	sst s9;
	s0 =	simm.s32 @!p0 $0x0  }
0x12: {  	s1 =	sld [smem:$0x3F91];
	s0 =	simm.s32 @p0 $0x1  }
0x13: {  	[smem:$0x3FAC] =	sst s0;
	s0 =	simm.s32 @!p1 $0x0  }
0x14: {  	s2 =	sld [smem:$0x3F90];
	s0 =	simm.s32 @p1 $0x1  }
0x15: {  	[smem:$0x3FAD] =	sst s0;
	s0 =	simm.s32 @!p2 $0x0  }
0x16: {  	s3 =	sld [smem:$0x3FDB];
	s0 =	simm.s32 @p2 $0x1  }
0x17: {  	s4 =	simm.s32 $0x1BF5;
	[smem:$0x3FAF] =	sst s0  }
0x18: {  	s0 =	sld [smem:$0x3F92];
	_ =	swait.ge [sflag:s4], $0x0  }
0x19: {  	s7 =	sld [smem:$0x3F93]  }
0x1a: {  	s8 =	sadd.s32 $0xFFFFE003, lr  }
0x1b: {  	s9 =	sadd.s32 $0xFFFFFEF7, lr;
	s5 =	simm.s32 $0xFFFFFFFF;
	p2 =	slt.u32 s8, $0xFFFFF086  }
0x1c: {  	p1 =	slt.u32 s9, $0xF7A;
	s5 =	simm.s32 @!p2 $0x0  }
0x1d: {  	s5 =	simm.s32 @p1 $0x1;
	p0 =	seq.s32 s7, s2  }
0x1e: {  	s7 =	smul.u32 @!p0 $0xF7A, s2;
	p2 =	seq.s32 @!p0 s5, $0x0  }
0x1f: {  	s9 =	smul.u32 $0xF7A, s1;
	s8 =	simm.s32 @!p0 $0x1BF5;
	p2 =	por !p2, p0  }
0x20: {  	[sflag:s8] =	ssyncset.s32 @!p0 $0xFFFFF086;
	s6 =	sadd.s32 @!p0 s3, s7;
	s7 =	simm.s32 @!p0 $0x108  }
0x21: {  	s3 =	sadd.s32 s3, s9;
	s6 =	sadd.s32 @!p0 $0x88, s6;
	s7 =	simm.s32 @p2 $0x1082  }
0x22: {  	[simem:s7], [sflag:s8] =	dma.local @!p0 [hbm:s6], $0xF7A  }
0x23: {  	s9 =	sor.u32 $0xD0000000, s2;
	s6 =	simm.s32 $0x108;
	_ =	swait.ge @!p0 [sflag:s8], $0x0  }
0x24: {  	s3 =	sadd.s32 $0x88, s3;
	s6 =	simm.s32 @!p1 $0x1082;
	[sflag:s4] =	ssyncset.s32 $0xFFFFF086  }
0x25: {  	[simem:s6], [sflag:s4] =	dma.local [hbm:s3], $0xF7A  }
0x26: {  	[smem:$0x3F93] =	sst s1;
	(tag) =	ssettag s2;
	_ =	strace s9  }
0x27: {  	s1 =	sld [smem:$0x3FA3]  }
0x28: {  	s2 =	sld [smem:$0x3FA4]  }
0x29: {  	s4 =	sld [smem:$0x3FA6]  }
0x2a: {  	p0 =	seq.s32 s5, $0x0;
	s5 =	sld [smem:$0x3FA7]  }
0x2b: {  	s6 =	sld [smem:$0x3FA8]  }
0x2c: {  	s7 =	sld [smem:$0x3FA9]  }
0x2d: {  	s3 =	simm.s32 $0x108;
	s8 =	sld [smem:$0x3FAA]  }
0x2e: {  	s3 =	simm.s32 @!p0 $0x1082;
	s9 =	sld [smem:$0x3FAB]  }
0x2f: {  	lr =	sadd.s32 s0, s3;
	s0 =	sld [smem:$0x3FA2]  }
0x30: {  	s3 =	sld [smem:$0x3FA5]  }
0x31: {  	[smem:$0x3FAE] =	sst s10  }
0x32: {  	s10 =	sld [smem:$0x3FAC];
	_ =	sdelay $0x3  }
0x33: {  	p0 =	seq.s32 s10, $0x1;
	s10 =	sld [smem:$0x3FAE];
	_ =	sdelay $0x3  }
0x34: {  	[smem:$0x3FAE] =	sst s10  }
0x35: {  	s10 =	sld [smem:$0x3FAD];
	_ =	sdelay $0x3  }
0x36: {  	p1 =	seq.s32 s10, $0x1;
	s10 =	sld [smem:$0x3FAE];
	_ =	sdelay $0x3  }
0x37: {  	[smem:$0x3FAE] =	sst s10  }
0x38: {  	s10 =	sld [smem:$0x3FAF]  }
0x39: {  	_ = 	snop;
	(pc) =	sbr.ind lr, $3  }
0x3a: {  	_ = 	snop  }
0x3b: {  	_ = 	snop  }
0x3c: {  	p2 =	seq.s32 s10, $0x1;
	s10 =	sld [smem:$0x3FAE]  }
0x3d: {  	_ =	shalt  }
0x3e: {  	_ =	shalt  }
0x3f: {  	_ =	shalt  }
0x40: {  	_ =	shalt  }
0x41: {  	_ =	shalt  }
0x42: {  	_ =	shalt  }
0x43: {  	_ =	shalt  }
0x44: {  	_ =	shalt  }
0x45: {  	_ =	shalt  }
0x46: {  	_ =	shalt  }
0x47: {  	_ =	shalt  }
0x48: {  	_ =	shalt  }
0x49: {  	_ =	shalt  }
0x4a: {  	_ =	shalt  }
0x4b: {  	_ =	shalt  }
0x4c: {  	_ =	shalt  }
0x4d: {  	_ =	shalt  }
0x4e: {  	_ =	shalt  }
0x4f: {  	_ =	shalt  }
0x50: {  	_ =	shalt  }
0x51: {  	_ =	shalt  }
0x52: {  	_ =	shalt  }
0x53: {  	_ =	shalt  }
0x54: {  	_ =	shalt  }
0x55: {  	_ =	shalt  }
0x56: {  	_ =	shalt  }
0x57: {  	_ =	shalt  }
0x58: {  	_ =	shalt  }
0x59: {  	_ =	shalt  }
0x5a: {  	_ =	shalt  }
0x5b: {  	_ =	shalt  }
0x5c: {  	_ =	shalt  }
0x5d: {  	_ =	shalt  }
0x5e: {  	_ =	shalt  }
0x5f: {  	_ =	shalt  }
0x60: {  	_ =	shalt  }
0x61: {  	_ =	shalt  }
0x62: {  	_ =	shalt  }
0x63: {  	_ =	shalt  }
0x64: {  	_ =	shalt  }
0x65: {  	_ =	shalt  }
0x66: {  	_ =	shalt  }
0x67: {  	_ =	shalt  }
0x68: {  	_ =	shalt  }
0x69: {  	_ =	shalt  }
0x6a: {  	_ =	shalt  }
0x6b: {  	_ =	shalt  }
0x6c: {  	_ =	shalt  }
0x6d: {  	_ =	shalt  }
0x6e: {  	_ =	shalt  }
0x6f: {  	_ =	shalt  }
0x70: {  	_ =	shalt  }
0x71: {  	_ =	shalt  }
0x72: {  	_ =	shalt  }
0x73: {  	_ =	shalt  }
0x74: {  	_ =	shalt  }
0x75: {  	_ =	shalt  }
0x76: {  	_ =	shalt  }
0x77: {  	_ =	shalt  }
0x78: {  	_ =	shalt  }
0x79: {  	_ =	shalt  }
0x7a: {  	_ =	shalt  }
0x7b: {  	_ =	shalt  }
0x7c: {  	_ =	shalt  }
0x7d: {  	_ =	shalt  }
0x7e: {  	_ =	shalt  }
0x7f: {  	_ =	shalt  }
0x80: {  	_ =	shalt  }
0x81: {  	_ =	shalt  }
0x82: {  	_ =	shalt  }
0x83: {  	_ =	shalt  }
0x84: {  	_ =	shalt  }
0x85: {  	_ =	shalt  }
0x86: {  	_ =	shalt  }
0x87: {  	_ =	shalt  }
.Lfunc_end0:
.L_simem_size_0:
called_computation.4_lowered:
.L_overlay_start_0:
0x88: {  	s2 =	sld [smem:$0x3FD9]  }
0x89: {  	s3 =	sld [smem:$0x3FFE];
	_ =	sdelay $0x1  }
0x8a: {  	s1 =	srdreg.scid  }
0x8b: {  	s0 =	sand.u32 $0x1, s1  }
0x8c: {  	s14 =	sshll.u32 s0, $0xA;
	s2 =	sadd.s32 s3, s2  }
0x8d: {  	s2 =	sadd.s32 s2, s14  }
0x8e: {  	[smem:$0x3FBA] =	sst s2  }
0x8f: {  	_ = 	snop  }
0x90: {  	s2 =	sld [smem:$0x3FD0];
	_ =	sdelay $0x2  }
0x91: {  	s15 =	simm.s32 $0xA;
	s4 =	simm.s32 $0x10  }
0x92: {  	[smem:s4], [sflag:s15] =	dma.local [hbm:s2], $0x1  }
0x93: {  	_ =	swait.eq [sflag:s15], $0x1  }
0x94: {  	[sflag:s15] =	ssyncset.done $0x0  }
0x95: {  	s16 =	sld [smem:$0x10];
	[sflag:s15] =	ssyncadd.s32 $0xFFFFFFFF  }
0x96: {  	s17 =	sld [smem:$0x11];
	(tm) =	ssettm $0x1  }
0x97: {  	s18 =	sld [smem:$0x3FFB];
	_ =	sdelay $0x3  }
0x98: {  	_ =	strace s18  }
0x99: {  	s4 =	sld [smem:$0x3FFC];
	_ =	sdelay $0x3  }
0x9a: {  	_ =	strace s4  }
0x9b: {  	s4 =	sld [smem:$0x3FFD];
	_ =	sdelay $0x3  }
0x9c: {  	_ =	strace s4  }
0x9d: {  	_ =	strace $0x8FFFFFFF  }
0x9e: {  	s19 =	sld [smem:$0x3FDB];
	_ =	sdelay $0x1  }
0x9f: {  	s5 =	simm.s32 $_scs_section_size  }
0xa0: {  	s6 =	simm.s32 $_size__tile_overlayer_lowered;
	s7 =	simm.s32 $_tile_overlayer_lowered  }
0xa1: {  	s22 =	simm.s32 $0x1BFF;
	s21 =	sshll.u32 s7, $0x1;
	s4 =	sadd.s32 s5, s19  }
0xa2: {  	s8 =	simm.s32 $0x0;
	s20 =	sshll.u32 s6, $0x1;
	s6 =	sadd.s32 s21, s4  }
0xa3: {  	[timem:s8], [sflag:s22] =	dma.local [hbm:s6], s20  }
0xa4: {  	_ =	swait.ge [sflag:s22], s20  }
0xa5: {  	s5 =	ssub.s32 $0x0, s20;
	[sflag:s22] =	ssyncset.done $0x0  }
0xa6: {  	[sflag:s22] =	ssyncadd.s32 s5;
	_ =	sdelay $0x1  }
0xa7: {  	s23 =	simm.s32 $0x1B8B  }
0xa8: {  	_ =	swait.ge [sflag:s23], $0x1  }
0xa9: {  	[sflag:s23] =	ssyncset.done $0x0  }
0xaa: {  	s25 =	simm.s32 $0x1B8E;
	s24 =	sld [smem:$0x3FFE];
	[sflag:s23] =	ssyncadd.s32 $0xFFFFFFFF  }
0xab: {  	s26 =	simm.s32 $execute0_lowered;
	[smem:$0x3FD2] =	sst s25  }
0xac: {  	s6 =	sshll.u32 s26, $0x1;
	_ =	strace $0x80000052;
	[dreg:$0x1] =	wrdreg $0xFFFFFFFF  }
0xad: {  	s28 =	simm.s32 $_size_execute0_lowered;
	s4 =	sadd.s32 s4, s6;
	[dreg:$0x0] =	wrdreg $0x0  }
0xae: {  	s6 =	sshll.u32 s28, $0x1;
	[dreg:$0x2] =	wrdreg s4  }
0xaf: {  	[dreg:$0x3] =	wrdreg s6  }
0xb0: {  	[dreg:$0x4] =	wrdreg $0xC0  }
0xb1: {  	_ =	task [dreg:s8], $0x5FFFF  }
0xb2: {  	[dreg:$0x1] =	wrdreg $0xFFFFFFFF  }
0xb3: {  	[dreg:$0x0] =	wrdreg $0x60  }
0xb4: {  	[dreg:$0x2] =	wrdreg s24  }
0xb5: {  	[dreg:$0x3] =	wrdreg s17  }
0xb6: {  	[dreg:$0x4] =	wrdreg s16  }
0xb7: {  	[dreg:$0x5] =	wrdreg $0x0  }
0xb8: {  	[dreg:$0x6] =	wrdreg $0x9  }
0xb9: {  	_ =	task.clear_ibuf [dreg:s8], $0x7FFFF;
	_ =	strace $0x90000052  }
0xba: {  	s29 =	simm.s32 $0x9;
	_ =	strace $0x80000054  }
0xbb: {  	_ =	swait.ge [sflag:s29], $0x1  }
0xbc: {  	[sflag:s29] =	ssyncadd.s32 $0xFFFFFFFF  }
0xbd: {  	_ =	strace $0x90000054  }
0xbe: {  	_ =	sfence  }
0xbf: {  	s30 =	sld [smem:$0x0];
	_ =	sdelay $0x2  }
0xc0: {  	s31 =	sshll.u32 s1, $0xD;
	s1 =	sshrl.u32 s1, $0x2  }
0xc1: {  	s3 =	sand.u32 $0x4000, s31;
	s1 =	sadd.s32 s1, s30  }
0xc2: {  	s0 =	sor.u32 s3, s0;
	s1 =	sshll.u32 s1, $0x11  }
0xc3: {  	s0 =	sor.u32 s1, s0  }
0xc4: {  	s0 =	sadd.s32 $0x8F2B, s0  }
0xc5: {  	[sflag:s0] =	ssyncadd.remote.s32 $0x1  }
0xc6: {  	_ =	sfence.sel $0xFFFF  }
0xc7: {  	[dreg:$0x0] =	wrdreg $0xFFFFFFFF;
	(pc) =	sbr.abs _section_cstart, $3  }
0xc8: {  	[dreg:$0x1] =	wrdreg $0xFFFFFFFF  }
0xc9: {  	_ =	task.clear_ibuf [dreg:s8], $0x2FFFF;
	_ =	strace $0x9FFFFFFF  }
0xca: {  	(tm) =	ssettm $0x7FFFFFFF  }
0xcb: {  	_ =	shalt  }
tec
execute0_lowered:
.L_overlay_start_1:
0x0: {  	(tag) =	ssettag $0x1  }
0x1: {  	s5 =	rddreg [dreg:$0x0]  }
0x2: {  	s7 =	rddreg [dreg:$0x1]  }
0x3: {  	s8 =	rddreg [dreg:$0x2]  }
0x4: {  	s1 =	rddreg [dreg:$0x3]  }
0x5: {  	s0 =	rddreg [dreg:$0x4];
	s3 =	srdreg.scid  }
0x6: {  	s2 =	simm.s32 $0x0;
	s14 =	simm.s32 $0x80;
	s9 =	sand.u32 $0x1, s3  }
0x7: {  	s15 =	simm.s32 $0x14100;
	s3 =	stileid.u32;
	s6 =	smul.u32 $0x28000, s9  }
0x8: {  	s16 =	simm.s32 $0x1;
	[smem:$0x7FF] =	sst s2;
	s11 =	smul.u32 $0x50000, s3  }
0x9: {  	s4 =	sadd.s32 $0x2FC00, s5;
	s12 =	sadd.s32 $0x7C00, s5;
	s17 =	smul.u32 $0x2800, s3  }
0xa: {  	_ =	strace $0x80000053;
	s10 =	ssub.s32 $0x2, s9;
	s30 =	smul.u32 $0x9E0, s3  }
0xb: {  	p0 =	seq.s32 s9, $0x1;
	s9 =	smul.u32 $0x4F0, s9;
	s13 =	sshrl.u32 s10, $0x1  }
0xc: {  	s31 =	sshll.u32 s3, $0x6;
	s5 =	sadd.s32 s6, s5;
	s28 =	ssub.s32 s10, s13  }
0xd: {  	s29 =	sshrl.u32 s11, $0x2;
	s11 =	smov.u32 s4;
	s8 =	sadd.s32 s30, s8  }
0xe: {  	s13 =	simm.s32 $0x14080;
	s10 =	sadd.s32 s29, s1;
	s18 =	sadd.s32 $0xA7C00, s5  }
0xf: {  	s11 =	smov.u32 @p0 s12;
	s5 =	smax.u32 s28, $0x1;
	s12 =	sadd.s32 s30, s7  }
0x10: {  	s7 =	sor.u32 $0x1C02, s31;
	s8 =	sadd.s32 s9, s8;
	s6 =	sadd.s32 s11, s17  }
0x11: {  	s9 =	sadd.s32 s9, s12;
	s10 =	sshrl.u32 s10, $0x3;
	s11 =	simm.s32 $0x2  }
0x12: {  	s12 =	simm.s32 $0x14000;
	s17 =	sadd.s32 s17, s18;
	s18 =	simm.s32 $0x0  }
.LBB2_1:
0x13: {  	[spmem:s10], [sflag:s7] =	dma.local [hbm:s6], $0x2800  }
0x14: {  	_ =	swait.ge [sflag:s11], $0x2800  }
0x15: {  	[sflag:s11] =	ssyncset.done $0x0  }
0x16: {  	[sflag:s11] =	ssyncadd.s32 $0xFFFFD800  }
0x17: {  	s19 =	sadd.s32 $0x0, s9;
	[bflag:$0x0] =	sbarrier.arrive $0xFFFF  }
0x18: {  	[tilespmem:s12], [sflag:$0x2] =	stream.linear.gather [hbm4b:s19+s2], $0x80, $0x38;
	[tilespmem:$0x18100] =	vst v63  }
0x19: {  	_ =	swait.ge [sflag:s11], $0x80  }
0x1a: {  	[sflag:s11] =	ssyncset.done $0x0  }
0x1b: {  	s31 =	sadd.s32 $0x0, s8;
	[sflag:s11] =	ssyncadd.s32 $0xFFFFFF80  }
0x1c: {  	[tilespmem:s13], [sflag:$0x2] =	stream.linear.gather [hbm4b:s31+s2], $0x80, $0x38;
	[tilespmem:$0x18100] =	vst v63  }
0x1d: {  	_ =	swait.ge [sflag:s11], $0x80  }
0x1e: {  	[sflag:s11] =	ssyncset.done $0x0  }
0x1f: {  	[sflag:s11] =	ssyncadd.s32 $0xFFFFFF80  }
0x20: {  	[tilespmem:s15], [sflag:$0x1] =	stream.indirect.gather [hbm4b:s4+s14], $0x80, s12, s14, $0xb8;
	[tilespmem:$0x18100] =	vst v63  }
0x21: {  	_ =	swait.ge [sflag:s16], $0x4000  }
0x22: {  	[sflag:s16] =	ssyncset.done $0x0  }
0x23: {  	[sflag:s16] =	ssyncadd.s32 $0xFFFFC000  }
0x24: {  	[spmem:s1] =	stream.indirect.scatter.add.f32 [tilespmem:s15], [sflag:$0x2], $0x80, s13, s14, $0xb8;
	[tilespmem:$0x18100] =	vst v63  }
0x25: {  	_ =	swait.ge [sflag:s11], $0x4000  }
0x26: {  	s20 =	simm.s32 $0x20;
	s19 =	simm.s32 $0x10;
	[sflag:s11] =	ssyncset.done $0x0  }
.LBB2_2:
0x27: {  	s21 =	sadd.s32 s19, s9  }
0x28: {  	[sflag:s11] =	ssyncadd.s32 $0xFFFFC000;
	s22 =	smov.u32 s20;
	s23 =	sadd.s32 $0x10, s20  }
0x29: {  	[tilespmem:s12], [sflag:$0x2] =	stream.linear.gather [hbm4b:s21+s2], $0x80, $0x38;
	[tilespmem:$0x18100] =	vst v63  }
0x2a: {  	p0 =	sne.s32 s20, $0x4E0;
	_ =	swait.ge [sflag:s11], $0x80  }
0x2b: {  	[sflag:s11] =	ssyncset.done $0x0  }
0x2c: {  	s20 =	sadd.s32 s19, s8;
	s19 =	smov.u32 s22;
	[sflag:s11] =	ssyncadd.s32 $0xFFFFFF80  }
0x2d: {  	[tilespmem:s13], [sflag:$0x2] =	stream.linear.gather [hbm4b:s20+s2], $0x80, $0x38;
	[tilespmem:$0x18100] =	vst v63  }
0x2e: {  	_ =	swait.ge [sflag:s11], $0x80  }
0x2f: {  	[sflag:s11] =	ssyncset.done $0x0  }
0x30: {  	[sflag:s11] =	ssyncadd.s32 $0xFFFFFF80  }
0x31: {  	[tilespmem:s15], [sflag:$0x1] =	stream.indirect.gather [hbm4b:s4+s14], $0x80, s12, s14, $0xb8;
	[tilespmem:$0x18100] =	vst v63  }
0x32: {  	_ =	swait.ge [sflag:s16], $0x4000  }
.Ltmp0:
0x33: {  	[sflag:s16] =	ssyncset.done $0x0;
	(pc) =	sbr.rel @p0 .LBB2_2-.Ltmp0, $4  }
0x34: {  	[sflag:s16] =	ssyncadd.s32 $0xFFFFC000  }
0x35: {  	[spmem:s1] =	stream.indirect.scatter.add.f32 [tilespmem:s15], [sflag:$0x2], $0x80, s13, s14, $0xb8;
	[tilespmem:$0x18100] =	vst v63  }
0x36: {  	_ =	swait.ge [sflag:s11], $0x4000  }
0x37: {  	s20 =	smov.u32 s23;
	[sflag:s11] =	ssyncset.done $0x0  }
0x38: {  	s20 =	sadd.s32 s19, s9;
	[sflag:s11] =	ssyncadd.s32 $0xFFFFC000  }
0x39: {  	[tilespmem:s12], [sflag:$0x2] =	stream.linear.gather [hbm4b:s20+s2], $0x80, $0x38;
	[tilespmem:$0x18100] =	vst v63  }
0x3a: {  	_ =	swait.ge [sflag:s11], $0x80  }
0x3b: {  	[sflag:s11] =	ssyncset.done $0x0  }
0x3c: {  	s31 =	sadd.s32 s19, s8;
	[sflag:s11] =	ssyncadd.s32 $0xFFFFFF80  }
0x3d: {  	[tilespmem:s13], [sflag:$0x2] =	stream.linear.gather [hbm4b:s31+s2], $0x80, $0x38;
	[tilespmem:$0x18100] =	vst v63  }
0x3e: {  	_ =	swait.ge [sflag:s11], $0x80  }
0x3f: {  	[sflag:s11] =	ssyncset.done $0x0  }
0x40: {  	[sflag:s11] =	ssyncadd.s32 $0xFFFFFF80  }
0x41: {  	[tilespmem:s15], [sflag:$0x1] =	stream.indirect.gather [hbm4b:s4+s14], $0x80, s12, s14, $0xb8;
	[tilespmem:$0x18100] =	vst v63  }
0x42: {  	_ =	swait.ge [sflag:s16], $0x4000  }
0x43: {  	[sflag:s16] =	ssyncset.done $0x0  }
0x44: {  	[sflag:s16] =	ssyncadd.s32 $0xFFFFC000  }
0x45: {  	[spmem:s1] =	stream.indirect.scatter.add.f32 [tilespmem:s15], [sflag:$0x2], $0x80, s13, s14, $0xb8;
	[tilespmem:$0x18100] =	vst v63  }
0x46: {  	_ =	swait.ge [sflag:s11], $0x4000  }
0x47: {  	s18 =	sadd.s32 $0x1, s18;
	[sflag:s11] =	ssyncset.done $0x0  }
0x48: {  	p0 =	sne.s32 s18, s5;
	[sflag:s11] =	ssyncadd.s32 $0xFFFFC000  }
.Ltmp1:
0x49: {  	[bflag:$0x0] =	sbarrier.arrive $0xFFFF;
	(pc) =	sbr.rel @p0 .LBB2_1-.Ltmp1, $4  }
0x4a: {  	[hbm:s17], [sflag:s7] =	dma.local [spmem:s10], $0x2800  }
0x4b: {  	_ =	swait.ge [sflag:s11], $0x2800  }
0x4c: {  	[sflag:s11] =	ssyncset.done $0x0  }
0x4d: {  	[sflag:s11] =	ssyncadd.s32 $0xFFFFD800  }
0x4e: {  	_ =	sfence.sel $0x180000  }
0x4f: {  	[bflag:$0x0] =	sbarrier.arrive $0xFFFF  }
0x50: {  	p0 =	sne.s32 s3, $0x0;
	_ =	strace $0x90000053  }
0x51: {  	s0 =	sadd.s32 @!p0 $0x100000, s0;
	[bflag:$0x2] =	sbarrier.arrive $0xFFFF  }
0x52: {  	[sflag:s0] =	ssyncadd.tile.s32 @!p0 $0x1;
	_ =	shalt  }
.Lfunc_end2:
_tile_overlayer_lowered:
.L_overlay_start_2:
0x53: {  	(tag) =	ssettag $0x2  }
0x54: {  	s0 =	rddreg [dreg:$0x0];
	s2 =	stileid.u32  }
0x55: {  	s1 =	rddreg [dreg:$0x1];
	p0 =	sne.s32 s2, $0x0  }
0x56: {  	s3 =	rddreg [dreg:$0x2];
	[bflag:$0x3] =	sbarrier.arrive $0xFFFF;
	s2 =	simm.s32 @!p0 $0x1C02  }
0x57: {  	[timem:s3], [sflag:s2] =	dma.local @!p0 [hbm:s0], s1  }
0x58: {  	s0 =	simm.s32 @!p0 $0x2  }
0x59: {  	_ =	swait.ge @!p0 [sflag:s0], s1  }
0x5a: {  	s1 =	ssub.s32 @!p0 $0x0, s1;
	[sflag:s0] =	ssyncset.done @!p0 $0x0  }
0x5b: {  	[sflag:s0] =	ssyncadd.s32 @!p0 s1  }
0x5c: {  	[bflag:$0x3] =	sbarrier.arrive $0xFFFF  }
0x5d: {  	_ =	shalt  }

// kernel: kernel.37.cloned.1.call-start
scs
__scs_entry_jumppad:
0x0: {  	(pc) =	sbr.rel $0x88, $3  }
0x1: {  	(tag) =	ssettag $0x0;
	lr =	simm.s32 $0x1  }
0x2: {  	[smem:$0x3F93] =	sst lr;
	_ =	strace $0xD0000000  }
0x3: {  	_ = 	snop  }
0x4: {  	_ = 	snop  }
0x5: {  	_ = 	snop  }
0x6: {  	_ = 	snop  }
0x7: {  	_ = 	snop  }
__scs_overlays_trampoline_lowered:
0x8: {  	[smem:$0x3FA2] =	sst s0  }
0x9: {  	[smem:$0x3FA3] =	sst s1  }
0xa: {  	[smem:$0x3FA4] =	sst s2  }
0xb: {  	[smem:$0x3FA5] =	sst s3  }
0xc: {  	[smem:$0x3FA6] =	sst s4  }
0xd: {  	[smem:$0x3FA7] =	sst s5  }
0xe: {  	[smem:$0x3FA8] =	sst s6  }
0xf: {  	[smem:$0x3FA9] =	sst s7  }
0x10: {  	[smem:$0x3FAA] =	sst s8  }
0x11: {  	[smem:$0x3FAB] =	sst s9;
	s0 =	simm.s32 @!p0 $0x0  }
0x12: {  	s1 =	sld [smem:$0x3F91];
	s0 =	simm.s32 @p0 $0x1  }
0x13: {  	[smem:$0x3FAC] =	sst s0;
	s0 =	simm.s32 @!p1 $0x0  }
0x14: {  	s2 =	sld [smem:$0x3F90];
	s0 =	simm.s32 @p1 $0x1  }
0x15: {  	[smem:$0x3FAD] =	sst s0;
	s0 =	simm.s32 @!p2 $0x0  }
0x16: {  	s3 =	sld [smem:$0x3FDB];
	s0 =	simm.s32 @p2 $0x1  }
0x17: {  	s4 =	simm.s32 $0x1BF5;
	[smem:$0x3FAF] =	sst s0  }
0x18: {  	s0 =	sld [smem:$0x3F92];
	_ =	swait.ge [sflag:s4], $0x0  }
0x19: {  	s7 =	sld [smem:$0x3F93]  }
0x1a: {  	s8 =	sadd.s32 $0xFFFFE003, lr  }
0x1b: {  	s9 =	sadd.s32 $0xFFFFFEF7, lr;
	s5 =	simm.s32 $0xFFFFFFFF;
	p2 =	slt.u32 s8, $0xFFFFF086  }
0x1c: {  	p1 =	slt.u32 s9, $0xF7A;
	s5 =	simm.s32 @!p2 $0x0  }
0x1d: {  	s5 =	simm.s32 @p1 $0x1;
	p0 =	seq.s32 s7, s2  }
0x1e: {  	s7 =	smul.u32 @!p0 $0xF7A, s2;
	p2 =	seq.s32 @!p0 s5, $0x0  }
0x1f: {  	s9 =	smul.u32 $0xF7A, s1;
	s8 =	simm.s32 @!p0 $0x1BF5;
	p2 =	por !p2, p0  }
0x20: {  	[sflag:s8] =	ssyncset.s32 @!p0 $0xFFFFF086;
	s6 =	sadd.s32 @!p0 s3, s7;
	s7 =	simm.s32 @!p0 $0x108  }
0x21: {  	s3 =	sadd.s32 s3, s9;
	s6 =	sadd.s32 @!p0 $0x88, s6;
	s7 =	simm.s32 @p2 $0x1082  }
0x22: {  	[simem:s7], [sflag:s8] =	dma.local @!p0 [hbm:s6], $0xF7A  }
0x23: {  	s9 =	sor.u32 $0xD0000000, s2;
	s6 =	simm.s32 $0x108;
	_ =	swait.ge @!p0 [sflag:s8], $0x0  }
0x24: {  	s3 =	sadd.s32 $0x88, s3;
	s6 =	simm.s32 @!p1 $0x1082;
	[sflag:s4] =	ssyncset.s32 $0xFFFFF086  }
0x25: {  	[simem:s6], [sflag:s4] =	dma.local [hbm:s3], $0xF7A  }
0x26: {  	[smem:$0x3F93] =	sst s1;
	(tag) =	ssettag s2;
	_ =	strace s9  }
0x27: {  	s1 =	sld [smem:$0x3FA3]  }
0x28: {  	s2 =	sld [smem:$0x3FA4]  }
0x29: {  	s4 =	sld [smem:$0x3FA6]  }
0x2a: {  	p0 =	seq.s32 s5, $0x0;
	s5 =	sld [smem:$0x3FA7]  }
0x2b: {  	s6 =	sld [smem:$0x3FA8]  }
0x2c: {  	s7 =	sld [smem:$0x3FA9]  }
0x2d: {  	s3 =	simm.s32 $0x108;
	s8 =	sld [smem:$0x3FAA]  }
0x2e: {  	s3 =	simm.s32 @!p0 $0x1082;
	s9 =	sld [smem:$0x3FAB]  }
0x2f: {  	lr =	sadd.s32 s0, s3;
	s0 =	sld [smem:$0x3FA2]  }
0x30: {  	s3 =	sld [smem:$0x3FA5]  }
0x31: {  	[smem:$0x3FAE] =	sst s10  }
0x32: {  	s10 =	sld [smem:$0x3FAC];
	_ =	sdelay $0x3  }
0x33: {  	p0 =	seq.s32 s10, $0x1;
	s10 =	sld [smem:$0x3FAE];
	_ =	sdelay $0x3  }
0x34: {  	[smem:$0x3FAE] =	sst s10  }
0x35: {  	s10 =	sld [smem:$0x3FAD];
	_ =	sdelay $0x3  }
0x36: {  	p1 =	seq.s32 s10, $0x1;
	s10 =	sld [smem:$0x3FAE];
	_ =	sdelay $0x3  }
0x37: {  	[smem:$0x3FAE] =	sst s10  }
0x38: {  	s10 =	sld [smem:$0x3FAF]  }
0x39: {  	_ = 	snop;
	(pc) =	sbr.ind lr, $3  }
0x3a: {  	_ = 	snop  }
0x3b: {  	_ = 	snop  }
0x3c: {  	p2 =	seq.s32 s10, $0x1;
	s10 =	sld [smem:$0x3FAE]  }
0x3d: {  	_ =	shalt  }
0x3e: {  	_ =	shalt  }
0x3f: {  	_ =	shalt  }
0x40: {  	_ =	shalt  }
0x41: {  	_ =	shalt  }
0x42: {  	_ =	shalt  }
0x43: {  	_ =	shalt  }
0x44: {  	_ =	shalt  }
0x45: {  	_ =	shalt  }
0x46: {  	_ =	shalt  }
0x47: {  	_ =	shalt  }
0x48: {  	_ =	shalt  }
0x49: {  	_ =	shalt  }
0x4a: {  	_ =	shalt  }
0x4b: {  	_ =	shalt  }
0x4c: {  	_ =	shalt  }
0x4d: {  	_ =	shalt  }
0x4e: {  	_ =	shalt  }
0x4f: {  	_ =	shalt  }
0x50: {  	_ =	shalt  }
0x51: {  	_ =	shalt  }
0x52: {  	_ =	shalt  }
0x53: {  	_ =	shalt  }
0x54: {  	_ =	shalt  }
0x55: {  	_ =	shalt  }
0x56: {  	_ =	shalt  }
0x57: {  	_ =	shalt  }
0x58: {  	_ =	shalt  }
0x59: {  	_ =	shalt  }
0x5a: {  	_ =	shalt  }
0x5b: {  	_ =	shalt  }
0x5c: {  	_ =	shalt  }
0x5d: {  	_ =	shalt  }
0x5e: {  	_ =	shalt  }
0x5f: {  	_ =	shalt  }
0x60: {  	_ =	shalt  }
0x61: {  	_ =	shalt  }
0x62: {  	_ =	shalt  }
0x63: {  	_ =	shalt  }
0x64: {  	_ =	shalt  }
0x65: {  	_ =	shalt  }
0x66: {  	_ =	shalt  }
0x67: {  	_ =	shalt  }
0x68: {  	_ =	shalt  }
0x69: {  	_ =	shalt  }
0x6a: {  	_ =	shalt  }
0x6b: {  	_ =	shalt  }
0x6c: {  	_ =	shalt  }
0x6d: {  	_ =	shalt  }
0x6e: {  	_ =	shalt  }
0x6f: {  	_ =	shalt  }
0x70: {  	_ =	shalt  }
0x71: {  	_ =	shalt  }
0x72: {  	_ =	shalt  }
0x73: {  	_ =	shalt  }
0x74: {  	_ =	shalt  }
0x75: {  	_ =	shalt  }
0x76: {  	_ =	shalt  }
0x77: {  	_ =	shalt  }
0x78: {  	_ =	shalt  }
0x79: {  	_ =	shalt  }
0x7a: {  	_ =	shalt  }
0x7b: {  	_ =	shalt  }
0x7c: {  	_ =	shalt  }
0x7d: {  	_ =	shalt  }
0x7e: {  	_ =	shalt  }
0x7f: {  	_ =	shalt  }
0x80: {  	_ =	shalt  }
0x81: {  	_ =	shalt  }
0x82: {  	_ =	shalt  }
0x83: {  	_ =	shalt  }
0x84: {  	_ =	shalt  }
0x85: {  	_ =	shalt  }
0x86: {  	_ =	shalt  }
0x87: {  	_ =	shalt  }
.Lfunc_end0:
.L_simem_size_0:
called_computation.5_lowered:
.L_overlay_start_0:
0x88: {  	s2 =	sld [smem:$0x3FD9]  }
0x89: {  	s3 =	sld [smem:$0x3FFE];
	_ =	sdelay $0x1  }
0x8a: {  	s1 =	srdreg.scid  }
0x8b: {  	s0 =	sand.u32 $0x1, s1  }
0x8c: {  	s14 =	sshll.u32 s0, $0xA;
	s2 =	sadd.s32 s3, s2  }
0x8d: {  	s2 =	sadd.s32 s2, s14  }
0x8e: {  	[smem:$0x3FBA] =	sst s2  }
0x8f: {  	_ = 	snop  }
0x90: {  	s2 =	sld [smem:$0x3FD0];
	_ =	sdelay $0x2  }
0x91: {  	s15 =	simm.s32 $0xA;
	s4 =	simm.s32 $0x10  }
0x92: {  	[smem:s4], [sflag:s15] =	dma.local [hbm:s2], $0x1  }
0x93: {  	_ =	swait.eq [sflag:s15], $0x1  }
0x94: {  	[sflag:s15] =	ssyncset.done $0x0  }
0x95: {  	s16 =	sld [smem:$0x10];
	[sflag:s15] =	ssyncadd.s32 $0xFFFFFFFF  }
0x96: {  	s17 =	sld [smem:$0x11];
	(tm) =	ssettm $0x1  }
0x97: {  	s18 =	sld [smem:$0x3FFB];
	_ =	sdelay $0x3  }
0x98: {  	_ =	strace s18  }
0x99: {  	s4 =	sld [smem:$0x3FFC];
	_ =	sdelay $0x3  }
0x9a: {  	_ =	strace s4  }
0x9b: {  	s4 =	sld [smem:$0x3FFD];
	_ =	sdelay $0x3  }
0x9c: {  	_ =	strace s4  }
0x9d: {  	_ =	strace $0x8FFFFFFF  }
0x9e: {  	s19 =	sld [smem:$0x3FDB];
	_ =	sdelay $0x1  }
0x9f: {  	s5 =	simm.s32 $_scs_section_size  }
0xa0: {  	s6 =	simm.s32 $_size__tile_overlayer_lowered;
	s7 =	simm.s32 $_tile_overlayer_lowered  }
0xa1: {  	s22 =	simm.s32 $0x1BFF;
	s21 =	sshll.u32 s7, $0x1;
	s4 =	sadd.s32 s5, s19  }
0xa2: {  	s8 =	simm.s32 $0x0;
	s20 =	sshll.u32 s6, $0x1;
	s6 =	sadd.s32 s21, s4  }
0xa3: {  	[timem:s8], [sflag:s22] =	dma.local [hbm:s6], s20  }
0xa4: {  	_ =	swait.ge [sflag:s22], s20  }
0xa5: {  	s5 =	ssub.s32 $0x0, s20;
	[sflag:s22] =	ssyncset.done $0x0  }
0xa6: {  	[sflag:s22] =	ssyncadd.s32 s5;
	_ =	sdelay $0x1  }
0xa7: {  	s23 =	simm.s32 $0x1B8B  }
0xa8: {  	_ =	swait.ge [sflag:s23], $0x1  }
0xa9: {  	[sflag:s23] =	ssyncset.done $0x0  }
0xaa: {  	s25 =	simm.s32 $0x1B8E;
	s24 =	sld [smem:$0x3FFE];
	[sflag:s23] =	ssyncadd.s32 $0xFFFFFFFF  }
0xab: {  	s26 =	simm.s32 $execute0_lowered;
	[smem:$0x3FD2] =	sst s25  }
0xac: {  	s6 =	sshll.u32 s26, $0x1;
	_ =	strace $0x80000055;
	[dreg:$0x1] =	wrdreg $0xFFFFFFFF  }
0xad: {  	s28 =	simm.s32 $_size_execute0_lowered;
	s4 =	sadd.s32 s4, s6;
	[dreg:$0x0] =	wrdreg $0x0  }
0xae: {  	s6 =	sshll.u32 s28, $0x1;
	[dreg:$0x2] =	wrdreg s4  }
0xaf: {  	[dreg:$0x3] =	wrdreg s6  }
0xb0: {  	[dreg:$0x4] =	wrdreg $0xC0  }
0xb1: {  	_ =	task [dreg:s8], $0x5FFFF  }
0xb2: {  	[dreg:$0x1] =	wrdreg $0xFFFFFFFF  }
0xb3: {  	[dreg:$0x0] =	wrdreg $0x60  }
0xb4: {  	[dreg:$0x2] =	wrdreg s24  }
0xb5: {  	[dreg:$0x3] =	wrdreg s17  }
0xb6: {  	[dreg:$0x4] =	wrdreg s16  }
0xb7: {  	[dreg:$0x5] =	wrdreg $0x0  }
0xb8: {  	[dreg:$0x6] =	wrdreg $0x9  }
0xb9: {  	_ =	task.clear_ibuf [dreg:s8], $0x7FFFF;
	_ =	strace $0x90000055  }
0xba: {  	s29 =	simm.s32 $0x9;
	_ =	strace $0x80000057  }
0xbb: {  	_ =	swait.ge [sflag:s29], $0x1  }
0xbc: {  	[sflag:s29] =	ssyncadd.s32 $0xFFFFFFFF  }
0xbd: {  	_ =	strace $0x90000057  }
0xbe: {  	_ =	sfence  }
0xbf: {  	s30 =	sld [smem:$0x0];
	_ =	sdelay $0x2  }
0xc0: {  	s31 =	sshll.u32 s1, $0xD;
	s1 =	sshrl.u32 s1, $0x2  }
0xc1: {  	s3 =	sand.u32 $0x4000, s31;
	s1 =	sadd.s32 s1, s30  }
0xc2: {  	s0 =	sor.u32 s3, s0;
	s1 =	sshll.u32 s1, $0x11  }
0xc3: {  	s0 =	sor.u32 s1, s0  }
0xc4: {  	s0 =	sadd.s32 $0x8F2B, s0  }
0xc5: {  	[sflag:s0] =	ssyncadd.remote.s32 $0x1  }
0xc6: {  	_ =	sfence.sel $0xFFFF  }
0xc7: {  	[dreg:$0x0] =	wrdreg $0xFFFFFFFF;
	(pc) =	sbr.abs _section_cstart, $3  }
0xc8: {  	[dreg:$0x1] =	wrdreg $0xFFFFFFFF  }
0xc9: {  	_ =	task.clear_ibuf [dreg:s8], $0x2FFFF;
	_ =	strace $0x9FFFFFFF  }
0xca: {  	(tm) =	ssettm $0x7FFFFFFF  }
0xcb: {  	_ =	shalt  }
tec
execute0_lowered:
.L_overlay_start_1:
0x0: {  	(tag) =	ssettag $0x1  }
0x1: {  	s5 =	rddreg [dreg:$0x0]  }
0x2: {  	s7 =	rddreg [dreg:$0x1]  }
0x3: {  	s8 =	rddreg [dreg:$0x2]  }
0x4: {  	s1 =	rddreg [dreg:$0x3]  }
0x5: {  	s0 =	rddreg [dreg:$0x4];
	s3 =	srdreg.scid  }
0x6: {  	s2 =	simm.s32 $0x0;
	s14 =	simm.s32 $0x80;
	s9 =	sand.u32 $0x1, s3  }
0x7: {  	s15 =	simm.s32 $0x14100;
	s3 =	stileid.u32;
	s6 =	smul.u32 $0x28000, s9  }
0x8: {  	s16 =	simm.s32 $0x1;
	[smem:$0x7FF] =	sst s2;
	s11 =	smul.u32 $0x50000, s3  }
0x9: {  	s4 =	sadd.s32 $0x2FC00, s5;
	s12 =	sadd.s32 $0x7C00, s5;
	s17 =	smul.u32 $0x2800, s3  }
0xa: {  	_ =	strace $0x80000056;
	s10 =	ssub.s32 $0x2, s9;
	s30 =	smul.u32 $0x9E0, s3  }
0xb: {  	p0 =	seq.s32 s9, $0x1;
	s9 =	smul.u32 $0x4F0, s9;
	s13 =	sshrl.u32 s10, $0x1  }
0xc: {  	s31 =	sshll.u32 s3, $0x6;
	s5 =	sadd.s32 s6, s5;
	s28 =	ssub.s32 s10, s13  }
0xd: {  	s29 =	sshrl.u32 s11, $0x2;
	s11 =	smov.u32 s4;
	s8 =	sadd.s32 s30, s8  }
0xe: {  	s13 =	simm.s32 $0x14080;
	s10 =	sadd.s32 s29, s1;
	s18 =	sadd.s32 $0xCFC00, s5  }
0xf: {  	s11 =	smov.u32 @p0 s12;
	s5 =	smax.u32 s28, $0x1;
	s12 =	sadd.s32 s30, s7  }
0x10: {  	s7 =	sor.u32 $0x1C02, s31;
	s8 =	sadd.s32 s9, s8;
	s6 =	sadd.s32 s11, s17  }
0x11: {  	s9 =	sadd.s32 s9, s12;
	s10 =	sshrl.u32 s10, $0x3;
	s11 =	simm.s32 $0x2  }
0x12: {  	s12 =	simm.s32 $0x14000;
	s17 =	sadd.s32 s17, s18;
	s18 =	simm.s32 $0x0  }
.LBB2_1:
0x13: {  	[spmem:s10], [sflag:s7] =	dma.local [hbm:s6], $0x2800  }
0x14: {  	_ =	swait.ge [sflag:s11], $0x2800  }
0x15: {  	[sflag:s11] =	ssyncset.done $0x0  }
0x16: {  	[sflag:s11] =	ssyncadd.s32 $0xFFFFD800  }
0x17: {  	s19 =	sadd.s32 $0x0, s9;
	[bflag:$0x0] =	sbarrier.arrive $0xFFFF  }
0x18: {  	[tilespmem:s12], [sflag:$0x2] =	stream.linear.gather [hbm4b:s19+s2], $0x80, $0x38;
	[tilespmem:$0x18100] =	vst v63  }
0x19: {  	_ =	swait.ge [sflag:s11], $0x80  }
0x1a: {  	[sflag:s11] =	ssyncset.done $0x0  }
0x1b: {  	s31 =	sadd.s32 $0x0, s8;
	[sflag:s11] =	ssyncadd.s32 $0xFFFFFF80  }
0x1c: {  	[tilespmem:s13], [sflag:$0x2] =	stream.linear.gather [hbm4b:s31+s2], $0x80, $0x38;
	[tilespmem:$0x18100] =	vst v63  }
0x1d: {  	_ =	swait.ge [sflag:s11], $0x80  }
0x1e: {  	[sflag:s11] =	ssyncset.done $0x0  }
0x1f: {  	[sflag:s11] =	ssyncadd.s32 $0xFFFFFF80  }
0x20: {  	[tilespmem:s15], [sflag:$0x1] =	stream.indirect.gather [hbm4b:s4+s14], $0x80, s12, s14, $0xb8;
	[tilespmem:$0x18100] =	vst v63  }
0x21: {  	_ =	swait.ge [sflag:s16], $0x4000  }
0x22: {  	[sflag:s16] =	ssyncset.done $0x0  }
0x23: {  	[sflag:s16] =	ssyncadd.s32 $0xFFFFC000  }
0x24: {  	[spmem:s1] =	stream.indirect.scatter.add.f32 [tilespmem:s15], [sflag:$0x2], $0x80, s13, s14, $0xb8;
	[tilespmem:$0x18100] =	vst v63  }
0x25: {  	_ =	swait.ge [sflag:s11], $0x4000  }
0x26: {  	s20 =	simm.s32 $0x20;
	s19 =	simm.s32 $0x10;
	[sflag:s11] =	ssyncset.done $0x0  }
.LBB2_2:
0x27: {  	s21 =	sadd.s32 s19, s9  }
0x28: {  	[sflag:s11] =	ssyncadd.s32 $0xFFFFC000;
	s22 =	smov.u32 s20;
	s23 =	sadd.s32 $0x10, s20  }
0x29: {  	[tilespmem:s12], [sflag:$0x2] =	stream.linear.gather [hbm4b:s21+s2], $0x80, $0x38;
	[tilespmem:$0x18100] =	vst v63  }
0x2a: {  	p0 =	sne.s32 s20, $0x4E0;
	_ =	swait.ge [sflag:s11], $0x80  }
0x2b: {  	[sflag:s11] =	ssyncset.done $0x0  }
0x2c: {  	s20 =	sadd.s32 s19, s8;
	s19 =	smov.u32 s22;
	[sflag:s11] =	ssyncadd.s32 $0xFFFFFF80  }
0x2d: {  	[tilespmem:s13], [sflag:$0x2] =	stream.linear.gather [hbm4b:s20+s2], $0x80, $0x38;
	[tilespmem:$0x18100] =	vst v63  }
0x2e: {  	_ =	swait.ge [sflag:s11], $0x80  }
0x2f: {  	[sflag:s11] =	ssyncset.done $0x0  }
0x30: {  	[sflag:s11] =	ssyncadd.s32 $0xFFFFFF80  }
0x31: {  	[tilespmem:s15], [sflag:$0x1] =	stream.indirect.gather [hbm4b:s4+s14], $0x80, s12, s14, $0xb8;
	[tilespmem:$0x18100] =	vst v63  }
0x32: {  	_ =	swait.ge [sflag:s16], $0x4000  }
.Ltmp0:
0x33: {  	[sflag:s16] =	ssyncset.done $0x0;
	(pc) =	sbr.rel @p0 .LBB2_2-.Ltmp0, $4  }
0x34: {  	[sflag:s16] =	ssyncadd.s32 $0xFFFFC000  }
0x35: {  	[spmem:s1] =	stream.indirect.scatter.add.f32 [tilespmem:s15], [sflag:$0x2], $0x80, s13, s14, $0xb8;
	[tilespmem:$0x18100] =	vst v63  }
0x36: {  	_ =	swait.ge [sflag:s11], $0x4000  }
0x37: {  	s20 =	smov.u32 s23;
	[sflag:s11] =	ssyncset.done $0x0  }
0x38: {  	s20 =	sadd.s32 s19, s9;
	[sflag:s11] =	ssyncadd.s32 $0xFFFFC000  }
0x39: {  	[tilespmem:s12], [sflag:$0x2] =	stream.linear.gather [hbm4b:s20+s2], $0x80, $0x38;
	[tilespmem:$0x18100] =	vst v63  }
0x3a: {  	_ =	swait.ge [sflag:s11], $0x80  }
0x3b: {  	[sflag:s11] =	ssyncset.done $0x0  }
0x3c: {  	s31 =	sadd.s32 s19, s8;
	[sflag:s11] =	ssyncadd.s32 $0xFFFFFF80  }
0x3d: {  	[tilespmem:s13], [sflag:$0x2] =	stream.linear.gather [hbm4b:s31+s2], $0x80, $0x38;
	[tilespmem:$0x18100] =	vst v63  }
0x3e: {  	_ =	swait.ge [sflag:s11], $0x80  }
0x3f: {  	[sflag:s11] =	ssyncset.done $0x0  }
0x40: {  	[sflag:s11] =	ssyncadd.s32 $0xFFFFFF80  }
0x41: {  	[tilespmem:s15], [sflag:$0x1] =	stream.indirect.gather [hbm4b:s4+s14], $0x80, s12, s14, $0xb8;
	[tilespmem:$0x18100] =	vst v63  }
0x42: {  	_ =	swait.ge [sflag:s16], $0x4000  }
0x43: {  	[sflag:s16] =	ssyncset.done $0x0  }
0x44: {  	[sflag:s16] =	ssyncadd.s32 $0xFFFFC000  }
0x45: {  	[spmem:s1] =	stream.indirect.scatter.add.f32 [tilespmem:s15], [sflag:$0x2], $0x80, s13, s14, $0xb8;
	[tilespmem:$0x18100] =	vst v63  }
0x46: {  	_ =	swait.ge [sflag:s11], $0x4000  }
0x47: {  	s18 =	sadd.s32 $0x1, s18;
	[sflag:s11] =	ssyncset.done $0x0  }
0x48: {  	p0 =	sne.s32 s18, s5;
	[sflag:s11] =	ssyncadd.s32 $0xFFFFC000  }
.Ltmp1:
0x49: {  	[bflag:$0x0] =	sbarrier.arrive $0xFFFF;
	(pc) =	sbr.rel @p0 .LBB2_1-.Ltmp1, $4  }
0x4a: {  	[hbm:s17], [sflag:s7] =	dma.local [spmem:s10], $0x2800  }
0x4b: {  	_ =	swait.ge [sflag:s11], $0x2800  }
0x4c: {  	[sflag:s11] =	ssyncset.done $0x0  }
0x4d: {  	[sflag:s11] =	ssyncadd.s32 $0xFFFFD800  }
0x4e: {  	_ =	sfence.sel $0x180000  }
0x4f: {  	[bflag:$0x0] =	sbarrier.arrive $0xFFFF  }
0x50: {  	p0 =	sne.s32 s3, $0x0;
	_ =	strace $0x90000056  }
0x51: {  	s0 =	sadd.s32 @!p0 $0x100000, s0;
	[bflag:$0x2] =	sbarrier.arrive $0xFFFF  }
0x52: {  	[sflag:s0] =	ssyncadd.tile.s32 @!p0 $0x1;
	_ =	shalt  }
.Lfunc_end2:
_tile_overlayer_lowered:
.L_overlay_start_2:
0x53: {  	(tag) =	ssettag $0x2  }
0x54: {  	s0 =	rddreg [dreg:$0x0];
	s2 =	stileid.u32  }
0x55: {  	s1 =	rddreg [dreg:$0x1];
	p0 =	sne.s32 s2, $0x0  }
0x56: {  	s3 =	rddreg [dreg:$0x2];
	[bflag:$0x3] =	sbarrier.arrive $0xFFFF;
	s2 =	simm.s32 @!p0 $0x1C02  }
0x57: {  	[timem:s3], [sflag:s2] =	dma.local @!p0 [hbm:s0], s1  }
0x58: {  	s0 =	simm.s32 @!p0 $0x2  }
0x59: {  	_ =	swait.ge @!p0 [sflag:s0], s1  }
0x5a: {  	s1 =	ssub.s32 @!p0 $0x0, s1;
	[sflag:s0] =	ssyncset.done @!p0 $0x0  }
0x5b: {  	[sflag:s0] =	ssyncadd.s32 @!p0 s1  }
0x5c: {  	[bflag:$0x3] =	sbarrier.arrive $0xFFFF  }
0x5d: {  	_ =	shalt  }

// kernel: kernel.40.cloned.1.call-start
scs
__scs_entry_jumppad:
0x0: {  	(pc) =	sbr.rel $0x88, $3  }
0x1: {  	(tag) =	ssettag $0x0;
	lr =	simm.s32 $0x1  }
0x2: {  	[smem:$0x3F93] =	sst lr;
	_ =	strace $0xD0000000  }
0x3: {  	_ = 	snop  }
0x4: {  	_ = 	snop  }
0x5: {  	_ = 	snop  }
0x6: {  	_ = 	snop  }
0x7: {  	_ = 	snop  }
__scs_overlays_trampoline_lowered:
0x8: {  	[smem:$0x3FA2] =	sst s0  }
0x9: {  	[smem:$0x3FA3] =	sst s1  }
0xa: {  	[smem:$0x3FA4] =	sst s2  }
0xb: {  	[smem:$0x3FA5] =	sst s3  }
0xc: {  	[smem:$0x3FA6] =	sst s4  }
0xd: {  	[smem:$0x3FA7] =	sst s5  }
0xe: {  	[smem:$0x3FA8] =	sst s6  }
0xf: {  	[smem:$0x3FA9] =	sst s7  }
0x10: {  	[smem:$0x3FAA] =	sst s8  }
0x11: {  	[smem:$0x3FAB] =	sst s9;
	s0 =	simm.s32 @!p0 $0x0  }
0x12: {  	s1 =	sld [smem:$0x3F91];
	s0 =	simm.s32 @p0 $0x1  }
0x13: {  	[smem:$0x3FAC] =	sst s0;
	s0 =	simm.s32 @!p1 $0x0  }
0x14: {  	s2 =	sld [smem:$0x3F90];
	s0 =	simm.s32 @p1 $0x1  }
0x15: {  	[smem:$0x3FAD] =	sst s0;
	s0 =	simm.s32 @!p2 $0x0  }
0x16: {  	s3 =	sld [smem:$0x3FDB];
	s0 =	simm.s32 @p2 $0x1  }
0x17: {  	s4 =	simm.s32 $0x1BF5;
	[smem:$0x3FAF] =	sst s0  }
0x18: {  	s0 =	sld [smem:$0x3F92];
	_ =	swait.ge [sflag:s4], $0x0  }
0x19: {  	s7 =	sld [smem:$0x3F93]  }
0x1a: {  	s8 =	sadd.s32 $0xFFFFE003, lr  }
0x1b: {  	s9 =	sadd.s32 $0xFFFFFEF7, lr;
	s5 =	simm.s32 $0xFFFFFFFF;
	p2 =	slt.u32 s8, $0xFFFFF086  }
0x1c: {  	p1 =	slt.u32 s9, $0xF7A;
	s5 =	simm.s32 @!p2 $0x0  }
0x1d: {  	s5 =	simm.s32 @p1 $0x1;
	p0 =	seq.s32 s7, s2  }
0x1e: {  	s7 =	smul.u32 @!p0 $0xF7A, s2;
	p2 =	seq.s32 @!p0 s5, $0x0  }
0x1f: {  	s9 =	smul.u32 $0xF7A, s1;
	s8 =	simm.s32 @!p0 $0x1BF5;
	p2 =	por !p2, p0  }
0x20: {  	[sflag:s8] =	ssyncset.s32 @!p0 $0xFFFFF086;
	s6 =	sadd.s32 @!p0 s3, s7;
	s7 =	simm.s32 @!p0 $0x108  }
0x21: {  	s3 =	sadd.s32 s3, s9;
	s6 =	sadd.s32 @!p0 $0x88, s6;
	s7 =	simm.s32 @p2 $0x1082  }
0x22: {  	[simem:s7], [sflag:s8] =	dma.local @!p0 [hbm:s6], $0xF7A  }
0x23: {  	s9 =	sor.u32 $0xD0000000, s2;
	s6 =	simm.s32 $0x108;
	_ =	swait.ge @!p0 [sflag:s8], $0x0  }
0x24: {  	s3 =	sadd.s32 $0x88, s3;
	s6 =	simm.s32 @!p1 $0x1082;
	[sflag:s4] =	ssyncset.s32 $0xFFFFF086  }
0x25: {  	[simem:s6], [sflag:s4] =	dma.local [hbm:s3], $0xF7A  }
0x26: {  	[smem:$0x3F93] =	sst s1;
	(tag) =	ssettag s2;
	_ =	strace s9  }
0x27: {  	s1 =	sld [smem:$0x3FA3]  }
0x28: {  	s2 =	sld [smem:$0x3FA4]  }
0x29: {  	s4 =	sld [smem:$0x3FA6]  }
0x2a: {  	p0 =	seq.s32 s5, $0x0;
	s5 =	sld [smem:$0x3FA7]  }
0x2b: {  	s6 =	sld [smem:$0x3FA8]  }
0x2c: {  	s7 =	sld [smem:$0x3FA9]  }
0x2d: {  	s3 =	simm.s32 $0x108;
	s8 =	sld [smem:$0x3FAA]  }
0x2e: {  	s3 =	simm.s32 @!p0 $0x1082;
	s9 =	sld [smem:$0x3FAB]  }
0x2f: {  	lr =	sadd.s32 s0, s3;
	s0 =	sld [smem:$0x3FA2]  }
0x30: {  	s3 =	sld [smem:$0x3FA5]  }
0x31: {  	[smem:$0x3FAE] =	sst s10  }
0x32: {  	s10 =	sld [smem:$0x3FAC];
	_ =	sdelay $0x3  }
0x33: {  	p0 =	seq.s32 s10, $0x1;
	s10 =	sld [smem:$0x3FAE];
	_ =	sdelay $0x3  }
0x34: {  	[smem:$0x3FAE] =	sst s10  }
0x35: {  	s10 =	sld [smem:$0x3FAD];
	_ =	sdelay $0x3  }
0x36: {  	p1 =	seq.s32 s10, $0x1;
	s10 =	sld [smem:$0x3FAE];
	_ =	sdelay $0x3  }
0x37: {  	[smem:$0x3FAE] =	sst s10  }
0x38: {  	s10 =	sld [smem:$0x3FAF]  }
0x39: {  	_ = 	snop;
	(pc) =	sbr.ind lr, $3  }
0x3a: {  	_ = 	snop  }
0x3b: {  	_ = 	snop  }
0x3c: {  	p2 =	seq.s32 s10, $0x1;
	s10 =	sld [smem:$0x3FAE]  }
0x3d: {  	_ =	shalt  }
0x3e: {  	_ =	shalt  }
0x3f: {  	_ =	shalt  }
0x40: {  	_ =	shalt  }
0x41: {  	_ =	shalt  }
0x42: {  	_ =	shalt  }
0x43: {  	_ =	shalt  }
0x44: {  	_ =	shalt  }
0x45: {  	_ =	shalt  }
0x46: {  	_ =	shalt  }
0x47: {  	_ =	shalt  }
0x48: {  	_ =	shalt  }
0x49: {  	_ =	shalt  }
0x4a: {  	_ =	shalt  }
0x4b: {  	_ =	shalt  }
0x4c: {  	_ =	shalt  }
0x4d: {  	_ =	shalt  }
0x4e: {  	_ =	shalt  }
0x4f: {  	_ =	shalt  }
0x50: {  	_ =	shalt  }
0x51: {  	_ =	shalt  }
0x52: {  	_ =	shalt  }
0x53: {  	_ =	shalt  }
0x54: {  	_ =	shalt  }
0x55: {  	_ =	shalt  }
0x56: {  	_ =	shalt  }
0x57: {  	_ =	shalt  }
0x58: {  	_ =	shalt  }
0x59: {  	_ =	shalt  }
0x5a: {  	_ =	shalt  }
0x5b: {  	_ =	shalt  }
0x5c: {  	_ =	shalt  }
0x5d: {  	_ =	shalt  }
0x5e: {  	_ =	shalt  }
0x5f: {  	_ =	shalt  }
0x60: {  	_ =	shalt  }
0x61: {  	_ =	shalt  }
0x62: {  	_ =	shalt  }
0x63: {  	_ =	shalt  }
0x64: {  	_ =	shalt  }
0x65: {  	_ =	shalt  }
0x66: {  	_ =	shalt  }
0x67: {  	_ =	shalt  }
0x68: {  	_ =	shalt  }
0x69: {  	_ =	shalt  }
0x6a: {  	_ =	shalt  }
0x6b: {  	_ =	shalt  }
0x6c: {  	_ =	shalt  }
0x6d: {  	_ =	shalt  }
0x6e: {  	_ =	shalt  }
0x6f: {  	_ =	shalt  }
0x70: {  	_ =	shalt  }
0x71: {  	_ =	shalt  }
0x72: {  	_ =	shalt  }
0x73: {  	_ =	shalt  }
0x74: {  	_ =	shalt  }
0x75: {  	_ =	shalt  }
0x76: {  	_ =	shalt  }
0x77: {  	_ =	shalt  }
0x78: {  	_ =	shalt  }
0x79: {  	_ =	shalt  }
0x7a: {  	_ =	shalt  }
0x7b: {  	_ =	shalt  }
0x7c: {  	_ =	shalt  }
0x7d: {  	_ =	shalt  }
0x7e: {  	_ =	shalt  }
0x7f: {  	_ =	shalt  }
0x80: {  	_ =	shalt  }
0x81: {  	_ =	shalt  }
0x82: {  	_ =	shalt  }
0x83: {  	_ =	shalt  }
0x84: {  	_ =	shalt  }
0x85: {  	_ =	shalt  }
0x86: {  	_ =	shalt  }
0x87: {  	_ =	shalt  }
.Lfunc_end0:
.L_simem_size_0:
called_computation.6_lowered:
.L_overlay_start_0:
0x88: {  	s2 =	sld [smem:$0x3FD9]  }
0x89: {  	s3 =	sld [smem:$0x3FFE];
	_ =	sdelay $0x1  }
0x8a: {  	s1 =	srdreg.scid  }
0x8b: {  	s0 =	sand.u32 $0x1, s1  }
0x8c: {  	s14 =	sshll.u32 s0, $0xA;
	s2 =	sadd.s32 s3, s2  }
0x8d: {  	s2 =	sadd.s32 s2, s14  }
0x8e: {  	[smem:$0x3FBA] =	sst s2  }
0x8f: {  	_ = 	snop  }
0x90: {  	s2 =	sld [smem:$0x3FD0];
	_ =	sdelay $0x2  }
0x91: {  	s15 =	simm.s32 $0xA;
	s4 =	simm.s32 $0x10  }
0x92: {  	[smem:s4], [sflag:s15] =	dma.local [hbm:s2], $0x1  }
0x93: {  	_ =	swait.eq [sflag:s15], $0x1  }
0x94: {  	[sflag:s15] =	ssyncset.done $0x0  }
0x95: {  	s16 =	sld [smem:$0x10];
	[sflag:s15] =	ssyncadd.s32 $0xFFFFFFFF  }
0x96: {  	s17 =	sld [smem:$0x11];
	(tm) =	ssettm $0x1  }
0x97: {  	s18 =	sld [smem:$0x3FFB];
	_ =	sdelay $0x3  }
0x98: {  	_ =	strace s18  }
0x99: {  	s4 =	sld [smem:$0x3FFC];
	_ =	sdelay $0x3  }
0x9a: {  	_ =	strace s4  }
0x9b: {  	s4 =	sld [smem:$0x3FFD];
	_ =	sdelay $0x3  }
0x9c: {  	_ =	strace s4  }
0x9d: {  	_ =	strace $0x8FFFFFFF  }
0x9e: {  	s19 =	sld [smem:$0x3FDB];
	_ =	sdelay $0x1  }
0x9f: {  	s5 =	simm.s32 $_scs_section_size  }
0xa0: {  	s6 =	simm.s32 $_size__tile_overlayer_lowered;
	s7 =	simm.s32 $_tile_overlayer_lowered  }
0xa1: {  	s22 =	simm.s32 $0x1BFF;
	s21 =	sshll.u32 s7, $0x1;
	s4 =	sadd.s32 s5, s19  }
0xa2: {  	s8 =	simm.s32 $0x0;
	s20 =	sshll.u32 s6, $0x1;
	s6 =	sadd.s32 s21, s4  }
0xa3: {  	[timem:s8], [sflag:s22] =	dma.local [hbm:s6], s20  }
0xa4: {  	_ =	swait.ge [sflag:s22], s20  }
0xa5: {  	s5 =	ssub.s32 $0x0, s20;
	[sflag:s22] =	ssyncset.done $0x0  }
0xa6: {  	[sflag:s22] =	ssyncadd.s32 s5;
	_ =	sdelay $0x1  }
0xa7: {  	s23 =	simm.s32 $0x1B8B  }
0xa8: {  	_ =	swait.ge [sflag:s23], $0x1  }
0xa9: {  	[sflag:s23] =	ssyncset.done $0x0  }
0xaa: {  	s25 =	simm.s32 $0x1B8E;
	s24 =	sld [smem:$0x3FFE];
	[sflag:s23] =	ssyncadd.s32 $0xFFFFFFFF  }
0xab: {  	s26 =	simm.s32 $execute0_lowered;
	[smem:$0x3FD2] =	sst s25  }
0xac: {  	s6 =	sshll.u32 s26, $0x1;
	_ =	strace $0x80000058;
	[dreg:$0x1] =	wrdreg $0xFFFFFFFF  }
0xad: {  	s28 =	simm.s32 $_size_execute0_lowered;
	s4 =	sadd.s32 s4, s6;
	[dreg:$0x0] =	wrdreg $0x0  }
0xae: {  	s6 =	sshll.u32 s28, $0x1;
	[dreg:$0x2] =	wrdreg s4  }
0xaf: {  	[dreg:$0x3] =	wrdreg s6  }
0xb0: {  	[dreg:$0x4] =	wrdreg $0xC0  }
0xb1: {  	_ =	task [dreg:s8], $0x5FFFF  }
0xb2: {  	[dreg:$0x1] =	wrdreg $0xFFFFFFFF  }
0xb3: {  	[dreg:$0x0] =	wrdreg $0x60  }
0xb4: {  	[dreg:$0x2] =	wrdreg s24  }
0xb5: {  	[dreg:$0x3] =	wrdreg s17  }
0xb6: {  	[dreg:$0x4] =	wrdreg s16  }
0xb7: {  	[dreg:$0x5] =	wrdreg $0x0  }
0xb8: {  	[dreg:$0x6] =	wrdreg $0x9  }
0xb9: {  	_ =	task.clear_ibuf [dreg:s8], $0x7FFFF;
	_ =	strace $0x90000058  }
0xba: {  	s29 =	simm.s32 $0x9;
	_ =	strace $0x8000005A  }
0xbb: {  	_ =	swait.ge [sflag:s29], $0x1  }
0xbc: {  	[sflag:s29] =	ssyncadd.s32 $0xFFFFFFFF  }
0xbd: {  	_ =	strace $0x9000005A  }
0xbe: {  	_ =	sfence  }
0xbf: {  	s30 =	sld [smem:$0x0];
	_ =	sdelay $0x2  }
0xc0: {  	s31 =	sshll.u32 s1, $0xD;
	s1 =	sshrl.u32 s1, $0x2  }
0xc1: {  	s3 =	sand.u32 $0x4000, s31;
	s1 =	sadd.s32 s1, s30  }
0xc2: {  	s0 =	sor.u32 s3, s0;
	s1 =	sshll.u32 s1, $0x11  }
0xc3: {  	s0 =	sor.u32 s1, s0  }
0xc4: {  	s0 =	sadd.s32 $0x8F2B, s0  }
0xc5: {  	[sflag:s0] =	ssyncadd.remote.s32 $0x1  }
0xc6: {  	_ =	sfence.sel $0xFFFF  }
0xc7: {  	[dreg:$0x0] =	wrdreg $0xFFFFFFFF;
	(pc) =	sbr.abs _section_cstart, $3  }
0xc8: {  	[dreg:$0x1] =	wrdreg $0xFFFFFFFF  }
0xc9: {  	_ =	task.clear_ibuf [dreg:s8], $0x2FFFF;
	_ =	strace $0x9FFFFFFF  }
0xca: {  	(tm) =	ssettm $0x7FFFFFFF  }
0xcb: {  	_ =	shalt  }
tec
execute0_lowered:
.L_overlay_start_1:
0x0: {  	(tag) =	ssettag $0x1  }
0x1: {  	s5 =	rddreg [dreg:$0x0]  }
0x2: {  	s7 =	rddreg [dreg:$0x1]  }
0x3: {  	s8 =	rddreg [dreg:$0x2]  }
0x4: {  	s1 =	rddreg [dreg:$0x3]  }
0x5: {  	s0 =	rddreg [dreg:$0x4];
	s3 =	srdreg.scid  }
0x6: {  	s2 =	simm.s32 $0x0;
	s14 =	simm.s32 $0x80;
	s9 =	sand.u32 $0x1, s3  }
0x7: {  	s15 =	simm.s32 $0x14100;
	s3 =	stileid.u32;
	s6 =	smul.u32 $0x28000, s9  }
0x8: {  	s16 =	simm.s32 $0x1;
	[smem:$0x7FF] =	sst s2;
	s11 =	smul.u32 $0x50000, s3  }
0x9: {  	s4 =	sadd.s32 $0x2FC00, s5;
	s12 =	sadd.s32 $0x7C00, s5;
	s17 =	smul.u32 $0x2800, s3  }
0xa: {  	_ =	strace $0x80000059;
	s10 =	ssub.s32 $0x2, s9;
	s30 =	smul.u32 $0x9E0, s3  }
0xb: {  	p0 =	seq.s32 s9, $0x1;
	s9 =	smul.u32 $0x4F0, s9;
	s13 =	sshrl.u32 s10, $0x1  }
0xc: {  	s31 =	sshll.u32 s3, $0x6;
	s5 =	sadd.s32 s6, s5;
	s28 =	ssub.s32 s10, s13  }
0xd: {  	s29 =	sshrl.u32 s11, $0x2;
	s11 =	smov.u32 s4;
	s8 =	sadd.s32 s30, s8  }
0xe: {  	s13 =	simm.s32 $0x14080;
	s10 =	sadd.s32 s29, s1;
	s18 =	sadd.s32 $0xCFC00, s5  }
0xf: {  	s11 =	smov.u32 @p0 s12;
	s5 =	smax.u32 s28, $0x1;
	s12 =	sadd.s32 s30, s7  }
0x10: {  	s7 =	sor.u32 $0x1C02, s31;
	s8 =	sadd.s32 s9, s8;
	s6 =	sadd.s32 s11, s17  }
0x11: {  	s9 =	sadd.s32 s9, s12;
	s10 =	sshrl.u32 s10, $0x3;
	s11 =	simm.s32 $0x2  }
0x12: {  	s12 =	simm.s32 $0x14000;
	s17 =	sadd.s32 s17, s18;
	s18 =	simm.s32 $0x0  }
.LBB2_1:
0x13: {  	[spmem:s10], [sflag:s7] =	dma.local [hbm:s6], $0x2800  }
0x14: {  	_ =	swait.ge [sflag:s11], $0x2800  }
0x15: {  	[sflag:s11] =	ssyncset.done $0x0  }
0x16: {  	[sflag:s11] =	ssyncadd.s32 $0xFFFFD800  }
0x17: {  	s19 =	sadd.s32 $0x0, s9;
	[bflag:$0x0] =	sbarrier.arrive $0xFFFF  }
0x18: {  	[tilespmem:s12], [sflag:$0x2] =	stream.linear.gather [hbm4b:s19+s2], $0x80, $0x38;
	[tilespmem:$0x18100] =	vst v63  }
0x19: {  	_ =	swait.ge [sflag:s11], $0x80  }
0x1a: {  	[sflag:s11] =	ssyncset.done $0x0  }
0x1b: {  	s31 =	sadd.s32 $0x0, s8;
	[sflag:s11] =	ssyncadd.s32 $0xFFFFFF80  }
0x1c: {  	[tilespmem:s13], [sflag:$0x2] =	stream.linear.gather [hbm4b:s31+s2], $0x80, $0x38;
	[tilespmem:$0x18100] =	vst v63  }
0x1d: {  	_ =	swait.ge [sflag:s11], $0x80  }
0x1e: {  	[sflag:s11] =	ssyncset.done $0x0  }
0x1f: {  	[sflag:s11] =	ssyncadd.s32 $0xFFFFFF80  }
0x20: {  	[tilespmem:s15], [sflag:$0x1] =	stream.indirect.gather [hbm4b:s4+s14], $0x80, s12, s14, $0xb8;
	[tilespmem:$0x18100] =	vst v63  }
0x21: {  	_ =	swait.ge [sflag:s16], $0x4000  }
0x22: {  	[sflag:s16] =	ssyncset.done $0x0  }
0x23: {  	[sflag:s16] =	ssyncadd.s32 $0xFFFFC000  }
0x24: {  	[spmem:s1] =	stream.indirect.scatter.add.f32 [tilespmem:s15], [sflag:$0x2], $0x80, s13, s14, $0xb8;
	[tilespmem:$0x18100] =	vst v63  }
0x25: {  	_ =	swait.ge [sflag:s11], $0x4000  }
0x26: {  	s20 =	simm.s32 $0x20;
	s19 =	simm.s32 $0x10;
	[sflag:s11] =	ssyncset.done $0x0  }
.LBB2_2:
0x27: {  	s21 =	sadd.s32 s19, s9  }
0x28: {  	[sflag:s11] =	ssyncadd.s32 $0xFFFFC000;
	s22 =	smov.u32 s20;
	s23 =	sadd.s32 $0x10, s20  }
0x29: {  	[tilespmem:s12], [sflag:$0x2] =	stream.linear.gather [hbm4b:s21+s2], $0x80, $0x38;
	[tilespmem:$0x18100] =	vst v63  }
0x2a: {  	p0 =	sne.s32 s20, $0x4E0;
	_ =	swait.ge [sflag:s11], $0x80  }
0x2b: {  	[sflag:s11] =	ssyncset.done $0x0  }
0x2c: {  	s20 =	sadd.s32 s19, s8;
	s19 =	smov.u32 s22;
	[sflag:s11] =	ssyncadd.s32 $0xFFFFFF80  }
0x2d: {  	[tilespmem:s13], [sflag:$0x2] =	stream.linear.gather [hbm4b:s20+s2], $0x80, $0x38;
	[tilespmem:$0x18100] =	vst v63  }
0x2e: {  	_ =	swait.ge [sflag:s11], $0x80  }
0x2f: {  	[sflag:s11] =	ssyncset.done $0x0  }
0x30: {  	[sflag:s11] =	ssyncadd.s32 $0xFFFFFF80  }
0x31: {  	[tilespmem:s15], [sflag:$0x1] =	stream.indirect.gather [hbm4b:s4+s14], $0x80, s12, s14, $0xb8;
	[tilespmem:$0x18100] =	vst v63  }
0x32: {  	_ =	swait.ge [sflag:s16], $0x4000  }
.Ltmp0:
0x33: {  	[sflag:s16] =	ssyncset.done $0x0;
	(pc) =	sbr.rel @p0 .LBB2_2-.Ltmp0, $4  }
0x34: {  	[sflag:s16] =	ssyncadd.s32 $0xFFFFC000  }
0x35: {  	[spmem:s1] =	stream.indirect.scatter.add.f32 [tilespmem:s15], [sflag:$0x2], $0x80, s13, s14, $0xb8;
	[tilespmem:$0x18100] =	vst v63  }
0x36: {  	_ =	swait.ge [sflag:s11], $0x4000  }
0x37: {  	s20 =	smov.u32 s23;
	[sflag:s11] =	ssyncset.done $0x0  }
0x38: {  	s20 =	sadd.s32 s19, s9;
	[sflag:s11] =	ssyncadd.s32 $0xFFFFC000  }
0x39: {  	[tilespmem:s12], [sflag:$0x2] =	stream.linear.gather [hbm4b:s20+s2], $0x80, $0x38;
	[tilespmem:$0x18100] =	vst v63  }
0x3a: {  	_ =	swait.ge [sflag:s11], $0x80  }
0x3b: {  	[sflag:s11] =	ssyncset.done $0x0  }
0x3c: {  	s31 =	sadd.s32 s19, s8;
	[sflag:s11] =	ssyncadd.s32 $0xFFFFFF80  }
0x3d: {  	[tilespmem:s13], [sflag:$0x2] =	stream.linear.gather [hbm4b:s31+s2], $0x80, $0x38;
	[tilespmem:$0x18100] =	vst v63  }
0x3e: {  	_ =	swait.ge [sflag:s11], $0x80  }
0x3f: {  	[sflag:s11] =	ssyncset.done $0x0  }
0x40: {  	[sflag:s11] =	ssyncadd.s32 $0xFFFFFF80  }
0x41: {  	[tilespmem:s15], [sflag:$0x1] =	stream.indirect.gather [hbm4b:s4+s14], $0x80, s12, s14, $0xb8;
	[tilespmem:$0x18100] =	vst v63  }
0x42: {  	_ =	swait.ge [sflag:s16], $0x4000  }
0x43: {  	[sflag:s16] =	ssyncset.done $0x0  }
0x44: {  	[sflag:s16] =	ssyncadd.s32 $0xFFFFC000  }
0x45: {  	[spmem:s1] =	stream.indirect.scatter.add.f32 [tilespmem:s15], [sflag:$0x2], $0x80, s13, s14, $0xb8;
	[tilespmem:$0x18100] =	vst v63  }
0x46: {  	_ =	swait.ge [sflag:s11], $0x4000  }
0x47: {  	s18 =	sadd.s32 $0x1, s18;
	[sflag:s11] =	ssyncset.done $0x0  }
0x48: {  	p0 =	sne.s32 s18, s5;
	[sflag:s11] =	ssyncadd.s32 $0xFFFFC000  }
.Ltmp1:
0x49: {  	[bflag:$0x0] =	sbarrier.arrive $0xFFFF;
	(pc) =	sbr.rel @p0 .LBB2_1-.Ltmp1, $4  }
0x4a: {  	[hbm:s17], [sflag:s7] =	dma.local [spmem:s10], $0x2800  }
0x4b: {  	_ =	swait.ge [sflag:s11], $0x2800  }
0x4c: {  	[sflag:s11] =	ssyncset.done $0x0  }
0x4d: {  	[sflag:s11] =	ssyncadd.s32 $0xFFFFD800  }
0x4e: {  	_ =	sfence.sel $0x180000  }
0x4f: {  	[bflag:$0x0] =	sbarrier.arrive $0xFFFF  }
0x50: {  	p0 =	sne.s32 s3, $0x0;
	_ =	strace $0x90000059  }
0x51: {  	s0 =	sadd.s32 @!p0 $0x100000, s0;
	[bflag:$0x2] =	sbarrier.arrive $0xFFFF  }
0x52: {  	[sflag:s0] =	ssyncadd.tile.s32 @!p0 $0x1;
	_ =	shalt  }
.Lfunc_end2:
_tile_overlayer_lowered:
.L_overlay_start_2:
0x53: {  	(tag) =	ssettag $0x2  }
0x54: {  	s0 =	rddreg [dreg:$0x0];
	s2 =	stileid.u32  }
0x55: {  	s1 =	rddreg [dreg:$0x1];
	p0 =	sne.s32 s2, $0x0  }
0x56: {  	s3 =	rddreg [dreg:$0x2];
	[bflag:$0x3] =	sbarrier.arrive $0xFFFF;
	s2 =	simm.s32 @!p0 $0x1C02  }
0x57: {  	[timem:s3], [sflag:s2] =	dma.local @!p0 [hbm:s0], s1  }
0x58: {  	s0 =	simm.s32 @!p0 $0x2  }
0x59: {  	_ =	swait.ge @!p0 [sflag:s0], s1  }
0x5a: {  	s1 =	ssub.s32 @!p0 $0x0, s1;
	[sflag:s0] =	ssyncset.done @!p0 $0x0  }
0x5b: {  	[sflag:s0] =	ssyncadd.s32 @!p0 s1  }
0x5c: {  	[bflag:$0x3] =	sbarrier.arrive $0xFFFF  }
0x5d: {  	_ =	shalt  }

// kernel: kernel.43.cloned.1.call-start
scs
__scs_entry_jumppad:
0x0: {  	(pc) =	sbr.rel $0x88, $3  }
0x1: {  	(tag) =	ssettag $0x0;
	lr =	simm.s32 $0x1  }
0x2: {  	[smem:$0x3F93] =	sst lr;
	_ =	strace $0xD0000000  }
0x3: {  	_ = 	snop  }
0x4: {  	_ = 	snop  }
0x5: {  	_ = 	snop  }
0x6: {  	_ = 	snop  }
0x7: {  	_ = 	snop  }
__scs_overlays_trampoline_lowered:
0x8: {  	[smem:$0x3FA2] =	sst s0  }
0x9: {  	[smem:$0x3FA3] =	sst s1  }
0xa: {  	[smem:$0x3FA4] =	sst s2  }
0xb: {  	[smem:$0x3FA5] =	sst s3  }
0xc: {  	[smem:$0x3FA6] =	sst s4  }
0xd: {  	[smem:$0x3FA7] =	sst s5  }
0xe: {  	[smem:$0x3FA8] =	sst s6  }
0xf: {  	[smem:$0x3FA9] =	sst s7  }
0x10: {  	[smem:$0x3FAA] =	sst s8  }
0x11: {  	[smem:$0x3FAB] =	sst s9;
	s0 =	simm.s32 @!p0 $0x0  }
0x12: {  	s1 =	sld [smem:$0x3F91];
	s0 =	simm.s32 @p0 $0x1  }
0x13: {  	[smem:$0x3FAC] =	sst s0;
	s0 =	simm.s32 @!p1 $0x0  }
0x14: {  	s2 =	sld [smem:$0x3F90];
	s0 =	simm.s32 @p1 $0x1  }
0x15: {  	[smem:$0x3FAD] =	sst s0;
	s0 =	simm.s32 @!p2 $0x0  }
0x16: {  	s3 =	sld [smem:$0x3FDB];
	s0 =	simm.s32 @p2 $0x1  }
0x17: {  	s4 =	simm.s32 $0x1BF5;
	[smem:$0x3FAF] =	sst s0  }
0x18: {  	s0 =	sld [smem:$0x3F92];
	_ =	swait.ge [sflag:s4], $0x0  }
0x19: {  	s7 =	sld [smem:$0x3F93]  }
0x1a: {  	s8 =	sadd.s32 $0xFFFFE003, lr  }
0x1b: {  	s9 =	sadd.s32 $0xFFFFFEF7, lr;
	s5 =	simm.s32 $0xFFFFFFFF;
	p2 =	slt.u32 s8, $0xFFFFF086  }
0x1c: {  	p1 =	slt.u32 s9, $0xF7A;
	s5 =	simm.s32 @!p2 $0x0  }
0x1d: {  	s5 =	simm.s32 @p1 $0x1;
	p0 =	seq.s32 s7, s2  }
0x1e: {  	s7 =	smul.u32 @!p0 $0xF7A, s2;
	p2 =	seq.s32 @!p0 s5, $0x0  }
0x1f: {  	s9 =	smul.u32 $0xF7A, s1;
	s8 =	simm.s32 @!p0 $0x1BF5;
	p2 =	por !p2, p0  }
0x20: {  	[sflag:s8] =	ssyncset.s32 @!p0 $0xFFFFF086;
	s6 =	sadd.s32 @!p0 s3, s7;
	s7 =	simm.s32 @!p0 $0x108  }
0x21: {  	s3 =	sadd.s32 s3, s9;
	s6 =	sadd.s32 @!p0 $0x88, s6;
	s7 =	simm.s32 @p2 $0x1082  }
0x22: {  	[simem:s7], [sflag:s8] =	dma.local @!p0 [hbm:s6], $0xF7A  }
0x23: {  	s9 =	sor.u32 $0xD0000000, s2;
	s6 =	simm.s32 $0x108;
	_ =	swait.ge @!p0 [sflag:s8], $0x0  }
0x24: {  	s3 =	sadd.s32 $0x88, s3;
	s6 =	simm.s32 @!p1 $0x1082;
	[sflag:s4] =	ssyncset.s32 $0xFFFFF086  }
0x25: {  	[simem:s6], [sflag:s4] =	dma.local [hbm:s3], $0xF7A  }
0x26: {  	[smem:$0x3F93] =	sst s1;
	(tag) =	ssettag s2;
	_ =	strace s9  }
0x27: {  	s1 =	sld [smem:$0x3FA3]  }
0x28: {  	s2 =	sld [smem:$0x3FA4]  }
0x29: {  	s4 =	sld [smem:$0x3FA6]  }
0x2a: {  	p0 =	seq.s32 s5, $0x0;
	s5 =	sld [smem:$0x3FA7]  }
0x2b: {  	s6 =	sld [smem:$0x3FA8]  }
0x2c: {  	s7 =	sld [smem:$0x3FA9]  }
0x2d: {  	s3 =	simm.s32 $0x108;
	s8 =	sld [smem:$0x3FAA]  }
0x2e: {  	s3 =	simm.s32 @!p0 $0x1082;
	s9 =	sld [smem:$0x3FAB]  }
0x2f: {  	lr =	sadd.s32 s0, s3;
	s0 =	sld [smem:$0x3FA2]  }
0x30: {  	s3 =	sld [smem:$0x3FA5]  }
0x31: {  	[smem:$0x3FAE] =	sst s10  }
0x32: {  	s10 =	sld [smem:$0x3FAC];
	_ =	sdelay $0x3  }
0x33: {  	p0 =	seq.s32 s10, $0x1;
	s10 =	sld [smem:$0x3FAE];
	_ =	sdelay $0x3  }
0x34: {  	[smem:$0x3FAE] =	sst s10  }
0x35: {  	s10 =	sld [smem:$0x3FAD];
	_ =	sdelay $0x3  }
0x36: {  	p1 =	seq.s32 s10, $0x1;
	s10 =	sld [smem:$0x3FAE];
	_ =	sdelay $0x3  }
0x37: {  	[smem:$0x3FAE] =	sst s10  }
0x38: {  	s10 =	sld [smem:$0x3FAF]  }
0x39: {  	_ = 	snop;
	(pc) =	sbr.ind lr, $3  }
0x3a: {  	_ = 	snop  }
0x3b: {  	_ = 	snop  }
0x3c: {  	p2 =	seq.s32 s10, $0x1;
	s10 =	sld [smem:$0x3FAE]  }
0x3d: {  	_ =	shalt  }
0x3e: {  	_ =	shalt  }
0x3f: {  	_ =	shalt  }
0x40: {  	_ =	shalt  }
0x41: {  	_ =	shalt  }
0x42: {  	_ =	shalt  }
0x43: {  	_ =	shalt  }
0x44: {  	_ =	shalt  }
0x45: {  	_ =	shalt  }
0x46: {  	_ =	shalt  }
0x47: {  	_ =	shalt  }
0x48: {  	_ =	shalt  }
0x49: {  	_ =	shalt  }
0x4a: {  	_ =	shalt  }
0x4b: {  	_ =	shalt  }
0x4c: {  	_ =	shalt  }
0x4d: {  	_ =	shalt  }
0x4e: {  	_ =	shalt  }
0x4f: {  	_ =	shalt  }
0x50: {  	_ =	shalt  }
0x51: {  	_ =	shalt  }
0x52: {  	_ =	shalt  }
0x53: {  	_ =	shalt  }
0x54: {  	_ =	shalt  }
0x55: {  	_ =	shalt  }
0x56: {  	_ =	shalt  }
0x57: {  	_ =	shalt  }
0x58: {  	_ =	shalt  }
0x59: {  	_ =	shalt  }
0x5a: {  	_ =	shalt  }
0x5b: {  	_ =	shalt  }
0x5c: {  	_ =	shalt  }
0x5d: {  	_ =	shalt  }
0x5e: {  	_ =	shalt  }
0x5f: {  	_ =	shalt  }
0x60: {  	_ =	shalt  }
0x61: {  	_ =	shalt  }
0x62: {  	_ =	shalt  }
0x63: {  	_ =	shalt  }
0x64: {  	_ =	shalt  }
0x65: {  	_ =	shalt  }
0x66: {  	_ =	shalt  }
0x67: {  	_ =	shalt  }
0x68: {  	_ =	shalt  }
0x69: {  	_ =	shalt  }
0x6a: {  	_ =	shalt  }
0x6b: {  	_ =	shalt  }
0x6c: {  	_ =	shalt  }
0x6d: {  	_ =	shalt  }
0x6e: {  	_ =	shalt  }
0x6f: {  	_ =	shalt  }
0x70: {  	_ =	shalt  }
0x71: {  	_ =	shalt  }
0x72: {  	_ =	shalt  }
0x73: {  	_ =	shalt  }
0x74: {  	_ =	shalt  }
0x75: {  	_ =	shalt  }
0x76: {  	_ =	shalt  }
0x77: {  	_ =	shalt  }
0x78: {  	_ =	shalt  }
0x79: {  	_ =	shalt  }
0x7a: {  	_ =	shalt  }
0x7b: {  	_ =	shalt  }
0x7c: {  	_ =	shalt  }
0x7d: {  	_ =	shalt  }
0x7e: {  	_ =	shalt  }
0x7f: {  	_ =	shalt  }
0x80: {  	_ =	shalt  }
0x81: {  	_ =	shalt  }
0x82: {  	_ =	shalt  }
0x83: {  	_ =	shalt  }
0x84: {  	_ =	shalt  }
0x85: {  	_ =	shalt  }
0x86: {  	_ =	shalt  }
0x87: {  	_ =	shalt  }
.Lfunc_end0:
.L_simem_size_0:
called_computation.7_lowered:
.L_overlay_start_0:
0x88: {  	s2 =	sld [smem:$0x3FD9]  }
0x89: {  	s3 =	sld [smem:$0x3FFE];
	_ =	sdelay $0x1  }
0x8a: {  	s1 =	srdreg.scid  }
0x8b: {  	s0 =	sand.u32 $0x1, s1  }
0x8c: {  	s14 =	sshll.u32 s0, $0xA;
	s2 =	sadd.s32 s3, s2  }
0x8d: {  	s2 =	sadd.s32 s2, s14  }
0x8e: {  	[smem:$0x3FBA] =	sst s2  }
0x8f: {  	_ = 	snop  }
0x90: {  	s2 =	sld [smem:$0x3FD0];
	_ =	sdelay $0x2  }
0x91: {  	s15 =	simm.s32 $0xA;
	s4 =	simm.s32 $0x10  }
0x92: {  	[smem:s4], [sflag:s15] =	dma.local [hbm:s2], $0x1  }
0x93: {  	_ =	swait.eq [sflag:s15], $0x1  }
0x94: {  	[sflag:s15] =	ssyncset.done $0x0  }
0x95: {  	s16 =	sld [smem:$0x10];
	[sflag:s15] =	ssyncadd.s32 $0xFFFFFFFF  }
0x96: {  	s17 =	sld [smem:$0x11];
	(tm) =	ssettm $0x1  }
0x97: {  	s18 =	sld [smem:$0x3FFB];
	_ =	sdelay $0x3  }
0x98: {  	_ =	strace s18  }
0x99: {  	s4 =	sld [smem:$0x3FFC];
	_ =	sdelay $0x3  }
0x9a: {  	_ =	strace s4  }
0x9b: {  	s4 =	sld [smem:$0x3FFD];
	_ =	sdelay $0x3  }
0x9c: {  	_ =	strace s4  }
0x9d: {  	_ =	strace $0x8FFFFFFF  }
0x9e: {  	s19 =	sld [smem:$0x3FDB];
	_ =	sdelay $0x1  }
0x9f: {  	s5 =	simm.s32 $_scs_section_size  }
0xa0: {  	s6 =	simm.s32 $_size__tile_overlayer_lowered;
	s7 =	simm.s32 $_tile_overlayer_lowered  }
0xa1: {  	s22 =	simm.s32 $0x1BFF;
	s21 =	sshll.u32 s7, $0x1;
	s4 =	sadd.s32 s5, s19  }
0xa2: {  	s8 =	simm.s32 $0x0;
	s20 =	sshll.u32 s6, $0x1;
	s6 =	sadd.s32 s21, s4  }
0xa3: {  	[timem:s8], [sflag:s22] =	dma.local [hbm:s6], s20  }
0xa4: {  	_ =	swait.ge [sflag:s22], s20  }
0xa5: {  	s5 =	ssub.s32 $0x0, s20;
	[sflag:s22] =	ssyncset.done $0x0  }
0xa6: {  	[sflag:s22] =	ssyncadd.s32 s5;
	_ =	sdelay $0x1  }
0xa7: {  	s23 =	simm.s32 $0x1B8B  }
0xa8: {  	_ =	swait.ge [sflag:s23], $0x1  }
0xa9: {  	[sflag:s23] =	ssyncset.done $0x0  }
0xaa: {  	s25 =	simm.s32 $0x1B8E;
	s24 =	sld [smem:$0x3FFE];
	[sflag:s23] =	ssyncadd.s32 $0xFFFFFFFF  }
0xab: {  	s26 =	simm.s32 $execute0_lowered;
	[smem:$0x3FD2] =	sst s25  }
0xac: {  	s6 =	sshll.u32 s26, $0x1;
	_ =	strace $0x8000005B;
	[dreg:$0x1] =	wrdreg $0xFFFFFFFF  }
0xad: {  	s28 =	simm.s32 $_size_execute0_lowered;
	s4 =	sadd.s32 s4, s6;
	[dreg:$0x0] =	wrdreg $0x0  }
0xae: {  	s6 =	sshll.u32 s28, $0x1;
	[dreg:$0x2] =	wrdreg s4  }
0xaf: {  	[dreg:$0x3] =	wrdreg s6  }
0xb0: {  	[dreg:$0x4] =	wrdreg $0xC0  }
0xb1: {  	_ =	task [dreg:s8], $0x5FFFF  }
0xb2: {  	[dreg:$0x1] =	wrdreg $0xFFFFFFFF  }
0xb3: {  	[dreg:$0x0] =	wrdreg $0x60  }
0xb4: {  	[dreg:$0x2] =	wrdreg s24  }
0xb5: {  	[dreg:$0x3] =	wrdreg s17  }
0xb6: {  	[dreg:$0x4] =	wrdreg s16  }
0xb7: {  	[dreg:$0x5] =	wrdreg $0x0  }
0xb8: {  	[dreg:$0x6] =	wrdreg $0x9  }
0xb9: {  	_ =	task.clear_ibuf [dreg:s8], $0x7FFFF;
	_ =	strace $0x9000005B  }
0xba: {  	s29 =	simm.s32 $0x9;
	_ =	strace $0x8000005D  }
0xbb: {  	_ =	swait.ge [sflag:s29], $0x1  }
0xbc: {  	[sflag:s29] =	ssyncadd.s32 $0xFFFFFFFF  }
0xbd: {  	_ =	strace $0x9000005D  }
0xbe: {  	_ =	sfence  }
0xbf: {  	s30 =	sld [smem:$0x0];
	_ =	sdelay $0x2  }
0xc0: {  	s31 =	sshll.u32 s1, $0xD;
	s1 =	sshrl.u32 s1, $0x2  }
0xc1: {  	s3 =	sand.u32 $0x4000, s31;
	s1 =	sadd.s32 s1, s30  }
0xc2: {  	s0 =	sor.u32 s3, s0;
	s1 =	sshll.u32 s1, $0x11  }
0xc3: {  	s0 =	sor.u32 s1, s0  }
0xc4: {  	s0 =	sadd.s32 $0x8F2B, s0  }
0xc5: {  	[sflag:s0] =	ssyncadd.remote.s32 $0x1  }
0xc6: {  	_ =	sfence.sel $0xFFFF  }
0xc7: {  	[dreg:$0x0] =	wrdreg $0xFFFFFFFF;
	(pc) =	sbr.abs _section_cstart, $3  }
0xc8: {  	[dreg:$0x1] =	wrdreg $0xFFFFFFFF  }
0xc9: {  	_ =	task.clear_ibuf [dreg:s8], $0x2FFFF;
	_ =	strace $0x9FFFFFFF  }
0xca: {  	(tm) =	ssettm $0x7FFFFFFF  }
0xcb: {  	_ =	shalt  }
tec
execute0_lowered:
.L_overlay_start_1:
0x0: {  	(tag) =	ssettag $0x1  }
0x1: {  	s5 =	rddreg [dreg:$0x0]  }
0x2: {  	s7 =	rddreg [dreg:$0x1]  }
0x3: {  	s8 =	rddreg [dreg:$0x2]  }
0x4: {  	s1 =	rddreg [dreg:$0x3]  }
0x5: {  	s0 =	rddreg [dreg:$0x4];
	s3 =	srdreg.scid  }
0x6: {  	s2 =	simm.s32 $0x0;
	s14 =	simm.s32 $0x80;
	s9 =	sand.u32 $0x1, s3  }
0x7: {  	s15 =	simm.s32 $0x14100;
	s3 =	stileid.u32;
	s6 =	smul.u32 $0x28000, s9  }
0x8: {  	s16 =	simm.s32 $0x1;
	[smem:$0x7FF] =	sst s2;
	s11 =	smul.u32 $0x50000, s3  }
0x9: {  	s4 =	sadd.s32 $0x2FC00, s5;
	s12 =	sadd.s32 $0x7C00, s5;
	s17 =	smul.u32 $0x2800, s3  }
0xa: {  	_ =	strace $0x8000005C;
	s10 =	ssub.s32 $0x2, s9;
	s30 =	smul.u32 $0x9E0, s3  }
0xb: {  	p0 =	seq.s32 s9, $0x1;
	s9 =	smul.u32 $0x4F0, s9;
	s13 =	sshrl.u32 s10, $0x1  }
0xc: {  	s31 =	sshll.u32 s3, $0x6;
	s5 =	sadd.s32 s6, s5;
	s28 =	ssub.s32 s10, s13  }
0xd: {  	s29 =	sshrl.u32 s11, $0x2;
	s11 =	smov.u32 s4;
	s8 =	sadd.s32 s30, s8  }
0xe: {  	s13 =	simm.s32 $0x14080;
	s10 =	sadd.s32 s29, s1;
	s18 =	sadd.s32 $0xCFC00, s5  }
0xf: {  	s11 =	smov.u32 @p0 s12;
	s5 =	smax.u32 s28, $0x1;
	s12 =	sadd.s32 s30, s7  }
0x10: {  	s7 =	sor.u32 $0x1C02, s31;
	s8 =	sadd.s32 s9, s8;
	s6 =	sadd.s32 s11, s17  }
0x11: {  	s9 =	sadd.s32 s9, s12;
	s10 =	sshrl.u32 s10, $0x3;
	s11 =	simm.s32 $0x2  }
0x12: {  	s12 =	simm.s32 $0x14000;
	s17 =	sadd.s32 s17, s18;
	s18 =	simm.s32 $0x0  }
.LBB2_1:
0x13: {  	[spmem:s10], [sflag:s7] =	dma.local [hbm:s6], $0x2800  }
0x14: {  	_ =	swait.ge [sflag:s11], $0x2800  }
0x15: {  	[sflag:s11] =	ssyncset.done $0x0  }
0x16: {  	[sflag:s11] =	ssyncadd.s32 $0xFFFFD800  }
0x17: {  	s19 =	sadd.s32 $0x0, s9;
	[bflag:$0x0] =	sbarrier.arrive $0xFFFF  }
0x18: {  	[tilespmem:s12], [sflag:$0x2] =	stream.linear.gather [hbm4b:s19+s2], $0x80, $0x38;
	[tilespmem:$0x18100] =	vst v63  }
0x19: {  	_ =	swait.ge [sflag:s11], $0x80  }
0x1a: {  	[sflag:s11] =	ssyncset.done $0x0  }
0x1b: {  	s31 =	sadd.s32 $0x0, s8;
	[sflag:s11] =	ssyncadd.s32 $0xFFFFFF80  }
0x1c: {  	[tilespmem:s13], [sflag:$0x2] =	stream.linear.gather [hbm4b:s31+s2], $0x80, $0x38;
	[tilespmem:$0x18100] =	vst v63  }
0x1d: {  	_ =	swait.ge [sflag:s11], $0x80  }
0x1e: {  	[sflag:s11] =	ssyncset.done $0x0  }
0x1f: {  	[sflag:s11] =	ssyncadd.s32 $0xFFFFFF80  }
0x20: {  	[tilespmem:s15], [sflag:$0x1] =	stream.indirect.gather [hbm4b:s4+s14], $0x80, s12, s14, $0xb8;
	[tilespmem:$0x18100] =	vst v63  }
0x21: {  	_ =	swait.ge [sflag:s16], $0x4000  }
0x22: {  	[sflag:s16] =	ssyncset.done $0x0  }
0x23: {  	[sflag:s16] =	ssyncadd.s32 $0xFFFFC000  }
0x24: {  	[spmem:s1] =	stream.indirect.scatter.add.f32 [tilespmem:s15], [sflag:$0x2], $0x80, s13, s14, $0xb8;
	[tilespmem:$0x18100] =	vst v63  }
0x25: {  	_ =	swait.ge [sflag:s11], $0x4000  }
0x26: {  	s20 =	simm.s32 $0x20;
	s19 =	simm.s32 $0x10;
	[sflag:s11] =	ssyncset.done $0x0  }
.LBB2_2:
0x27: {  	s21 =	sadd.s32 s19, s9  }
0x28: {  	[sflag:s11] =	ssyncadd.s32 $0xFFFFC000;
	s22 =	smov.u32 s20;
	s23 =	sadd.s32 $0x10, s20  }
0x29: {  	[tilespmem:s12], [sflag:$0x2] =	stream.linear.gather [hbm4b:s21+s2], $0x80, $0x38;
	[tilespmem:$0x18100] =	vst v63  }
0x2a: {  	p0 =	sne.s32 s20, $0x4E0;
	_ =	swait.ge [sflag:s11], $0x80  }
0x2b: {  	[sflag:s11] =	ssyncset.done $0x0  }
0x2c: {  	s20 =	sadd.s32 s19, s8;
	s19 =	smov.u32 s22;
	[sflag:s11] =	ssyncadd.s32 $0xFFFFFF80  }
0x2d: {  	[tilespmem:s13], [sflag:$0x2] =	stream.linear.gather [hbm4b:s20+s2], $0x80, $0x38;
	[tilespmem:$0x18100] =	vst v63  }
0x2e: {  	_ =	swait.ge [sflag:s11], $0x80  }
0x2f: {  	[sflag:s11] =	ssyncset.done $0x0  }
0x30: {  	[sflag:s11] =	ssyncadd.s32 $0xFFFFFF80  }
0x31: {  	[tilespmem:s15], [sflag:$0x1] =	stream.indirect.gather [hbm4b:s4+s14], $0x80, s12, s14, $0xb8;
	[tilespmem:$0x18100] =	vst v63  }
0x32: {  	_ =	swait.ge [sflag:s16], $0x4000  }
.Ltmp0:
0x33: {  	[sflag:s16] =	ssyncset.done $0x0;
	(pc) =	sbr.rel @p0 .LBB2_2-.Ltmp0, $4  }
0x34: {  	[sflag:s16] =	ssyncadd.s32 $0xFFFFC000  }
0x35: {  	[spmem:s1] =	stream.indirect.scatter.add.f32 [tilespmem:s15], [sflag:$0x2], $0x80, s13, s14, $0xb8;
	[tilespmem:$0x18100] =	vst v63  }
0x36: {  	_ =	swait.ge [sflag:s11], $0x4000  }
0x37: {  	s20 =	smov.u32 s23;
	[sflag:s11] =	ssyncset.done $0x0  }
0x38: {  	s20 =	sadd.s32 s19, s9;
	[sflag:s11] =	ssyncadd.s32 $0xFFFFC000  }
0x39: {  	[tilespmem:s12], [sflag:$0x2] =	stream.linear.gather [hbm4b:s20+s2], $0x80, $0x38;
	[tilespmem:$0x18100] =	vst v63  }
0x3a: {  	_ =	swait.ge [sflag:s11], $0x80  }
0x3b: {  	[sflag:s11] =	ssyncset.done $0x0  }
0x3c: {  	s31 =	sadd.s32 s19, s8;
	[sflag:s11] =	ssyncadd.s32 $0xFFFFFF80  }
0x3d: {  	[tilespmem:s13], [sflag:$0x2] =	stream.linear.gather [hbm4b:s31+s2], $0x80, $0x38;
	[tilespmem:$0x18100] =	vst v63  }
0x3e: {  	_ =	swait.ge [sflag:s11], $0x80  }
0x3f: {  	[sflag:s11] =	ssyncset.done $0x0  }
0x40: {  	[sflag:s11] =	ssyncadd.s32 $0xFFFFFF80  }
0x41: {  	[tilespmem:s15], [sflag:$0x1] =	stream.indirect.gather [hbm4b:s4+s14], $0x80, s12, s14, $0xb8;
	[tilespmem:$0x18100] =	vst v63  }
0x42: {  	_ =	swait.ge [sflag:s16], $0x4000  }
0x43: {  	[sflag:s16] =	ssyncset.done $0x0  }
0x44: {  	[sflag:s16] =	ssyncadd.s32 $0xFFFFC000  }
0x45: {  	[spmem:s1] =	stream.indirect.scatter.add.f32 [tilespmem:s15], [sflag:$0x2], $0x80, s13, s14, $0xb8;
	[tilespmem:$0x18100] =	vst v63  }
0x46: {  	_ =	swait.ge [sflag:s11], $0x4000  }
0x47: {  	s18 =	sadd.s32 $0x1, s18;
	[sflag:s11] =	ssyncset.done $0x0  }
0x48: {  	p0 =	sne.s32 s18, s5;
	[sflag:s11] =	ssyncadd.s32 $0xFFFFC000  }
.Ltmp1:
0x49: {  	[bflag:$0x0] =	sbarrier.arrive $0xFFFF;
	(pc) =	sbr.rel @p0 .LBB2_1-.Ltmp1, $4  }
0x4a: {  	[hbm:s17], [sflag:s7] =	dma.local [spmem:s10], $0x2800  }
0x4b: {  	_ =	swait.ge [sflag:s11], $0x2800  }
0x4c: {  	[sflag:s11] =	ssyncset.done $0x0  }
0x4d: {  	[sflag:s11] =	ssyncadd.s32 $0xFFFFD800  }
0x4e: {  	_ =	sfence.sel $0x180000  }
0x4f: {  	[bflag:$0x0] =	sbarrier.arrive $0xFFFF  }
0x50: {  	p0 =	sne.s32 s3, $0x0;
	_ =	strace $0x9000005C  }
0x51: {  	s0 =	sadd.s32 @!p0 $0x100000, s0;
	[bflag:$0x2] =	sbarrier.arrive $0xFFFF  }
0x52: {  	[sflag:s0] =	ssyncadd.tile.s32 @!p0 $0x1;
	_ =	shalt  }
.Lfunc_end2:
_tile_overlayer_lowered:
.L_overlay_start_2:
0x53: {  	(tag) =	ssettag $0x2  }
0x54: {  	s0 =	rddreg [dreg:$0x0];
	s2 =	stileid.u32  }
0x55: {  	s1 =	rddreg [dreg:$0x1];
	p0 =	sne.s32 s2, $0x0  }
0x56: {  	s3 =	rddreg [dreg:$0x2];
	[bflag:$0x3] =	sbarrier.arrive $0xFFFF;
	s2 =	simm.s32 @!p0 $0x1C02  }
0x57: {  	[timem:s3], [sflag:s2] =	dma.local @!p0 [hbm:s0], s1  }
0x58: {  	s0 =	simm.s32 @!p0 $0x2  }
0x59: {  	_ =	swait.ge @!p0 [sflag:s0], s1  }
0x5a: {  	s1 =	ssub.s32 @!p0 $0x0, s1;
	[sflag:s0] =	ssyncset.done @!p0 $0x0  }
0x5b: {  	[sflag:s0] =	ssyncadd.s32 @!p0 s1  }
0x5c: {  	[bflag:$0x3] =	sbarrier.arrive $0xFFFF  }
0x5d: {  	_ =	shalt  }

// kernel: kernel.46.cloned.1.call-start
scs
__scs_entry_jumppad:
0x0: {  	(pc) =	sbr.rel $0x88, $3  }
0x1: {  	(tag) =	ssettag $0x0;
	lr =	simm.s32 $0x1  }
0x2: {  	[smem:$0x3F93] =	sst lr;
	_ =	strace $0xD0000000  }
0x3: {  	_ = 	snop  }
0x4: {  	_ = 	snop  }
0x5: {  	_ = 	snop  }
0x6: {  	_ = 	snop  }
0x7: {  	_ = 	snop  }
__scs_overlays_trampoline_lowered:
0x8: {  	[smem:$0x3FA2] =	sst s0  }
0x9: {  	[smem:$0x3FA3] =	sst s1  }
0xa: {  	[smem:$0x3FA4] =	sst s2  }
0xb: {  	[smem:$0x3FA5] =	sst s3  }
0xc: {  	[smem:$0x3FA6] =	sst s4  }
0xd: {  	[smem:$0x3FA7] =	sst s5  }
0xe: {  	[smem:$0x3FA8] =	sst s6  }
0xf: {  	[smem:$0x3FA9] =	sst s7  }
0x10: {  	[smem:$0x3FAA] =	sst s8  }
0x11: {  	[smem:$0x3FAB] =	sst s9;
	s0 =	simm.s32 @!p0 $0x0  }
0x12: {  	s1 =	sld [smem:$0x3F91];
	s0 =	simm.s32 @p0 $0x1  }
0x13: {  	[smem:$0x3FAC] =	sst s0;
	s0 =	simm.s32 @!p1 $0x0  }
0x14: {  	s2 =	sld [smem:$0x3F90];
	s0 =	simm.s32 @p1 $0x1  }
0x15: {  	[smem:$0x3FAD] =	sst s0;
	s0 =	simm.s32 @!p2 $0x0  }
0x16: {  	s3 =	sld [smem:$0x3FDB];
	s0 =	simm.s32 @p2 $0x1  }
0x17: {  	s4 =	simm.s32 $0x1BF5;
	[smem:$0x3FAF] =	sst s0  }
0x18: {  	s0 =	sld [smem:$0x3F92];
	_ =	swait.ge [sflag:s4], $0x0  }
0x19: {  	s7 =	sld [smem:$0x3F93]  }
0x1a: {  	s8 =	sadd.s32 $0xFFFFE003, lr  }
0x1b: {  	s9 =	sadd.s32 $0xFFFFFEF7, lr;
	s5 =	simm.s32 $0xFFFFFFFF;
	p2 =	slt.u32 s8, $0xFFFFF086  }
0x1c: {  	p1 =	slt.u32 s9, $0xF7A;
	s5 =	simm.s32 @!p2 $0x0  }
0x1d: {  	s5 =	simm.s32 @p1 $0x1;
	p0 =	seq.s32 s7, s2  }
0x1e: {  	s7 =	smul.u32 @!p0 $0xF7A, s2;
	p2 =	seq.s32 @!p0 s5, $0x0  }
0x1f: {  	s9 =	smul.u32 $0xF7A, s1;
	s8 =	simm.s32 @!p0 $0x1BF5;
	p2 =	por !p2, p0  }
0x20: {  	[sflag:s8] =	ssyncset.s32 @!p0 $0xFFFFF086;
	s6 =	sadd.s32 @!p0 s3, s7;
	s7 =	simm.s32 @!p0 $0x108  }
0x21: {  	s3 =	sadd.s32 s3, s9;
	s6 =	sadd.s32 @!p0 $0x88, s6;
	s7 =	simm.s32 @p2 $0x1082  }
0x22: {  	[simem:s7], [sflag:s8] =	dma.local @!p0 [hbm:s6], $0xF7A  }
0x23: {  	s9 =	sor.u32 $0xD0000000, s2;
	s6 =	simm.s32 $0x108;
	_ =	swait.ge @!p0 [sflag:s8], $0x0  }
0x24: {  	s3 =	sadd.s32 $0x88, s3;
	s6 =	simm.s32 @!p1 $0x1082;
	[sflag:s4] =	ssyncset.s32 $0xFFFFF086  }
0x25: {  	[simem:s6], [sflag:s4] =	dma.local [hbm:s3], $0xF7A  }
0x26: {  	[smem:$0x3F93] =	sst s1;
	(tag) =	ssettag s2;
	_ =	strace s9  }
0x27: {  	s1 =	sld [smem:$0x3FA3]  }
0x28: {  	s2 =	sld [smem:$0x3FA4]  }
0x29: {  	s4 =	sld [smem:$0x3FA6]  }
0x2a: {  	p0 =	seq.s32 s5, $0x0;
	s5 =	sld [smem:$0x3FA7]  }
0x2b: {  	s6 =	sld [smem:$0x3FA8]  }
0x2c: {  	s7 =	sld [smem:$0x3FA9]  }
0x2d: {  	s3 =	simm.s32 $0x108;
	s8 =	sld [smem:$0x3FAA]  }
0x2e: {  	s3 =	simm.s32 @!p0 $0x1082;
	s9 =	sld [smem:$0x3FAB]  }
0x2f: {  	lr =	sadd.s32 s0, s3;
	s0 =	sld [smem:$0x3FA2]  }
0x30: {  	s3 =	sld [smem:$0x3FA5]  }
0x31: {  	[smem:$0x3FAE] =	sst s10  }
0x32: {  	s10 =	sld [smem:$0x3FAC];
	_ =	sdelay $0x3  }
0x33: {  	p0 =	seq.s32 s10, $0x1;
	s10 =	sld [smem:$0x3FAE];
	_ =	sdelay $0x3  }
0x34: {  	[smem:$0x3FAE] =	sst s10  }
0x35: {  	s10 =	sld [smem:$0x3FAD];
	_ =	sdelay $0x3  }
0x36: {  	p1 =	seq.s32 s10, $0x1;
	s10 =	sld [smem:$0x3FAE];
	_ =	sdelay $0x3  }
0x37: {  	[smem:$0x3FAE] =	sst s10  }
0x38: {  	s10 =	sld [smem:$0x3FAF]  }
0x39: {  	_ = 	snop;
	(pc) =	sbr.ind lr, $3  }
0x3a: {  	_ = 	snop  }
0x3b: {  	_ = 	snop  }
0x3c: {  	p2 =	seq.s32 s10, $0x1;
	s10 =	sld [smem:$0x3FAE]  }
0x3d: {  	_ =	shalt  }
0x3e: {  	_ =	shalt  }
0x3f: {  	_ =	shalt  }
0x40: {  	_ =	shalt  }
0x41: {  	_ =	shalt  }
0x42: {  	_ =	shalt  }
0x43: {  	_ =	shalt  }
0x44: {  	_ =	shalt  }
0x45: {  	_ =	shalt  }
0x46: {  	_ =	shalt  }
0x47: {  	_ =	shalt  }
0x48: {  	_ =	shalt  }
0x49: {  	_ =	shalt  }
0x4a: {  	_ =	shalt  }
0x4b: {  	_ =	shalt  }
0x4c: {  	_ =	shalt  }
0x4d: {  	_ =	shalt  }
0x4e: {  	_ =	shalt  }
0x4f: {  	_ =	shalt  }
0x50: {  	_ =	shalt  }
0x51: {  	_ =	shalt  }
0x52: {  	_ =	shalt  }
0x53: {  	_ =	shalt  }
0x54: {  	_ =	shalt  }
0x55: {  	_ =	shalt  }
0x56: {  	_ =	shalt  }
0x57: {  	_ =	shalt  }
0x58: {  	_ =	shalt  }
0x59: {  	_ =	shalt  }
0x5a: {  	_ =	shalt  }
0x5b: {  	_ =	shalt  }
0x5c: {  	_ =	shalt  }
0x5d: {  	_ =	shalt  }
0x5e: {  	_ =	shalt  }
0x5f: {  	_ =	shalt  }
0x60: {  	_ =	shalt  }
0x61: {  	_ =	shalt  }
0x62: {  	_ =	shalt  }
0x63: {  	_ =	shalt  }
0x64: {  	_ =	shalt  }
0x65: {  	_ =	shalt  }
0x66: {  	_ =	shalt  }
0x67: {  	_ =	shalt  }
0x68: {  	_ =	shalt  }
0x69: {  	_ =	shalt  }
0x6a: {  	_ =	shalt  }
0x6b: {  	_ =	shalt  }
0x6c: {  	_ =	shalt  }
0x6d: {  	_ =	shalt  }
0x6e: {  	_ =	shalt  }
0x6f: {  	_ =	shalt  }
0x70: {  	_ =	shalt  }
0x71: {  	_ =	shalt  }
0x72: {  	_ =	shalt  }
0x73: {  	_ =	shalt  }
0x74: {  	_ =	shalt  }
0x75: {  	_ =	shalt  }
0x76: {  	_ =	shalt  }
0x77: {  	_ =	shalt  }
0x78: {  	_ =	shalt  }
0x79: {  	_ =	shalt  }
0x7a: {  	_ =	shalt  }
0x7b: {  	_ =	shalt  }
0x7c: {  	_ =	shalt  }
0x7d: {  	_ =	shalt  }
0x7e: {  	_ =	shalt  }
0x7f: {  	_ =	shalt  }
0x80: {  	_ =	shalt  }
0x81: {  	_ =	shalt  }
0x82: {  	_ =	shalt  }
0x83: {  	_ =	shalt  }
0x84: {  	_ =	shalt  }
0x85: {  	_ =	shalt  }
0x86: {  	_ =	shalt  }
0x87: {  	_ =	shalt  }
.Lfunc_end0:
.L_simem_size_0:
called_computation.8_lowered:
.L_overlay_start_0:
0x88: {  	s2 =	sld [smem:$0x3FD9]  }
0x89: {  	s3 =	sld [smem:$0x3FFE];
	_ =	sdelay $0x1  }
0x8a: {  	s1 =	srdreg.scid  }
0x8b: {  	s0 =	sand.u32 $0x1, s1  }
0x8c: {  	s14 =	sshll.u32 s0, $0xA;
	s2 =	sadd.s32 s3, s2  }
0x8d: {  	s2 =	sadd.s32 s2, s14  }
0x8e: {  	[smem:$0x3FBA] =	sst s2  }
0x8f: {  	_ = 	snop  }
0x90: {  	s2 =	sld [smem:$0x3FD0];
	_ =	sdelay $0x2  }
0x91: {  	s15 =	simm.s32 $0xA;
	s4 =	simm.s32 $0x10  }
0x92: {  	[smem:s4], [sflag:s15] =	dma.local [hbm:s2], $0x1  }
0x93: {  	_ =	swait.eq [sflag:s15], $0x1  }
0x94: {  	[sflag:s15] =	ssyncset.done $0x0  }
0x95: {  	s16 =	sld [smem:$0x10];
	[sflag:s15] =	ssyncadd.s32 $0xFFFFFFFF  }
0x96: {  	s17 =	sld [smem:$0x11];
	(tm) =	ssettm $0x1  }
0x97: {  	s18 =	sld [smem:$0x3FFB];
	_ =	sdelay $0x3  }
0x98: {  	_ =	strace s18  }
0x99: {  	s4 =	sld [smem:$0x3FFC];
	_ =	sdelay $0x3  }
0x9a: {  	_ =	strace s4  }
0x9b: {  	s4 =	sld [smem:$0x3FFD];
	_ =	sdelay $0x3  }
0x9c: {  	_ =	strace s4  }
0x9d: {  	_ =	strace $0x8FFFFFFF  }
0x9e: {  	s19 =	sld [smem:$0x3FDB];
	_ =	sdelay $0x1  }
0x9f: {  	s5 =	simm.s32 $_scs_section_size  }
0xa0: {  	s6 =	simm.s32 $_size__tile_overlayer_lowered;
	s7 =	simm.s32 $_tile_overlayer_lowered  }
0xa1: {  	s22 =	simm.s32 $0x1BFF;
	s21 =	sshll.u32 s7, $0x1;
	s4 =	sadd.s32 s5, s19  }
0xa2: {  	s8 =	simm.s32 $0x0;
	s20 =	sshll.u32 s6, $0x1;
	s6 =	sadd.s32 s21, s4  }
0xa3: {  	[timem:s8], [sflag:s22] =	dma.local [hbm:s6], s20  }
0xa4: {  	_ =	swait.ge [sflag:s22], s20  }
0xa5: {  	s5 =	ssub.s32 $0x0, s20;
	[sflag:s22] =	ssyncset.done $0x0  }
0xa6: {  	[sflag:s22] =	ssyncadd.s32 s5;
	_ =	sdelay $0x1  }
0xa7: {  	s23 =	simm.s32 $0x1B8B  }
0xa8: {  	_ =	swait.ge [sflag:s23], $0x1  }
0xa9: {  	[sflag:s23] =	ssyncset.done $0x0  }
0xaa: {  	s25 =	simm.s32 $0x1B8E;
	s24 =	sld [smem:$0x3FFE];
	[sflag:s23] =	ssyncadd.s32 $0xFFFFFFFF  }
0xab: {  	s26 =	simm.s32 $execute0_lowered;
	[smem:$0x3FD2] =	sst s25  }
0xac: {  	s6 =	sshll.u32 s26, $0x1;
	_ =	strace $0x8000005E;
	[dreg:$0x1] =	wrdreg $0xFFFFFFFF  }
0xad: {  	s28 =	simm.s32 $_size_execute0_lowered;
	s4 =	sadd.s32 s4, s6;
	[dreg:$0x0] =	wrdreg $0x0  }
0xae: {  	s6 =	sshll.u32 s28, $0x1;
	[dreg:$0x2] =	wrdreg s4  }
0xaf: {  	[dreg:$0x3] =	wrdreg s6  }
0xb0: {  	[dreg:$0x4] =	wrdreg $0xC0  }
0xb1: {  	_ =	task [dreg:s8], $0x5FFFF  }
0xb2: {  	[dreg:$0x1] =	wrdreg $0xFFFFFFFF  }
0xb3: {  	[dreg:$0x0] =	wrdreg $0x60  }
0xb4: {  	[dreg:$0x2] =	wrdreg s24  }
0xb5: {  	[dreg:$0x3] =	wrdreg s17  }
0xb6: {  	[dreg:$0x4] =	wrdreg s16  }
0xb7: {  	[dreg:$0x5] =	wrdreg $0x0  }
0xb8: {  	[dreg:$0x6] =	wrdreg $0x9  }
0xb9: {  	_ =	task.clear_ibuf [dreg:s8], $0x7FFFF;
	_ =	strace $0x9000005E  }
0xba: {  	s29 =	simm.s32 $0x9;
	_ =	strace $0x80000060  }
0xbb: {  	_ =	swait.ge [sflag:s29], $0x1  }
0xbc: {  	[sflag:s29] =	ssyncadd.s32 $0xFFFFFFFF  }
0xbd: {  	_ =	strace $0x90000060  }
0xbe: {  	_ =	sfence  }
0xbf: {  	s30 =	sld [smem:$0x0];
	_ =	sdelay $0x2  }
0xc0: {  	s31 =	sshll.u32 s1, $0xD;
	s1 =	sshrl.u32 s1, $0x2  }
0xc1: {  	s3 =	sand.u32 $0x4000, s31;
	s1 =	sadd.s32 s1, s30  }
0xc2: {  	s0 =	sor.u32 s3, s0;
	s1 =	sshll.u32 s1, $0x11  }
0xc3: {  	s0 =	sor.u32 s1, s0  }
0xc4: {  	s0 =	sadd.s32 $0x8F2B, s0  }
0xc5: {  	[sflag:s0] =	ssyncadd.remote.s32 $0x1  }
0xc6: {  	_ =	sfence.sel $0xFFFF  }
0xc7: {  	[dreg:$0x0] =	wrdreg $0xFFFFFFFF;
	(pc) =	sbr.abs _section_cstart, $3  }
0xc8: {  	[dreg:$0x1] =	wrdreg $0xFFFFFFFF  }
0xc9: {  	_ =	task.clear_ibuf [dreg:s8], $0x2FFFF;
	_ =	strace $0x9FFFFFFF  }
0xca: {  	(tm) =	ssettm $0x7FFFFFFF  }
0xcb: {  	_ =	shalt  }
tec
execute0_lowered:
.L_overlay_start_1:
0x0: {  	(tag) =	ssettag $0x1  }
0x1: {  	s5 =	rddreg [dreg:$0x0]  }
0x2: {  	s7 =	rddreg [dreg:$0x1]  }
0x3: {  	s8 =	rddreg [dreg:$0x2]  }
0x4: {  	s1 =	rddreg [dreg:$0x3]  }
0x5: {  	s0 =	rddreg [dreg:$0x4];
	s3 =	srdreg.scid  }
0x6: {  	s2 =	simm.s32 $0x0;
	s14 =	simm.s32 $0x80;
	s9 =	sand.u32 $0x1, s3  }
0x7: {  	s15 =	simm.s32 $0x14100;
	s3 =	stileid.u32;
	s6 =	smul.u32 $0x28000, s9  }
0x8: {  	s16 =	simm.s32 $0x1;
	[smem:$0x7FF] =	sst s2;
	s11 =	smul.u32 $0x50000, s3  }
0x9: {  	s4 =	sadd.s32 $0x2FC00, s5;
	s12 =	sadd.s32 $0x7C00, s5;
	s17 =	smul.u32 $0x2800, s3  }
0xa: {  	_ =	strace $0x8000005F;
	s10 =	ssub.s32 $0x2, s9;
	s30 =	smul.u32 $0x9E0, s3  }
0xb: {  	p0 =	seq.s32 s9, $0x1;
	s9 =	smul.u32 $0x4F0, s9;
	s13 =	sshrl.u32 s10, $0x1  }
0xc: {  	s31 =	sshll.u32 s3, $0x6;
	s5 =	sadd.s32 s6, s5;
	s28 =	ssub.s32 s10, s13  }
0xd: {  	s29 =	sshrl.u32 s11, $0x2;
	s11 =	smov.u32 s4;
	s8 =	sadd.s32 s30, s8  }
0xe: {  	s13 =	simm.s32 $0x14080;
	s10 =	sadd.s32 s29, s1;
	s18 =	sadd.s32 $0xCFC00, s5  }
0xf: {  	s11 =	smov.u32 @p0 s12;
	s5 =	smax.u32 s28, $0x1;
	s12 =	sadd.s32 s30, s7  }
0x10: {  	s7 =	sor.u32 $0x1C02, s31;
	s8 =	sadd.s32 s9, s8;
	s6 =	sadd.s32 s11, s17  }
0x11: {  	s9 =	sadd.s32 s9, s12;
	s10 =	sshrl.u32 s10, $0x3;
	s11 =	simm.s32 $0x2  }
0x12: {  	s12 =	simm.s32 $0x14000;
	s17 =	sadd.s32 s17, s18;
	s18 =	simm.s32 $0x0  }
.LBB2_1:
0x13: {  	[spmem:s10], [sflag:s7] =	dma.local [hbm:s6], $0x2800  }
0x14: {  	_ =	swait.ge [sflag:s11], $0x2800  }
0x15: {  	[sflag:s11] =	ssyncset.done $0x0  }
0x16: {  	[sflag:s11] =	ssyncadd.s32 $0xFFFFD800  }
0x17: {  	s19 =	sadd.s32 $0x0, s9;
	[bflag:$0x0] =	sbarrier.arrive $0xFFFF  }
0x18: {  	[tilespmem:s12], [sflag:$0x2] =	stream.linear.gather [hbm4b:s19+s2], $0x80, $0x38;
	[tilespmem:$0x18100] =	vst v63  }
0x19: {  	_ =	swait.ge [sflag:s11], $0x80  }
0x1a: {  	[sflag:s11] =	ssyncset.done $0x0  }
0x1b: {  	s31 =	sadd.s32 $0x0, s8;
	[sflag:s11] =	ssyncadd.s32 $0xFFFFFF80  }
0x1c: {  	[tilespmem:s13], [sflag:$0x2] =	stream.linear.gather [hbm4b:s31+s2], $0x80, $0x38;
	[tilespmem:$0x18100] =	vst v63  }
0x1d: {  	_ =	swait.ge [sflag:s11], $0x80  }
0x1e: {  	[sflag:s11] =	ssyncset.done $0x0  }
0x1f: {  	[sflag:s11] =	ssyncadd.s32 $0xFFFFFF80  }
0x20: {  	[tilespmem:s15], [sflag:$0x1] =	stream.indirect.gather [hbm4b:s4+s14], $0x80, s12, s14, $0xb8;
	[tilespmem:$0x18100] =	vst v63  }
0x21: {  	_ =	swait.ge [sflag:s16], $0x4000  }
0x22: {  	[sflag:s16] =	ssyncset.done $0x0  }
0x23: {  	[sflag:s16] =	ssyncadd.s32 $0xFFFFC000  }
0x24: {  	[spmem:s1] =	stream.indirect.scatter.add.f32 [tilespmem:s15], [sflag:$0x2], $0x80, s13, s14, $0xb8;
	[tilespmem:$0x18100] =	vst v63  }
0x25: {  	_ =	swait.ge [sflag:s11], $0x4000  }
0x26: {  	s20 =	simm.s32 $0x20;
	s19 =	simm.s32 $0x10;
	[sflag:s11] =	ssyncset.done $0x0  }
.LBB2_2:
0x27: {  	s21 =	sadd.s32 s19, s9  }
0x28: {  	[sflag:s11] =	ssyncadd.s32 $0xFFFFC000;
	s22 =	smov.u32 s20;
	s23 =	sadd.s32 $0x10, s20  }
0x29: {  	[tilespmem:s12], [sflag:$0x2] =	stream.linear.gather [hbm4b:s21+s2], $0x80, $0x38;
	[tilespmem:$0x18100] =	vst v63  }
0x2a: {  	p0 =	sne.s32 s20, $0x4E0;
	_ =	swait.ge [sflag:s11], $0x80  }
0x2b: {  	[sflag:s11] =	ssyncset.done $0x0  }
0x2c: {  	s20 =	sadd.s32 s19, s8;
	s19 =	smov.u32 s22;
	[sflag:s11] =	ssyncadd.s32 $0xFFFFFF80  }
0x2d: {  	[tilespmem:s13], [sflag:$0x2] =	stream.linear.gather [hbm4b:s20+s2], $0x80, $0x38;
	[tilespmem:$0x18100] =	vst v63  }
0x2e: {  	_ =	swait.ge [sflag:s11], $0x80  }
0x2f: {  	[sflag:s11] =	ssyncset.done $0x0  }
0x30: {  	[sflag:s11] =	ssyncadd.s32 $0xFFFFFF80  }
0x31: {  	[tilespmem:s15], [sflag:$0x1] =	stream.indirect.gather [hbm4b:s4+s14], $0x80, s12, s14, $0xb8;
	[tilespmem:$0x18100] =	vst v63  }
0x32: {  	_ =	swait.ge [sflag:s16], $0x4000  }
.Ltmp0:
0x33: {  	[sflag:s16] =	ssyncset.done $0x0;
	(pc) =	sbr.rel @p0 .LBB2_2-.Ltmp0, $4  }
0x34: {  	[sflag:s16] =	ssyncadd.s32 $0xFFFFC000  }
0x35: {  	[spmem:s1] =	stream.indirect.scatter.add.f32 [tilespmem:s15], [sflag:$0x2], $0x80, s13, s14, $0xb8;
	[tilespmem:$0x18100] =	vst v63  }
0x36: {  	_ =	swait.ge [sflag:s11], $0x4000  }
0x37: {  	s20 =	smov.u32 s23;
	[sflag:s11] =	ssyncset.done $0x0  }
0x38: {  	s20 =	sadd.s32 s19, s9;
	[sflag:s11] =	ssyncadd.s32 $0xFFFFC000  }
0x39: {  	[tilespmem:s12], [sflag:$0x2] =	stream.linear.gather [hbm4b:s20+s2], $0x80, $0x38;
	[tilespmem:$0x18100] =	vst v63  }
0x3a: {  	_ =	swait.ge [sflag:s11], $0x80  }
0x3b: {  	[sflag:s11] =	ssyncset.done $0x0  }
0x3c: {  	s31 =	sadd.s32 s19, s8;
	[sflag:s11] =	ssyncadd.s32 $0xFFFFFF80  }
0x3d: {  	[tilespmem:s13], [sflag:$0x2] =	stream.linear.gather [hbm4b:s31+s2], $0x80, $0x38;
	[tilespmem:$0x18100] =	vst v63  }
0x3e: {  	_ =	swait.ge [sflag:s11], $0x80  }
0x3f: {  	[sflag:s11] =	ssyncset.done $0x0  }
0x40: {  	[sflag:s11] =	ssyncadd.s32 $0xFFFFFF80  }
0x41: {  	[tilespmem:s15], [sflag:$0x1] =	stream.indirect.gather [hbm4b:s4+s14], $0x80, s12, s14, $0xb8;
	[tilespmem:$0x18100] =	vst v63  }
0x42: {  	_ =	swait.ge [sflag:s16], $0x4000  }
0x43: {  	[sflag:s16] =	ssyncset.done $0x0  }
0x44: {  	[sflag:s16] =	ssyncadd.s32 $0xFFFFC000  }
0x45: {  	[spmem:s1] =	stream.indirect.scatter.add.f32 [tilespmem:s15], [sflag:$0x2], $0x80, s13, s14, $0xb8;
	[tilespmem:$0x18100] =	vst v63  }
0x46: {  	_ =	swait.ge [sflag:s11], $0x4000  }
0x47: {  	s18 =	sadd.s32 $0x1, s18;
	[sflag:s11] =	ssyncset.done $0x0  }
0x48: {  	p0 =	sne.s32 s18, s5;
	[sflag:s11] =	ssyncadd.s32 $0xFFFFC000  }
.Ltmp1:
0x49: {  	[bflag:$0x0] =	sbarrier.arrive $0xFFFF;
	(pc) =	sbr.rel @p0 .LBB2_1-.Ltmp1, $4  }
0x4a: {  	[hbm:s17], [sflag:s7] =	dma.local [spmem:s10], $0x2800  }
0x4b: {  	_ =	swait.ge [sflag:s11], $0x2800  }
0x4c: {  	[sflag:s11] =	ssyncset.done $0x0  }
0x4d: {  	[sflag:s11] =	ssyncadd.s32 $0xFFFFD800  }
0x4e: {  	_ =	sfence.sel $0x180000  }
0x4f: {  	[bflag:$0x0] =	sbarrier.arrive $0xFFFF  }
0x50: {  	p0 =	sne.s32 s3, $0x0;
	_ =	strace $0x9000005F  }
0x51: {  	s0 =	sadd.s32 @!p0 $0x100000, s0;
	[bflag:$0x2] =	sbarrier.arrive $0xFFFF  }
0x52: {  	[sflag:s0] =	ssyncadd.tile.s32 @!p0 $0x1;
	_ =	shalt  }
.Lfunc_end2:
_tile_overlayer_lowered:
.L_overlay_start_2:
0x53: {  	(tag) =	ssettag $0x2  }
0x54: {  	s0 =	rddreg [dreg:$0x0];
	s2 =	stileid.u32  }
0x55: {  	s1 =	rddreg [dreg:$0x1];
	p0 =	sne.s32 s2, $0x0  }
0x56: {  	s3 =	rddreg [dreg:$0x2];
	[bflag:$0x3] =	sbarrier.arrive $0xFFFF;
	s2 =	simm.s32 @!p0 $0x1C02  }
0x57: {  	[timem:s3], [sflag:s2] =	dma.local @!p0 [hbm:s0], s1  }
0x58: {  	s0 =	simm.s32 @!p0 $0x2  }
0x59: {  	_ =	swait.ge @!p0 [sflag:s0], s1  }
0x5a: {  	s1 =	ssub.s32 @!p0 $0x0, s1;
	[sflag:s0] =	ssyncset.done @!p0 $0x0  }
0x5b: {  	[sflag:s0] =	ssyncadd.s32 @!p0 s1  }
0x5c: {  	[bflag:$0x3] =	sbarrier.arrive $0xFFFF  }
0x5d: {  	_ =	shalt  }

</sc_bundles>
